<compile_context>
chip_gen: v7x
topology: tpu7x:2x2x1
jax: 0.10.2.dev20260603
libtpu: 0.0.44.dev20260713+nightly
codegen_flags: <defaults>
</compile_context>

<pallas_src>
import jax
import jax.numpy as jnp
from jax import lax
from jax.experimental import pallas as pl
from jax.experimental.pallas import tpu as pltpu
from jax.experimental.pallas import tpu_sc as plsc

B = 16384
K = 16
NC = 2
NS = 16
NW = NC * NS
BPW = B // NW
NG = BPW // 16


def _sc_kernel(wt_hbm, ht_hbm, uidx_hbm, iidx_hbm, out_hbm,
               uidx_v, iidx_v, ubuf, vbuf, out_v, sem):
    wid = lax.axis_index("c") * NS + lax.axis_index("s")
    base = wid * BPW

    pltpu.sync_copy(uidx_hbm.at[pl.ds(base, BPW)], uidx_v)
    pltpu.sync_copy(iidx_hbm.at[pl.ds(base, BPW)], iidx_v)

    lane = lax.iota(jnp.int32, 16)

    def group_body(g, _):
        sl = pl.ds(g * 16, 16)
        uvec = uidx_v[sl]
        ivec = iidx_v[sl]
        copies = []
        for e in range(16):
            bu = pl.multiple_of((uvec[e] >> 7) << 7, 128)
            bi = pl.multiple_of((ivec[e] >> 7) << 7, 128)
            for j in range(2):
                copies.append(pltpu.async_copy(
                    wt_hbm.at[j, :, pl.ds(bu, 128)],
                    ubuf.at[pl.ds((2 * e + j) * 8, 8), :], sem))
                copies.append(pltpu.async_copy(
                    ht_hbm.at[j, :, pl.ds(bi, 128)],
                    vbuf.at[pl.ds((2 * e + j) * 8, 8), :], sem))
        for cp in copies:
            cp.wait()
        acc = jnp.zeros((16,), jnp.float32)
        ucol = uvec & 127
        vcol = ivec & 127
        for k in range(K):
            rowvec = 16 * lane + k
            u = plsc.load_gather(ubuf, [rowvec, ucol])
            v = plsc.load_gather(vbuf, [rowvec, vcol])
            acc = acc + u * v
        out_v[sl] = acc
        return _

    lax.fori_loop(0, NG, group_body, None)

    pltpu.sync_copy(out_v, out_hbm.at[pl.ds(base, BPW)])


@jax.jit
def _run(wt, ht, uidx, iidx):
    mesh = plsc.VectorSubcoreMesh(core_axis_name="c", subcore_axis_name="s")
    fn = pl.kernel(
        _sc_kernel,
        mesh=mesh,
        compiler_params=pltpu.CompilerParams(needs_layout_passes=False),
        out_type=jax.ShapeDtypeStruct((B,), jnp.float32),
        scratch_types=[
            pltpu.VMEM((BPW,), jnp.int32),
            pltpu.VMEM((BPW,), jnp.int32),
            pltpu.VMEM((256, 128), jnp.float32),
            pltpu.VMEM((256, 128), jnp.float32),
            pltpu.VMEM((BPW,), jnp.float32),
            pltpu.SemaphoreType.DMA,
        ],
    )
    return fn(wt, ht, uidx, iidx)


def kernel(x, W, H):
    wt = W.T.reshape(2, 8, W.shape[0])
    ht = H.T.reshape(2, 8, H.shape[0])
    return _run(wt, ht, x[:, 0], x[:, 1])

# --- scband reference (transcript-rebuilt; emitter-appended) ---
"""Pipeline reference for scband-mf-cvib-48172353192645 (READ-ONLY COPY).

The authoritative reference and input builder live on the scoring server;
editing this copy changes nothing except your own understanding.
"""

import jax, jax.numpy as jnp
import numpy as np

NUM_USERS = 1000000
NUM_ITEMS = 1000000
EMBED_K = 16
BATCH = 16384

def setup_inputs(seed: int = 0) -> dict:
    key = jax.random.key(seed)
    k1, k2, k3, k4 = jax.random.split(key, 4)
    user_idx = jax.random.randint(k1, (BATCH,), 0, NUM_USERS, dtype=jnp.int64 if jax.config.jax_enable_x64 else jnp.int32)
    item_idx = jax.random.randint(k2, (BATCH,), 0, NUM_ITEMS, dtype=jnp.int64 if jax.config.jax_enable_x64 else jnp.int32)
    x = jnp.stack([user_idx, item_idx], axis=1)
    W = jax.random.normal(k3, (NUM_USERS, EMBED_K), dtype=jnp.float32)
    H = jax.random.normal(k4, (NUM_ITEMS, EMBED_K), dtype=jnp.float32)
    return {"x": x, "W": W, "H": H}

def reference(x, W, H):
    # Faithful translation of MF_CVIB.forward (is_training=False):
    # user/item embedding lookup followed by per-row dot product.
    user_idx = x[:, 0]
    item_idx = x[:, 1]
    U_emb = jnp.take(W, user_idx, axis=0)
    V_emb = jnp.take(H, item_idx, axis=0)
    out = jnp.sum(U_emb * V_emb, axis=1)
    return out

if __name__ == "__main__":
    import jax
    _d = setup_inputs()
    print(jax.jit(kernel)(*tuple(_d.values())))

</pallas_src>

<mosaic_0001>
#map = affine_map<(d0, d1) -> (0, 0, 0)>
#map1 = affine_map<(d0, d1) -> (0)>
module attributes {stable_mosaic.version = 14 : i64} {
  func.func @_sc_kernel(%arg0: i32, %arg1: i32, %arg2: memref<2x8x1000000xf32, #tpu.memory_space<hbm>>, %arg3: memref<2x8x1000000xf32, #tpu.memory_space<hbm>>, %arg4: memref<16384xi32, #tpu.memory_space<hbm>>, %arg5: memref<16384xi32, #tpu.memory_space<hbm>>, %arg6: memref<16384xf32, #tpu.memory_space<hbm>>, %arg7: memref<512xi32, #tpu.memory_space<vmem>>, %arg8: memref<512xi32, #tpu.memory_space<vmem>>, %arg9: memref<256x128xf32, #tpu.memory_space<vmem>>, %arg10: memref<256x128xf32, #tpu.memory_space<vmem>>, %arg11: memref<512xf32, #tpu.memory_space<vmem>>, %arg12: memref<!tpu.dma_semaphore, #tpu.memory_space<semaphore_mem>>) attributes {dimension_semantics = [#tpu.dimension_semantics<core_parallel>, #tpu.dimension_semantics<subcore_parallel>], iteration_bounds = array<i64: 2, 16>, scalar_prefetch = 0 : i64, scratch_operands = 6 : i64, tpu.core_type = #tpu.core_type<sc_vector_subcore>, window_params = [{transform_indices = #map}, {transform_indices = #map}, {transform_indices = #map1}, {transform_indices = #map1}, {transform_indices = #map1}]} {
    %mul3A = arith.constant 16 : i32
    %mul3A_0 = arith.muli %arg0, %mul3A : i32
    %add3A = arith.addi %mul3A_0, %arg1 : i32
    %mul3A_1 = arith.constant 512 : i32
    %mul3A_2 = arith.muli %add3A, %mul3A_1 : i32
    "tpu.region"() ({
      %run_scoped3A = tpu.sem_alloc : memref<!tpu.dma_semaphore, #tpu.memory_space<semaphore_mem>>
      %dma_start3A = tpu.memref_slice %arg4[%mul3A_2] : memref<16384xi32, #tpu.memory_space<hbm>> -> memref<512xi32, #tpu.memory_space<hbm>>
      %dma_start3A_7 = tpu.memref_slice %arg4[%mul3A_2] : memref<16384xi32, #tpu.memory_space<hbm>> -> memref<512xi32, #tpu.memory_space<hbm>>
      tpu.enqueue_dma source(%dma_start3A_7 : memref<512xi32, #tpu.memory_space<hbm>>) target(%arg7 : memref<512xi32, #tpu.memory_space<vmem>>) target_semaphore(%run_scoped3A : memref<!tpu.dma_semaphore, #tpu.memory_space<semaphore_mem>>)
      %dma_wait3A = tpu.memref_slice %arg4[%mul3A_2] : memref<16384xi32, #tpu.memory_space<hbm>> -> memref<512xi32, #tpu.memory_space<hbm>>
      %dma_wait3A_8 = tpu.memref_slice %arg4[%mul3A_2] : memref<16384xi32, #tpu.memory_space<hbm>> -> memref<512xi32, #tpu.memory_space<hbm>>
      tpu.wait_dma2 semaphore(%run_scoped3A : memref<!tpu.dma_semaphore, #tpu.memory_space<semaphore_mem>>) src(%dma_wait3A_8 : memref<512xi32, #tpu.memory_space<hbm>>) dst(%arg7 : memref<512xi32, #tpu.memory_space<vmem>>)
      tpu.yield
    }) : () -> ()
    "tpu.region"() ({
      %run_scoped3A = tpu.sem_alloc : memref<!tpu.dma_semaphore, #tpu.memory_space<semaphore_mem>>
      %dma_start3A = tpu.memref_slice %arg5[%mul3A_2] : memref<16384xi32, #tpu.memory_space<hbm>> -> memref<512xi32, #tpu.memory_space<hbm>>
      %dma_start3A_7 = tpu.memref_slice %arg5[%mul3A_2] : memref<16384xi32, #tpu.memory_space<hbm>> -> memref<512xi32, #tpu.memory_space<hbm>>
      tpu.enqueue_dma source(%dma_start3A_7 : memref<512xi32, #tpu.memory_space<hbm>>) target(%arg8 : memref<512xi32, #tpu.memory_space<vmem>>) target_semaphore(%run_scoped3A : memref<!tpu.dma_semaphore, #tpu.memory_space<semaphore_mem>>)
      %dma_wait3A = tpu.memref_slice %arg5[%mul3A_2] : memref<16384xi32, #tpu.memory_space<hbm>> -> memref<512xi32, #tpu.memory_space<hbm>>
      %dma_wait3A_8 = tpu.memref_slice %arg5[%mul3A_2] : memref<16384xi32, #tpu.memory_space<hbm>> -> memref<512xi32, #tpu.memory_space<hbm>>
      tpu.wait_dma2 semaphore(%run_scoped3A : memref<!tpu.dma_semaphore, #tpu.memory_space<semaphore_mem>>) src(%dma_wait3A_8 : memref<512xi32, #tpu.memory_space<hbm>>) dst(%arg8 : memref<512xi32, #tpu.memory_space<vmem>>)
      tpu.yield
    }) : () -> ()
    %iota3A = tpu.iota {dimensions = array<i32: 0>} : vector<16xi32>
    %scan3A = arith.constant 0 : i32
    %scan3A_3 = arith.constant 32 : i32
    %scan3A_4 = arith.addi %scan3A, %scan3A_3 : i32
    %scan3A_5 = arith.constant 1 : i32
    scf.for %scan3A_7 = %scan3A to %scan3A_4 step %scan3A_5  : i32 {
      %mul3A_8 = arith.constant 16 : i32
      %mul3A_9 = arith.muli %scan3A_7, %mul3A_8 : i32
      %get3A = arith.index_cast %mul3A_9 : i32 to index
      %get3A_10 = tpu.vector_load %arg7[%get3A] {strides = array<i32>} : memref<512xi32, #tpu.memory_space<vmem>>, vector<16xi32>,
      %get3A_11 = arith.index_cast %mul3A_9 : i32 to index
      %get3A_12 = tpu.vector_load %arg8[%get3A_11] {strides = array<i32>} : memref<512xi32, #tpu.memory_space<vmem>>, vector<16xi32>,
      %slice3A = vector.extract_strided_slice %get3A_10 {offsets = [0], sizes = [1], strides = [1]} : vector<16xi32> to vector<1xi32>
      %squeeze3A = vector.extract %slice3A[0] : i32 from vector<1xi32>
      %shift_right_arithmetic3A = arith.constant 7 : i32
      %shift_right_arithmetic3A_13 = arith.shrsi %squeeze3A, %shift_right_arithmetic3A : i32
      %shift_left3A = arith.constant 7 : i32
      %shift_left3A_14 = arith.shli %shift_right_arithmetic3A_13, %shift_left3A : i32
      %multiple_of3A = tpu.assume_multiple %shift_left3A_14, 128 : i32
      %slice3A_15 = vector.extract_strided_slice %get3A_12 {offsets = [0], sizes = [1], strides = [1]} : vector<16xi32> to vector<1xi32>
      %squeeze3A_16 = vector.extract %slice3A_15[0] : i32 from vector<1xi32>
      %shift_right_arithmetic3A_17 = arith.constant 7 : i32
      %shift_right_arithmetic3A_18 = arith.shrsi %squeeze3A_16, %shift_right_arithmetic3A_17 : i32
      %shift_left3A_19 = arith.constant 7 : i32
      %shift_left3A_20 = arith.shli %shift_right_arithmetic3A_18, %shift_left3A_19 : i32
      %multiple_of3A_21 = tpu.assume_multiple %shift_left3A_20, 128 : i32
      %dma_start3A = arith.constant 0 : i32
      %dma_start3A_22 = arith.constant 0 : i32
      %dma_start3A_23 = arith.constant 0 : i32
      %dma_start3A_24 = tpu.memref_slice %arg9[%dma_start3A_22, %dma_start3A_23] : memref<256x128xf32, #tpu.memory_space<vmem>> -> memref<8x128xf32, #tpu.memory_space<vmem>>
      %dma_start3A_25 = arith.constant 0 : i32
      %dma_start3A_26 = tpu.memref_slice %arg2[%dma_start3A, %dma_start3A_25, %multiple_of3A] : memref<2x8x1000000xf32, #tpu.memory_space<hbm>> -> memref<1x8x128xf32, #tpu.memory_space<hbm>>
      %dma_start3A_27 = tpu.memref_squeeze %dma_start3A_26 : memref<1x8x128xf32, #tpu.memory_space<hbm>> -> memref<8x128xf32, #tpu.memory_space<hbm>>
      %dma_start3A_28 = arith.constant 0 : i32
      %dma_start3A_29 = arith.constant 0 : i32
      %dma_start3A_30 = tpu.memref_slice %arg9[%dma_start3A_28, %dma_start3A_29] : memref<256x128xf32, #tpu.memory_space<vmem>> -> memref<8x128xf32, #tpu.memory_space<vmem>>
      %dma_start3A_31 = arith.constant 0 : i32
      %dma_start3A_32 = tpu.memref_slice %arg2[%dma_start3A, %dma_start3A_31, %multiple_of3A] : memref<2x8x1000000xf32, #tpu.memory_space<hbm>> -> memref<1x8x128xf32, #tpu.memory_space<hbm>>
      %dma_start3A_33 = tpu.memref_squeeze %dma_start3A_32 : memref<1x8x128xf32, #tpu.memory_space<hbm>> -> memref<8x128xf32, #tpu.memory_space<hbm>>
      tpu.enqueue_dma source(%dma_start3A_33 : memref<8x128xf32, #tpu.memory_space<hbm>>) target(%dma_start3A_30 : memref<8x128xf32, #tpu.memory_space<vmem>>) target_semaphore(%arg12 : memref<!tpu.dma_semaphore, #tpu.memory_space<semaphore_mem>>)
      %dma_start3A_34 = arith.constant 0 : i32
      %dma_start3A_35 = arith.constant 0 : i32
      %dma_start3A_36 = arith.constant 0 : i32
      %dma_start3A_37 = tpu.memref_slice %arg10[%dma_start3A_35, %dma_start3A_36] : memref<256x128xf32, #tpu.memory_space<vmem>> -> memref<8x128xf32, #tpu.memory_space<vmem>>
      %dma_start3A_38 = arith.constant 0 : i32
      %dma_start3A_39 = tpu.memref_slice %arg3[%dma_start3A_34, %dma_start3A_38, %multiple_of3A_21] : memref<2x8x1000000xf32, #tpu.memory_space<hbm>> -> memref<1x8x128xf32, #tpu.memory_space<hbm>>
      %dma_start3A_40 = tpu.memref_squeeze %dma_start3A_39 : memref<1x8x128xf32, #tpu.memory_space<hbm>> -> memref<8x128xf32, #tpu.memory_space<hbm>>
      %dma_start3A_41 = arith.constant 0 : i32
      %dma_start3A_42 = arith.constant 0 : i32
      %dma_start3A_43 = tpu.memref_slice %arg10[%dma_start3A_41, %dma_start3A_42] : memref<256x128xf32, #tpu.memory_space<vmem>> -> memref<8x128xf32, #tpu.memory_space<vmem>>
      %dma_start3A_44 = arith.constant 0 : i32
      %dma_start3A_45 = tpu.memref_slice %arg3[%dma_start3A_34, %dma_start3A_44, %multiple_of3A_21] : memref<2x8x1000000xf32, #tpu.memory_space<hbm>> -> memref<1x8x128xf32, #tpu.memory_space<hbm>>
      %dma_start3A_46 = tpu.memref_squeeze %dma_start3A_45 : memref<1x8x128xf32, #tpu.memory_space<hbm>> -> memref<8x128xf32, #tpu.memory_space<hbm>>
      tpu.enqueue_dma source(%dma_start3A_46 : memref<8x128xf32, #tpu.memory_space<hbm>>) target(%dma_start3A_43 : memref<8x128xf32, #tpu.memory_space<vmem>>) target_semaphore(%arg12 : memref<!tpu.dma_semaphore, #tpu.memory_space<semaphore_mem>>)
      %dma_start3A_47 = arith.constant 1 : i32
      %dma_start3A_48 = arith.constant 8 : i32
      %dma_start3A_49 = arith.constant 0 : i32
      %dma_start3A_50 = tpu.memref_slice %arg9[%dma_start3A_48, %dma_start3A_49] : memref<256x128xf32, #tpu.memory_space<vmem>> -> memref<8x128xf32, #tpu.memory_space<vmem>>
      %dma_start3A_51 = arith.constant 0 : i32
      %dma_start3A_52 = tpu.memref_slice %arg2[%dma_start3A_47, %dma_start3A_51, %multiple_of3A] : memref<2x8x1000000xf32, #tpu.memory_space<hbm>> -> memref<1x8x128xf32, #tpu.memory_space<hbm>>
      %dma_start3A_53 = tpu.memref_squeeze %dma_start3A_52 : memref<1x8x128xf32, #tpu.memory_space<hbm>> -> memref<8x128xf32, #tpu.memory_space<hbm>>
      %dma_start3A_54 = arith.constant 8 : i32
      %dma_start3A_55 = arith.constant 0 : i32
      %dma_start3A_56 = tpu.memref_slice %arg9[%dma_start3A_54, %dma_start3A_55] : memref<256x128xf32, #tpu.memory_space<vmem>> -> memref<8x128xf32, #tpu.memory_space<vmem>>
      %dma_start3A_57 = arith.constant 0 : i32
      %dma_start3A_58 = tpu.memref_slice %arg2[%dma_start3A_47, %dma_start3A_57, %multiple_of3A] : memref<2x8x1000000xf32, #tpu.memory_space<hbm>> -> memref<1x8x128xf32, #tpu.memory_space<hbm>>
      %dma_start3A_59 = tpu.memref_squeeze %dma_start3A_58 : memref<1x8x128xf32, #tpu.memory_space<hbm>> -> memref<8x128xf32, #tpu.memory_space<hbm>>
      tpu.enqueue_dma source(%dma_start3A_59 : memref<8x128xf32, #tpu.memory_space<hbm>>) target(%dma_start3A_56 : memref<8x128xf32, #tpu.memory_space<vmem>>) target_semaphore(%arg12 : memref<!tpu.dma_semaphore, #tpu.memory_space<semaphore_mem>>)
      %dma_start3A_60 = arith.constant 1 : i32
      %dma_start3A_61 = arith.constant 8 : i32
      %dma_start3A_62 = arith.constant 0 : i32
      %dma_start3A_63 = tpu.memref_slice %arg10[%dma_start3A_61, %dma_start3A_62] : memref<256x128xf32, #tpu.memory_space<vmem>> -> memref<8x128xf32, #tpu.memory_space<vmem>>
      %dma_start3A_64 = arith.constant 0 : i32
      %dma_start3A_65 = tpu.memref_slice %arg3[%dma_start3A_60, %dma_start3A_64, %multiple_of3A_21] : memref<2x8x1000000xf32, #tpu.memory_space<hbm>> -> memref<1x8x128xf32, #tpu.memory_space<hbm>>
      %dma_start3A_66 = tpu.memref_squeeze %dma_start3A_65 : memref<1x8x128xf32, #tpu.memory_space<hbm>> -> memref<8x128xf32, #tpu.memory_space<hbm>>
      %dma_start3A_67 = arith.constant 8 : i32
      %dma_start3A_68 = arith.constant 0 : i32
      %dma_start3A_69 = tpu.memref_slice %arg10[%dma_start3A_67, %dma_start3A_68] : memref<256x128xf32, #tpu.memory_space<vmem>> -> memref<8x128xf32, #tpu.memory_space<vmem>>
      %dma_start3A_70 = arith.constant 0 : i32
      %dma_start3A_71 = tpu.memref_slice %arg3[%dma_start3A_60, %dma_start3A_70, %multiple_of3A_21] : memref<2x8x1000000xf32, #tpu.memory_space<hbm>> -> memref<1x8x128xf32, #tpu.memory_space<hbm>>
      %dma_start3A_72 = tpu.memref_squeeze %dma_start3A_71 : memref<1x8x128xf32, #tpu.memory_space<hbm>> -> memref<8x128xf32, #tpu.memory_space<hbm>>
      tpu.enqueue_dma source(%dma_start3A_72 : memref<8x128xf32, #tpu.memory_space<hbm>>) target(%dma_start3A_69 : memref<8x128xf32, #tpu.memory_space<vmem>>) target_semaphore(%arg12 : memref<!tpu.dma_semaphore, #tpu.memory_space<semaphore_mem>>)
      %slice3A_73 = vector.extract_strided_slice %get3A_10 {offsets = [1], sizes = [1], strides = [1]} : vector<16xi32> to vector<1xi32>
      %squeeze3A_74 = vector.extract %slice3A_73[0] : i32 from vector<1xi32>
      %shift_right_arithmetic3A_75 = arith.constant 7 : i32
      %shift_right_arithmetic3A_76 = arith.shrsi %squeeze3A_74, %shift_right_arithmetic3A_75 : i32
      %shift_left3A_77 = arith.constant 7 : i32
      %shift_left3A_78 = arith.shli %shift_right_arithmetic3A_76, %shift_left3A_77 : i32
      %multiple_of3A_79 = tpu.assume_multiple %shift_left3A_78, 128 : i32
      %slice3A_80 = vector.extract_strided_slice %get3A_12 {offsets = [1], sizes = [1], strides = [1]} : vector<16xi32> to vector<1xi32>
      %squeeze3A_81 = vector.extract %slice3A_80[0] : i32 from vector<1xi32>
      %shift_right_arithmetic3A_82 = arith.constant 7 : i32
      %shift_right_arithmetic3A_83 = arith.shrsi %squeeze3A_81, %shift_right_arithmetic3A_82 : i32
      %shift_left3A_84 = arith.constant 7 : i32
      %shift_left3A_85 = arith.shli %shift_right_arithmetic3A_83, %shift_left3A_84 : i32
      %multiple_of3A_86 = tpu.assume_multiple %shift_left3A_85, 128 : i32
      %dma_start3A_87 = arith.constant 0 : i32
      %dma_start3A_88 = arith.constant 16 : i32
      %dma_start3A_89 = arith.constant 0 : i32
      %dma_start3A_90 = tpu.memref_slice %arg9[%dma_start3A_88, %dma_start3A_89] : memref<256x128xf32, #tpu.memory_space<vmem>> -> memref<8x128xf32, #tpu.memory_space<vmem>>
      %dma_start3A_91 = arith.constant 0 : i32
      %dma_start3A_92 = tpu.memref_slice %arg2[%dma_start3A_87, %dma_start3A_91, %multiple_of3A_79] : memref<2x8x1000000xf32, #tpu.memory_space<hbm>> -> memref<1x8x128xf32, #tpu.memory_space<hbm>>
      %dma_start3A_93 = tpu.memref_squeeze %dma_start3A_92 : memref<1x8x128xf32, #tpu.memory_space<hbm>> -> memref<8x128xf32, #tpu.memory_space<hbm>>
      %dma_start3A_94 = arith.constant 16 : i32
      %dma_start3A_95 = arith.constant 0 : i32
      %dma_start3A_96 = tpu.memref_slice %arg9[%dma_start3A_94, %dma_start3A_95] : memref<256x128xf32, #tpu.memory_space<vmem>> -> memref<8x128xf32, #tpu.memory_space<vmem>>
      %dma_start3A_97 = arith.constant 0 : i32
      %dma_start3A_98 = tpu.memref_slice %arg2[%dma_start3A_87, %dma_start3A_97, %multiple_of3A_79] : memref<2x8x1000000xf32, #tpu.memory_space<hbm>> -> memref<1x8x128xf32, #tpu.memory_space<hbm>>
      %dma_start3A_99 = tpu.memref_squeeze %dma_start3A_98 : memref<1x8x128xf32, #tpu.memory_space<hbm>> -> memref<8x128xf32, #tpu.memory_space<hbm>>
      tpu.enqueue_dma source(%dma_start3A_99 : memref<8x128xf32, #tpu.memory_space<hbm>>) target(%dma_start3A_96 : memref<8x128xf32, #tpu.memory_space<vmem>>) target_semaphore(%arg12 : memref<!tpu.dma_semaphore, #tpu.memory_space<semaphore_mem>>)
      %dma_start3A_100 = arith.constant 0 : i32
      %dma_start3A_101 = arith.constant 16 : i32
      %dma_start3A_102 = arith.constant 0 : i32
      %dma_start3A_103 = tpu.memref_slice %arg10[%dma_start3A_101, %dma_start3A_102] : memref<256x128xf32, #tpu.memory_space<vmem>> -> memref<8x128xf32, #tpu.memory_space<vmem>>
      %dma_start3A_104 = arith.constant 0 : i32
      %dma_start3A_105 = tpu.memref_slice %arg3[%dma_start3A_100, %dma_start3A_104, %multiple_of3A_86] : memref<2x8x1000000xf32, #tpu.memory_space<hbm>> -> memref<1x8x128xf32, #tpu.memory_space<hbm>>
      %dma_start3A_106 = tpu.memref_squeeze %dma_start3A_105 : memref<1x8x128xf32, #tpu.memory_space<hbm>> -> memref<8x128xf32, #tpu.memory_space<hbm>>
      %dma_start3A_107 = arith.constant 16 : i32
      %dma_start3A_108 = arith.constant 0 : i32
      %dma_start3A_109 = tpu.memref_slice %arg10[%dma_start3A_107, %dma_start3A_108] : memref<256x128xf32, #tpu.memory_space<vmem>> -> memref<8x128xf32, #tpu.memory_space<vmem>>
      %dma_start3A_110 = arith.constant 0 : i32
      %dma_start3A_111 = tpu.memref_slice %arg3[%dma_start3A_100, %dma_start3A_110, %multiple_of3A_86] : memref<2x8x1000000xf32, #tpu.memory_space<hbm>> -> memref<1x8x128xf32, #tpu.memory_space<hbm>>
      %dma_start3A_112 = tpu.memref_squeeze %dma_start3A_111 : memref<1x8x128xf32, #tpu.memory_space<hbm>> -> memref<8x128xf32, #tpu.memory_space<hbm>>
      tpu.enqueue_dma source(%dma_start3A_112 : memref<8x128xf32, #tpu.memory_space<hbm>>) target(%dma_start3A_109 : memref<8x128xf32, #tpu.memory_space<vmem>>) target_semaphore(%arg12 : memref<!tpu.dma_semaphore, #tpu.memory_space<semaphore_mem>>)
      %dma_start3A_113 = arith.constant 1 : i32
      %dma_start3A_114 = arith.constant 24 : i32
      %dma_start3A_115 = arith.constant 0 : i32
      %dma_start3A_116 = tpu.memref_slice %arg9[%dma_start3A_114, %dma_start3A_115] : memref<256x128xf32, #tpu.memory_space<vmem>> -> memref<8x128xf32, #tpu.memory_space<vmem>>
      %dma_start3A_117 = arith.constant 0 : i32
      %dma_start3A_118 = tpu.memref_slice %arg2[%dma_start3A_113, %dma_start3A_117, %multiple_of3A_79] : memref<2x8x1000000xf32, #tpu.memory_space<hbm>> -> memref<1x8x128xf32, #tpu.memory_space<hbm>>
      %dma_start3A_119 = tpu.memref_squeeze %dma_start3A_118 : memref<1x8x128xf32, #tpu.memory_space<hbm>> -> memref<8x128xf32, #tpu.memory_space<hbm>>
      %dma_start3A_120 = arith.constant 24 : i32
      %dma_start3A_121 = arith.constant 0 : i32
      %dma_start3A_122 = tpu.memref_slice %arg9[%dma_start3A_120, %dma_start3A_121] : memref<256x128xf32, #tpu.memory_space<vmem>> -> memref<8x128xf32, #tpu.memory_space<vmem>>
      %dma_start3A_123 = arith.constant 0 : i32
      %dma_start3A_124 = tpu.memref_slice %arg2[%dma_start3A_113, %dma_start3A_123, %multiple_of3A_79] : memref<2x8x1000000xf32, #tpu.memory_space<hbm>> -> memref<1x8x128xf32, #tpu.memory_space<hbm>>
      %dma_start3A_125 = tpu.memref_squeeze %dma_start3A_124 : memref<1x8x128xf32, #tpu.memory_space<hbm>> -> memref<8x128xf32, #tpu.memory_space<hbm>>
      tpu.enqueue_dma source(%dma_start3A_125 : memref<8x128xf32, #tpu.memory_space<hbm>>) target(%dma_start3A_122 : memref<8x128xf32, #tpu.memory_space<vmem>>) target_semaphore(%arg12 : memref<!tpu.dma_semaphore, #tpu.memory_space<semaphore_mem>>)
      %dma_start3A_126 = arith.constant 1 : i32
      %dma_start3A_127 = arith.constant 24 : i32
      %dma_start3A_128 = arith.constant 0 : i32
      %dma_start3A_129 = tpu.memref_slice %arg10[%dma_start3A_127, %dma_start3A_128] : memref<256x128xf32, #tpu.memory_space<vmem>> -> memref<8x128xf32, #tpu.memory_space<vmem>>
      %dma_start3A_130 = arith.constant 0 : i32
      %dma_start3A_131 = tpu.memref_slice %arg3[%dma_start3A_126, %dma_start3A_130, %multiple_of3A_86] : memref<2x8x1000000xf32, #tpu.memory_space<hbm>> -> memref<1x8x128xf32, #tpu.memory_space<hbm>>
      %dma_start3A_132 = tpu.memref_squeeze %dma_start3A_131 : memref<1x8x128xf32, #tpu.memory_space<hbm>> -> memref<8x128xf32, #tpu.memory_space<hbm>>
      %dma_start3A_133 = arith.constant 24 : i32
      %dma_start3A_134 = arith.constant 0 : i32
      %dma_start3A_135 = tpu.memref_slice %arg10[%dma_start3A_133, %dma_start3A_134] : memref<256x128xf32, #tpu.memory_space<vmem>> -> memref<8x128xf32, #tpu.memory_space<vmem>>
      %dma_start3A_136 = arith.constant 0 : i32
      %dma_start3A_137 = tpu.memref_slice %arg3[%dma_start3A_126, %dma_start3A_136, %multiple_of3A_86] : memref<2x8x1000000xf32, #tpu.memory_space<hbm>> -> memref<1x8x128xf32, #tpu.memory_space<hbm>>
      %dma_start3A_138 = tpu.memref_squeeze %dma_start3A_137 : memref<1x8x128xf32, #tpu.memory_space<hbm>> -> memref<8x128xf32, #tpu.memory_space<hbm>>
      tpu.enqueue_dma source(%dma_start3A_138 : memref<8x128xf32, #tpu.memory_space<hbm>>) target(%dma_start3A_135 : memref<8x128xf32, #tpu.memory_space<vmem>>) target_semaphore(%arg12 : memref<!tpu.dma_semaphore, #tpu.memory_space<semaphore_mem>>)
      %slice3A_139 = vector.extract_strided_slice %get3A_10 {offsets = [2], sizes = [1], strides = [1]} : vector<16xi32> to vector<1xi32>
      %squeeze3A_140 = vector.extract %slice3A_139[0] : i32 from vector<1xi32>
      %shift_right_arithmetic3A_141 = arith.constant 7 : i32
      %shift_right_arithmetic3A_142 = arith.shrsi %squeeze3A_140, %shift_right_arithmetic3A_141 : i32
      %shift_left3A_143 = arith.constant 7 : i32
      %shift_left3A_144 = arith.shli %shift_right_arithmetic3A_142, %shift_left3A_143 : i32
      %multiple_of3A_145 = tpu.assume_multiple %shift_left3A_144, 128 : i32
      %slice3A_146 = vector.extract_strided_slice %get3A_12 {offsets = [2], sizes = [1], strides = [1]} : vector<16xi32> to vector<1xi32>
      %squeeze3A_147 = vector.extract %slice3A_146[0] : i32 from vector<1xi32>
      %shift_right_arithmetic3A_148 = arith.constant 7 : i32
      %shift_right_arithmetic3A_149 = arith.shrsi %squeeze3A_147, %shift_right_arithmetic3A_148 : i32
      %shift_left3A_150 = arith.constant 7 : i32
      %shift_left3A_151 = arith.shli %shift_right_arithmetic3A_149, %shift_left3A_150 : i32
      %multiple_of3A_152 = tpu.assume_multiple %shift_left3A_151, 128 : i32
      %dma_start3A_153 = arith.constant 0 : i32
      %dma_start3A_154 = arith.constant 32 : i32
      %dma_start3A_155 = arith.constant 0 : i32
      %dma_start3A_156 = tpu.memref_slice %arg9[%dma_start3A_154, %dma_start3A_155] : memref<256x128xf32, #tpu.memory_space<vmem>> -> memref<8x128xf32, #tpu.memory_space<vmem>>
      %dma_start3A_157 = arith.constant 0 : i32
      %dma_start3A_158 = tpu.memref_slice %arg2[%dma_start3A_153, %dma_start3A_157, %multiple_of3A_145] : memref<2x8x1000000xf32, #tpu.memory_space<hbm>> -> memref<1x8x128xf32, #tpu.memory_space<hbm>>
      %dma_start3A_159 = tpu.memref_squeeze %dma_start3A_158 : memref<1x8x128xf32, #tpu.memory_space<hbm>> -> memref<8x128xf32, #tpu.memory_space<hbm>>
      %dma_start3A_160 = arith.constant 32 : i32
      %dma_start3A_161 = arith.constant 0 : i32
      %dma_start3A_162 = tpu.memref_slice %arg9[%dma_start3A_160, %dma_start3A_161] : memref<256x128xf32, #tpu.memory_space<vmem>> -> memref<8x128xf32, #tpu.memory_space<vmem>>
      %dma_start3A_163 = arith.constant 0 : i32
      %dma_start3A_164 = tpu.memref_slice %arg2[%dma_start3A_153, %dma_start3A_163, %multiple_of3A_145] : memref<2x8x1000000xf32, #tpu.memory_space<hbm>> -> memref<1x8x128xf32, #tpu.memory_space<hbm>>
      %dma_start3A_165 = tpu.memref_squeeze %dma_start3A_164 : memref<1x8x128xf32, #tpu.memory_space<hbm>> -> memref<8x128xf32, #tpu.memory_space<hbm>>
      tpu.enqueue_dma source(%dma_start3A_165 : memref<8x128xf32, #tpu.memory_space<hbm>>) target(%dma_start3A_162 : memref<8x128xf32, #tpu.memory_space<vmem>>) target_semaphore(%arg12 : memref<!tpu.dma_semaphore, #tpu.memory_space<semaphore_mem>>)
      %dma_start3A_166 = arith.constant 0 : i32
      %dma_start3A_167 = arith.constant 32 : i32
      %dma_start3A_168 = arith.constant 0 : i32
      %dma_start3A_169 = tpu.memref_slice %arg10[%dma_start3A_167, %dma_start3A_168] : memref<256x128xf32, #tpu.memory_space<vmem>> -> memref<8x128xf32, #tpu.memory_space<vmem>>
      %dma_start3A_170 = arith.constant 0 : i32
      %dma_start3A_171 = tpu.memref_slice %arg3[%dma_start3A_166, %dma_start3A_170, %multiple_of3A_152] : memref<2x8x1000000xf32, #tpu.memory_space<hbm>> -> memref<1x8x128xf32, #tpu.memory_space<hbm>>
      %dma_start3A_172 = tpu.memref_squeeze %dma_start3A_171 : memref<1x8x128xf32, #tpu.memory_space<hbm>> -> memref<8x128xf32, #tpu.memory_space<hbm>>
      %dma_start3A_173 = arith.constant 32 : i32
      %dma_start3A_174 = arith.constant 0 : i32
      %dma_start3A_175 = tpu.memref_slice %arg10[%dma_start3A_173, %dma_start3A_174] : memref<256x128xf32, #tpu.memory_space<vmem>> -> memref<8x128xf32, #tpu.memory_space<vmem>>
      %dma_start3A_176 = arith.constant 0 : i32
      %dma_start3A_177 = tpu.memref_slice %arg3[%dma_start3A_166, %dma_start3A_176, %multiple_of3A_152] : memref<2x8x1000000xf32, #tpu.memory_space<hbm>> -> memref<1x8x128xf32, #tpu.memory_space<hbm>>
      %dma_start3A_178 = tpu.memref_squeeze %dma_start3A_177 : memref<1x8x128xf32, #tpu.memory_space<hbm>> -> memref<8x128xf32, #tpu.memory_space<hbm>>
      tpu.enqueue_dma source(%dma_start3A_178 : memref<8x128xf32, #tpu.memory_space<hbm>>) target(%dma_start3A_175 : memref<8x128xf32, #tpu.memory_space<vmem>>) target_semaphore(%arg12 : memref<!tpu.dma_semaphore, #tpu.memory_space<semaphore_mem>>)
      %dma_start3A_179 = arith.constant 1 : i32
      %dma_start3A_180 = arith.constant 40 : i32
      %dma_start3A_181 = arith.constant 0 : i32
      %dma_start3A_182 = tpu.memref_slice %arg9[%dma_start3A_180, %dma_start3A_181] : memref<256x128xf32, #tpu.memory_space<vmem>> -> memref<8x128xf32, #tpu.memory_space<vmem>>
      %dma_start3A_183 = arith.constant 0 : i32
      %dma_start3A_184 = tpu.memref_slice %arg2[%dma_start3A_179, %dma_start3A_183, %multiple_of3A_145] : memref<2x8x1000000xf32, #tpu.memory_space<hbm>> -> memref<1x8x128xf32, #tpu.memory_space<hbm>>
      %dma_start3A_185 = tpu.memref_squeeze %dma_start3A_184 : memref<1x8x128xf32, #tpu.memory_space<hbm>> -> memref<8x128xf32, #tpu.memory_space<hbm>>
      %dma_start3A_186 = arith.constant 40 : i32
      %dma_start3A_187 = arith.constant 0 : i32
      %dma_start3A_188 = tpu.memref_slice %arg9[%dma_start3A_186, %dma_start3A_187] : memref<256x128xf32, #tpu.memory_space<vmem>> -> memref<8x128xf32, #tpu.memory_space<vmem>>
      %dma_start3A_189 = arith.constant 0 : i32
      %dma_start3A_190 = tpu.memref_slice %arg2[%dma_start3A_179, %dma_start3A_189, %multiple_of3A_145] : memref<2x8x1000000xf32, #tpu.memory_space<hbm>> -> memref<1x8x128xf32, #tpu.memory_space<hbm>>
      %dma_start3A_191 = tpu.memref_squeeze %dma_start3A_190 : memref<1x8x128xf32, #tpu.memory_space<hbm>> -> memref<8x128xf32, #tpu.memory_space<hbm>>
      tpu.enqueue_dma source(%dma_start3A_191 : memref<8x128xf32, #tpu.memory_space<hbm>>) target(%dma_start3A_188 : memref<8x128xf32, #tpu.memory_space<vmem>>) target_semaphore(%arg12 : memref<!tpu.dma_semaphore, #tpu.memory_space<semaphore_mem>>)
      %dma_start3A_192 = arith.constant 1 : i32
      %dma_start3A_193 = arith.constant 40 : i32
      %dma_start3A_194 = arith.constant 0 : i32
      %dma_start3A_195 = tpu.memref_slice %arg10[%dma_start3A_193, %dma_start3A_194] : memref<256x128xf32, #tpu.memory_space<vmem>> -> memref<8x128xf32, #tpu.memory_space<vmem>>
      %dma_start3A_196 = arith.constant 0 : i32
      %dma_start3A_197 = tpu.memref_slice %arg3[%dma_start3A_192, %dma_start3A_196, %multiple_of3A_152] : memref<2x8x1000000xf32, #tpu.memory_space<hbm>> -> memref<1x8x128xf32, #tpu.memory_space<hbm>>
      %dma_start3A_198 = tpu.memref_squeeze %dma_start3A_197 : memref<1x8x128xf32, #tpu.memory_space<hbm>> -> memref<8x128xf32, #tpu.memory_space<hbm>>
      %dma_start3A_199 = arith.constant 40 : i32
      %dma_start3A_200 = arith.constant 0 : i32
      %dma_start3A_201 = tpu.memref_slice %arg10[%dma_start3A_199, %dma_start3A_200] : memref<256x128xf32, #tpu.memory_space<vmem>> -> memref<8x128xf32, #tpu.memory_space<vmem>>
      %dma_start3A_202 = arith.constant 0 : i32
      %dma_start3A_203 = tpu.memref_slice %arg3[%dma_start3A_192, %dma_start3A_202, %multiple_of3A_152] : memref<2x8x1000000xf32, #tpu.memory_space<hbm>> -> memref<1x8x128xf32, #tpu.memory_space<hbm>>
      %dma_start3A_204 = tpu.memref_squeeze %dma_start3A_203 : memref<1x8x128xf32, #tpu.memory_space<hbm>> -> memref<8x128xf32, #tpu.memory_space<hbm>>
      tpu.enqueue_dma source(%dma_start3A_204 : memref<8x128xf32, #tpu.memory_space<hbm>>) target(%dma_start3A_201 : memref<8x128xf32, #tpu.memory_space<vmem>>) target_semaphore(%arg12 : memref<!tpu.dma_semaphore, #tpu.memory_space<semaphore_mem>>)
      %slice3A_205 = vector.extract_strided_slice %get3A_10 {offsets = [3], sizes = [1], strides = [1]} : vector<16xi32> to vector<1xi32>
      %squeeze3A_206 = vector.extract %slice3A_205[0] : i32 from vector<1xi32>
      %shift_right_arithmetic3A_207 = arith.constant 7 : i32
      %shift_right_arithmetic3A_208 = arith.shrsi %squeeze3A_206, %shift_right_arithmetic3A_207 : i32
      %shift_left3A_209 = arith.constant 7 : i32
      %shift_left3A_210 = arith.shli %shift_right_arithmetic3A_208, %shift_left3A_209 : i32
      %multiple_of3A_211 = tpu.assume_multiple %shift_left3A_210, 128 : i32
      %slice3A_212 = vector.extract_strided_slice %get3A_12 {offsets = [3], sizes = [1], strides = [1]} : vector<16xi32> to vector<1xi32>
      %squeeze3A_213 = vector.extract %slice3A_212[0] : i32 from vector<1xi32>
      %shift_right_arithmetic3A_214 = arith.constant 7 : i32
      %shift_right_arithmetic3A_215 = arith.shrsi %squeeze3A_213, %shift_right_arithmetic3A_214 : i32
      %shift_left3A_216 = arith.constant 7 : i32
      %shift_left3A_217 = arith.shli %shift_right_arithmetic3A_215, %shift_left3A_216 : i32
      %multiple_of3A_218 = tpu.assume_multiple %shift_left3A_217, 128 : i32
      %dma_start3A_219 = arith.constant 0 : i32
      %dma_start3A_220 = arith.constant 48 : i32
      %dma_start3A_221 = arith.constant 0 : i32
      %dma_start3A_222 = tpu.memref_slice %arg9[%dma_start3A_220, %dma_start3A_221] : memref<256x128xf32, #tpu.memory_space<vmem>> -> memref<8x128xf32, #tpu.memory_space<vmem>>
      %dma_start3A_223 = arith.constant 0 : i32
      %dma_start3A_224 = tpu.memref_slice %arg2[%dma_start3A_219, %dma_start3A_223, %multiple_of3A_211] : memref<2x8x1000000xf32, #tpu.memory_space<hbm>> -> memref<1x8x128xf32, #tpu.memory_space<hbm>>
      %dma_start3A_225 = tpu.memref_squeeze %dma_start3A_224 : memref<1x8x128xf32, #tpu.memory_space<hbm>> -> memref<8x128xf32, #tpu.memory_space<hbm>>
      %dma_start3A_226 = arith.constant 48 : i32
      %dma_start3A_227 = arith.constant 0 : i32
      %dma_start3A_228 = tpu.memref_slice %arg9[%dma_start3A_226, %dma_start3A_227] : memref<256x128xf32, #tpu.memory_space<vmem>> -> memref<8x128xf32, #tpu.memory_space<vmem>>
      %dma_start3A_229 = arith.constant 0 : i32
      %dma_start3A_230 = tpu.memref_slice %arg2[%dma_start3A_219, %dma_start3A_229, %multiple_of3A_211] : memref<2x8x1000000xf32, #tpu.memory_space<hbm>> -> memref<1x8x128xf32, #tpu.memory_space<hbm>>
      %dma_start3A_231 = tpu.memref_squeeze %dma_start3A_230 : memref<1x8x128xf32, #tpu.memory_space<hbm>> -> memref<8x128xf32, #tpu.memory_space<hbm>>
      tpu.enqueue_dma source(%dma_start3A_231 : memref<8x128xf32, #tpu.memory_space<hbm>>) target(%dma_start3A_228 : memref<8x128xf32, #tpu.memory_space<vmem>>) target_semaphore(%arg12 : memref<!tpu.dma_semaphore, #tpu.memory_space<semaphore_mem>>)
      %dma_start3A_232 = arith.constant 0 : i32
      %dma_start3A_233 = arith.constant 48 : i32
      %dma_start3A_234 = arith.constant 0 : i32
      %dma_start3A_235 = tpu.memref_slice %arg10[%dma_start3A_233, %dma_start3A_234] : memref<256x128xf32, #tpu.memory_space<vmem>> -> memref<8x128xf32, #tpu.memory_space<vmem>>
      %dma_start3A_236 = arith.constant 0 : i32
      %dma_start3A_237 = tpu.memref_slice %arg3[%dma_start3A_232, %dma_start3A_236, %multiple_of3A_218] : memref<2x8x1000000xf32, #tpu.memory_space<hbm>> -> memref<1x8x128xf32, #tpu.memory_space<hbm>>
      %dma_start3A_238 = tpu.memref_squeeze %dma_start3A_237 : memref<1x8x128xf32, #tpu.memory_space<hbm>> -> memref<8x128xf32, #tpu.memory_space<hbm>>
      %dma_start3A_239 = arith.constant 48 : i32
      %dma_start3A_240 = arith.constant 0 : i32
      %dma_start3A_241 = tpu.memref_slice %arg10[%dma_start3A_239, %dma_start3A_240] : memref<256x128xf32, #tpu.memory_space<vmem>> -> memref<8x128xf32, #tpu.memory_space<vmem>>
      %dma_start3A_242 = arith.constant 0 : i32
      %dma_start3A_243 = tpu.memref_slice %arg3[%dma_start3A_232, %dma_start3A_242, %multiple_of3A_218] : memref<2x8x1000000xf32, #tpu.memory_space<hbm>> -> memref<1x8x128xf32, #tpu.memory_space<hbm>>
      %dma_start3A_244 = tpu.memref_squeeze %dma_start3A_243 : memref<1x8x128xf32, #tpu.memory_space<hbm>> -> memref<8x128xf32, #tpu.memory_space<hbm>>
      tpu.enqueue_dma source(%dma_start3A_244 : memref<8x128xf32, #tpu.memory_space<hbm>>) target(%dma_start3A_241 : memref<8x128xf32, #tpu.memory_space<vmem>>) target_semaphore(%arg12 : memref<!tpu.dma_semaphore, #tpu.memory_space<semaphore_mem>>)
      %dma_start3A_245 = arith.constant 1 : i32
      %dma_start3A_246 = arith.constant 56 : i32
      %dma_start3A_247 = arith.constant 0 : i32
      %dma_start3A_248 = tpu.memref_slice %arg9[%dma_start3A_246, %dma_start3A_247] : memref<256x128xf32, #tpu.memory_space<vmem>> -> memref<8x128xf32, #tpu.memory_space<vmem>>
      %dma_start3A_249 = arith.constant 0 : i32
      %dma_start3A_250 = tpu.memref_slice %arg2[%dma_start3A_245, %dma_start3A_249, %multiple_of3A_211] : memref<2x8x1000000xf32, #tpu.memory_space<hbm>> -> memref<1x8x128xf32, #tpu.memory_space<hbm>>
      %dma_start3A_251 = tpu.memref_squeeze %dma_start3A_250 : memref<1x8x128xf32, #tpu.memory_space<hbm>> -> memref<8x128xf32, #tpu.memory_space<hbm>>
      %dma_start3A_252 = arith.constant 56 : i32
      %dma_start3A_253 = arith.constant 0 : i32
      %dma_start3A_254 = tpu.memref_slice %arg9[%dma_start3A_252, %dma_start3A_253] : memref<256x128xf32, #tpu.memory_space<vmem>> -> memref<8x128xf32, #tpu.memory_space<vmem>>
      %dma_start3A_255 = arith.constant 0 : i32
      %dma_start3A_256 = tpu.memref_slice %arg2[%dma_start3A_245, %dma_start3A_255, %multiple_of3A_211] : memref<2x8x1000000xf32, #tpu.memory_space<hbm>> -> memref<1x8x128xf32, #tpu.memory_space<hbm>>
      %dma_start3A_257 = tpu.memref_squeeze %dma_start3A_256 : memref<1x8x128xf32, #tpu.memory_space<hbm>> -> memref<8x128xf32, #tpu.memory_space<hbm>>
      tpu.enqueue_dma source(%dma_start3A_257 : memref<8x128xf32, #tpu.memory_space<hbm>>) target(%dma_start3A_254 : memref<8x128xf32, #tpu.memory_space<vmem>>) target_semaphore(%arg12 : memref<!tpu.dma_semaphore, #tpu.memory_space<semaphore_mem>>)
      %dma_start3A_258 = arith.constant 1 : i32
      %dma_start3A_259 = arith.constant 56 : i32
      %dma_start3A_260 = arith.constant 0 : i32
      %dma_start3A_261 = tpu.memref_slice %arg10[%dma_start3A_259, %dma_start3A_260] : memref<256x128xf32, #tpu.memory_space<vmem>> -> memref<8x128xf32, #tpu.memory_space<vmem>>
      %dma_start3A_262 = arith.constant 0 : i32
      %dma_start3A_263 = tpu.memref_slice %arg3[%dma_start3A_258, %dma_start3A_262, %multiple_of3A_218] : memref<2x8x1000000xf32, #tpu.memory_space<hbm>> -> memref<1x8x128xf32, #tpu.memory_space<hbm>>
      %dma_start3A_264 = tpu.memref_squeeze %dma_start3A_263 : memref<1x8x128xf32, #tpu.memory_space<hbm>> -> memref<8x128xf32, #tpu.memory_space<hbm>>
      %dma_start3A_265 = arith.constant 56 : i32
      %dma_start3A_266 = arith.constant 0 : i32
      %dma_start3A_267 = tpu.memref_slice %arg10[%dma_start3A_265, %dma_start3A_266] : memref<256x128xf32, #tpu.memory_space<vmem>> -> memref<8x128xf32, #tpu.memory_space<vmem>>
      %dma_start3A_268 = arith.constant 0 : i32
      %dma_start3A_269 = tpu.memref_slice %arg3[%dma_start3A_258, %dma_start3A_268, %multiple_of3A_218] : memref<2x8x1000000xf32, #tpu.memory_space<hbm>> -> memref<1x8x128xf32, #tpu.memory_space<hbm>>
      %dma_start3A_270 = tpu.memref_squeeze %dma_start3A_269 : memref<1x8x128xf32, #tpu.memory_space<hbm>> -> memref<8x128xf32, #tpu.memory_space<hbm>>
      tpu.enqueue_dma source(%dma_start3A_270 : memref<8x128xf32, #tpu.memory_space<hbm>>) target(%dma_start3A_267 : memref<8x128xf32, #tpu.memory_space<vmem>>) target_semaphore(%arg12 : memref<!tpu.dma_semaphore, #tpu.memory_space<semaphore_mem>>)
      %slice3A_271 = vector.extract_strided_slice %get3A_10 {offsets = [4], sizes = [1], strides = [1]} : vector<16xi32> to vector<1xi32>
      %squeeze3A_272 = vector.extract %slice3A_271[0] : i32 from vector<1xi32>
      %shift_right_arithmetic3A_273 = arith.constant 7 : i32
      %shift_right_arithmetic3A_274 = arith.shrsi %squeeze3A_272, %shift_right_arithmetic3A_273 : i32
      %shift_left3A_275 = arith.constant 7 : i32
      %shift_left3A_276 = arith.shli %shift_right_arithmetic3A_274, %shift_left3A_275 : i32
      %multiple_of3A_277 = tpu.assume_multiple %shift_left3A_276, 128 : i32
      %slice3A_278 = vector.extract_strided_slice %get3A_12 {offsets = [4], sizes = [1], strides = [1]} : vector<16xi32> to vector<1xi32>
      %squeeze3A_279 = vector.extract %slice3A_278[0] : i32 from vector<1xi32>
      %shift_right_arithmetic3A_280 = arith.constant 7 : i32
      %shift_right_arithmetic3A_281 = arith.shrsi %squeeze3A_279, %shift_right_arithmetic3A_280 : i32
      %shift_left3A_282 = arith.constant 7 : i32
      %shift_left3A_283 = arith.shli %shift_right_arithmetic3A_281, %shift_left3A_282 : i32
      %multiple_of3A_284 = tpu.assume_multiple %shift_left3A_283, 128 : i32
      %dma_start3A_285 = arith.constant 0 : i32
      %dma_start3A_286 = arith.constant 64 : i32
      %dma_start3A_287 = arith.constant 0 : i32
      %dma_start3A_288 = tpu.memref_slice %arg9[%dma_start3A_286, %dma_start3A_287] : memref<256x128xf32, #tpu.memory_space<vmem>> -> memref<8x128xf32, #tpu.memory_space<vmem>>
      %dma_start3A_289 = arith.constant 0 : i32
      %dma_start3A_290 = tpu.memref_slice %arg2[%dma_start3A_285, %dma_start3A_289, %multiple_of3A_277] : memref<2x8x1000000xf32, #tpu.memory_space<hbm>> -> memref<1x8x128xf32, #tpu.memory_space<hbm>>
      %dma_start3A_291 = tpu.memref_squeeze %dma_start3A_290 : memref<1x8x128xf32, #tpu.memory_space<hbm>> -> memref<8x128xf32, #tpu.memory_space<hbm>>
      %dma_start3A_292 = arith.constant 64 : i32
      %dma_start3A_293 = arith.constant 0 : i32
      %dma_start3A_294 = tpu.memref_slice %arg9[%dma_start3A_292, %dma_start3A_293] : memref<256x128xf32, #tpu.memory_space<vmem>> -> memref<8x128xf32, #tpu.memory_space<vmem>>
      %dma_start3A_295 = arith.constant 0 : i32
      %dma_start3A_296 = tpu.memref_slice %arg2[%dma_start3A_285, %dma_start3A_295, %multiple_of3A_277] : memref<2x8x1000000xf32, #tpu.memory_space<hbm>> -> memref<1x8x128xf32, #tpu.memory_space<hbm>>
      %dma_start3A_297 = tpu.memref_squeeze %dma_start3A_296 : memref<1x8x128xf32, #tpu.memory_space<hbm>> -> memref<8x128xf32, #tpu.memory_space<hbm>>
      tpu.enqueue_dma source(%dma_start3A_297 : memref<8x128xf32, #tpu.memory_space<hbm>>) target(%dma_start3A_294 : memref<8x128xf32, #tpu.memory_space<vmem>>) target_semaphore(%arg12 : memref<!tpu.dma_semaphore, #tpu.memory_space<semaphore_mem>>)
      %dma_start3A_298 = arith.constant 0 : i32
      %dma_start3A_299 = arith.constant 64 : i32
      %dma_start3A_300 = arith.constant 0 : i32
      %dma_start3A_301 = tpu.memref_slice %arg10[%dma_start3A_299, %dma_start3A_300] : memref<256x128xf32, #tpu.memory_space<vmem>> -> memref<8x128xf32, #tpu.memory_space<vmem>>
      %dma_start3A_302 = arith.constant 0 : i32
      %dma_start3A_303 = tpu.memref_slice %arg3[%dma_start3A_298, %dma_start3A_302, %multiple_of3A_284] : memref<2x8x1000000xf32, #tpu.memory_space<hbm>> -> memref<1x8x128xf32, #tpu.memory_space<hbm>>
      %dma_start3A_304 = tpu.memref_squeeze %dma_start3A_303 : memref<1x8x128xf32, #tpu.memory_space<hbm>> -> memref<8x128xf32, #tpu.memory_space<hbm>>
      %dma_start3A_305 = arith.constant 64 : i32
      %dma_start3A_306 = arith.constant 0 : i32
      %dma_start3A_307 = tpu.memref_slice %arg10[%dma_start3A_305, %dma_start3A_306] : memref<256x128xf32, #tpu.memory_space<vmem>> -> memref<8x128xf32, #tpu.memory_space<vmem>>
      %dma_start3A_308 = arith.constant 0 : i32
      %dma_start3A_309 = tpu.memref_slice %arg3[%dma_start3A_298, %dma_start3A_308, %multiple_of3A_284] : memref<2x8x1000000xf32, #tpu.memory_space<hbm>> -> memref<1x8x128xf32, #tpu.memory_space<hbm>>
      %dma_start3A_310 = tpu.memref_squeeze %dma_start3A_309 : memref<1x8x128xf32, #tpu.memory_space<hbm>> -> memref<8x128xf32, #tpu.memory_space<hbm>>
      tpu.enqueue_dma source(%dma_start3A_310 : memref<8x128xf32, #tpu.memory_space<hbm>>) target(%dma_start3A_307 : memref<8x128xf32, #tpu.memory_space<vmem>>) target_semaphore(%arg12 : memref<!tpu.dma_semaphore, #tpu.memory_space<semaphore_mem>>)
      %dma_start3A_311 = arith.constant 1 : i32
      %dma_start3A_312 = arith.constant 72 : i32
      %dma_start3A_313 = arith.constant 0 : i32
      %dma_start3A_314 = tpu.memref_slice %arg9[%dma_start3A_312, %dma_start3A_313] : memref<256x128xf32, #tpu.memory_space<vmem>> -> memref<8x128xf32, #tpu.memory_space<vmem>>
      %dma_start3A_315 = arith.constant 0 : i32
      %dma_start3A_316 = tpu.memref_slice %arg2[%dma_start3A_311, %dma_start3A_315, %multiple_of3A_277] : memref<2x8x1000000xf32, #tpu.memory_space<hbm>> -> memref<1x8x128xf32, #tpu.memory_space<hbm>>
      %dma_start3A_317 = tpu.memref_squeeze %dma_start3A_316 : memref<1x8x128xf32, #tpu.memory_space<hbm>> -> memref<8x128xf32, #tpu.memory_space<hbm>>
      %dma_start3A_318 = arith.constant 72 : i32
      %dma_start3A_319 = arith.constant 0 : i32
      %dma_start3A_320 = tpu.memref_slice %arg9[%dma_start3A_318, %dma_start3A_319] : memref<256x128xf32, #tpu.memory_space<vmem>> -> memref<8x128xf32, #tpu.memory_space<vmem>>
      %dma_start3A_321 = arith.constant 0 : i32
      %dma_start3A_322 = tpu.memref_slice %arg2[%dma_start3A_311, %dma_start3A_321, %multiple_of3A_277] : memref<2x8x1000000xf32, #tpu.memory_space<hbm>> -> memref<1x8x128xf32, #tpu.memory_space<hbm>>
      %dma_start3A_323 = tpu.memref_squeeze %dma_start3A_322 : memref<1x8x128xf32, #tpu.memory_space<hbm>> -> memref<8x128xf32, #tpu.memory_space<hbm>>
      tpu.enqueue_dma source(%dma_start3A_323 : memref<8x128xf32, #tpu.memory_space<hbm>>) target(%dma_start3A_320 : memref<8x128xf32, #tpu.memory_space<vmem>>) target_semaphore(%arg12 : memref<!tpu.dma_semaphore, #tpu.memory_space<semaphore_mem>>)
      %dma_start3A_324 = arith.constant 1 : i32
      %dma_start3A_325 = arith.constant 72 : i32
      %dma_start3A_326 = arith.constant 0 : i32
      %dma_start3A_327 = tpu.memref_slice %arg10[%dma_start3A_325, %dma_start3A_326] : memref<256x128xf32, #tpu.memory_space<vmem>> -> memref<8x128xf32, #tpu.memory_space<vmem>>
      %dma_start3A_328 = arith.constant 0 : i32
      %dma_start3A_329 = tpu.memref_slice %arg3[%dma_start3A_324, %dma_start3A_328, %multiple_of3A_284] : memref<2x8x1000000xf32, #tpu.memory_space<hbm>> -> memref<1x8x128xf32, #tpu.memory_space<hbm>>
      %dma_start3A_330 = tpu.memref_squeeze %dma_start3A_329 : memref<1x8x128xf32, #tpu.memory_space<hbm>> -> memref<8x128xf32, #tpu.memory_space<hbm>>
      %dma_start3A_331 = arith.constant 72 : i32
      %dma_start3A_332 = arith.constant 0 : i32
      %dma_start3A_333 = tpu.memref_slice %arg10[%dma_start3A_331, %dma_start3A_332] : memref<256x128xf32, #tpu.memory_space<vmem>> -> memref<8x128xf32, #tpu.memory_space<vmem>>
      %dma_start3A_334 = arith.constant 0 : i32
      %dma_start3A_335 = tpu.memref_slice %arg3[%dma_start3A_324, %dma_start3A_334, %multiple_of3A_284] : memref<2x8x1000000xf32, #tpu.memory_space<hbm>> -> memref<1x8x128xf32, #tpu.memory_space<hbm>>
      %dma_start3A_336 = tpu.memref_squeeze %dma_start3A_335 : memref<1x8x128xf32, #tpu.memory_space<hbm>> -> memref<8x128xf32, #tpu.memory_space<hbm>>
      tpu.enqueue_dma source(%dma_start3A_336 : memref<8x128xf32, #tpu.memory_space<hbm>>) target(%dma_start3A_333 : memref<8x128xf32, #tpu.memory_space<vmem>>) target_semaphore(%arg12 : memref<!tpu.dma_semaphore, #tpu.memory_space<semaphore_mem>>)
      %slice3A_337 = vector.extract_strided_slice %get3A_10 {offsets = [5], sizes = [1], strides = [1]} : vector<16xi32> to vector<1xi32>
      %squeeze3A_338 = vector.extract %slice3A_337[0] : i32 from vector<1xi32>
      %shift_right_arithmetic3A_339 = arith.constant 7 : i32
      %shift_right_arithmetic3A_340 = arith.shrsi %squeeze3A_338, %shift_right_arithmetic3A_339 : i32
      %shift_left3A_341 = arith.constant 7 : i32
      %shift_left3A_342 = arith.shli %shift_right_arithmetic3A_340, %shift_left3A_341 : i32
      %multiple_of3A_343 = tpu.assume_multiple %shift_left3A_342, 128 : i32
      %slice3A_344 = vector.extract_strided_slice %get3A_12 {offsets = [5], sizes = [1], strides = [1]} : vector<16xi32> to vector<1xi32>
      %squeeze3A_345 = vector.extract %slice3A_344[0] : i32 from vector<1xi32>
      %shift_right_arithmetic3A_346 = arith.constant 7 : i32
      %shift_right_arithmetic3A_347 = arith.shrsi %squeeze3A_345, %shift_right_arithmetic3A_346 : i32
      %shift_left3A_348 = arith.constant 7 : i32
      %shift_left3A_349 = arith.shli %shift_right_arithmetic3A_347, %shift_left3A_348 : i32
      %multiple_of3A_350 = tpu.assume_multiple %shift_left3A_349, 128 : i32
      %dma_start3A_351 = arith.constant 0 : i32
      %dma_start3A_352 = arith.constant 80 : i32
      %dma_start3A_353 = arith.constant 0 : i32
      %dma_start3A_354 = tpu.memref_slice %arg9[%dma_start3A_352, %dma_start3A_353] : memref<256x128xf32, #tpu.memory_space<vmem>> -> memref<8x128xf32, #tpu.memory_space<vmem>>
      %dma_start3A_355 = arith.constant 0 : i32
      %dma_start3A_356 = tpu.memref_slice %arg2[%dma_start3A_351, %dma_start3A_355, %multiple_of3A_343] : memref<2x8x1000000xf32, #tpu.memory_space<hbm>> -> memref<1x8x128xf32, #tpu.memory_space<hbm>>
      %dma_start3A_357 = tpu.memref_squeeze %dma_start3A_356 : memref<1x8x128xf32, #tpu.memory_space<hbm>> -> memref<8x128xf32, #tpu.memory_space<hbm>>
      %dma_start3A_358 = arith.constant 80 : i32
      %dma_start3A_359 = arith.constant 0 : i32
      %dma_start3A_360 = tpu.memref_slice %arg9[%dma_start3A_358, %dma_start3A_359] : memref<256x128xf32, #tpu.memory_space<vmem>> -> memref<8x128xf32, #tpu.memory_space<vmem>>
      %dma_start3A_361 = arith.constant 0 : i32
      %dma_start3A_362 = tpu.memref_slice %arg2[%dma_start3A_351, %dma_start3A_361, %multiple_of3A_343] : memref<2x8x1000000xf32, #tpu.memory_space<hbm>> -> memref<1x8x128xf32, #tpu.memory_space<hbm>>
      %dma_start3A_363 = tpu.memref_squeeze %dma_start3A_362 : memref<1x8x128xf32, #tpu.memory_space<hbm>> -> memref<8x128xf32, #tpu.memory_space<hbm>>
      tpu.enqueue_dma source(%dma_start3A_363 : memref<8x128xf32, #tpu.memory_space<hbm>>) target(%dma_start3A_360 : memref<8x128xf32, #tpu.memory_space<vmem>>) target_semaphore(%arg12 : memref<!tpu.dma_semaphore, #tpu.memory_space<semaphore_mem>>)
      %dma_start3A_364 = arith.constant 0 : i32
      %dma_start3A_365 = arith.constant 80 : i32
      %dma_start3A_366 = arith.constant 0 : i32
      %dma_start3A_367 = tpu.memref_slice %arg10[%dma_start3A_365, %dma_start3A_366] : memref<256x128xf32, #tpu.memory_space<vmem>> -> memref<8x128xf32, #tpu.memory_space<vmem>>
      %dma_start3A_368 = arith.constant 0 : i32
      %dma_start3A_369 = tpu.memref_slice %arg3[%dma_start3A_364, %dma_start3A_368, %multiple_of3A_350] : memref<2x8x1000000xf32, #tpu.memory_space<hbm>> -> memref<1x8x128xf32, #tpu.memory_space<hbm>>
      %dma_start3A_370 = tpu.memref_squeeze %dma_start3A_369 : memref<1x8x128xf32, #tpu.memory_space<hbm>> -> memref<8x128xf32, #tpu.memory_space<hbm>>
      %dma_start3A_371 = arith.constant 80 : i32
      %dma_start3A_372 = arith.constant 0 : i32
      %dma_start3A_373 = tpu.memref_slice %arg10[%dma_start3A_371, %dma_start3A_372] : memref<256x128xf32, #tpu.memory_space<vmem>> -> memref<8x128xf32, #tpu.memory_space<vmem>>
      %dma_start3A_374 = arith.constant 0 : i32
      %dma_start3A_375 = tpu.memref_slice %arg3[%dma_start3A_364, %dma_start3A_374, %multiple_of3A_350] : memref<2x8x1000000xf32, #tpu.memory_space<hbm>> -> memref<1x8x128xf32, #tpu.memory_space<hbm>>
      %dma_start3A_376 = tpu.memref_squeeze %dma_start3A_375 : memref<1x8x128xf32, #tpu.memory_space<hbm>> -> memref<8x128xf32, #tpu.memory_space<hbm>>
      tpu.enqueue_dma source(%dma_start3A_376 : memref<8x128xf32, #tpu.memory_space<hbm>>) target(%dma_start3A_373 : memref<8x128xf32, #tpu.memory_space<vmem>>) target_semaphore(%arg12 : memref<!tpu.dma_semaphore, #tpu.memory_space<semaphore_mem>>)
      %dma_start3A_377 = arith.constant 1 : i32
      %dma_start3A_378 = arith.constant 88 : i32
      %dma_start3A_379 = arith.constant 0 : i32
      %dma_start3A_380 = tpu.memref_slice %arg9[%dma_start3A_378, %dma_start3A_379] : memref<256x128xf32, #tpu.memory_space<vmem>> -> memref<8x128xf32, #tpu.memory_space<vmem>>
      %dma_start3A_381 = arith.constant 0 : i32
      %dma_start3A_382 = tpu.memref_slice %arg2[%dma_start3A_377, %dma_start3A_381, %multiple_of3A_343] : memref<2x8x1000000xf32, #tpu.memory_space<hbm>> -> memref<1x8x128xf32, #tpu.memory_space<hbm>>
      %dma_start3A_383 = tpu.memref_squeeze %dma_start3A_382 : memref<1x8x128xf32, #tpu.memory_space<hbm>> -> memref<8x128xf32, #tpu.memory_space<hbm>>
      %dma_start3A_384 = arith.constant 88 : i32
      %dma_start3A_385 = arith.constant 0 : i32
      %dma_start3A_386 = tpu.memref_slice %arg9[%dma_start3A_384, %dma_start3A_385] : memref<256x128xf32, #tpu.memory_space<vmem>> -> memref<8x128xf32, #tpu.memory_space<vmem>>
      %dma_start3A_387 = arith.constant 0 : i32
      %dma_start3A_388 = tpu.memref_slice %arg2[%dma_start3A_377, %dma_start3A_387, %multiple_of3A_343] : memref<2x8x1000000xf32, #tpu.memory_space<hbm>> -> memref<1x8x128xf32, #tpu.memory_space<hbm>>
      %dma_start3A_389 = tpu.memref_squeeze %dma_start3A_388 : memref<1x8x128xf32, #tpu.memory_space<hbm>> -> memref<8x128xf32, #tpu.memory_space<hbm>>
      tpu.enqueue_dma source(%dma_start3A_389 : memref<8x128xf32, #tpu.memory_space<hbm>>) target(%dma_start3A_386 : memref<8x128xf32, #tpu.memory_space<vmem>>) target_semaphore(%arg12 : memref<!tpu.dma_semaphore, #tpu.memory_space<semaphore_mem>>)
      %dma_start3A_390 = arith.constant 1 : i32
      %dma_start3A_391 = arith.constant 88 : i32
      %dma_start3A_392 = arith.constant 0 : i32
      %dma_start3A_393 = tpu.memref_slice %arg10[%dma_start3A_391, %dma_start3A_392] : memref<256x128xf32, #tpu.memory_space<vmem>> -> memref<8x128xf32, #tpu.memory_space<vmem>>
      %dma_start3A_394 = arith.constant 0 : i32
      %dma_start3A_395 = tpu.memref_slice %arg3[%dma_start3A_390, %dma_start3A_394, %multiple_of3A_350] : memref<2x8x1000000xf32, #tpu.memory_space<hbm>> -> memref<1x8x128xf32, #tpu.memory_space<hbm>>
      %dma_start3A_396 = tpu.memref_squeeze %dma_start3A_395 : memref<1x8x128xf32, #tpu.memory_space<hbm>> -> memref<8x128xf32, #tpu.memory_space<hbm>>
      %dma_start3A_397 = arith.constant 88 : i32
      %dma_start3A_398 = arith.constant 0 : i32
      %dma_start3A_399 = tpu.memref_slice %arg10[%dma_start3A_397, %dma_start3A_398] : memref<256x128xf32, #tpu.memory_space<vmem>> -> memref<8x128xf32, #tpu.memory_space<vmem>>
      %dma_start3A_400 = arith.constant 0 : i32
      %dma_start3A_401 = tpu.memref_slice %arg3[%dma_start3A_390, %dma_start3A_400, %multiple_of3A_350] : memref<2x8x1000000xf32, #tpu.memory_space<hbm>> -> memref<1x8x128xf32, #tpu.memory_space<hbm>>
      %dma_start3A_402 = tpu.memref_squeeze %dma_start3A_401 : memref<1x8x128xf32, #tpu.memory_space<hbm>> -> memref<8x128xf32, #tpu.memory_space<hbm>>
      tpu.enqueue_dma source(%dma_start3A_402 : memref<8x128xf32, #tpu.memory_space<hbm>>) target(%dma_start3A_399 : memref<8x128xf32, #tpu.memory_space<vmem>>) target_semaphore(%arg12 : memref<!tpu.dma_semaphore, #tpu.memory_space<semaphore_mem>>)
      %slice3A_403 = vector.extract_strided_slice %get3A_10 {offsets = [6], sizes = [1], strides = [1]} : vector<16xi32> to vector<1xi32>
      %squeeze3A_404 = vector.extract %slice3A_403[0] : i32 from vector<1xi32>
      %shift_right_arithmetic3A_405 = arith.constant 7 : i32
      %shift_right_arithmetic3A_406 = arith.shrsi %squeeze3A_404, %shift_right_arithmetic3A_405 : i32
      %shift_left3A_407 = arith.constant 7 : i32
      %shift_left3A_408 = arith.shli %shift_right_arithmetic3A_406, %shift_left3A_407 : i32
      %multiple_of3A_409 = tpu.assume_multiple %shift_left3A_408, 128 : i32
      %slice3A_410 = vector.extract_strided_slice %get3A_12 {offsets = [6], sizes = [1], strides = [1]} : vector<16xi32> to vector<1xi32>
      %squeeze3A_411 = vector.extract %slice3A_410[0] : i32 from vector<1xi32>
      %shift_right_arithmetic3A_412 = arith.constant 7 : i32
      %shift_right_arithmetic3A_413 = arith.shrsi %squeeze3A_411, %shift_right_arithmetic3A_412 : i32
      %shift_left3A_414 = arith.constant 7 : i32
      %shift_left3A_415 = arith.shli %shift_right_arithmetic3A_413, %shift_left3A_414 : i32
      %multiple_of3A_416 = tpu.assume_multiple %shift_left3A_415, 128 : i32
      %dma_start3A_417 = arith.constant 0 : i32
      %dma_start3A_418 = arith.constant 96 : i32
      %dma_start3A_419 = arith.constant 0 : i32
      %dma_start3A_420 = tpu.memref_slice %arg9[%dma_start3A_418, %dma_start3A_419] : memref<256x128xf32, #tpu.memory_space<vmem>> -> memref<8x128xf32, #tpu.memory_space<vmem>>
      %dma_start3A_421 = arith.constant 0 : i32
      %dma_start3A_422 = tpu.memref_slice %arg2[%dma_start3A_417, %dma_start3A_421, %multiple_of3A_409] : memref<2x8x1000000xf32, #tpu.memory_space<hbm>> -> memref<1x8x128xf32, #tpu.memory_space<hbm>>
      %dma_start3A_423 = tpu.memref_squeeze %dma_start3A_422 : memref<1x8x128xf32, #tpu.memory_space<hbm>> -> memref<8x128xf32, #tpu.memory_space<hbm>>
      %dma_start3A_424 = arith.constant 96 : i32
      %dma_start3A_425 = arith.constant 0 : i32
      %dma_start3A_426 = tpu.memref_slice %arg9[%dma_start3A_424, %dma_start3A_425] : memref<256x128xf32, #tpu.memory_space<vmem>> -> memref<8x128xf32, #tpu.memory_space<vmem>>
      %dma_start3A_427 = arith.constant 0 : i32
      %dma_start3A_428 = tpu.memref_slice %arg2[%dma_start3A_417, %dma_start3A_427, %multiple_of3A_409] : memref<2x8x1000000xf32, #tpu.memory_space<hbm>> -> memref<1x8x128xf32, #tpu.memory_space<hbm>>
      %dma_start3A_429 = tpu.memref_squeeze %dma_start3A_428 : memref<1x8x128xf32, #tpu.memory_space<hbm>> -> memref<8x128xf32, #tpu.memory_space<hbm>>
      tpu.enqueue_dma source(%dma_start3A_429 : memref<8x128xf32, #tpu.memory_space<hbm>>) target(%dma_start3A_426 : memref<8x128xf32, #tpu.memory_space<vmem>>) target_semaphore(%arg12 : memref<!tpu.dma_semaphore, #tpu.memory_space<semaphore_mem>>)
      %dma_start3A_430 = arith.constant 0 : i32
      %dma_start3A_431 = arith.constant 96 : i32
      %dma_start3A_432 = arith.constant 0 : i32
      %dma_start3A_433 = tpu.memref_slice %arg10[%dma_start3A_431, %dma_start3A_432] : memref<256x128xf32, #tpu.memory_space<vmem>> -> memref<8x128xf32, #tpu.memory_space<vmem>>
      %dma_start3A_434 = arith.constant 0 : i32
      %dma_start3A_435 = tpu.memref_slice %arg3[%dma_start3A_430, %dma_start3A_434, %multiple_of3A_416] : memref<2x8x1000000xf32, #tpu.memory_space<hbm>> -> memref<1x8x128xf32, #tpu.memory_space<hbm>>
      %dma_start3A_436 = tpu.memref_squeeze %dma_start3A_435 : memref<1x8x128xf32, #tpu.memory_space<hbm>> -> memref<8x128xf32, #tpu.memory_space<hbm>>
      %dma_start3A_437 = arith.constant 96 : i32
      %dma_start3A_438 = arith.constant 0 : i32
      %dma_start3A_439 = tpu.memref_slice %arg10[%dma_start3A_437, %dma_start3A_438] : memref<256x128xf32, #tpu.memory_space<vmem>> -> memref<8x128xf32, #tpu.memory_space<vmem>>
      %dma_start3A_440 = arith.constant 0 : i32
      %dma_start3A_441 = tpu.memref_slice %arg3[%dma_start3A_430, %dma_start3A_440, %multiple_of3A_416] : memref<2x8x1000000xf32, #tpu.memory_space<hbm>> -> memref<1x8x128xf32, #tpu.memory_space<hbm>>
      %dma_start3A_442 = tpu.memref_squeeze %dma_start3A_441 : memref<1x8x128xf32, #tpu.memory_space<hbm>> -> memref<8x128xf32, #tpu.memory_space<hbm>>
      tpu.enqueue_dma source(%dma_start3A_442 : memref<8x128xf32, #tpu.memory_space<hbm>>) target(%dma_start3A_439 : memref<8x128xf32, #tpu.memory_space<vmem>>) target_semaphore(%arg12 : memref<!tpu.dma_semaphore, #tpu.memory_space<semaphore_mem>>)
      %dma_start3A_443 = arith.constant 1 : i32
      %dma_start3A_444 = arith.constant 104 : i32
      %dma_start3A_445 = arith.constant 0 : i32
      %dma_start3A_446 = tpu.memref_slice %arg9[%dma_start3A_444, %dma_start3A_445] : memref<256x128xf32, #tpu.memory_space<vmem>> -> memref<8x128xf32, #tpu.memory_space<vmem>>
      %dma_start3A_447 = arith.constant 0 : i32
      %dma_start3A_448 = tpu.memref_slice %arg2[%dma_start3A_443, %dma_start3A_447, %multiple_of3A_409] : memref<2x8x1000000xf32, #tpu.memory_space<hbm>> -> memref<1x8x128xf32, #tpu.memory_space<hbm>>
      %dma_start3A_449 = tpu.memref_squeeze %dma_start3A_448 : memref<1x8x128xf32, #tpu.memory_space<hbm>> -> memref<8x128xf32, #tpu.memory_space<hbm>>
      %dma_start3A_450 = arith.constant 104 : i32
      %dma_start3A_451 = arith.constant 0 : i32
      %dma_start3A_452 = tpu.memref_slice %arg9[%dma_start3A_450, %dma_start3A_451] : memref<256x128xf32, #tpu.memory_space<vmem>> -> memref<8x128xf32, #tpu.memory_space<vmem>>
      %dma_start3A_453 = arith.constant 0 : i32
      %dma_start3A_454 = tpu.memref_slice %arg2[%dma_start3A_443, %dma_start3A_453, %multiple_of3A_409] : memref<2x8x1000000xf32, #tpu.memory_space<hbm>> -> memref<1x8x128xf32, #tpu.memory_space<hbm>>
      %dma_start3A_455 = tpu.memref_squeeze %dma_start3A_454 : memref<1x8x128xf32, #tpu.memory_space<hbm>> -> memref<8x128xf32, #tpu.memory_space<hbm>>
      tpu.enqueue_dma source(%dma_start3A_455 : memref<8x128xf32, #tpu.memory_space<hbm>>) target(%dma_start3A_452 : memref<8x128xf32, #tpu.memory_space<vmem>>) target_semaphore(%arg12 : memref<!tpu.dma_semaphore, #tpu.memory_space<semaphore_mem>>)
      %dma_start3A_456 = arith.constant 1 : i32
      %dma_start3A_457 = arith.constant 104 : i32
      %dma_start3A_458 = arith.constant 0 : i32
      %dma_start3A_459 = tpu.memref_slice %arg10[%dma_start3A_457, %dma_start3A_458] : memref<256x128xf32, #tpu.memory_space<vmem>> -> memref<8x128xf32, #tpu.memory_space<vmem>>
      %dma_start3A_460 = arith.constant 0 : i32
      %dma_start3A_461 = tpu.memref_slice %arg3[%dma_start3A_456, %dma_start3A_460, %multiple_of3A_416] : memref<2x8x1000000xf32, #tpu.memory_space<hbm>> -> memref<1x8x128xf32, #tpu.memory_space<hbm>>
      %dma_start3A_462 = tpu.memref_squeeze %dma_start3A_461 : memref<1x8x128xf32, #tpu.memory_space<hbm>> -> memref<8x128xf32, #tpu.memory_space<hbm>>
      %dma_start3A_463 = arith.constant 104 : i32
      %dma_start3A_464 = arith.constant 0 : i32
      %dma_start3A_465 = tpu.memref_slice %arg10[%dma_start3A_463, %dma_start3A_464] : memref<256x128xf32, #tpu.memory_space<vmem>> -> memref<8x128xf32, #tpu.memory_space<vmem>>
      %dma_start3A_466 = arith.constant 0 : i32
      %dma_start3A_467 = tpu.memref_slice %arg3[%dma_start3A_456, %dma_start3A_466, %multiple_of3A_416] : memref<2x8x1000000xf32, #tpu.memory_space<hbm>> -> memref<1x8x128xf32, #tpu.memory_space<hbm>>
      %dma_start3A_468 = tpu.memref_squeeze %dma_start3A_467 : memref<1x8x128xf32, #tpu.memory_space<hbm>> -> memref<8x128xf32, #tpu.memory_space<hbm>>
      tpu.enqueue_dma source(%dma_start3A_468 : memref<8x128xf32, #tpu.memory_space<hbm>>) target(%dma_start3A_465 : memref<8x128xf32, #tpu.memory_space<vmem>>) target_semaphore(%arg12 : memref<!tpu.dma_semaphore, #tpu.memory_space<semaphore_mem>>)
      %slice3A_469 = vector.extract_strided_slice %get3A_10 {offsets = [7], sizes = [1], strides = [1]} : vector<16xi32> to vector<1xi32>
      %squeeze3A_470 = vector.extract %slice3A_469[0] : i32 from vector<1xi32>
      %shift_right_arithmetic3A_471 = arith.constant 7 : i32
      %shift_right_arithmetic3A_472 = arith.shrsi %squeeze3A_470, %shift_right_arithmetic3A_471 : i32
      %shift_left3A_473 = arith.constant 7 : i32
      %shift_left3A_474 = arith.shli %shift_right_arithmetic3A_472, %shift_left3A_473 : i32
      %multiple_of3A_475 = tpu.assume_multiple %shift_left3A_474, 128 : i32
      %slice3A_476 = vector.extract_strided_slice %get3A_12 {offsets = [7], sizes = [1], strides = [1]} : vector<16xi32> to vector<1xi32>
      %squeeze3A_477 = vector.extract %slice3A_476[0] : i32 from vector<1xi32>
      %shift_right_arithmetic3A_478 = arith.constant 7 : i32
      %shift_right_arithmetic3A_479 = arith.shrsi %squeeze3A_477, %shift_right_arithmetic3A_478 : i32
      %shift_left3A_480 = arith.constant 7 : i32
      %shift_left3A_481 = arith.shli %shift_right_arithmetic3A_479, %shift_left3A_480 : i32
      %multiple_of3A_482 = tpu.assume_multiple %shift_left3A_481, 128 : i32
      %dma_start3A_483 = arith.constant 0 : i32
      %dma_start3A_484 = arith.constant 112 : i32
      %dma_start3A_485 = arith.constant 0 : i32
      %dma_start3A_486 = tpu.memref_slice %arg9[%dma_start3A_484, %dma_start3A_485] : memref<256x128xf32, #tpu.memory_space<vmem>> -> memref<8x128xf32, #tpu.memory_space<vmem>>
      %dma_start3A_487 = arith.constant 0 : i32
      %dma_start3A_488 = tpu.memref_slice %arg2[%dma_start3A_483, %dma_start3A_487, %multiple_of3A_475] : memref<2x8x1000000xf32, #tpu.memory_space<hbm>> -> memref<1x8x128xf32, #tpu.memory_space<hbm>>
      %dma_start3A_489 = tpu.memref_squeeze %dma_start3A_488 : memref<1x8x128xf32, #tpu.memory_space<hbm>> -> memref<8x128xf32, #tpu.memory_space<hbm>>
      %dma_start3A_490 = arith.constant 112 : i32
      %dma_start3A_491 = arith.constant 0 : i32
      %dma_start3A_492 = tpu.memref_slice %arg9[%dma_start3A_490, %dma_start3A_491] : memref<256x128xf32, #tpu.memory_space<vmem>> -> memref<8x128xf32, #tpu.memory_space<vmem>>
      %dma_start3A_493 = arith.constant 0 : i32
      %dma_start3A_494 = tpu.memref_slice %arg2[%dma_start3A_483, %dma_start3A_493, %multiple_of3A_475] : memref<2x8x1000000xf32, #tpu.memory_space<hbm>> -> memref<1x8x128xf32, #tpu.memory_space<hbm>>
      %dma_start3A_495 = tpu.memref_squeeze %dma_start3A_494 : memref<1x8x128xf32, #tpu.memory_space<hbm>> -> memref<8x128xf32, #tpu.memory_space<hbm>>
      tpu.enqueue_dma source(%dma_start3A_495 : memref<8x128xf32, #tpu.memory_space<hbm>>) target(%dma_start3A_492 : memref<8x128xf32, #tpu.memory_space<vmem>>) target_semaphore(%arg12 : memref<!tpu.dma_semaphore, #tpu.memory_space<semaphore_mem>>)
      %dma_start3A_496 = arith.constant 0 : i32
      %dma_start3A_497 = arith.constant 112 : i32
      %dma_start3A_498 = arith.constant 0 : i32
      %dma_start3A_499 = tpu.memref_slice %arg10[%dma_start3A_497, %dma_start3A_498] : memref<256x128xf32, #tpu.memory_space<vmem>> -> memref<8x128xf32, #tpu.memory_space<vmem>>
      %dma_start3A_500 = arith.constant 0 : i32
      %dma_start3A_501 = tpu.memref_slice %arg3[%dma_start3A_496, %dma_start3A_500, %multiple_of3A_482] : memref<2x8x1000000xf32, #tpu.memory_space<hbm>> -> memref<1x8x128xf32, #tpu.memory_space<hbm>>
      %dma_start3A_502 = tpu.memref_squeeze %dma_start3A_501 : memref<1x8x128xf32, #tpu.memory_space<hbm>> -> memref<8x128xf32, #tpu.memory_space<hbm>>
      %dma_start3A_503 = arith.constant 112 : i32
      %dma_start3A_504 = arith.constant 0 : i32
      %dma_start3A_505 = tpu.memref_slice %arg10[%dma_start3A_503, %dma_start3A_504] : memref<256x128xf32, #tpu.memory_space<vmem>> -> memref<8x128xf32, #tpu.memory_space<vmem>>
      %dma_start3A_506 = arith.constant 0 : i32
      %dma_start3A_507 = tpu.memref_slice %arg3[%dma_start3A_496, %dma_start3A_506, %multiple_of3A_482] : memref<2x8x1000000xf32, #tpu.memory_space<hbm>> -> memref<1x8x128xf32, #tpu.memory_space<hbm>>
      %dma_start3A_508 = tpu.memref_squeeze %dma_start3A_507 : memref<1x8x128xf32, #tpu.memory_space<hbm>> -> memref<8x128xf32, #tpu.memory_space<hbm>>
      tpu.enqueue_dma source(%dma_start3A_508 : memref<8x128xf32, #tpu.memory_space<hbm>>) target(%dma_start3A_505 : memref<8x128xf32, #tpu.memory_space<vmem>>) target_semaphore(%arg12 : memref<!tpu.dma_semaphore, #tpu.memory_space<semaphore_mem>>)
      %dma_start3A_509 = arith.constant 1 : i32
      %dma_start3A_510 = arith.constant 120 : i32
      %dma_start3A_511 = arith.constant 0 : i32
      %dma_start3A_512 = tpu.memref_slice %arg9[%dma_start3A_510, %dma_start3A_511] : memref<256x128xf32, #tpu.memory_space<vmem>> -> memref<8x128xf32, #tpu.memory_space<vmem>>
      %dma_start3A_513 = arith.constant 0 : i32
      %dma_start3A_514 = tpu.memref_slice %arg2[%dma_start3A_509, %dma_start3A_513, %multiple_of3A_475] : memref<2x8x1000000xf32, #tpu.memory_space<hbm>> -> memref<1x8x128xf32, #tpu.memory_space<hbm>>
      %dma_start3A_515 = tpu.memref_squeeze %dma_start3A_514 : memref<1x8x128xf32, #tpu.memory_space<hbm>> -> memref<8x128xf32, #tpu.memory_space<hbm>>
      %dma_start3A_516 = arith.constant 120 : i32
      %dma_start3A_517 = arith.constant 0 : i32
      %dma_start3A_518 = tpu.memref_slice %arg9[%dma_start3A_516, %dma_start3A_517] : memref<256x128xf32, #tpu.memory_space<vmem>> -> memref<8x128xf32, #tpu.memory_space<vmem>>
      %dma_start3A_519 = arith.constant 0 : i32
      %dma_start3A_520 = tpu.memref_slice %arg2[%dma_start3A_509, %dma_start3A_519, %multiple_of3A_475] : memref<2x8x1000000xf32, #tpu.memory_space<hbm>> -> memref<1x8x128xf32, #tpu.memory_space<hbm>>
      %dma_start3A_521 = tpu.memref_squeeze %dma_start3A_520 : memref<1x8x128xf32, #tpu.memory_space<hbm>> -> memref<8x128xf32, #tpu.memory_space<hbm>>
      tpu.enqueue_dma source(%dma_start3A_521 : memref<8x128xf32, #tpu.memory_space<hbm>>) target(%dma_start3A_518 : memref<8x128xf32, #tpu.memory_space<vmem>>) target_semaphore(%arg12 : memref<!tpu.dma_semaphore, #tpu.memory_space<semaphore_mem>>)
      %dma_start3A_522 = arith.constant 1 : i32
      %dma_start3A_523 = arith.constant 120 : i32
      %dma_start3A_524 = arith.constant 0 : i32
      %dma_start3A_525 = tpu.memref_slice %arg10[%dma_start3A_523, %dma_start3A_524] : memref<256x128xf32, #tpu.memory_space<vmem>> -> memref<8x128xf32, #tpu.memory_space<vmem>>
      %dma_start3A_526 = arith.constant 0 : i32
      %dma_start3A_527 = tpu.memref_slice %arg3[%dma_start3A_522, %dma_start3A_526, %multiple_of3A_482] : memref<2x8x1000000xf32, #tpu.memory_space<hbm>> -> memref<1x8x128xf32, #tpu.memory_space<hbm>>
      %dma_start3A_528 = tpu.memref_squeeze %dma_start3A_527 : memref<1x8x128xf32, #tpu.memory_space<hbm>> -> memref<8x128xf32, #tpu.memory_space<hbm>>
      %dma_start3A_529 = arith.constant 120 : i32
      %dma_start3A_530 = arith.constant 0 : i32
      %dma_start3A_531 = tpu.memref_slice %arg10[%dma_start3A_529, %dma_start3A_530] : memref<256x128xf32, #tpu.memory_space<vmem>> -> memref<8x128xf32, #tpu.memory_space<vmem>>
      %dma_start3A_532 = arith.constant 0 : i32
      %dma_start3A_533 = tpu.memref_slice %arg3[%dma_start3A_522, %dma_start3A_532, %multiple_of3A_482] : memref<2x8x1000000xf32, #tpu.memory_space<hbm>> -> memref<1x8x128xf32, #tpu.memory_space<hbm>>
      %dma_start3A_534 = tpu.memref_squeeze %dma_start3A_533 : memref<1x8x128xf32, #tpu.memory_space<hbm>> -> memref<8x128xf32, #tpu.memory_space<hbm>>
      tpu.enqueue_dma source(%dma_start3A_534 : memref<8x128xf32, #tpu.memory_space<hbm>>) target(%dma_start3A_531 : memref<8x128xf32, #tpu.memory_space<vmem>>) target_semaphore(%arg12 : memref<!tpu.dma_semaphore, #tpu.memory_space<semaphore_mem>>)
      %slice3A_535 = vector.extract_strided_slice %get3A_10 {offsets = [8], sizes = [1], strides = [1]} : vector<16xi32> to vector<1xi32>
      %squeeze3A_536 = vector.extract %slice3A_535[0] : i32 from vector<1xi32>
      %shift_right_arithmetic3A_537 = arith.constant 7 : i32
      %shift_right_arithmetic3A_538 = arith.shrsi %squeeze3A_536, %shift_right_arithmetic3A_537 : i32
      %shift_left3A_539 = arith.constant 7 : i32
      %shift_left3A_540 = arith.shli %shift_right_arithmetic3A_538, %shift_left3A_539 : i32
      %multiple_of3A_541 = tpu.assume_multiple %shift_left3A_540, 128 : i32
      %slice3A_542 = vector.extract_strided_slice %get3A_12 {offsets = [8], sizes = [1], strides = [1]} : vector<16xi32> to vector<1xi32>
      %squeeze3A_543 = vector.extract %slice3A_542[0] : i32 from vector<1xi32>
      %shift_right_arithmetic3A_544 = arith.constant 7 : i32
      %shift_right_arithmetic3A_545 = arith.shrsi %squeeze3A_543, %shift_right_arithmetic3A_544 : i32
      %shift_left3A_546 = arith.constant 7 : i32
      %shift_left3A_547 = arith.shli %shift_right_arithmetic3A_545, %shift_left3A_546 : i32
      %multiple_of3A_548 = tpu.assume_multiple %shift_left3A_547, 128 : i32
      %dma_start3A_549 = arith.constant 0 : i32
      %dma_start3A_550 = arith.constant 128 : i32
      %dma_start3A_551 = arith.constant 0 : i32
      %dma_start3A_552 = tpu.memref_slice %arg9[%dma_start3A_550, %dma_start3A_551] : memref<256x128xf32, #tpu.memory_space<vmem>> -> memref<8x128xf32, #tpu.memory_space<vmem>>
      %dma_start3A_553 = arith.constant 0 : i32
      %dma_start3A_554 = tpu.memref_slice %arg2[%dma_start3A_549, %dma_start3A_553, %multiple_of3A_541] : memref<2x8x1000000xf32, #tpu.memory_space<hbm>> -> memref<1x8x128xf32, #tpu.memory_space<hbm>>
      %dma_start3A_555 = tpu.memref_squeeze %dma_start3A_554 : memref<1x8x128xf32, #tpu.memory_space<hbm>> -> memref<8x128xf32, #tpu.memory_space<hbm>>
      %dma_start3A_556 = arith.constant 128 : i32
      %dma_start3A_557 = arith.constant 0 : i32
      %dma_start3A_558 = tpu.memref_slice %arg9[%dma_start3A_556, %dma_start3A_557] : memref<256x128xf32, #tpu.memory_space<vmem>> -> memref<8x128xf32, #tpu.memory_space<vmem>>
      %dma_start3A_559 = arith.constant 0 : i32
      %dma_start3A_560 = tpu.memref_slice %arg2[%dma_start3A_549, %dma_start3A_559, %multiple_of3A_541] : memref<2x8x1000000xf32, #tpu.memory_space<hbm>> -> memref<1x8x128xf32, #tpu.memory_space<hbm>>
      %dma_start3A_561 = tpu.memref_squeeze %dma_start3A_560 : memref<1x8x128xf32, #tpu.memory_space<hbm>> -> memref<8x128xf32, #tpu.memory_space<hbm>>
      tpu.enqueue_dma source(%dma_start3A_561 : memref<8x128xf32, #tpu.memory_space<hbm>>) target(%dma_start3A_558 : memref<8x128xf32, #tpu.memory_space<vmem>>) target_semaphore(%arg12 : memref<!tpu.dma_semaphore, #tpu.memory_space<semaphore_mem>>)
      %dma_start3A_562 = arith.constant 0 : i32
      %dma_start3A_563 = arith.constant 128 : i32
      %dma_start3A_564 = arith.constant 0 : i32
      %dma_start3A_565 = tpu.memref_slice %arg10[%dma_start3A_563, %dma_start3A_564] : memref<256x128xf32, #tpu.memory_space<vmem>> -> memref<8x128xf32, #tpu.memory_space<vmem>>
      %dma_start3A_566 = arith.constant 0 : i32
      %dma_start3A_567 = tpu.memref_slice %arg3[%dma_start3A_562, %dma_start3A_566, %multiple_of3A_548] : memref<2x8x1000000xf32, #tpu.memory_space<hbm>> -> memref<1x8x128xf32, #tpu.memory_space<hbm>>
      %dma_start3A_568 = tpu.memref_squeeze %dma_start3A_567 : memref<1x8x128xf32, #tpu.memory_space<hbm>> -> memref<8x128xf32, #tpu.memory_space<hbm>>
      %dma_start3A_569 = arith.constant 128 : i32
      %dma_start3A_570 = arith.constant 0 : i32
      %dma_start3A_571 = tpu.memref_slice %arg10[%dma_start3A_569, %dma_start3A_570] : memref<256x128xf32, #tpu.memory_space<vmem>> -> memref<8x128xf32, #tpu.memory_space<vmem>>
      %dma_start3A_572 = arith.constant 0 : i32
      %dma_start3A_573 = tpu.memref_slice %arg3[%dma_start3A_562, %dma_start3A_572, %multiple_of3A_548] : memref<2x8x1000000xf32, #tpu.memory_space<hbm>> -> memref<1x8x128xf32, #tpu.memory_space<hbm>>
      %dma_start3A_574 = tpu.memref_squeeze %dma_start3A_573 : memref<1x8x128xf32, #tpu.memory_space<hbm>> -> memref<8x128xf32, #tpu.memory_space<hbm>>
      tpu.enqueue_dma source(%dma_start3A_574 : memref<8x128xf32, #tpu.memory_space<hbm>>) target(%dma_start3A_571 : memref<8x128xf32, #tpu.memory_space<vmem>>) target_semaphore(%arg12 : memref<!tpu.dma_semaphore, #tpu.memory_space<semaphore_mem>>)
      %dma_start3A_575 = arith.constant 1 : i32
      %dma_start3A_576 = arith.constant 136 : i32
      %dma_start3A_577 = arith.constant 0 : i32
      %dma_start3A_578 = tpu.memref_slice %arg9[%dma_start3A_576, %dma_start3A_577] : memref<256x128xf32, #tpu.memory_space<vmem>> -> memref<8x128xf32, #tpu.memory_space<vmem>>
      %dma_start3A_579 = arith.constant 0 : i32
      %dma_start3A_580 = tpu.memref_slice %arg2[%dma_start3A_575, %dma_start3A_579, %multiple_of3A_541] : memref<2x8x1000000xf32, #tpu.memory_space<hbm>> -> memref<1x8x128xf32, #tpu.memory_space<hbm>>
      %dma_start3A_581 = tpu.memref_squeeze %dma_start3A_580 : memref<1x8x128xf32, #tpu.memory_space<hbm>> -> memref<8x128xf32, #tpu.memory_space<hbm>>
      %dma_start3A_582 = arith.constant 136 : i32
      %dma_start3A_583 = arith.constant 0 : i32
      %dma_start3A_584 = tpu.memref_slice %arg9[%dma_start3A_582, %dma_start3A_583] : memref<256x128xf32, #tpu.memory_space<vmem>> -> memref<8x128xf32, #tpu.memory_space<vmem>>
      %dma_start3A_585 = arith.constant 0 : i32
      %dma_start3A_586 = tpu.memref_slice %arg2[%dma_start3A_575, %dma_start3A_585, %multiple_of3A_541] : memref<2x8x1000000xf32, #tpu.memory_space<hbm>> -> memref<1x8x128xf32, #tpu.memory_space<hbm>>
      %dma_start3A_587 = tpu.memref_squeeze %dma_start3A_586 : memref<1x8x128xf32, #tpu.memory_space<hbm>> -> memref<8x128xf32, #tpu.memory_space<hbm>>
      tpu.enqueue_dma source(%dma_start3A_587 : memref<8x128xf32, #tpu.memory_space<hbm>>) target(%dma_start3A_584 : memref<8x128xf32, #tpu.memory_space<vmem>>) target_semaphore(%arg12 : memref<!tpu.dma_semaphore, #tpu.memory_space<semaphore_mem>>)
      %dma_start3A_588 = arith.constant 1 : i32
      %dma_start3A_589 = arith.constant 136 : i32
      %dma_start3A_590 = arith.constant 0 : i32
      %dma_start3A_591 = tpu.memref_slice %arg10[%dma_start3A_589, %dma_start3A_590] : memref<256x128xf32, #tpu.memory_space<vmem>> -> memref<8x128xf32, #tpu.memory_space<vmem>>
      %dma_start3A_592 = arith.constant 0 : i32
      %dma_start3A_593 = tpu.memref_slice %arg3[%dma_start3A_588, %dma_start3A_592, %multiple_of3A_548] : memref<2x8x1000000xf32, #tpu.memory_space<hbm>> -> memref<1x8x128xf32, #tpu.memory_space<hbm>>
      %dma_start3A_594 = tpu.memref_squeeze %dma_start3A_593 : memref<1x8x128xf32, #tpu.memory_space<hbm>> -> memref<8x128xf32, #tpu.memory_space<hbm>>
      %dma_start3A_595 = arith.constant 136 : i32
      %dma_start3A_596 = arith.constant 0 : i32
      %dma_start3A_597 = tpu.memref_slice %arg10[%dma_start3A_595, %dma_start3A_596] : memref<256x128xf32, #tpu.memory_space<vmem>> -> memref<8x128xf32, #tpu.memory_space<vmem>>
      %dma_start3A_598 = arith.constant 0 : i32
      %dma_start3A_599 = tpu.memref_slice %arg3[%dma_start3A_588, %dma_start3A_598, %multiple_of3A_548] : memref<2x8x1000000xf32, #tpu.memory_space<hbm>> -> memref<1x8x128xf32, #tpu.memory_space<hbm>>
      %dma_start3A_600 = tpu.memref_squeeze %dma_start3A_599 : memref<1x8x128xf32, #tpu.memory_space<hbm>> -> memref<8x128xf32, #tpu.memory_space<hbm>>
      tpu.enqueue_dma source(%dma_start3A_600 : memref<8x128xf32, #tpu.memory_space<hbm>>) target(%dma_start3A_597 : memref<8x128xf32, #tpu.memory_space<vmem>>) target_semaphore(%arg12 : memref<!tpu.dma_semaphore, #tpu.memory_space<semaphore_mem>>)
      %slice3A_601 = vector.extract_strided_slice %get3A_10 {offsets = [9], sizes = [1], strides = [1]} : vector<16xi32> to vector<1xi32>
      %squeeze3A_602 = vector.extract %slice3A_601[0] : i32 from vector<1xi32>
      %shift_right_arithmetic3A_603 = arith.constant 7 : i32
      %shift_right_arithmetic3A_604 = arith.shrsi %squeeze3A_602, %shift_right_arithmetic3A_603 : i32
      %shift_left3A_605 = arith.constant 7 : i32
      %shift_left3A_606 = arith.shli %shift_right_arithmetic3A_604, %shift_left3A_605 : i32
      %multiple_of3A_607 = tpu.assume_multiple %shift_left3A_606, 128 : i32
      %slice3A_608 = vector.extract_strided_slice %get3A_12 {offsets = [9], sizes = [1], strides = [1]} : vector<16xi32> to vector<1xi32>
      %squeeze3A_609 = vector.extract %slice3A_608[0] : i32 from vector<1xi32>
      %shift_right_arithmetic3A_610 = arith.constant 7 : i32
      %shift_right_arithmetic3A_611 = arith.shrsi %squeeze3A_609, %shift_right_arithmetic3A_610 : i32
      %shift_left3A_612 = arith.constant 7 : i32
      %shift_left3A_613 = arith.shli %shift_right_arithmetic3A_611, %shift_left3A_612 : i32
      %multiple_of3A_614 = tpu.assume_multiple %shift_left3A_613, 128 : i32
      %dma_start3A_615 = arith.constant 0 : i32
      %dma_start3A_616 = arith.constant 144 : i32
      %dma_start3A_617 = arith.constant 0 : i32
      %dma_start3A_618 = tpu.memref_slice %arg9[%dma_start3A_616, %dma_start3A_617] : memref<256x128xf32, #tpu.memory_space<vmem>> -> memref<8x128xf32, #tpu.memory_space<vmem>>
      %dma_start3A_619 = arith.constant 0 : i32
      %dma_start3A_620 = tpu.memref_slice %arg2[%dma_start3A_615, %dma_start3A_619, %multiple_of3A_607] : memref<2x8x1000000xf32, #tpu.memory_space<hbm>> -> memref<1x8x128xf32, #tpu.memory_space<hbm>>
      %dma_start3A_621 = tpu.memref_squeeze %dma_start3A_620 : memref<1x8x128xf32, #tpu.memory_space<hbm>> -> memref<8x128xf32, #tpu.memory_space<hbm>>
      %dma_start3A_622 = arith.constant 144 : i32
      %dma_start3A_623 = arith.constant 0 : i32
      %dma_start3A_624 = tpu.memref_slice %arg9[%dma_start3A_622, %dma_start3A_623] : memref<256x128xf32, #tpu.memory_space<vmem>> -> memref<8x128xf32, #tpu.memory_space<vmem>>
      %dma_start3A_625 = arith.constant 0 : i32
      %dma_start3A_626 = tpu.memref_slice %arg2[%dma_start3A_615, %dma_start3A_625, %multiple_of3A_607] : memref<2x8x1000000xf32, #tpu.memory_space<hbm>> -> memref<1x8x128xf32, #tpu.memory_space<hbm>>
      %dma_start3A_627 = tpu.memref_squeeze %dma_start3A_626 : memref<1x8x128xf32, #tpu.memory_space<hbm>> -> memref<8x128xf32, #tpu.memory_space<hbm>>
      tpu.enqueue_dma source(%dma_start3A_627 : memref<8x128xf32, #tpu.memory_space<hbm>>) target(%dma_start3A_624 : memref<8x128xf32, #tpu.memory_space<vmem>>) target_semaphore(%arg12 : memref<!tpu.dma_semaphore, #tpu.memory_space<semaphore_mem>>)
      %dma_start3A_628 = arith.constant 0 : i32
      %dma_start3A_629 = arith.constant 144 : i32
      %dma_start3A_630 = arith.constant 0 : i32
      %dma_start3A_631 = tpu.memref_slice %arg10[%dma_start3A_629, %dma_start3A_630] : memref<256x128xf32, #tpu.memory_space<vmem>> -> memref<8x128xf32, #tpu.memory_space<vmem>>
      %dma_start3A_632 = arith.constant 0 : i32
      %dma_start3A_633 = tpu.memref_slice %arg3[%dma_start3A_628, %dma_start3A_632, %multiple_of3A_614] : memref<2x8x1000000xf32, #tpu.memory_space<hbm>> -> memref<1x8x128xf32, #tpu.memory_space<hbm>>
      %dma_start3A_634 = tpu.memref_squeeze %dma_start3A_633 : memref<1x8x128xf32, #tpu.memory_space<hbm>> -> memref<8x128xf32, #tpu.memory_space<hbm>>
      %dma_start3A_635 = arith.constant 144 : i32
      %dma_start3A_636 = arith.constant 0 : i32
      %dma_start3A_637 = tpu.memref_slice %arg10[%dma_start3A_635, %dma_start3A_636] : memref<256x128xf32, #tpu.memory_space<vmem>> -> memref<8x128xf32, #tpu.memory_space<vmem>>
      %dma_start3A_638 = arith.constant 0 : i32
      %dma_start3A_639 = tpu.memref_slice %arg3[%dma_start3A_628, %dma_start3A_638, %multiple_of3A_614] : memref<2x8x1000000xf32, #tpu.memory_space<hbm>> -> memref<1x8x128xf32, #tpu.memory_space<hbm>>
      %dma_start3A_640 = tpu.memref_squeeze %dma_start3A_639 : memref<1x8x128xf32, #tpu.memory_space<hbm>> -> memref<8x128xf32, #tpu.memory_space<hbm>>
      tpu.enqueue_dma source(%dma_start3A_640 : memref<8x128xf32, #tpu.memory_space<hbm>>) target(%dma_start3A_637 : memref<8x128xf32, #tpu.memory_space<vmem>>) target_semaphore(%arg12 : memref<!tpu.dma_semaphore, #tpu.memory_space<semaphore_mem>>)
      %dma_start3A_641 = arith.constant 1 : i32
      %dma_start3A_642 = arith.constant 152 : i32
      %dma_start3A_643 = arith.constant 0 : i32
      %dma_start3A_644 = tpu.memref_slice %arg9[%dma_start3A_642, %dma_start3A_643] : memref<256x128xf32, #tpu.memory_space<vmem>> -> memref<8x128xf32, #tpu.memory_space<vmem>>
      %dma_start3A_645 = arith.constant 0 : i32
      %dma_start3A_646 = tpu.memref_slice %arg2[%dma_start3A_641, %dma_start3A_645, %multiple_of3A_607] : memref<2x8x1000000xf32, #tpu.memory_space<hbm>> -> memref<1x8x128xf32, #tpu.memory_space<hbm>>
      %dma_start3A_647 = tpu.memref_squeeze %dma_start3A_646 : memref<1x8x128xf32, #tpu.memory_space<hbm>> -> memref<8x128xf32, #tpu.memory_space<hbm>>
      %dma_start3A_648 = arith.constant 152 : i32
      %dma_start3A_649 = arith.constant 0 : i32
      %dma_start3A_650 = tpu.memref_slice %arg9[%dma_start3A_648, %dma_start3A_649] : memref<256x128xf32, #tpu.memory_space<vmem>> -> memref<8x128xf32, #tpu.memory_space<vmem>>
      %dma_start3A_651 = arith.constant 0 : i32
      %dma_start3A_652 = tpu.memref_slice %arg2[%dma_start3A_641, %dma_start3A_651, %multiple_of3A_607] : memref<2x8x1000000xf32, #tpu.memory_space<hbm>> -> memref<1x8x128xf32, #tpu.memory_space<hbm>>
      %dma_start3A_653 = tpu.memref_squeeze %dma_start3A_652 : memref<1x8x128xf32, #tpu.memory_space<hbm>> -> memref<8x128xf32, #tpu.memory_space<hbm>>
      tpu.enqueue_dma source(%dma_start3A_653 : memref<8x128xf32, #tpu.memory_space<hbm>>) target(%dma_start3A_650 : memref<8x128xf32, #tpu.memory_space<vmem>>) target_semaphore(%arg12 : memref<!tpu.dma_semaphore, #tpu.memory_space<semaphore_mem>>)
      %dma_start3A_654 = arith.constant 1 : i32
      %dma_start3A_655 = arith.constant 152 : i32
      %dma_start3A_656 = arith.constant 0 : i32
      %dma_start3A_657 = tpu.memref_slice %arg10[%dma_start3A_655, %dma_start3A_656] : memref<256x128xf32, #tpu.memory_space<vmem>> -> memref<8x128xf32, #tpu.memory_space<vmem>>
      %dma_start3A_658 = arith.constant 0 : i32
      %dma_start3A_659 = tpu.memref_slice %arg3[%dma_start3A_654, %dma_start3A_658, %multiple_of3A_614] : memref<2x8x1000000xf32, #tpu.memory_space<hbm>> -> memref<1x8x128xf32, #tpu.memory_space<hbm>>
      %dma_start3A_660 = tpu.memref_squeeze %dma_start3A_659 : memref<1x8x128xf32, #tpu.memory_space<hbm>> -> memref<8x128xf32, #tpu.memory_space<hbm>>
      %dma_start3A_661 = arith.constant 152 : i32
      %dma_start3A_662 = arith.constant 0 : i32
      %dma_start3A_663 = tpu.memref_slice %arg10[%dma_start3A_661, %dma_start3A_662] : memref<256x128xf32, #tpu.memory_space<vmem>> -> memref<8x128xf32, #tpu.memory_space<vmem>>
      %dma_start3A_664 = arith.constant 0 : i32
      %dma_start3A_665 = tpu.memref_slice %arg3[%dma_start3A_654, %dma_start3A_664, %multiple_of3A_614] : memref<2x8x1000000xf32, #tpu.memory_space<hbm>> -> memref<1x8x128xf32, #tpu.memory_space<hbm>>
      %dma_start3A_666 = tpu.memref_squeeze %dma_start3A_665 : memref<1x8x128xf32, #tpu.memory_space<hbm>> -> memref<8x128xf32, #tpu.memory_space<hbm>>
      tpu.enqueue_dma source(%dma_start3A_666 : memref<8x128xf32, #tpu.memory_space<hbm>>) target(%dma_start3A_663 : memref<8x128xf32, #tpu.memory_space<vmem>>) target_semaphore(%arg12 : memref<!tpu.dma_semaphore, #tpu.memory_space<semaphore_mem>>)
      %slice3A_667 = vector.extract_strided_slice %get3A_10 {offsets = [10], sizes = [1], strides = [1]} : vector<16xi32> to vector<1xi32>
      %squeeze3A_668 = vector.extract %slice3A_667[0] : i32 from vector<1xi32>
      %shift_right_arithmetic3A_669 = arith.constant 7 : i32
      %shift_right_arithmetic3A_670 = arith.shrsi %squeeze3A_668, %shift_right_arithmetic3A_669 : i32
      %shift_left3A_671 = arith.constant 7 : i32
      %shift_left3A_672 = arith.shli %shift_right_arithmetic3A_670, %shift_left3A_671 : i32
      %multiple_of3A_673 = tpu.assume_multiple %shift_left3A_672, 128 : i32
      %slice3A_674 = vector.extract_strided_slice %get3A_12 {offsets = [10], sizes = [1], strides = [1]} : vector<16xi32> to vector<1xi32>
      %squeeze3A_675 = vector.extract %slice3A_674[0] : i32 from vector<1xi32>
      %shift_right_arithmetic3A_676 = arith.constant 7 : i32
      %shift_right_arithmetic3A_677 = arith.shrsi %squeeze3A_675, %shift_right_arithmetic3A_676 : i32
      %shift_left3A_678 = arith.constant 7 : i32
      %shift_left3A_679 = arith.shli %shift_right_arithmetic3A_677, %shift_left3A_678 : i32
      %multiple_of3A_680 = tpu.assume_multiple %shift_left3A_679, 128 : i32
      %dma_start3A_681 = arith.constant 0 : i32
      %dma_start3A_682 = arith.constant 160 : i32
      %dma_start3A_683 = arith.constant 0 : i32
      %dma_start3A_684 = tpu.memref_slice %arg9[%dma_start3A_682, %dma_start3A_683] : memref<256x128xf32, #tpu.memory_space<vmem>> -> memref<8x128xf32, #tpu.memory_space<vmem>>
      %dma_start3A_685 = arith.constant 0 : i32
      %dma_start3A_686 = tpu.memref_slice %arg2[%dma_start3A_681, %dma_start3A_685, %multiple_of3A_673] : memref<2x8x1000000xf32, #tpu.memory_space<hbm>> -> memref<1x8x128xf32, #tpu.memory_space<hbm>>
      %dma_start3A_687 = tpu.memref_squeeze %dma_start3A_686 : memref<1x8x128xf32, #tpu.memory_space<hbm>> -> memref<8x128xf32, #tpu.memory_space<hbm>>
      %dma_start3A_688 = arith.constant 160 : i32
      %dma_start3A_689 = arith.constant 0 : i32
      %dma_start3A_690 = tpu.memref_slice %arg9[%dma_start3A_688, %dma_start3A_689] : memref<256x128xf32, #tpu.memory_space<vmem>> -> memref<8x128xf32, #tpu.memory_space<vmem>>
      %dma_start3A_691 = arith.constant 0 : i32
      %dma_start3A_692 = tpu.memref_slice %arg2[%dma_start3A_681, %dma_start3A_691, %multiple_of3A_673] : memref<2x8x1000000xf32, #tpu.memory_space<hbm>> -> memref<1x8x128xf32, #tpu.memory_space<hbm>>
      %dma_start3A_693 = tpu.memref_squeeze %dma_start3A_692 : memref<1x8x128xf32, #tpu.memory_space<hbm>> -> memref<8x128xf32, #tpu.memory_space<hbm>>
      tpu.enqueue_dma source(%dma_start3A_693 : memref<8x128xf32, #tpu.memory_space<hbm>>) target(%dma_start3A_690 : memref<8x128xf32, #tpu.memory_space<vmem>>) target_semaphore(%arg12 : memref<!tpu.dma_semaphore, #tpu.memory_space<semaphore_mem>>)
      %dma_start3A_694 = arith.constant 0 : i32
      %dma_start3A_695 = arith.constant 160 : i32
      %dma_start3A_696 = arith.constant 0 : i32
      %dma_start3A_697 = tpu.memref_slice %arg10[%dma_start3A_695, %dma_start3A_696] : memref<256x128xf32, #tpu.memory_space<vmem>> -> memref<8x128xf32, #tpu.memory_space<vmem>>
      %dma_start3A_698 = arith.constant 0 : i32
      %dma_start3A_699 = tpu.memref_slice %arg3[%dma_start3A_694, %dma_start3A_698, %multiple_of3A_680] : memref<2x8x1000000xf32, #tpu.memory_space<hbm>> -> memref<1x8x128xf32, #tpu.memory_space<hbm>>
      %dma_start3A_700 = tpu.memref_squeeze %dma_start3A_699 : memref<1x8x128xf32, #tpu.memory_space<hbm>> -> memref<8x128xf32, #tpu.memory_space<hbm>>
      %dma_start3A_701 = arith.constant 160 : i32
      %dma_start3A_702 = arith.constant 0 : i32
      %dma_start3A_703 = tpu.memref_slice %arg10[%dma_start3A_701, %dma_start3A_702] : memref<256x128xf32, #tpu.memory_space<vmem>> -> memref<8x128xf32, #tpu.memory_space<vmem>>
      %dma_start3A_704 = arith.constant 0 : i32
      %dma_start3A_705 = tpu.memref_slice %arg3[%dma_start3A_694, %dma_start3A_704, %multiple_of3A_680] : memref<2x8x1000000xf32, #tpu.memory_space<hbm>> -> memref<1x8x128xf32, #tpu.memory_space<hbm>>
      %dma_start3A_706 = tpu.memref_squeeze %dma_start3A_705 : memref<1x8x128xf32, #tpu.memory_space<hbm>> -> memref<8x128xf32, #tpu.memory_space<hbm>>
      tpu.enqueue_dma source(%dma_start3A_706 : memref<8x128xf32, #tpu.memory_space<hbm>>) target(%dma_start3A_703 : memref<8x128xf32, #tpu.memory_space<vmem>>) target_semaphore(%arg12 : memref<!tpu.dma_semaphore, #tpu.memory_space<semaphore_mem>>)
      %dma_start3A_707 = arith.constant 1 : i32
      %dma_start3A_708 = arith.constant 168 : i32
      %dma_start3A_709 = arith.constant 0 : i32
      %dma_start3A_710 = tpu.memref_slice %arg9[%dma_start3A_708, %dma_start3A_709] : memref<256x128xf32, #tpu.memory_space<vmem>> -> memref<8x128xf32, #tpu.memory_space<vmem>>
      %dma_start3A_711 = arith.constant 0 : i32
      %dma_start3A_712 = tpu.memref_slice %arg2[%dma_start3A_707, %dma_start3A_711, %multiple_of3A_673] : memref<2x8x1000000xf32, #tpu.memory_space<hbm>> -> memref<1x8x128xf32, #tpu.memory_space<hbm>>
      %dma_start3A_713 = tpu.memref_squeeze %dma_start3A_712 : memref<1x8x128xf32, #tpu.memory_space<hbm>> -> memref<8x128xf32, #tpu.memory_space<hbm>>
      %dma_start3A_714 = arith.constant 168 : i32
      %dma_start3A_715 = arith.constant 0 : i32
      %dma_start3A_716 = tpu.memref_slice %arg9[%dma_start3A_714, %dma_start3A_715] : memref<256x128xf32, #tpu.memory_space<vmem>> -> memref<8x128xf32, #tpu.memory_space<vmem>>
      %dma_start3A_717 = arith.constant 0 : i32
      %dma_start3A_718 = tpu.memref_slice %arg2[%dma_start3A_707, %dma_start3A_717, %multiple_of3A_673] : memref<2x8x1000000xf32, #tpu.memory_space<hbm>> -> memref<1x8x128xf32, #tpu.memory_space<hbm>>
      %dma_start3A_719 = tpu.memref_squeeze %dma_start3A_718 : memref<1x8x128xf32, #tpu.memory_space<hbm>> -> memref<8x128xf32, #tpu.memory_space<hbm>>
      tpu.enqueue_dma source(%dma_start3A_719 : memref<8x128xf32, #tpu.memory_space<hbm>>) target(%dma_start3A_716 : memref<8x128xf32, #tpu.memory_space<vmem>>) target_semaphore(%arg12 : memref<!tpu.dma_semaphore, #tpu.memory_space<semaphore_mem>>)
      %dma_start3A_720 = arith.constant 1 : i32
      %dma_start3A_721 = arith.constant 168 : i32
      %dma_start3A_722 = arith.constant 0 : i32
      %dma_start3A_723 = tpu.memref_slice %arg10[%dma_start3A_721, %dma_start3A_722] : memref<256x128xf32, #tpu.memory_space<vmem>> -> memref<8x128xf32, #tpu.memory_space<vmem>>
      %dma_start3A_724 = arith.constant 0 : i32
      %dma_start3A_725 = tpu.memref_slice %arg3[%dma_start3A_720, %dma_start3A_724, %multiple_of3A_680] : memref<2x8x1000000xf32, #tpu.memory_space<hbm>> -> memref<1x8x128xf32, #tpu.memory_space<hbm>>
      %dma_start3A_726 = tpu.memref_squeeze %dma_start3A_725 : memref<1x8x128xf32, #tpu.memory_space<hbm>> -> memref<8x128xf32, #tpu.memory_space<hbm>>
      %dma_start3A_727 = arith.constant 168 : i32
      %dma_start3A_728 = arith.constant 0 : i32
      %dma_start3A_729 = tpu.memref_slice %arg10[%dma_start3A_727, %dma_start3A_728] : memref<256x128xf32, #tpu.memory_space<vmem>> -> memref<8x128xf32, #tpu.memory_space<vmem>>
      %dma_start3A_730 = arith.constant 0 : i32
      %dma_start3A_731 = tpu.memref_slice %arg3[%dma_start3A_720, %dma_start3A_730, %multiple_of3A_680] : memref<2x8x1000000xf32, #tpu.memory_space<hbm>> -> memref<1x8x128xf32, #tpu.memory_space<hbm>>
      %dma_start3A_732 = tpu.memref_squeeze %dma_start3A_731 : memref<1x8x128xf32, #tpu.memory_space<hbm>> -> memref<8x128xf32, #tpu.memory_space<hbm>>
      tpu.enqueue_dma source(%dma_start3A_732 : memref<8x128xf32, #tpu.memory_space<hbm>>) target(%dma_start3A_729 : memref<8x128xf32, #tpu.memory_space<vmem>>) target_semaphore(%arg12 : memref<!tpu.dma_semaphore, #tpu.memory_space<semaphore_mem>>)
      %slice3A_733 = vector.extract_strided_slice %get3A_10 {offsets = [11], sizes = [1], strides = [1]} : vector<16xi32> to vector<1xi32>
      %squeeze3A_734 = vector.extract %slice3A_733[0] : i32 from vector<1xi32>
      %shift_right_arithmetic3A_735 = arith.constant 7 : i32
      %shift_right_arithmetic3A_736 = arith.shrsi %squeeze3A_734, %shift_right_arithmetic3A_735 : i32
      %shift_left3A_737 = arith.constant 7 : i32
      %shift_left3A_738 = arith.shli %shift_right_arithmetic3A_736, %shift_left3A_737 : i32
      %multiple_of3A_739 = tpu.assume_multiple %shift_left3A_738, 128 : i32
      %slice3A_740 = vector.extract_strided_slice %get3A_12 {offsets = [11], sizes = [1], strides = [1]} : vector<16xi32> to vector<1xi32>
      %squeeze3A_741 = vector.extract %slice3A_740[0] : i32 from vector<1xi32>
      %shift_right_arithmetic3A_742 = arith.constant 7 : i32
      %shift_right_arithmetic3A_743 = arith.shrsi %squeeze3A_741, %shift_right_arithmetic3A_742 : i32
      %shift_left3A_744 = arith.constant 7 : i32
      %shift_left3A_745 = arith.shli %shift_right_arithmetic3A_743, %shift_left3A_744 : i32
      %multiple_of3A_746 = tpu.assume_multiple %shift_left3A_745, 128 : i32
      %dma_start3A_747 = arith.constant 0 : i32
      %dma_start3A_748 = arith.constant 176 : i32
      %dma_start3A_749 = arith.constant 0 : i32
      %dma_start3A_750 = tpu.memref_slice %arg9[%dma_start3A_748, %dma_start3A_749] : memref<256x128xf32, #tpu.memory_space<vmem>> -> memref<8x128xf32, #tpu.memory_space<vmem>>
      %dma_start3A_751 = arith.constant 0 : i32
      %dma_start3A_752 = tpu.memref_slice %arg2[%dma_start3A_747, %dma_start3A_751, %multiple_of3A_739] : memref<2x8x1000000xf32, #tpu.memory_space<hbm>> -> memref<1x8x128xf32, #tpu.memory_space<hbm>>
      %dma_start3A_753 = tpu.memref_squeeze %dma_start3A_752 : memref<1x8x128xf32, #tpu.memory_space<hbm>> -> memref<8x128xf32, #tpu.memory_space<hbm>>
      %dma_start3A_754 = arith.constant 176 : i32
      %dma_start3A_755 = arith.constant 0 : i32
      %dma_start3A_756 = tpu.memref_slice %arg9[%dma_start3A_754, %dma_start3A_755] : memref<256x128xf32, #tpu.memory_space<vmem>> -> memref<8x128xf32, #tpu.memory_space<vmem>>
      %dma_start3A_757 = arith.constant 0 : i32
      %dma_start3A_758 = tpu.memref_slice %arg2[%dma_start3A_747, %dma_start3A_757, %multiple_of3A_739] : memref<2x8x1000000xf32, #tpu.memory_space<hbm>> -> memref<1x8x128xf32, #tpu.memory_space<hbm>>
      %dma_start3A_759 = tpu.memref_squeeze %dma_start3A_758 : memref<1x8x128xf32, #tpu.memory_space<hbm>> -> memref<8x128xf32, #tpu.memory_space<hbm>>
      tpu.enqueue_dma source(%dma_start3A_759 : memref<8x128xf32, #tpu.memory_space<hbm>>) target(%dma_start3A_756 : memref<8x128xf32, #tpu.memory_space<vmem>>) target_semaphore(%arg12 : memref<!tpu.dma_semaphore, #tpu.memory_space<semaphore_mem>>)
      %dma_start3A_760 = arith.constant 0 : i32
      %dma_start3A_761 = arith.constant 176 : i32
      %dma_start3A_762 = arith.constant 0 : i32
      %dma_start3A_763 = tpu.memref_slice %arg10[%dma_start3A_761, %dma_start3A_762] : memref<256x128xf32, #tpu.memory_space<vmem>> -> memref<8x128xf32, #tpu.memory_space<vmem>>
      %dma_start3A_764 = arith.constant 0 : i32
      %dma_start3A_765 = tpu.memref_slice %arg3[%dma_start3A_760, %dma_start3A_764, %multiple_of3A_746] : memref<2x8x1000000xf32, #tpu.memory_space<hbm>> -> memref<1x8x128xf32, #tpu.memory_space<hbm>>
      %dma_start3A_766 = tpu.memref_squeeze %dma_start3A_765 : memref<1x8x128xf32, #tpu.memory_space<hbm>> -> memref<8x128xf32, #tpu.memory_space<hbm>>
      %dma_start3A_767 = arith.constant 176 : i32
      %dma_start3A_768 = arith.constant 0 : i32
      %dma_start3A_769 = tpu.memref_slice %arg10[%dma_start3A_767, %dma_start3A_768] : memref<256x128xf32, #tpu.memory_space<vmem>> -> memref<8x128xf32, #tpu.memory_space<vmem>>
      %dma_start3A_770 = arith.constant 0 : i32
      %dma_start3A_771 = tpu.memref_slice %arg3[%dma_start3A_760, %dma_start3A_770, %multiple_of3A_746] : memref<2x8x1000000xf32, #tpu.memory_space<hbm>> -> memref<1x8x128xf32, #tpu.memory_space<hbm>>
      %dma_start3A_772 = tpu.memref_squeeze %dma_start3A_771 : memref<1x8x128xf32, #tpu.memory_space<hbm>> -> memref<8x128xf32, #tpu.memory_space<hbm>>
      tpu.enqueue_dma source(%dma_start3A_772 : memref<8x128xf32, #tpu.memory_space<hbm>>) target(%dma_start3A_769 : memref<8x128xf32, #tpu.memory_space<vmem>>) target_semaphore(%arg12 : memref<!tpu.dma_semaphore, #tpu.memory_space<semaphore_mem>>)
      %dma_start3A_773 = arith.constant 1 : i32
      %dma_start3A_774 = arith.constant 184 : i32
      %dma_start3A_775 = arith.constant 0 : i32
      %dma_start3A_776 = tpu.memref_slice %arg9[%dma_start3A_774, %dma_start3A_775] : memref<256x128xf32, #tpu.memory_space<vmem>> -> memref<8x128xf32, #tpu.memory_space<vmem>>
      %dma_start3A_777 = arith.constant 0 : i32
      %dma_start3A_778 = tpu.memref_slice %arg2[%dma_start3A_773, %dma_start3A_777, %multiple_of3A_739] : memref<2x8x1000000xf32, #tpu.memory_space<hbm>> -> memref<1x8x128xf32, #tpu.memory_space<hbm>>
      %dma_start3A_779 = tpu.memref_squeeze %dma_start3A_778 : memref<1x8x128xf32, #tpu.memory_space<hbm>> -> memref<8x128xf32, #tpu.memory_space<hbm>>
      %dma_start3A_780 = arith.constant 184 : i32
      %dma_start3A_781 = arith.constant 0 : i32
      %dma_start3A_782 = tpu.memref_slice %arg9[%dma_start3A_780, %dma_start3A_781] : memref<256x128xf32, #tpu.memory_space<vmem>> -> memref<8x128xf32, #tpu.memory_space<vmem>>
      %dma_start3A_783 = arith.constant 0 : i32
      %dma_start3A_784 = tpu.memref_slice %arg2[%dma_start3A_773, %dma_start3A_783, %multiple_of3A_739] : memref<2x8x1000000xf32, #tpu.memory_space<hbm>> -> memref<1x8x128xf32, #tpu.memory_space<hbm>>
      %dma_start3A_785 = tpu.memref_squeeze %dma_start3A_784 : memref<1x8x128xf32, #tpu.memory_space<hbm>> -> memref<8x128xf32, #tpu.memory_space<hbm>>
      tpu.enqueue_dma source(%dma_start3A_785 : memref<8x128xf32, #tpu.memory_space<hbm>>) target(%dma_start3A_782 : memref<8x128xf32, #tpu.memory_space<vmem>>) target_semaphore(%arg12 : memref<!tpu.dma_semaphore, #tpu.memory_space<semaphore_mem>>)
      %dma_start3A_786 = arith.constant 1 : i32
      %dma_start3A_787 = arith.constant 184 : i32
      %dma_start3A_788 = arith.constant 0 : i32
      %dma_start3A_789 = tpu.memref_slice %arg10[%dma_start3A_787, %dma_start3A_788] : memref<256x128xf32, #tpu.memory_space<vmem>> -> memref<8x128xf32, #tpu.memory_space<vmem>>
      %dma_start3A_790 = arith.constant 0 : i32
      %dma_start3A_791 = tpu.memref_slice %arg3[%dma_start3A_786, %dma_start3A_790, %multiple_of3A_746] : memref<2x8x1000000xf32, #tpu.memory_space<hbm>> -> memref<1x8x128xf32, #tpu.memory_space<hbm>>
      %dma_start3A_792 = tpu.memref_squeeze %dma_start3A_791 : memref<1x8x128xf32, #tpu.memory_space<hbm>> -> memref<8x128xf32, #tpu.memory_space<hbm>>
      %dma_start3A_793 = arith.constant 184 : i32
      %dma_start3A_794 = arith.constant 0 : i32
      %dma_start3A_795 = tpu.memref_slice %arg10[%dma_start3A_793, %dma_start3A_794] : memref<256x128xf32, #tpu.memory_space<vmem>> -> memref<8x128xf32, #tpu.memory_space<vmem>>
      %dma_start3A_796 = arith.constant 0 : i32
      %dma_start3A_797 = tpu.memref_slice %arg3[%dma_start3A_786, %dma_start3A_796, %multiple_of3A_746] : memref<2x8x1000000xf32, #tpu.memory_space<hbm>> -> memref<1x8x128xf32, #tpu.memory_space<hbm>>
      %dma_start3A_798 = tpu.memref_squeeze %dma_start3A_797 : memref<1x8x128xf32, #tpu.memory_space<hbm>> -> memref<8x128xf32, #tpu.memory_space<hbm>>
      tpu.enqueue_dma source(%dma_start3A_798 : memref<8x128xf32, #tpu.memory_space<hbm>>) target(%dma_start3A_795 : memref<8x128xf32, #tpu.memory_space<vmem>>) target_semaphore(%arg12 : memref<!tpu.dma_semaphore, #tpu.memory_space<semaphore_mem>>)
      %slice3A_799 = vector.extract_strided_slice %get3A_10 {offsets = [12], sizes = [1], strides = [1]} : vector<16xi32> to vector<1xi32>
      %squeeze3A_800 = vector.extract %slice3A_799[0] : i32 from vector<1xi32>
      %shift_right_arithmetic3A_801 = arith.constant 7 : i32
      %shift_right_arithmetic3A_802 = arith.shrsi %squeeze3A_800, %shift_right_arithmetic3A_801 : i32
      %shift_left3A_803 = arith.constant 7 : i32
      %shift_left3A_804 = arith.shli %shift_right_arithmetic3A_802, %shift_left3A_803 : i32
      %multiple_of3A_805 = tpu.assume_multiple %shift_left3A_804, 128 : i32
      %slice3A_806 = vector.extract_strided_slice %get3A_12 {offsets = [12], sizes = [1], strides = [1]} : vector<16xi32> to vector<1xi32>
      %squeeze3A_807 = vector.extract %slice3A_806[0] : i32 from vector<1xi32>
      %shift_right_arithmetic3A_808 = arith.constant 7 : i32
      %shift_right_arithmetic3A_809 = arith.shrsi %squeeze3A_807, %shift_right_arithmetic3A_808 : i32
      %shift_left3A_810 = arith.constant 7 : i32
      %shift_left3A_811 = arith.shli %shift_right_arithmetic3A_809, %shift_left3A_810 : i32
      %multiple_of3A_812 = tpu.assume_multiple %shift_left3A_811, 128 : i32
      %dma_start3A_813 = arith.constant 0 : i32
      %dma_start3A_814 = arith.constant 192 : i32
      %dma_start3A_815 = arith.constant 0 : i32
      %dma_start3A_816 = tpu.memref_slice %arg9[%dma_start3A_814, %dma_start3A_815] : memref<256x128xf32, #tpu.memory_space<vmem>> -> memref<8x128xf32, #tpu.memory_space<vmem>>
      %dma_start3A_817 = arith.constant 0 : i32
      %dma_start3A_818 = tpu.memref_slice %arg2[%dma_start3A_813, %dma_start3A_817, %multiple_of3A_805] : memref<2x8x1000000xf32, #tpu.memory_space<hbm>> -> memref<1x8x128xf32, #tpu.memory_space<hbm>>
      %dma_start3A_819 = tpu.memref_squeeze %dma_start3A_818 : memref<1x8x128xf32, #tpu.memory_space<hbm>> -> memref<8x128xf32, #tpu.memory_space<hbm>>
      %dma_start3A_820 = arith.constant 192 : i32
      %dma_start3A_821 = arith.constant 0 : i32
      %dma_start3A_822 = tpu.memref_slice %arg9[%dma_start3A_820, %dma_start3A_821] : memref<256x128xf32, #tpu.memory_space<vmem>> -> memref<8x128xf32, #tpu.memory_space<vmem>>
      %dma_start3A_823 = arith.constant 0 : i32
      %dma_start3A_824 = tpu.memref_slice %arg2[%dma_start3A_813, %dma_start3A_823, %multiple_of3A_805] : memref<2x8x1000000xf32, #tpu.memory_space<hbm>> -> memref<1x8x128xf32, #tpu.memory_space<hbm>>
      %dma_start3A_825 = tpu.memref_squeeze %dma_start3A_824 : memref<1x8x128xf32, #tpu.memory_space<hbm>> -> memref<8x128xf32, #tpu.memory_space<hbm>>
      tpu.enqueue_dma source(%dma_start3A_825 : memref<8x128xf32, #tpu.memory_space<hbm>>) target(%dma_start3A_822 : memref<8x128xf32, #tpu.memory_space<vmem>>) target_semaphore(%arg12 : memref<!tpu.dma_semaphore, #tpu.memory_space<semaphore_mem>>)
      %dma_start3A_826 = arith.constant 0 : i32
      %dma_start3A_827 = arith.constant 192 : i32
      %dma_start3A_828 = arith.constant 0 : i32
      %dma_start3A_829 = tpu.memref_slice %arg10[%dma_start3A_827, %dma_start3A_828] : memref<256x128xf32, #tpu.memory_space<vmem>> -> memref<8x128xf32, #tpu.memory_space<vmem>>
      %dma_start3A_830 = arith.constant 0 : i32
      %dma_start3A_831 = tpu.memref_slice %arg3[%dma_start3A_826, %dma_start3A_830, %multiple_of3A_812] : memref<2x8x1000000xf32, #tpu.memory_space<hbm>> -> memref<1x8x128xf32, #tpu.memory_space<hbm>>
      %dma_start3A_832 = tpu.memref_squeeze %dma_start3A_831 : memref<1x8x128xf32, #tpu.memory_space<hbm>> -> memref<8x128xf32, #tpu.memory_space<hbm>>
      %dma_start3A_833 = arith.constant 192 : i32
      %dma_start3A_834 = arith.constant 0 : i32
      %dma_start3A_835 = tpu.memref_slice %arg10[%dma_start3A_833, %dma_start3A_834] : memref<256x128xf32, #tpu.memory_space<vmem>> -> memref<8x128xf32, #tpu.memory_space<vmem>>
      %dma_start3A_836 = arith.constant 0 : i32
      %dma_start3A_837 = tpu.memref_slice %arg3[%dma_start3A_826, %dma_start3A_836, %multiple_of3A_812] : memref<2x8x1000000xf32, #tpu.memory_space<hbm>> -> memref<1x8x128xf32, #tpu.memory_space<hbm>>
      %dma_start3A_838 = tpu.memref_squeeze %dma_start3A_837 : memref<1x8x128xf32, #tpu.memory_space<hbm>> -> memref<8x128xf32, #tpu.memory_space<hbm>>
      tpu.enqueue_dma source(%dma_start3A_838 : memref<8x128xf32, #tpu.memory_space<hbm>>) target(%dma_start3A_835 : memref<8x128xf32, #tpu.memory_space<vmem>>) target_semaphore(%arg12 : memref<!tpu.dma_semaphore, #tpu.memory_space<semaphore_mem>>)
      %dma_start3A_839 = arith.constant 1 : i32
      %dma_start3A_840 = arith.constant 200 : i32
      %dma_start3A_841 = arith.constant 0 : i32
      %dma_start3A_842 = tpu.memref_slice %arg9[%dma_start3A_840, %dma_start3A_841] : memref<256x128xf32, #tpu.memory_space<vmem>> -> memref<8x128xf32, #tpu.memory_space<vmem>>
      %dma_start3A_843 = arith.constant 0 : i32
      %dma_start3A_844 = tpu.memref_slice %arg2[%dma_start3A_839, %dma_start3A_843, %multiple_of3A_805] : memref<2x8x1000000xf32, #tpu.memory_space<hbm>> -> memref<1x8x128xf32, #tpu.memory_space<hbm>>
      %dma_start3A_845 = tpu.memref_squeeze %dma_start3A_844 : memref<1x8x128xf32, #tpu.memory_space<hbm>> -> memref<8x128xf32, #tpu.memory_space<hbm>>
      %dma_start3A_846 = arith.constant 200 : i32
      %dma_start3A_847 = arith.constant 0 : i32
      %dma_start3A_848 = tpu.memref_slice %arg9[%dma_start3A_846, %dma_start3A_847] : memref<256x128xf32, #tpu.memory_space<vmem>> -> memref<8x128xf32, #tpu.memory_space<vmem>>
      %dma_start3A_849 = arith.constant 0 : i32
      %dma_start3A_850 = tpu.memref_slice %arg2[%dma_start3A_839, %dma_start3A_849, %multiple_of3A_805] : memref<2x8x1000000xf32, #tpu.memory_space<hbm>> -> memref<1x8x128xf32, #tpu.memory_space<hbm>>
      %dma_start3A_851 = tpu.memref_squeeze %dma_start3A_850 : memref<1x8x128xf32, #tpu.memory_space<hbm>> -> memref<8x128xf32, #tpu.memory_space<hbm>>
      tpu.enqueue_dma source(%dma_start3A_851 : memref<8x128xf32, #tpu.memory_space<hbm>>) target(%dma_start3A_848 : memref<8x128xf32, #tpu.memory_space<vmem>>) target_semaphore(%arg12 : memref<!tpu.dma_semaphore, #tpu.memory_space<semaphore_mem>>)
      %dma_start3A_852 = arith.constant 1 : i32
      %dma_start3A_853 = arith.constant 200 : i32
      %dma_start3A_854 = arith.constant 0 : i32
      %dma_start3A_855 = tpu.memref_slice %arg10[%dma_start3A_853, %dma_start3A_854] : memref<256x128xf32, #tpu.memory_space<vmem>> -> memref<8x128xf32, #tpu.memory_space<vmem>>
      %dma_start3A_856 = arith.constant 0 : i32
      %dma_start3A_857 = tpu.memref_slice %arg3[%dma_start3A_852, %dma_start3A_856, %multiple_of3A_812] : memref<2x8x1000000xf32, #tpu.memory_space<hbm>> -> memref<1x8x128xf32, #tpu.memory_space<hbm>>
      %dma_start3A_858 = tpu.memref_squeeze %dma_start3A_857 : memref<1x8x128xf32, #tpu.memory_space<hbm>> -> memref<8x128xf32, #tpu.memory_space<hbm>>
      %dma_start3A_859 = arith.constant 200 : i32
      %dma_start3A_860 = arith.constant 0 : i32
      %dma_start3A_861 = tpu.memref_slice %arg10[%dma_start3A_859, %dma_start3A_860] : memref<256x128xf32, #tpu.memory_space<vmem>> -> memref<8x128xf32, #tpu.memory_space<vmem>>
      %dma_start3A_862 = arith.constant 0 : i32
      %dma_start3A_863 = tpu.memref_slice %arg3[%dma_start3A_852, %dma_start3A_862, %multiple_of3A_812] : memref<2x8x1000000xf32, #tpu.memory_space<hbm>> -> memref<1x8x128xf32, #tpu.memory_space<hbm>>
      %dma_start3A_864 = tpu.memref_squeeze %dma_start3A_863 : memref<1x8x128xf32, #tpu.memory_space<hbm>> -> memref<8x128xf32, #tpu.memory_space<hbm>>
      tpu.enqueue_dma source(%dma_start3A_864 : memref<8x128xf32, #tpu.memory_space<hbm>>) target(%dma_start3A_861 : memref<8x128xf32, #tpu.memory_space<vmem>>) target_semaphore(%arg12 : memref<!tpu.dma_semaphore, #tpu.memory_space<semaphore_mem>>)
      %slice3A_865 = vector.extract_strided_slice %get3A_10 {offsets = [13], sizes = [1], strides = [1]} : vector<16xi32> to vector<1xi32>
      %squeeze3A_866 = vector.extract %slice3A_865[0] : i32 from vector<1xi32>
      %shift_right_arithmetic3A_867 = arith.constant 7 : i32
      %shift_right_arithmetic3A_868 = arith.shrsi %squeeze3A_866, %shift_right_arithmetic3A_867 : i32
      %shift_left3A_869 = arith.constant 7 : i32
      %shift_left3A_870 = arith.shli %shift_right_arithmetic3A_868, %shift_left3A_869 : i32
      %multiple_of3A_871 = tpu.assume_multiple %shift_left3A_870, 128 : i32
      %slice3A_872 = vector.extract_strided_slice %get3A_12 {offsets = [13], sizes = [1], strides = [1]} : vector<16xi32> to vector<1xi32>
      %squeeze3A_873 = vector.extract %slice3A_872[0] : i32 from vector<1xi32>
      %shift_right_arithmetic3A_874 = arith.constant 7 : i32
      %shift_right_arithmetic3A_875 = arith.shrsi %squeeze3A_873, %shift_right_arithmetic3A_874 : i32
      %shift_left3A_876 = arith.constant 7 : i32
      %shift_left3A_877 = arith.shli %shift_right_arithmetic3A_875, %shift_left3A_876 : i32
      %multiple_of3A_878 = tpu.assume_multiple %shift_left3A_877, 128 : i32
      %dma_start3A_879 = arith.constant 0 : i32
      %dma_start3A_880 = arith.constant 208 : i32
      %dma_start3A_881 = arith.constant 0 : i32
      %dma_start3A_882 = tpu.memref_slice %arg9[%dma_start3A_880, %dma_start3A_881] : memref<256x128xf32, #tpu.memory_space<vmem>> -> memref<8x128xf32, #tpu.memory_space<vmem>>
      %dma_start3A_883 = arith.constant 0 : i32
      %dma_start3A_884 = tpu.memref_slice %arg2[%dma_start3A_879, %dma_start3A_883, %multiple_of3A_871] : memref<2x8x1000000xf32, #tpu.memory_space<hbm>> -> memref<1x8x128xf32, #tpu.memory_space<hbm>>
      %dma_start3A_885 = tpu.memref_squeeze %dma_start3A_884 : memref<1x8x128xf32, #tpu.memory_space<hbm>> -> memref<8x128xf32, #tpu.memory_space<hbm>>
      %dma_start3A_886 = arith.constant 208 : i32
      %dma_start3A_887 = arith.constant 0 : i32
      %dma_start3A_888 = tpu.memref_slice %arg9[%dma_start3A_886, %dma_start3A_887] : memref<256x128xf32, #tpu.memory_space<vmem>> -> memref<8x128xf32, #tpu.memory_space<vmem>>
      %dma_start3A_889 = arith.constant 0 : i32
      %dma_start3A_890 = tpu.memref_slice %arg2[%dma_start3A_879, %dma_start3A_889, %multiple_of3A_871] : memref<2x8x1000000xf32, #tpu.memory_space<hbm>> -> memref<1x8x128xf32, #tpu.memory_space<hbm>>
      %dma_start3A_891 = tpu.memref_squeeze %dma_start3A_890 : memref<1x8x128xf32, #tpu.memory_space<hbm>> -> memref<8x128xf32, #tpu.memory_space<hbm>>
      tpu.enqueue_dma source(%dma_start3A_891 : memref<8x128xf32, #tpu.memory_space<hbm>>) target(%dma_start3A_888 : memref<8x128xf32, #tpu.memory_space<vmem>>) target_semaphore(%arg12 : memref<!tpu.dma_semaphore, #tpu.memory_space<semaphore_mem>>)
      %dma_start3A_892 = arith.constant 0 : i32
      %dma_start3A_893 = arith.constant 208 : i32
      %dma_start3A_894 = arith.constant 0 : i32
      %dma_start3A_895 = tpu.memref_slice %arg10[%dma_start3A_893, %dma_start3A_894] : memref<256x128xf32, #tpu.memory_space<vmem>> -> memref<8x128xf32, #tpu.memory_space<vmem>>
      %dma_start3A_896 = arith.constant 0 : i32
      %dma_start3A_897 = tpu.memref_slice %arg3[%dma_start3A_892, %dma_start3A_896, %multiple_of3A_878] : memref<2x8x1000000xf32, #tpu.memory_space<hbm>> -> memref<1x8x128xf32, #tpu.memory_space<hbm>>
      %dma_start3A_898 = tpu.memref_squeeze %dma_start3A_897 : memref<1x8x128xf32, #tpu.memory_space<hbm>> -> memref<8x128xf32, #tpu.memory_space<hbm>>
      %dma_start3A_899 = arith.constant 208 : i32
      %dma_start3A_900 = arith.constant 0 : i32
      %dma_start3A_901 = tpu.memref_slice %arg10[%dma_start3A_899, %dma_start3A_900] : memref<256x128xf32, #tpu.memory_space<vmem>> -> memref<8x128xf32, #tpu.memory_space<vmem>>
      %dma_start3A_902 = arith.constant 0 : i32
      %dma_start3A_903 = tpu.memref_slice %arg3[%dma_start3A_892, %dma_start3A_902, %multiple_of3A_878] : memref<2x8x1000000xf32, #tpu.memory_space<hbm>> -> memref<1x8x128xf32, #tpu.memory_space<hbm>>
      %dma_start3A_904 = tpu.memref_squeeze %dma_start3A_903 : memref<1x8x128xf32, #tpu.memory_space<hbm>> -> memref<8x128xf32, #tpu.memory_space<hbm>>
      tpu.enqueue_dma source(%dma_start3A_904 : memref<8x128xf32, #tpu.memory_space<hbm>>) target(%dma_start3A_901 : memref<8x128xf32, #tpu.memory_space<vmem>>) target_semaphore(%arg12 : memref<!tpu.dma_semaphore, #tpu.memory_space<semaphore_mem>>)
      %dma_start3A_905 = arith.constant 1 : i32
      %dma_start3A_906 = arith.constant 216 : i32
      %dma_start3A_907 = arith.constant 0 : i32
      %dma_start3A_908 = tpu.memref_slice %arg9[%dma_start3A_906, %dma_start3A_907] : memref<256x128xf32, #tpu.memory_space<vmem>> -> memref<8x128xf32, #tpu.memory_space<vmem>>
      %dma_start3A_909 = arith.constant 0 : i32
      %dma_start3A_910 = tpu.memref_slice %arg2[%dma_start3A_905, %dma_start3A_909, %multiple_of3A_871] : memref<2x8x1000000xf32, #tpu.memory_space<hbm>> -> memref<1x8x128xf32, #tpu.memory_space<hbm>>
      %dma_start3A_911 = tpu.memref_squeeze %dma_start3A_910 : memref<1x8x128xf32, #tpu.memory_space<hbm>> -> memref<8x128xf32, #tpu.memory_space<hbm>>
      %dma_start3A_912 = arith.constant 216 : i32
      %dma_start3A_913 = arith.constant 0 : i32
      %dma_start3A_914 = tpu.memref_slice %arg9[%dma_start3A_912, %dma_start3A_913] : memref<256x128xf32, #tpu.memory_space<vmem>> -> memref<8x128xf32, #tpu.memory_space<vmem>>
      %dma_start3A_915 = arith.constant 0 : i32
      %dma_start3A_916 = tpu.memref_slice %arg2[%dma_start3A_905, %dma_start3A_915, %multiple_of3A_871] : memref<2x8x1000000xf32, #tpu.memory_space<hbm>> -> memref<1x8x128xf32, #tpu.memory_space<hbm>>
      %dma_start3A_917 = tpu.memref_squeeze %dma_start3A_916 : memref<1x8x128xf32, #tpu.memory_space<hbm>> -> memref<8x128xf32, #tpu.memory_space<hbm>>
      tpu.enqueue_dma source(%dma_start3A_917 : memref<8x128xf32, #tpu.memory_space<hbm>>) target(%dma_start3A_914 : memref<8x128xf32, #tpu.memory_space<vmem>>) target_semaphore(%arg12 : memref<!tpu.dma_semaphore, #tpu.memory_space<semaphore_mem>>)
      %dma_start3A_918 = arith.constant 1 : i32
      %dma_start3A_919 = arith.constant 216 : i32
      %dma_start3A_920 = arith.constant 0 : i32
      %dma_start3A_921 = tpu.memref_slice %arg10[%dma_start3A_919, %dma_start3A_920] : memref<256x128xf32, #tpu.memory_space<vmem>> -> memref<8x128xf32, #tpu.memory_space<vmem>>
      %dma_start3A_922 = arith.constant 0 : i32
      %dma_start3A_923 = tpu.memref_slice %arg3[%dma_start3A_918, %dma_start3A_922, %multiple_of3A_878] : memref<2x8x1000000xf32, #tpu.memory_space<hbm>> -> memref<1x8x128xf32, #tpu.memory_space<hbm>>
      %dma_start3A_924 = tpu.memref_squeeze %dma_start3A_923 : memref<1x8x128xf32, #tpu.memory_space<hbm>> -> memref<8x128xf32, #tpu.memory_space<hbm>>
      %dma_start3A_925 = arith.constant 216 : i32
      %dma_start3A_926 = arith.constant 0 : i32
      %dma_start3A_927 = tpu.memref_slice %arg10[%dma_start3A_925, %dma_start3A_926] : memref<256x128xf32, #tpu.memory_space<vmem>> -> memref<8x128xf32, #tpu.memory_space<vmem>>
      %dma_start3A_928 = arith.constant 0 : i32
      %dma_start3A_929 = tpu.memref_slice %arg3[%dma_start3A_918, %dma_start3A_928, %multiple_of3A_878] : memref<2x8x1000000xf32, #tpu.memory_space<hbm>> -> memref<1x8x128xf32, #tpu.memory_space<hbm>>
      %dma_start3A_930 = tpu.memref_squeeze %dma_start3A_929 : memref<1x8x128xf32, #tpu.memory_space<hbm>> -> memref<8x128xf32, #tpu.memory_space<hbm>>
      tpu.enqueue_dma source(%dma_start3A_930 : memref<8x128xf32, #tpu.memory_space<hbm>>) target(%dma_start3A_927 : memref<8x128xf32, #tpu.memory_space<vmem>>) target_semaphore(%arg12 : memref<!tpu.dma_semaphore, #tpu.memory_space<semaphore_mem>>)
      %slice3A_931 = vector.extract_strided_slice %get3A_10 {offsets = [14], sizes = [1], strides = [1]} : vector<16xi32> to vector<1xi32>
      %squeeze3A_932 = vector.extract %slice3A_931[0] : i32 from vector<1xi32>
      %shift_right_arithmetic3A_933 = arith.constant 7 : i32
      %shift_right_arithmetic3A_934 = arith.shrsi %squeeze3A_932, %shift_right_arithmetic3A_933 : i32
      %shift_left3A_935 = arith.constant 7 : i32
      %shift_left3A_936 = arith.shli %shift_right_arithmetic3A_934, %shift_left3A_935 : i32
      %multiple_of3A_937 = tpu.assume_multiple %shift_left3A_936, 128 : i32
      %slice3A_938 = vector.extract_strided_slice %get3A_12 {offsets = [14], sizes = [1], strides = [1]} : vector<16xi32> to vector<1xi32>
      %squeeze3A_939 = vector.extract %slice3A_938[0] : i32 from vector<1xi32>
      %shift_right_arithmetic3A_940 = arith.constant 7 : i32
      %shift_right_arithmetic3A_941 = arith.shrsi %squeeze3A_939, %shift_right_arithmetic3A_940 : i32
      %shift_left3A_942 = arith.constant 7 : i32
      %shift_left3A_943 = arith.shli %shift_right_arithmetic3A_941, %shift_left3A_942 : i32
      %multiple_of3A_944 = tpu.assume_multiple %shift_left3A_943, 128 : i32
      %dma_start3A_945 = arith.constant 0 : i32
      %dma_start3A_946 = arith.constant 224 : i32
      %dma_start3A_947 = arith.constant 0 : i32
      %dma_start3A_948 = tpu.memref_slice %arg9[%dma_start3A_946, %dma_start3A_947] : memref<256x128xf32, #tpu.memory_space<vmem>> -> memref<8x128xf32, #tpu.memory_space<vmem>>
      %dma_start3A_949 = arith.constant 0 : i32
      %dma_start3A_950 = tpu.memref_slice %arg2[%dma_start3A_945, %dma_start3A_949, %multiple_of3A_937] : memref<2x8x1000000xf32, #tpu.memory_space<hbm>> -> memref<1x8x128xf32, #tpu.memory_space<hbm>>
      %dma_start3A_951 = tpu.memref_squeeze %dma_start3A_950 : memref<1x8x128xf32, #tpu.memory_space<hbm>> -> memref<8x128xf32, #tpu.memory_space<hbm>>
      %dma_start3A_952 = arith.constant 224 : i32
      %dma_start3A_953 = arith.constant 0 : i32
      %dma_start3A_954 = tpu.memref_slice %arg9[%dma_start3A_952, %dma_start3A_953] : memref<256x128xf32, #tpu.memory_space<vmem>> -> memref<8x128xf32, #tpu.memory_space<vmem>>
      %dma_start3A_955 = arith.constant 0 : i32
      %dma_start3A_956 = tpu.memref_slice %arg2[%dma_start3A_945, %dma_start3A_955, %multiple_of3A_937] : memref<2x8x1000000xf32, #tpu.memory_space<hbm>> -> memref<1x8x128xf32, #tpu.memory_space<hbm>>
      %dma_start3A_957 = tpu.memref_squeeze %dma_start3A_956 : memref<1x8x128xf32, #tpu.memory_space<hbm>> -> memref<8x128xf32, #tpu.memory_space<hbm>>
      tpu.enqueue_dma source(%dma_start3A_957 : memref<8x128xf32, #tpu.memory_space<hbm>>) target(%dma_start3A_954 : memref<8x128xf32, #tpu.memory_space<vmem>>) target_semaphore(%arg12 : memref<!tpu.dma_semaphore, #tpu.memory_space<semaphore_mem>>)
      %dma_start3A_958 = arith.constant 0 : i32
      %dma_start3A_959 = arith.constant 224 : i32
      %dma_start3A_960 = arith.constant 0 : i32
      %dma_start3A_961 = tpu.memref_slice %arg10[%dma_start3A_959, %dma_start3A_960] : memref<256x128xf32, #tpu.memory_space<vmem>> -> memref<8x128xf32, #tpu.memory_space<vmem>>
      %dma_start3A_962 = arith.constant 0 : i32
      %dma_start3A_963 = tpu.memref_slice %arg3[%dma_start3A_958, %dma_start3A_962, %multiple_of3A_944] : memref<2x8x1000000xf32, #tpu.memory_space<hbm>> -> memref<1x8x128xf32, #tpu.memory_space<hbm>>
      %dma_start3A_964 = tpu.memref_squeeze %dma_start3A_963 : memref<1x8x128xf32, #tpu.memory_space<hbm>> -> memref<8x128xf32, #tpu.memory_space<hbm>>
      %dma_start3A_965 = arith.constant 224 : i32
      %dma_start3A_966 = arith.constant 0 : i32
      %dma_start3A_967 = tpu.memref_slice %arg10[%dma_start3A_965, %dma_start3A_966] : memref<256x128xf32, #tpu.memory_space<vmem>> -> memref<8x128xf32, #tpu.memory_space<vmem>>
      %dma_start3A_968 = arith.constant 0 : i32
      %dma_start3A_969 = tpu.memref_slice %arg3[%dma_start3A_958, %dma_start3A_968, %multiple_of3A_944] : memref<2x8x1000000xf32, #tpu.memory_space<hbm>> -> memref<1x8x128xf32, #tpu.memory_space<hbm>>
      %dma_start3A_970 = tpu.memref_squeeze %dma_start3A_969 : memref<1x8x128xf32, #tpu.memory_space<hbm>> -> memref<8x128xf32, #tpu.memory_space<hbm>>
      tpu.enqueue_dma source(%dma_start3A_970 : memref<8x128xf32, #tpu.memory_space<hbm>>) target(%dma_start3A_967 : memref<8x128xf32, #tpu.memory_space<vmem>>) target_semaphore(%arg12 : memref<!tpu.dma_semaphore, #tpu.memory_space<semaphore_mem>>)
      %dma_start3A_971 = arith.constant 1 : i32
      %dma_start3A_972 = arith.constant 232 : i32
      %dma_start3A_973 = arith.constant 0 : i32
      %dma_start3A_974 = tpu.memref_slice %arg9[%dma_start3A_972, %dma_start3A_973] : memref<256x128xf32, #tpu.memory_space<vmem>> -> memref<8x128xf32, #tpu.memory_space<vmem>>
      %dma_start3A_975 = arith.constant 0 : i32
      %dma_start3A_976 = tpu.memref_slice %arg2[%dma_start3A_971, %dma_start3A_975, %multiple_of3A_937] : memref<2x8x1000000xf32, #tpu.memory_space<hbm>> -> memref<1x8x128xf32, #tpu.memory_space<hbm>>
      %dma_start3A_977 = tpu.memref_squeeze %dma_start3A_976 : memref<1x8x128xf32, #tpu.memory_space<hbm>> -> memref<8x128xf32, #tpu.memory_space<hbm>>
      %dma_start3A_978 = arith.constant 232 : i32
      %dma_start3A_979 = arith.constant 0 : i32
      %dma_start3A_980 = tpu.memref_slice %arg9[%dma_start3A_978, %dma_start3A_979] : memref<256x128xf32, #tpu.memory_space<vmem>> -> memref<8x128xf32, #tpu.memory_space<vmem>>
      %dma_start3A_981 = arith.constant 0 : i32
      %dma_start3A_982 = tpu.memref_slice %arg2[%dma_start3A_971, %dma_start3A_981, %multiple_of3A_937] : memref<2x8x1000000xf32, #tpu.memory_space<hbm>> -> memref<1x8x128xf32, #tpu.memory_space<hbm>>
      %dma_start3A_983 = tpu.memref_squeeze %dma_start3A_982 : memref<1x8x128xf32, #tpu.memory_space<hbm>> -> memref<8x128xf32, #tpu.memory_space<hbm>>
      tpu.enqueue_dma source(%dma_start3A_983 : memref<8x128xf32, #tpu.memory_space<hbm>>) target(%dma_start3A_980 : memref<8x128xf32, #tpu.memory_space<vmem>>) target_semaphore(%arg12 : memref<!tpu.dma_semaphore, #tpu.memory_space<semaphore_mem>>)
      %dma_start3A_984 = arith.constant 1 : i32
      %dma_start3A_985 = arith.constant 232 : i32
      %dma_start3A_986 = arith.constant 0 : i32
      %dma_start3A_987 = tpu.memref_slice %arg10[%dma_start3A_985, %dma_start3A_986] : memref<256x128xf32, #tpu.memory_space<vmem>> -> memref<8x128xf32, #tpu.memory_space<vmem>>
      %dma_start3A_988 = arith.constant 0 : i32
      %dma_start3A_989 = tpu.memref_slice %arg3[%dma_start3A_984, %dma_start3A_988, %multiple_of3A_944] : memref<2x8x1000000xf32, #tpu.memory_space<hbm>> -> memref<1x8x128xf32, #tpu.memory_space<hbm>>
      %dma_start3A_990 = tpu.memref_squeeze %dma_start3A_989 : memref<1x8x128xf32, #tpu.memory_space<hbm>> -> memref<8x128xf32, #tpu.memory_space<hbm>>
      %dma_start3A_991 = arith.constant 232 : i32
      %dma_start3A_992 = arith.constant 0 : i32
      %dma_start3A_993 = tpu.memref_slice %arg10[%dma_start3A_991, %dma_start3A_992] : memref<256x128xf32, #tpu.memory_space<vmem>> -> memref<8x128xf32, #tpu.memory_space<vmem>>
      %dma_start3A_994 = arith.constant 0 : i32
      %dma_start3A_995 = tpu.memref_slice %arg3[%dma_start3A_984, %dma_start3A_994, %multiple_of3A_944] : memref<2x8x1000000xf32, #tpu.memory_space<hbm>> -> memref<1x8x128xf32, #tpu.memory_space<hbm>>
      %dma_start3A_996 = tpu.memref_squeeze %dma_start3A_995 : memref<1x8x128xf32, #tpu.memory_space<hbm>> -> memref<8x128xf32, #tpu.memory_space<hbm>>
      tpu.enqueue_dma source(%dma_start3A_996 : memref<8x128xf32, #tpu.memory_space<hbm>>) target(%dma_start3A_993 : memref<8x128xf32, #tpu.memory_space<vmem>>) target_semaphore(%arg12 : memref<!tpu.dma_semaphore, #tpu.memory_space<semaphore_mem>>)
      %slice3A_997 = vector.extract_strided_slice %get3A_10 {offsets = [15], sizes = [1], strides = [1]} : vector<16xi32> to vector<1xi32>
      %squeeze3A_998 = vector.extract %slice3A_997[0] : i32 from vector<1xi32>
      %shift_right_arithmetic3A_999 = arith.constant 7 : i32
      %shift_right_arithmetic3A_1000 = arith.shrsi %squeeze3A_998, %shift_right_arithmetic3A_999 : i32
      %shift_left3A_1001 = arith.constant 7 : i32
      %shift_left3A_1002 = arith.shli %shift_right_arithmetic3A_1000, %shift_left3A_1001 : i32
      %multiple_of3A_1003 = tpu.assume_multiple %shift_left3A_1002, 128 : i32
      %slice3A_1004 = vector.extract_strided_slice %get3A_12 {offsets = [15], sizes = [1], strides = [1]} : vector<16xi32> to vector<1xi32>
      %squeeze3A_1005 = vector.extract %slice3A_1004[0] : i32 from vector<1xi32>
      %shift_right_arithmetic3A_1006 = arith.constant 7 : i32
      %shift_right_arithmetic3A_1007 = arith.shrsi %squeeze3A_1005, %shift_right_arithmetic3A_1006 : i32
      %shift_left3A_1008 = arith.constant 7 : i32
      %shift_left3A_1009 = arith.shli %shift_right_arithmetic3A_1007, %shift_left3A_1008 : i32
      %multiple_of3A_1010 = tpu.assume_multiple %shift_left3A_1009, 128 : i32
      %dma_start3A_1011 = arith.constant 0 : i32
      %dma_start3A_1012 = arith.constant 240 : i32
      %dma_start3A_1013 = arith.constant 0 : i32
      %dma_start3A_1014 = tpu.memref_slice %arg9[%dma_start3A_1012, %dma_start3A_1013] : memref<256x128xf32, #tpu.memory_space<vmem>> -> memref<8x128xf32, #tpu.memory_space<vmem>>
      %dma_start3A_1015 = arith.constant 0 : i32
      %dma_start3A_1016 = tpu.memref_slice %arg2[%dma_start3A_1011, %dma_start3A_1015, %multiple_of3A_1003] : memref<2x8x1000000xf32, #tpu.memory_space<hbm>> -> memref<1x8x128xf32, #tpu.memory_space<hbm>>
      %dma_start3A_1017 = tpu.memref_squeeze %dma_start3A_1016 : memref<1x8x128xf32, #tpu.memory_space<hbm>> -> memref<8x128xf32, #tpu.memory_space<hbm>>
      %dma_start3A_1018 = arith.constant 240 : i32
      %dma_start3A_1019 = arith.constant 0 : i32
      %dma_start3A_1020 = tpu.memref_slice %arg9[%dma_start3A_1018, %dma_start3A_1019] : memref<256x128xf32, #tpu.memory_space<vmem>> -> memref<8x128xf32, #tpu.memory_space<vmem>>
      %dma_start3A_1021 = arith.constant 0 : i32
      %dma_start3A_1022 = tpu.memref_slice %arg2[%dma_start3A_1011, %dma_start3A_1021, %multiple_of3A_1003] : memref<2x8x1000000xf32, #tpu.memory_space<hbm>> -> memref<1x8x128xf32, #tpu.memory_space<hbm>>
      %dma_start3A_1023 = tpu.memref_squeeze %dma_start3A_1022 : memref<1x8x128xf32, #tpu.memory_space<hbm>> -> memref<8x128xf32, #tpu.memory_space<hbm>>
      tpu.enqueue_dma source(%dma_start3A_1023 : memref<8x128xf32, #tpu.memory_space<hbm>>) target(%dma_start3A_1020 : memref<8x128xf32, #tpu.memory_space<vmem>>) target_semaphore(%arg12 : memref<!tpu.dma_semaphore, #tpu.memory_space<semaphore_mem>>)
      %dma_start3A_1024 = arith.constant 0 : i32
      %dma_start3A_1025 = arith.constant 240 : i32
      %dma_start3A_1026 = arith.constant 0 : i32
      %dma_start3A_1027 = tpu.memref_slice %arg10[%dma_start3A_1025, %dma_start3A_1026] : memref<256x128xf32, #tpu.memory_space<vmem>> -> memref<8x128xf32, #tpu.memory_space<vmem>>
      %dma_start3A_1028 = arith.constant 0 : i32
      %dma_start3A_1029 = tpu.memref_slice %arg3[%dma_start3A_1024, %dma_start3A_1028, %multiple_of3A_1010] : memref<2x8x1000000xf32, #tpu.memory_space<hbm>> -> memref<1x8x128xf32, #tpu.memory_space<hbm>>
      %dma_start3A_1030 = tpu.memref_squeeze %dma_start3A_1029 : memref<1x8x128xf32, #tpu.memory_space<hbm>> -> memref<8x128xf32, #tpu.memory_space<hbm>>
      %dma_start3A_1031 = arith.constant 240 : i32
      %dma_start3A_1032 = arith.constant 0 : i32
      %dma_start3A_1033 = tpu.memref_slice %arg10[%dma_start3A_1031, %dma_start3A_1032] : memref<256x128xf32, #tpu.memory_space<vmem>> -> memref<8x128xf32, #tpu.memory_space<vmem>>
      %dma_start3A_1034 = arith.constant 0 : i32
      %dma_start3A_1035 = tpu.memref_slice %arg3[%dma_start3A_1024, %dma_start3A_1034, %multiple_of3A_1010] : memref<2x8x1000000xf32, #tpu.memory_space<hbm>> -> memref<1x8x128xf32, #tpu.memory_space<hbm>>
      %dma_start3A_1036 = tpu.memref_squeeze %dma_start3A_1035 : memref<1x8x128xf32, #tpu.memory_space<hbm>> -> memref<8x128xf32, #tpu.memory_space<hbm>>
      tpu.enqueue_dma source(%dma_start3A_1036 : memref<8x128xf32, #tpu.memory_space<hbm>>) target(%dma_start3A_1033 : memref<8x128xf32, #tpu.memory_space<vmem>>) target_semaphore(%arg12 : memref<!tpu.dma_semaphore, #tpu.memory_space<semaphore_mem>>)
      %dma_start3A_1037 = arith.constant 1 : i32
      %dma_start3A_1038 = arith.constant 248 : i32
      %dma_start3A_1039 = arith.constant 0 : i32
      %dma_start3A_1040 = tpu.memref_slice %arg9[%dma_start3A_1038, %dma_start3A_1039] : memref<256x128xf32, #tpu.memory_space<vmem>> -> memref<8x128xf32, #tpu.memory_space<vmem>>
      %dma_start3A_1041 = arith.constant 0 : i32
      %dma_start3A_1042 = tpu.memref_slice %arg2[%dma_start3A_1037, %dma_start3A_1041, %multiple_of3A_1003] : memref<2x8x1000000xf32, #tpu.memory_space<hbm>> -> memref<1x8x128xf32, #tpu.memory_space<hbm>>
      %dma_start3A_1043 = tpu.memref_squeeze %dma_start3A_1042 : memref<1x8x128xf32, #tpu.memory_space<hbm>> -> memref<8x128xf32, #tpu.memory_space<hbm>>
      %dma_start3A_1044 = arith.constant 248 : i32
      %dma_start3A_1045 = arith.constant 0 : i32
      %dma_start3A_1046 = tpu.memref_slice %arg9[%dma_start3A_1044, %dma_start3A_1045] : memref<256x128xf32, #tpu.memory_space<vmem>> -> memref<8x128xf32, #tpu.memory_space<vmem>>
      %dma_start3A_1047 = arith.constant 0 : i32
      %dma_start3A_1048 = tpu.memref_slice %arg2[%dma_start3A_1037, %dma_start3A_1047, %multiple_of3A_1003] : memref<2x8x1000000xf32, #tpu.memory_space<hbm>> -> memref<1x8x128xf32, #tpu.memory_space<hbm>>
      %dma_start3A_1049 = tpu.memref_squeeze %dma_start3A_1048 : memref<1x8x128xf32, #tpu.memory_space<hbm>> -> memref<8x128xf32, #tpu.memory_space<hbm>>
      tpu.enqueue_dma source(%dma_start3A_1049 : memref<8x128xf32, #tpu.memory_space<hbm>>) target(%dma_start3A_1046 : memref<8x128xf32, #tpu.memory_space<vmem>>) target_semaphore(%arg12 : memref<!tpu.dma_semaphore, #tpu.memory_space<semaphore_mem>>)
      %dma_start3A_1050 = arith.constant 1 : i32
      %dma_start3A_1051 = arith.constant 248 : i32
      %dma_start3A_1052 = arith.constant 0 : i32
      %dma_start3A_1053 = tpu.memref_slice %arg10[%dma_start3A_1051, %dma_start3A_1052] : memref<256x128xf32, #tpu.memory_space<vmem>> -> memref<8x128xf32, #tpu.memory_space<vmem>>
      %dma_start3A_1054 = arith.constant 0 : i32
      %dma_start3A_1055 = tpu.memref_slice %arg3[%dma_start3A_1050, %dma_start3A_1054, %multiple_of3A_1010] : memref<2x8x1000000xf32, #tpu.memory_space<hbm>> -> memref<1x8x128xf32, #tpu.memory_space<hbm>>
      %dma_start3A_1056 = tpu.memref_squeeze %dma_start3A_1055 : memref<1x8x128xf32, #tpu.memory_space<hbm>> -> memref<8x128xf32, #tpu.memory_space<hbm>>
      %dma_start3A_1057 = arith.constant 248 : i32
      %dma_start3A_1058 = arith.constant 0 : i32
      %dma_start3A_1059 = tpu.memref_slice %arg10[%dma_start3A_1057, %dma_start3A_1058] : memref<256x128xf32, #tpu.memory_space<vmem>> -> memref<8x128xf32, #tpu.memory_space<vmem>>
      %dma_start3A_1060 = arith.constant 0 : i32
      %dma_start3A_1061 = tpu.memref_slice %arg3[%dma_start3A_1050, %dma_start3A_1060, %multiple_of3A_1010] : memref<2x8x1000000xf32, #tpu.memory_space<hbm>> -> memref<1x8x128xf32, #tpu.memory_space<hbm>>
      %dma_start3A_1062 = tpu.memref_squeeze %dma_start3A_1061 : memref<1x8x128xf32, #tpu.memory_space<hbm>> -> memref<8x128xf32, #tpu.memory_space<hbm>>
      tpu.enqueue_dma source(%dma_start3A_1062 : memref<8x128xf32, #tpu.memory_space<hbm>>) target(%dma_start3A_1059 : memref<8x128xf32, #tpu.memory_space<vmem>>) target_semaphore(%arg12 : memref<!tpu.dma_semaphore, #tpu.memory_space<semaphore_mem>>)
      %dma_wait3A = arith.constant 0 : i32
      %dma_wait3A_1063 = arith.constant 0 : i32
      %dma_wait3A_1064 = arith.constant 0 : i32
      %dma_wait3A_1065 = tpu.memref_slice %arg9[%dma_wait3A_1063, %dma_wait3A_1064] : memref<256x128xf32, #tpu.memory_space<vmem>> -> memref<8x128xf32, #tpu.memory_space<vmem>>
      %dma_wait3A_1066 = arith.constant 0 : i32
      %dma_wait3A_1067 = tpu.memref_slice %arg2[%dma_wait3A, %dma_wait3A_1066, %multiple_of3A] : memref<2x8x1000000xf32, #tpu.memory_space<hbm>> -> memref<1x8x128xf32, #tpu.memory_space<hbm>>
      %dma_wait3A_1068 = tpu.memref_squeeze %dma_wait3A_1067 : memref<1x8x128xf32, #tpu.memory_space<hbm>> -> memref<8x128xf32, #tpu.memory_space<hbm>>
      %dma_wait3A_1069 = arith.constant 0 : i32
      %dma_wait3A_1070 = arith.constant 0 : i32
      %dma_wait3A_1071 = tpu.memref_slice %arg9[%dma_wait3A_1069, %dma_wait3A_1070] : memref<256x128xf32, #tpu.memory_space<vmem>> -> memref<8x128xf32, #tpu.memory_space<vmem>>
      %dma_wait3A_1072 = arith.constant 0 : i32
      %dma_wait3A_1073 = tpu.memref_slice %arg2[%dma_wait3A, %dma_wait3A_1072, %multiple_of3A] : memref<2x8x1000000xf32, #tpu.memory_space<hbm>> -> memref<1x8x128xf32, #tpu.memory_space<hbm>>
      %dma_wait3A_1074 = tpu.memref_squeeze %dma_wait3A_1073 : memref<1x8x128xf32, #tpu.memory_space<hbm>> -> memref<8x128xf32, #tpu.memory_space<hbm>>
      tpu.wait_dma2 semaphore(%arg12 : memref<!tpu.dma_semaphore, #tpu.memory_space<semaphore_mem>>) src(%dma_wait3A_1074 : memref<8x128xf32, #tpu.memory_space<hbm>>) dst(%dma_wait3A_1071 : memref<8x128xf32, #tpu.memory_space<vmem>>)
      %dma_wait3A_1075 = arith.constant 0 : i32
      %dma_wait3A_1076 = arith.constant 0 : i32
      %dma_wait3A_1077 = arith.constant 0 : i32
      %dma_wait3A_1078 = tpu.memref_slice %arg10[%dma_wait3A_1076, %dma_wait3A_1077] : memref<256x128xf32, #tpu.memory_space<vmem>> -> memref<8x128xf32, #tpu.memory_space<vmem>>
      %dma_wait3A_1079 = arith.constant 0 : i32
      %dma_wait3A_1080 = tpu.memref_slice %arg3[%dma_wait3A_1075, %dma_wait3A_1079, %multiple_of3A_21] : memref<2x8x1000000xf32, #tpu.memory_space<hbm>> -> memref<1x8x128xf32, #tpu.memory_space<hbm>>
      %dma_wait3A_1081 = tpu.memref_squeeze %dma_wait3A_1080 : memref<1x8x128xf32, #tpu.memory_space<hbm>> -> memref<8x128xf32, #tpu.memory_space<hbm>>
      %dma_wait3A_1082 = arith.constant 0 : i32
      %dma_wait3A_1083 = arith.constant 0 : i32
      %dma_wait3A_1084 = tpu.memref_slice %arg10[%dma_wait3A_1082, %dma_wait3A_1083] : memref<256x128xf32, #tpu.memory_space<vmem>> -> memref<8x128xf32, #tpu.memory_space<vmem>>
      %dma_wait3A_1085 = arith.constant 0 : i32
      %dma_wait3A_1086 = tpu.memref_slice %arg3[%dma_wait3A_1075, %dma_wait3A_1085, %multiple_of3A_21] : memref<2x8x1000000xf32, #tpu.memory_space<hbm>> -> memref<1x8x128xf32, #tpu.memory_space<hbm>>
      %dma_wait3A_1087 = tpu.memref_squeeze %dma_wait3A_1086 : memref<1x8x128xf32, #tpu.memory_space<hbm>> -> memref<8x128xf32, #tpu.memory_space<hbm>>
      tpu.wait_dma2 semaphore(%arg12 : memref<!tpu.dma_semaphore, #tpu.memory_space<semaphore_mem>>) src(%dma_wait3A_1087 : memref<8x128xf32, #tpu.memory_space<hbm>>) dst(%dma_wait3A_1084 : memref<8x128xf32, #tpu.memory_space<vmem>>)
      %dma_wait3A_1088 = arith.constant 1 : i32
      %dma_wait3A_1089 = arith.constant 8 : i32
      %dma_wait3A_1090 = arith.constant 0 : i32
      %dma_wait3A_1091 = tpu.memref_slice %arg9[%dma_wait3A_1089, %dma_wait3A_1090] : memref<256x128xf32, #tpu.memory_space<vmem>> -> memref<8x128xf32, #tpu.memory_space<vmem>>
      %dma_wait3A_1092 = arith.constant 0 : i32
      %dma_wait3A_1093 = tpu.memref_slice %arg2[%dma_wait3A_1088, %dma_wait3A_1092, %multiple_of3A] : memref<2x8x1000000xf32, #tpu.memory_space<hbm>> -> memref<1x8x128xf32, #tpu.memory_space<hbm>>
      %dma_wait3A_1094 = tpu.memref_squeeze %dma_wait3A_1093 : memref<1x8x128xf32, #tpu.memory_space<hbm>> -> memref<8x128xf32, #tpu.memory_space<hbm>>
      %dma_wait3A_1095 = arith.constant 8 : i32
      %dma_wait3A_1096 = arith.constant 0 : i32
      %dma_wait3A_1097 = tpu.memref_slice %arg9[%dma_wait3A_1095, %dma_wait3A_1096] : memref<256x128xf32, #tpu.memory_space<vmem>> -> memref<8x128xf32, #tpu.memory_space<vmem>>
      %dma_wait3A_1098 = arith.constant 0 : i32
      %dma_wait3A_1099 = tpu.memref_slice %arg2[%dma_wait3A_1088, %dma_wait3A_1098, %multiple_of3A] : memref<2x8x1000000xf32, #tpu.memory_space<hbm>> -> memref<1x8x128xf32, #tpu.memory_space<hbm>>
      %dma_wait3A_1100 = tpu.memref_squeeze %dma_wait3A_1099 : memref<1x8x128xf32, #tpu.memory_space<hbm>> -> memref<8x128xf32, #tpu.memory_space<hbm>>
      tpu.wait_dma2 semaphore(%arg12 : memref<!tpu.dma_semaphore, #tpu.memory_space<semaphore_mem>>) src(%dma_wait3A_1100 : memref<8x128xf32, #tpu.memory_space<hbm>>) dst(%dma_wait3A_1097 : memref<8x128xf32, #tpu.memory_space<vmem>>)
      %dma_wait3A_1101 = arith.constant 1 : i32
      %dma_wait3A_1102 = arith.constant 8 : i32
      %dma_wait3A_1103 = arith.constant 0 : i32
      %dma_wait3A_1104 = tpu.memref_slice %arg10[%dma_wait3A_1102, %dma_wait3A_1103] : memref<256x128xf32, #tpu.memory_space<vmem>> -> memref<8x128xf32, #tpu.memory_space<vmem>>
      %dma_wait3A_1105 = arith.constant 0 : i32
      %dma_wait3A_1106 = tpu.memref_slice %arg3[%dma_wait3A_1101, %dma_wait3A_1105, %multiple_of3A_21] : memref<2x8x1000000xf32, #tpu.memory_space<hbm>> -> memref<1x8x128xf32, #tpu.memory_space<hbm>>
      %dma_wait3A_1107 = tpu.memref_squeeze %dma_wait3A_1106 : memref<1x8x128xf32, #tpu.memory_space<hbm>> -> memref<8x128xf32, #tpu.memory_space<hbm>>
      %dma_wait3A_1108 = arith.constant 8 : i32
      %dma_wait3A_1109 = arith.constant 0 : i32
      %dma_wait3A_1110 = tpu.memref_slice %arg10[%dma_wait3A_1108, %dma_wait3A_1109] : memref<256x128xf32, #tpu.memory_space<vmem>> -> memref<8x128xf32, #tpu.memory_space<vmem>>
      %dma_wait3A_1111 = arith.constant 0 : i32
      %dma_wait3A_1112 = tpu.memref_slice %arg3[%dma_wait3A_1101, %dma_wait3A_1111, %multiple_of3A_21] : memref<2x8x1000000xf32, #tpu.memory_space<hbm>> -> memref<1x8x128xf32, #tpu.memory_space<hbm>>
      %dma_wait3A_1113 = tpu.memref_squeeze %dma_wait3A_1112 : memref<1x8x128xf32, #tpu.memory_space<hbm>> -> memref<8x128xf32, #tpu.memory_space<hbm>>
      tpu.wait_dma2 semaphore(%arg12 : memref<!tpu.dma_semaphore, #tpu.memory_space<semaphore_mem>>) src(%dma_wait3A_1113 : memref<8x128xf32, #tpu.memory_space<hbm>>) dst(%dma_wait3A_1110 : memref<8x128xf32, #tpu.memory_space<vmem>>)
      %dma_wait3A_1114 = arith.constant 0 : i32
      %dma_wait3A_1115 = arith.constant 16 : i32
      %dma_wait3A_1116 = arith.constant 0 : i32
      %dma_wait3A_1117 = tpu.memref_slice %arg9[%dma_wait3A_1115, %dma_wait3A_1116] : memref<256x128xf32, #tpu.memory_space<vmem>> -> memref<8x128xf32, #tpu.memory_space<vmem>>
      %dma_wait3A_1118 = arith.constant 0 : i32
      %dma_wait3A_1119 = tpu.memref_slice %arg2[%dma_wait3A_1114, %dma_wait3A_1118, %multiple_of3A_79] : memref<2x8x1000000xf32, #tpu.memory_space<hbm>> -> memref<1x8x128xf32, #tpu.memory_space<hbm>>
      %dma_wait3A_1120 = tpu.memref_squeeze %dma_wait3A_1119 : memref<1x8x128xf32, #tpu.memory_space<hbm>> -> memref<8x128xf32, #tpu.memory_space<hbm>>
      %dma_wait3A_1121 = arith.constant 16 : i32
      %dma_wait3A_1122 = arith.constant 0 : i32
      %dma_wait3A_1123 = tpu.memref_slice %arg9[%dma_wait3A_1121, %dma_wait3A_1122] : memref<256x128xf32, #tpu.memory_space<vmem>> -> memref<8x128xf32, #tpu.memory_space<vmem>>
      %dma_wait3A_1124 = arith.constant 0 : i32
      %dma_wait3A_1125 = tpu.memref_slice %arg2[%dma_wait3A_1114, %dma_wait3A_1124, %multiple_of3A_79] : memref<2x8x1000000xf32, #tpu.memory_space<hbm>> -> memref<1x8x128xf32, #tpu.memory_space<hbm>>
      %dma_wait3A_1126 = tpu.memref_squeeze %dma_wait3A_1125 : memref<1x8x128xf32, #tpu.memory_space<hbm>> -> memref<8x128xf32, #tpu.memory_space<hbm>>
      tpu.wait_dma2 semaphore(%arg12 : memref<!tpu.dma_semaphore, #tpu.memory_space<semaphore_mem>>) src(%dma_wait3A_1126 : memref<8x128xf32, #tpu.memory_space<hbm>>) dst(%dma_wait3A_1123 : memref<8x128xf32, #tpu.memory_space<vmem>>)
      %dma_wait3A_1127 = arith.constant 0 : i32
      %dma_wait3A_1128 = arith.constant 16 : i32
      %dma_wait3A_1129 = arith.constant 0 : i32
      %dma_wait3A_1130 = tpu.memref_slice %arg10[%dma_wait3A_1128, %dma_wait3A_1129] : memref<256x128xf32, #tpu.memory_space<vmem>> -> memref<8x128xf32, #tpu.memory_space<vmem>>
      %dma_wait3A_1131 = arith.constant 0 : i32
      %dma_wait3A_1132 = tpu.memref_slice %arg3[%dma_wait3A_1127, %dma_wait3A_1131, %multiple_of3A_86] : memref<2x8x1000000xf32, #tpu.memory_space<hbm>> -> memref<1x8x128xf32, #tpu.memory_space<hbm>>
      %dma_wait3A_1133 = tpu.memref_squeeze %dma_wait3A_1132 : memref<1x8x128xf32, #tpu.memory_space<hbm>> -> memref<8x128xf32, #tpu.memory_space<hbm>>
      %dma_wait3A_1134 = arith.constant 16 : i32
      %dma_wait3A_1135 = arith.constant 0 : i32
      %dma_wait3A_1136 = tpu.memref_slice %arg10[%dma_wait3A_1134, %dma_wait3A_1135] : memref<256x128xf32, #tpu.memory_space<vmem>> -> memref<8x128xf32, #tpu.memory_space<vmem>>
      %dma_wait3A_1137 = arith.constant 0 : i32
      %dma_wait3A_1138 = tpu.memref_slice %arg3[%dma_wait3A_1127, %dma_wait3A_1137, %multiple_of3A_86] : memref<2x8x1000000xf32, #tpu.memory_space<hbm>> -> memref<1x8x128xf32, #tpu.memory_space<hbm>>
      %dma_wait3A_1139 = tpu.memref_squeeze %dma_wait3A_1138 : memref<1x8x128xf32, #tpu.memory_space<hbm>> -> memref<8x128xf32, #tpu.memory_space<hbm>>
      tpu.wait_dma2 semaphore(%arg12 : memref<!tpu.dma_semaphore, #tpu.memory_space<semaphore_mem>>) src(%dma_wait3A_1139 : memref<8x128xf32, #tpu.memory_space<hbm>>) dst(%dma_wait3A_1136 : memref<8x128xf32, #tpu.memory_space<vmem>>)
      %dma_wait3A_1140 = arith.constant 1 : i32
      %dma_wait3A_1141 = arith.constant 24 : i32
      %dma_wait3A_1142 = arith.constant 0 : i32
      %dma_wait3A_1143 = tpu.memref_slice %arg9[%dma_wait3A_1141, %dma_wait3A_1142] : memref<256x128xf32, #tpu.memory_space<vmem>> -> memref<8x128xf32, #tpu.memory_space<vmem>>
      %dma_wait3A_1144 = arith.constant 0 : i32
      %dma_wait3A_1145 = tpu.memref_slice %arg2[%dma_wait3A_1140, %dma_wait3A_1144, %multiple_of3A_79] : memref<2x8x1000000xf32, #tpu.memory_space<hbm>> -> memref<1x8x128xf32, #tpu.memory_space<hbm>>
      %dma_wait3A_1146 = tpu.memref_squeeze %dma_wait3A_1145 : memref<1x8x128xf32, #tpu.memory_space<hbm>> -> memref<8x128xf32, #tpu.memory_space<hbm>>
      %dma_wait3A_1147 = arith.constant 24 : i32
      %dma_wait3A_1148 = arith.constant 0 : i32
      %dma_wait3A_1149 = tpu.memref_slice %arg9[%dma_wait3A_1147, %dma_wait3A_1148] : memref<256x128xf32, #tpu.memory_space<vmem>> -> memref<8x128xf32, #tpu.memory_space<vmem>>
      %dma_wait3A_1150 = arith.constant 0 : i32
      %dma_wait3A_1151 = tpu.memref_slice %arg2[%dma_wait3A_1140, %dma_wait3A_1150, %multiple_of3A_79] : memref<2x8x1000000xf32, #tpu.memory_space<hbm>> -> memref<1x8x128xf32, #tpu.memory_space<hbm>>
      %dma_wait3A_1152 = tpu.memref_squeeze %dma_wait3A_1151 : memref<1x8x128xf32, #tpu.memory_space<hbm>> -> memref<8x128xf32, #tpu.memory_space<hbm>>
      tpu.wait_dma2 semaphore(%arg12 : memref<!tpu.dma_semaphore, #tpu.memory_space<semaphore_mem>>) src(%dma_wait3A_1152 : memref<8x128xf32, #tpu.memory_space<hbm>>) dst(%dma_wait3A_1149 : memref<8x128xf32, #tpu.memory_space<vmem>>)
      %dma_wait3A_1153 = arith.constant 1 : i32
      %dma_wait3A_1154 = arith.constant 24 : i32
      %dma_wait3A_1155 = arith.constant 0 : i32
      %dma_wait3A_1156 = tpu.memref_slice %arg10[%dma_wait3A_1154, %dma_wait3A_1155] : memref<256x128xf32, #tpu.memory_space<vmem>> -> memref<8x128xf32, #tpu.memory_space<vmem>>
      %dma_wait3A_1157 = arith.constant 0 : i32
      %dma_wait3A_1158 = tpu.memref_slice %arg3[%dma_wait3A_1153, %dma_wait3A_1157, %multiple_of3A_86] : memref<2x8x1000000xf32, #tpu.memory_space<hbm>> -> memref<1x8x128xf32, #tpu.memory_space<hbm>>
      %dma_wait3A_1159 = tpu.memref_squeeze %dma_wait3A_1158 : memref<1x8x128xf32, #tpu.memory_space<hbm>> -> memref<8x128xf32, #tpu.memory_space<hbm>>
      %dma_wait3A_1160 = arith.constant 24 : i32
      %dma_wait3A_1161 = arith.constant 0 : i32
      %dma_wait3A_1162 = tpu.memref_slice %arg10[%dma_wait3A_1160, %dma_wait3A_1161] : memref<256x128xf32, #tpu.memory_space<vmem>> -> memref<8x128xf32, #tpu.memory_space<vmem>>
      %dma_wait3A_1163 = arith.constant 0 : i32
      %dma_wait3A_1164 = tpu.memref_slice %arg3[%dma_wait3A_1153, %dma_wait3A_1163, %multiple_of3A_86] : memref<2x8x1000000xf32, #tpu.memory_space<hbm>> -> memref<1x8x128xf32, #tpu.memory_space<hbm>>
      %dma_wait3A_1165 = tpu.memref_squeeze %dma_wait3A_1164 : memref<1x8x128xf32, #tpu.memory_space<hbm>> -> memref<8x128xf32, #tpu.memory_space<hbm>>
      tpu.wait_dma2 semaphore(%arg12 : memref<!tpu.dma_semaphore, #tpu.memory_space<semaphore_mem>>) src(%dma_wait3A_1165 : memref<8x128xf32, #tpu.memory_space<hbm>>) dst(%dma_wait3A_1162 : memref<8x128xf32, #tpu.memory_space<vmem>>)
      %dma_wait3A_1166 = arith.constant 0 : i32
      %dma_wait3A_1167 = arith.constant 32 : i32
      %dma_wait3A_1168 = arith.constant 0 : i32
      %dma_wait3A_1169 = tpu.memref_slice %arg9[%dma_wait3A_1167, %dma_wait3A_1168] : memref<256x128xf32, #tpu.memory_space<vmem>> -> memref<8x128xf32, #tpu.memory_space<vmem>>
      %dma_wait3A_1170 = arith.constant 0 : i32
      %dma_wait3A_1171 = tpu.memref_slice %arg2[%dma_wait3A_1166, %dma_wait3A_1170, %multiple_of3A_145] : memref<2x8x1000000xf32, #tpu.memory_space<hbm>> -> memref<1x8x128xf32, #tpu.memory_space<hbm>>
      %dma_wait3A_1172 = tpu.memref_squeeze %dma_wait3A_1171 : memref<1x8x128xf32, #tpu.memory_space<hbm>> -> memref<8x128xf32, #tpu.memory_space<hbm>>
      %dma_wait3A_1173 = arith.constant 32 : i32
      %dma_wait3A_1174 = arith.constant 0 : i32
      %dma_wait3A_1175 = tpu.memref_slice %arg9[%dma_wait3A_1173, %dma_wait3A_1174] : memref<256x128xf32, #tpu.memory_space<vmem>> -> memref<8x128xf32, #tpu.memory_space<vmem>>
      %dma_wait3A_1176 = arith.constant 0 : i32
      %dma_wait3A_1177 = tpu.memref_slice %arg2[%dma_wait3A_1166, %dma_wait3A_1176, %multiple_of3A_145] : memref<2x8x1000000xf32, #tpu.memory_space<hbm>> -> memref<1x8x128xf32, #tpu.memory_space<hbm>>
      %dma_wait3A_1178 = tpu.memref_squeeze %dma_wait3A_1177 : memref<1x8x128xf32, #tpu.memory_space<hbm>> -> memref<8x128xf32, #tpu.memory_space<hbm>>
      tpu.wait_dma2 semaphore(%arg12 : memref<!tpu.dma_semaphore, #tpu.memory_space<semaphore_mem>>) src(%dma_wait3A_1178 : memref<8x128xf32, #tpu.memory_space<hbm>>) dst(%dma_wait3A_1175 : memref<8x128xf32, #tpu.memory_space<vmem>>)
      %dma_wait3A_1179 = arith.constant 0 : i32
      %dma_wait3A_1180 = arith.constant 32 : i32
      %dma_wait3A_1181 = arith.constant 0 : i32
      %dma_wait3A_1182 = tpu.memref_slice %arg10[%dma_wait3A_1180, %dma_wait3A_1181] : memref<256x128xf32, #tpu.memory_space<vmem>> -> memref<8x128xf32, #tpu.memory_space<vmem>>
      %dma_wait3A_1183 = arith.constant 0 : i32
      %dma_wait3A_1184 = tpu.memref_slice %arg3[%dma_wait3A_1179, %dma_wait3A_1183, %multiple_of3A_152] : memref<2x8x1000000xf32, #tpu.memory_space<hbm>> -> memref<1x8x128xf32, #tpu.memory_space<hbm>>
      %dma_wait3A_1185 = tpu.memref_squeeze %dma_wait3A_1184 : memref<1x8x128xf32, #tpu.memory_space<hbm>> -> memref<8x128xf32, #tpu.memory_space<hbm>>
      %dma_wait3A_1186 = arith.constant 32 : i32
      %dma_wait3A_1187 = arith.constant 0 : i32
      %dma_wait3A_1188 = tpu.memref_slice %arg10[%dma_wait3A_1186, %dma_wait3A_1187] : memref<256x128xf32, #tpu.memory_space<vmem>> -> memref<8x128xf32, #tpu.memory_space<vmem>>
      %dma_wait3A_1189 = arith.constant 0 : i32
      %dma_wait3A_1190 = tpu.memref_slice %arg3[%dma_wait3A_1179, %dma_wait3A_1189, %multiple_of3A_152] : memref<2x8x1000000xf32, #tpu.memory_space<hbm>> -> memref<1x8x128xf32, #tpu.memory_space<hbm>>
      %dma_wait3A_1191 = tpu.memref_squeeze %dma_wait3A_1190 : memref<1x8x128xf32, #tpu.memory_space<hbm>> -> memref<8x128xf32, #tpu.memory_space<hbm>>
      tpu.wait_dma2 semaphore(%arg12 : memref<!tpu.dma_semaphore, #tpu.memory_space<semaphore_mem>>) src(%dma_wait3A_1191 : memref<8x128xf32, #tpu.memory_space<hbm>>) dst(%dma_wait3A_1188 : memref<8x128xf32, #tpu.memory_space<vmem>>)
      %dma_wait3A_1192 = arith.constant 1 : i32
      %dma_wait3A_1193 = arith.constant 40 : i32
      %dma_wait3A_1194 = arith.constant 0 : i32
      %dma_wait3A_1195 = tpu.memref_slice %arg9[%dma_wait3A_1193, %dma_wait3A_1194] : memref<256x128xf32, #tpu.memory_space<vmem>> -> memref<8x128xf32, #tpu.memory_space<vmem>>
      %dma_wait3A_1196 = arith.constant 0 : i32
      %dma_wait3A_1197 = tpu.memref_slice %arg2[%dma_wait3A_1192, %dma_wait3A_1196, %multiple_of3A_145] : memref<2x8x1000000xf32, #tpu.memory_space<hbm>> -> memref<1x8x128xf32, #tpu.memory_space<hbm>>
      %dma_wait3A_1198 = tpu.memref_squeeze %dma_wait3A_1197 : memref<1x8x128xf32, #tpu.memory_space<hbm>> -> memref<8x128xf32, #tpu.memory_space<hbm>>
      %dma_wait3A_1199 = arith.constant 40 : i32
      %dma_wait3A_1200 = arith.constant 0 : i32
      %dma_wait3A_1201 = tpu.memref_slice %arg9[%dma_wait3A_1199, %dma_wait3A_1200] : memref<256x128xf32, #tpu.memory_space<vmem>> -> memref<8x128xf32, #tpu.memory_space<vmem>>
      %dma_wait3A_1202 = arith.constant 0 : i32
      %dma_wait3A_1203 = tpu.memref_slice %arg2[%dma_wait3A_1192, %dma_wait3A_1202, %multiple_of3A_145] : memref<2x8x1000000xf32, #tpu.memory_space<hbm>> -> memref<1x8x128xf32, #tpu.memory_space<hbm>>
      %dma_wait3A_1204 = tpu.memref_squeeze %dma_wait3A_1203 : memref<1x8x128xf32, #tpu.memory_space<hbm>> -> memref<8x128xf32, #tpu.memory_space<hbm>>
      tpu.wait_dma2 semaphore(%arg12 : memref<!tpu.dma_semaphore, #tpu.memory_space<semaphore_mem>>) src(%dma_wait3A_1204 : memref<8x128xf32, #tpu.memory_space<hbm>>) dst(%dma_wait3A_1201 : memref<8x128xf32, #tpu.memory_space<vmem>>)
      %dma_wait3A_1205 = arith.constant 1 : i32
      %dma_wait3A_1206 = arith.constant 40 : i32
      %dma_wait3A_1207 = arith.constant 0 : i32
      %dma_wait3A_1208 = tpu.memref_slice %arg10[%dma_wait3A_1206, %dma_wait3A_1207] : memref<256x128xf32, #tpu.memory_space<vmem>> -> memref<8x128xf32, #tpu.memory_space<vmem>>
      %dma_wait3A_1209 = arith.constant 0 : i32
      %dma_wait3A_1210 = tpu.memref_slice %arg3[%dma_wait3A_1205, %dma_wait3A_1209, %multiple_of3A_152] : memref<2x8x1000000xf32, #tpu.memory_space<hbm>> -> memref<1x8x128xf32, #tpu.memory_space<hbm>>
      %dma_wait3A_1211 = tpu.memref_squeeze %dma_wait3A_1210 : memref<1x8x128xf32, #tpu.memory_space<hbm>> -> memref<8x128xf32, #tpu.memory_space<hbm>>
      %dma_wait3A_1212 = arith.constant 40 : i32
      %dma_wait3A_1213 = arith.constant 0 : i32
      %dma_wait3A_1214 = tpu.memref_slice %arg10[%dma_wait3A_1212, %dma_wait3A_1213] : memref<256x128xf32, #tpu.memory_space<vmem>> -> memref<8x128xf32, #tpu.memory_space<vmem>>
      %dma_wait3A_1215 = arith.constant 0 : i32
      %dma_wait3A_1216 = tpu.memref_slice %arg3[%dma_wait3A_1205, %dma_wait3A_1215, %multiple_of3A_152] : memref<2x8x1000000xf32, #tpu.memory_space<hbm>> -> memref<1x8x128xf32, #tpu.memory_space<hbm>>
      %dma_wait3A_1217 = tpu.memref_squeeze %dma_wait3A_1216 : memref<1x8x128xf32, #tpu.memory_space<hbm>> -> memref<8x128xf32, #tpu.memory_space<hbm>>
      tpu.wait_dma2 semaphore(%arg12 : memref<!tpu.dma_semaphore, #tpu.memory_space<semaphore_mem>>) src(%dma_wait3A_1217 : memref<8x128xf32, #tpu.memory_space<hbm>>) dst(%dma_wait3A_1214 : memref<8x128xf32, #tpu.memory_space<vmem>>)
      %dma_wait3A_1218 = arith.constant 0 : i32
      %dma_wait3A_1219 = arith.constant 48 : i32
      %dma_wait3A_1220 = arith.constant 0 : i32
      %dma_wait3A_1221 = tpu.memref_slice %arg9[%dma_wait3A_1219, %dma_wait3A_1220] : memref<256x128xf32, #tpu.memory_space<vmem>> -> memref<8x128xf32, #tpu.memory_space<vmem>>
      %dma_wait3A_1222 = arith.constant 0 : i32
      %dma_wait3A_1223 = tpu.memref_slice %arg2[%dma_wait3A_1218, %dma_wait3A_1222, %multiple_of3A_211] : memref<2x8x1000000xf32, #tpu.memory_space<hbm>> -> memref<1x8x128xf32, #tpu.memory_space<hbm>>
      %dma_wait3A_1224 = tpu.memref_squeeze %dma_wait3A_1223 : memref<1x8x128xf32, #tpu.memory_space<hbm>> -> memref<8x128xf32, #tpu.memory_space<hbm>>
      %dma_wait3A_1225 = arith.constant 48 : i32
      %dma_wait3A_1226 = arith.constant 0 : i32
      %dma_wait3A_1227 = tpu.memref_slice %arg9[%dma_wait3A_1225, %dma_wait3A_1226] : memref<256x128xf32, #tpu.memory_space<vmem>> -> memref<8x128xf32, #tpu.memory_space<vmem>>
      %dma_wait3A_1228 = arith.constant 0 : i32
      %dma_wait3A_1229 = tpu.memref_slice %arg2[%dma_wait3A_1218, %dma_wait3A_1228, %multiple_of3A_211] : memref<2x8x1000000xf32, #tpu.memory_space<hbm>> -> memref<1x8x128xf32, #tpu.memory_space<hbm>>
      %dma_wait3A_1230 = tpu.memref_squeeze %dma_wait3A_1229 : memref<1x8x128xf32, #tpu.memory_space<hbm>> -> memref<8x128xf32, #tpu.memory_space<hbm>>
      tpu.wait_dma2 semaphore(%arg12 : memref<!tpu.dma_semaphore, #tpu.memory_space<semaphore_mem>>) src(%dma_wait3A_1230 : memref<8x128xf32, #tpu.memory_space<hbm>>) dst(%dma_wait3A_1227 : memref<8x128xf32, #tpu.memory_space<vmem>>)
      %dma_wait3A_1231 = arith.constant 0 : i32
      %dma_wait3A_1232 = arith.constant 48 : i32
      %dma_wait3A_1233 = arith.constant 0 : i32
      %dma_wait3A_1234 = tpu.memref_slice %arg10[%dma_wait3A_1232, %dma_wait3A_1233] : memref<256x128xf32, #tpu.memory_space<vmem>> -> memref<8x128xf32, #tpu.memory_space<vmem>>
      %dma_wait3A_1235 = arith.constant 0 : i32
      %dma_wait3A_1236 = tpu.memref_slice %arg3[%dma_wait3A_1231, %dma_wait3A_1235, %multiple_of3A_218] : memref<2x8x1000000xf32, #tpu.memory_space<hbm>> -> memref<1x8x128xf32, #tpu.memory_space<hbm>>
      %dma_wait3A_1237 = tpu.memref_squeeze %dma_wait3A_1236 : memref<1x8x128xf32, #tpu.memory_space<hbm>> -> memref<8x128xf32, #tpu.memory_space<hbm>>
      %dma_wait3A_1238 = arith.constant 48 : i32
      %dma_wait3A_1239 = arith.constant 0 : i32
      %dma_wait3A_1240 = tpu.memref_slice %arg10[%dma_wait3A_1238, %dma_wait3A_1239] : memref<256x128xf32, #tpu.memory_space<vmem>> -> memref<8x128xf32, #tpu.memory_space<vmem>>
      %dma_wait3A_1241 = arith.constant 0 : i32
      %dma_wait3A_1242 = tpu.memref_slice %arg3[%dma_wait3A_1231, %dma_wait3A_1241, %multiple_of3A_218] : memref<2x8x1000000xf32, #tpu.memory_space<hbm>> -> memref<1x8x128xf32, #tpu.memory_space<hbm>>
      %dma_wait3A_1243 = tpu.memref_squeeze %dma_wait3A_1242 : memref<1x8x128xf32, #tpu.memory_space<hbm>> -> memref<8x128xf32, #tpu.memory_space<hbm>>
      tpu.wait_dma2 semaphore(%arg12 : memref<!tpu.dma_semaphore, #tpu.memory_space<semaphore_mem>>) src(%dma_wait3A_1243 : memref<8x128xf32, #tpu.memory_space<hbm>>) dst(%dma_wait3A_1240 : memref<8x128xf32, #tpu.memory_space<vmem>>)
      %dma_wait3A_1244 = arith.constant 1 : i32
      %dma_wait3A_1245 = arith.constant 56 : i32
      %dma_wait3A_1246 = arith.constant 0 : i32
      %dma_wait3A_1247 = tpu.memref_slice %arg9[%dma_wait3A_1245, %dma_wait3A_1246] : memref<256x128xf32, #tpu.memory_space<vmem>> -> memref<8x128xf32, #tpu.memory_space<vmem>>
      %dma_wait3A_1248 = arith.constant 0 : i32
      %dma_wait3A_1249 = tpu.memref_slice %arg2[%dma_wait3A_1244, %dma_wait3A_1248, %multiple_of3A_211] : memref<2x8x1000000xf32, #tpu.memory_space<hbm>> -> memref<1x8x128xf32, #tpu.memory_space<hbm>>
      %dma_wait3A_1250 = tpu.memref_squeeze %dma_wait3A_1249 : memref<1x8x128xf32, #tpu.memory_space<hbm>> -> memref<8x128xf32, #tpu.memory_space<hbm>>
      %dma_wait3A_1251 = arith.constant 56 : i32
      %dma_wait3A_1252 = arith.constant 0 : i32
      %dma_wait3A_1253 = tpu.memref_slice %arg9[%dma_wait3A_1251, %dma_wait3A_1252] : memref<256x128xf32, #tpu.memory_space<vmem>> -> memref<8x128xf32, #tpu.memory_space<vmem>>
      %dma_wait3A_1254 = arith.constant 0 : i32
      %dma_wait3A_1255 = tpu.memref_slice %arg2[%dma_wait3A_1244, %dma_wait3A_1254, %multiple_of3A_211] : memref<2x8x1000000xf32, #tpu.memory_space<hbm>> -> memref<1x8x128xf32, #tpu.memory_space<hbm>>
      %dma_wait3A_1256 = tpu.memref_squeeze %dma_wait3A_1255 : memref<1x8x128xf32, #tpu.memory_space<hbm>> -> memref<8x128xf32, #tpu.memory_space<hbm>>
      tpu.wait_dma2 semaphore(%arg12 : memref<!tpu.dma_semaphore, #tpu.memory_space<semaphore_mem>>) src(%dma_wait3A_1256 : memref<8x128xf32, #tpu.memory_space<hbm>>) dst(%dma_wait3A_1253 : memref<8x128xf32, #tpu.memory_space<vmem>>)
      %dma_wait3A_1257 = arith.constant 1 : i32
      %dma_wait3A_1258 = arith.constant 56 : i32
      %dma_wait3A_1259 = arith.constant 0 : i32
      %dma_wait3A_1260 = tpu.memref_slice %arg10[%dma_wait3A_1258, %dma_wait3A_1259] : memref<256x128xf32, #tpu.memory_space<vmem>> -> memref<8x128xf32, #tpu.memory_space<vmem>>
      %dma_wait3A_1261 = arith.constant 0 : i32
      %dma_wait3A_1262 = tpu.memref_slice %arg3[%dma_wait3A_1257, %dma_wait3A_1261, %multiple_of3A_218] : memref<2x8x1000000xf32, #tpu.memory_space<hbm>> -> memref<1x8x128xf32, #tpu.memory_space<hbm>>
      %dma_wait3A_1263 = tpu.memref_squeeze %dma_wait3A_1262 : memref<1x8x128xf32, #tpu.memory_space<hbm>> -> memref<8x128xf32, #tpu.memory_space<hbm>>
      %dma_wait3A_1264 = arith.constant 56 : i32
      %dma_wait3A_1265 = arith.constant 0 : i32
      %dma_wait3A_1266 = tpu.memref_slice %arg10[%dma_wait3A_1264, %dma_wait3A_1265] : memref<256x128xf32, #tpu.memory_space<vmem>> -> memref<8x128xf32, #tpu.memory_space<vmem>>
      %dma_wait3A_1267 = arith.constant 0 : i32
      %dma_wait3A_1268 = tpu.memref_slice %arg3[%dma_wait3A_1257, %dma_wait3A_1267, %multiple_of3A_218] : memref<2x8x1000000xf32, #tpu.memory_space<hbm>> -> memref<1x8x128xf32, #tpu.memory_space<hbm>>
      %dma_wait3A_1269 = tpu.memref_squeeze %dma_wait3A_1268 : memref<1x8x128xf32, #tpu.memory_space<hbm>> -> memref<8x128xf32, #tpu.memory_space<hbm>>
      tpu.wait_dma2 semaphore(%arg12 : memref<!tpu.dma_semaphore, #tpu.memory_space<semaphore_mem>>) src(%dma_wait3A_1269 : memref<8x128xf32, #tpu.memory_space<hbm>>) dst(%dma_wait3A_1266 : memref<8x128xf32, #tpu.memory_space<vmem>>)
      %dma_wait3A_1270 = arith.constant 0 : i32
      %dma_wait3A_1271 = arith.constant 64 : i32
      %dma_wait3A_1272 = arith.constant 0 : i32
      %dma_wait3A_1273 = tpu.memref_slice %arg9[%dma_wait3A_1271, %dma_wait3A_1272] : memref<256x128xf32, #tpu.memory_space<vmem>> -> memref<8x128xf32, #tpu.memory_space<vmem>>
      %dma_wait3A_1274 = arith.constant 0 : i32
      %dma_wait3A_1275 = tpu.memref_slice %arg2[%dma_wait3A_1270, %dma_wait3A_1274, %multiple_of3A_277] : memref<2x8x1000000xf32, #tpu.memory_space<hbm>> -> memref<1x8x128xf32, #tpu.memory_space<hbm>>
      %dma_wait3A_1276 = tpu.memref_squeeze %dma_wait3A_1275 : memref<1x8x128xf32, #tpu.memory_space<hbm>> -> memref<8x128xf32, #tpu.memory_space<hbm>>
      %dma_wait3A_1277 = arith.constant 64 : i32
      %dma_wait3A_1278 = arith.constant 0 : i32
      %dma_wait3A_1279 = tpu.memref_slice %arg9[%dma_wait3A_1277, %dma_wait3A_1278] : memref<256x128xf32, #tpu.memory_space<vmem>> -> memref<8x128xf32, #tpu.memory_space<vmem>>
      %dma_wait3A_1280 = arith.constant 0 : i32
      %dma_wait3A_1281 = tpu.memref_slice %arg2[%dma_wait3A_1270, %dma_wait3A_1280, %multiple_of3A_277] : memref<2x8x1000000xf32, #tpu.memory_space<hbm>> -> memref<1x8x128xf32, #tpu.memory_space<hbm>>
      %dma_wait3A_1282 = tpu.memref_squeeze %dma_wait3A_1281 : memref<1x8x128xf32, #tpu.memory_space<hbm>> -> memref<8x128xf32, #tpu.memory_space<hbm>>
      tpu.wait_dma2 semaphore(%arg12 : memref<!tpu.dma_semaphore, #tpu.memory_space<semaphore_mem>>) src(%dma_wait3A_1282 : memref<8x128xf32, #tpu.memory_space<hbm>>) dst(%dma_wait3A_1279 : memref<8x128xf32, #tpu.memory_space<vmem>>)
      %dma_wait3A_1283 = arith.constant 0 : i32
      %dma_wait3A_1284 = arith.constant 64 : i32
      %dma_wait3A_1285 = arith.constant 0 : i32
      %dma_wait3A_1286 = tpu.memref_slice %arg10[%dma_wait3A_1284, %dma_wait3A_1285] : memref<256x128xf32, #tpu.memory_space<vmem>> -> memref<8x128xf32, #tpu.memory_space<vmem>>
      %dma_wait3A_1287 = arith.constant 0 : i32
      %dma_wait3A_1288 = tpu.memref_slice %arg3[%dma_wait3A_1283, %dma_wait3A_1287, %multiple_of3A_284] : memref<2x8x1000000xf32, #tpu.memory_space<hbm>> -> memref<1x8x128xf32, #tpu.memory_space<hbm>>
      %dma_wait3A_1289 = tpu.memref_squeeze %dma_wait3A_1288 : memref<1x8x128xf32, #tpu.memory_space<hbm>> -> memref<8x128xf32, #tpu.memory_space<hbm>>
      %dma_wait3A_1290 = arith.constant 64 : i32
      %dma_wait3A_1291 = arith.constant 0 : i32
      %dma_wait3A_1292 = tpu.memref_slice %arg10[%dma_wait3A_1290, %dma_wait3A_1291] : memref<256x128xf32, #tpu.memory_space<vmem>> -> memref<8x128xf32, #tpu.memory_space<vmem>>
      %dma_wait3A_1293 = arith.constant 0 : i32
      %dma_wait3A_1294 = tpu.memref_slice %arg3[%dma_wait3A_1283, %dma_wait3A_1293, %multiple_of3A_284] : memref<2x8x1000000xf32, #tpu.memory_space<hbm>> -> memref<1x8x128xf32, #tpu.memory_space<hbm>>
      %dma_wait3A_1295 = tpu.memref_squeeze %dma_wait3A_1294 : memref<1x8x128xf32, #tpu.memory_space<hbm>> -> memref<8x128xf32, #tpu.memory_space<hbm>>
      tpu.wait_dma2 semaphore(%arg12 : memref<!tpu.dma_semaphore, #tpu.memory_space<semaphore_mem>>) src(%dma_wait3A_1295 : memref<8x128xf32, #tpu.memory_space<hbm>>) dst(%dma_wait3A_1292 : memref<8x128xf32, #tpu.memory_space<vmem>>)
      %dma_wait3A_1296 = arith.constant 1 : i32
      %dma_wait3A_1297 = arith.constant 72 : i32
      %dma_wait3A_1298 = arith.constant 0 : i32
      %dma_wait3A_1299 = tpu.memref_slice %arg9[%dma_wait3A_1297, %dma_wait3A_1298] : memref<256x128xf32, #tpu.memory_space<vmem>> -> memref<8x128xf32, #tpu.memory_space<vmem>>
      %dma_wait3A_1300 = arith.constant 0 : i32
      %dma_wait3A_1301 = tpu.memref_slice %arg2[%dma_wait3A_1296, %dma_wait3A_1300, %multiple_of3A_277] : memref<2x8x1000000xf32, #tpu.memory_space<hbm>> -> memref<1x8x128xf32, #tpu.memory_space<hbm>>
      %dma_wait3A_1302 = tpu.memref_squeeze %dma_wait3A_1301 : memref<1x8x128xf32, #tpu.memory_space<hbm>> -> memref<8x128xf32, #tpu.memory_space<hbm>>
      %dma_wait3A_1303 = arith.constant 72 : i32
      %dma_wait3A_1304 = arith.constant 0 : i32
      %dma_wait3A_1305 = tpu.memref_slice %arg9[%dma_wait3A_1303, %dma_wait3A_1304] : memref<256x128xf32, #tpu.memory_space<vmem>> -> memref<8x128xf32, #tpu.memory_space<vmem>>
      %dma_wait3A_1306 = arith.constant 0 : i32
      %dma_wait3A_1307 = tpu.memref_slice %arg2[%dma_wait3A_1296, %dma_wait3A_1306, %multiple_of3A_277] : memref<2x8x1000000xf32, #tpu.memory_space<hbm>> -> memref<1x8x128xf32, #tpu.memory_space<hbm>>
      %dma_wait3A_1308 = tpu.memref_squeeze %dma_wait3A_1307 : memref<1x8x128xf32, #tpu.memory_space<hbm>> -> memref<8x128xf32, #tpu.memory_space<hbm>>
      tpu.wait_dma2 semaphore(%arg12 : memref<!tpu.dma_semaphore, #tpu.memory_space<semaphore_mem>>) src(%dma_wait3A_1308 : memref<8x128xf32, #tpu.memory_space<hbm>>) dst(%dma_wait3A_1305 : memref<8x128xf32, #tpu.memory_space<vmem>>)
      %dma_wait3A_1309 = arith.constant 1 : i32
      %dma_wait3A_1310 = arith.constant 72 : i32
      %dma_wait3A_1311 = arith.constant 0 : i32
      %dma_wait3A_1312 = tpu.memref_slice %arg10[%dma_wait3A_1310, %dma_wait3A_1311] : memref<256x128xf32, #tpu.memory_space<vmem>> -> memref<8x128xf32, #tpu.memory_space<vmem>>
      %dma_wait3A_1313 = arith.constant 0 : i32
      %dma_wait3A_1314 = tpu.memref_slice %arg3[%dma_wait3A_1309, %dma_wait3A_1313, %multiple_of3A_284] : memref<2x8x1000000xf32, #tpu.memory_space<hbm>> -> memref<1x8x128xf32, #tpu.memory_space<hbm>>
      %dma_wait3A_1315 = tpu.memref_squeeze %dma_wait3A_1314 : memref<1x8x128xf32, #tpu.memory_space<hbm>> -> memref<8x128xf32, #tpu.memory_space<hbm>>
      %dma_wait3A_1316 = arith.constant 72 : i32
      %dma_wait3A_1317 = arith.constant 0 : i32
      %dma_wait3A_1318 = tpu.memref_slice %arg10[%dma_wait3A_1316, %dma_wait3A_1317] : memref<256x128xf32, #tpu.memory_space<vmem>> -> memref<8x128xf32, #tpu.memory_space<vmem>>
      %dma_wait3A_1319 = arith.constant 0 : i32
      %dma_wait3A_1320 = tpu.memref_slice %arg3[%dma_wait3A_1309, %dma_wait3A_1319, %multiple_of3A_284] : memref<2x8x1000000xf32, #tpu.memory_space<hbm>> -> memref<1x8x128xf32, #tpu.memory_space<hbm>>
      %dma_wait3A_1321 = tpu.memref_squeeze %dma_wait3A_1320 : memref<1x8x128xf32, #tpu.memory_space<hbm>> -> memref<8x128xf32, #tpu.memory_space<hbm>>
      tpu.wait_dma2 semaphore(%arg12 : memref<!tpu.dma_semaphore, #tpu.memory_space<semaphore_mem>>) src(%dma_wait3A_1321 : memref<8x128xf32, #tpu.memory_space<hbm>>) dst(%dma_wait3A_1318 : memref<8x128xf32, #tpu.memory_space<vmem>>)
      %dma_wait3A_1322 = arith.constant 0 : i32
      %dma_wait3A_1323 = arith.constant 80 : i32
      %dma_wait3A_1324 = arith.constant 0 : i32
      %dma_wait3A_1325 = tpu.memref_slice %arg9[%dma_wait3A_1323, %dma_wait3A_1324] : memref<256x128xf32, #tpu.memory_space<vmem>> -> memref<8x128xf32, #tpu.memory_space<vmem>>
      %dma_wait3A_1326 = arith.constant 0 : i32
      %dma_wait3A_1327 = tpu.memref_slice %arg2[%dma_wait3A_1322, %dma_wait3A_1326, %multiple_of3A_343] : memref<2x8x1000000xf32, #tpu.memory_space<hbm>> -> memref<1x8x128xf32, #tpu.memory_space<hbm>>
      %dma_wait3A_1328 = tpu.memref_squeeze %dma_wait3A_1327 : memref<1x8x128xf32, #tpu.memory_space<hbm>> -> memref<8x128xf32, #tpu.memory_space<hbm>>
      %dma_wait3A_1329 = arith.constant 80 : i32
      %dma_wait3A_1330 = arith.constant 0 : i32
      %dma_wait3A_1331 = tpu.memref_slice %arg9[%dma_wait3A_1329, %dma_wait3A_1330] : memref<256x128xf32, #tpu.memory_space<vmem>> -> memref<8x128xf32, #tpu.memory_space<vmem>>
      %dma_wait3A_1332 = arith.constant 0 : i32
      %dma_wait3A_1333 = tpu.memref_slice %arg2[%dma_wait3A_1322, %dma_wait3A_1332, %multiple_of3A_343] : memref<2x8x1000000xf32, #tpu.memory_space<hbm>> -> memref<1x8x128xf32, #tpu.memory_space<hbm>>
      %dma_wait3A_1334 = tpu.memref_squeeze %dma_wait3A_1333 : memref<1x8x128xf32, #tpu.memory_space<hbm>> -> memref<8x128xf32, #tpu.memory_space<hbm>>
      tpu.wait_dma2 semaphore(%arg12 : memref<!tpu.dma_semaphore, #tpu.memory_space<semaphore_mem>>) src(%dma_wait3A_1334 : memref<8x128xf32, #tpu.memory_space<hbm>>) dst(%dma_wait3A_1331 : memref<8x128xf32, #tpu.memory_space<vmem>>)
      %dma_wait3A_1335 = arith.constant 0 : i32
      %dma_wait3A_1336 = arith.constant 80 : i32
      %dma_wait3A_1337 = arith.constant 0 : i32
      %dma_wait3A_1338 = tpu.memref_slice %arg10[%dma_wait3A_1336, %dma_wait3A_1337] : memref<256x128xf32, #tpu.memory_space<vmem>> -> memref<8x128xf32, #tpu.memory_space<vmem>>
      %dma_wait3A_1339 = arith.constant 0 : i32
      %dma_wait3A_1340 = tpu.memref_slice %arg3[%dma_wait3A_1335, %dma_wait3A_1339, %multiple_of3A_350] : memref<2x8x1000000xf32, #tpu.memory_space<hbm>> -> memref<1x8x128xf32, #tpu.memory_space<hbm>>
      %dma_wait3A_1341 = tpu.memref_squeeze %dma_wait3A_1340 : memref<1x8x128xf32, #tpu.memory_space<hbm>> -> memref<8x128xf32, #tpu.memory_space<hbm>>
      %dma_wait3A_1342 = arith.constant 80 : i32
      %dma_wait3A_1343 = arith.constant 0 : i32
      %dma_wait3A_1344 = tpu.memref_slice %arg10[%dma_wait3A_1342, %dma_wait3A_1343] : memref<256x128xf32, #tpu.memory_space<vmem>> -> memref<8x128xf32, #tpu.memory_space<vmem>>
      %dma_wait3A_1345 = arith.constant 0 : i32
      %dma_wait3A_1346 = tpu.memref_slice %arg3[%dma_wait3A_1335, %dma_wait3A_1345, %multiple_of3A_350] : memref<2x8x1000000xf32, #tpu.memory_space<hbm>> -> memref<1x8x128xf32, #tpu.memory_space<hbm>>
      %dma_wait3A_1347 = tpu.memref_squeeze %dma_wait3A_1346 : memref<1x8x128xf32, #tpu.memory_space<hbm>> -> memref<8x128xf32, #tpu.memory_space<hbm>>
      tpu.wait_dma2 semaphore(%arg12 : memref<!tpu.dma_semaphore, #tpu.memory_space<semaphore_mem>>) src(%dma_wait3A_1347 : memref<8x128xf32, #tpu.memory_space<hbm>>) dst(%dma_wait3A_1344 : memref<8x128xf32, #tpu.memory_space<vmem>>)
      %dma_wait3A_1348 = arith.constant 1 : i32
      %dma_wait3A_1349 = arith.constant 88 : i32
      %dma_wait3A_1350 = arith.constant 0 : i32
      %dma_wait3A_1351 = tpu.memref_slice %arg9[%dma_wait3A_1349, %dma_wait3A_1350] : memref<256x128xf32, #tpu.memory_space<vmem>> -> memref<8x128xf32, #tpu.memory_space<vmem>>
      %dma_wait3A_1352 = arith.constant 0 : i32
      %dma_wait3A_1353 = tpu.memref_slice %arg2[%dma_wait3A_1348, %dma_wait3A_1352, %multiple_of3A_343] : memref<2x8x1000000xf32, #tpu.memory_space<hbm>> -> memref<1x8x128xf32, #tpu.memory_space<hbm>>
      %dma_wait3A_1354 = tpu.memref_squeeze %dma_wait3A_1353 : memref<1x8x128xf32, #tpu.memory_space<hbm>> -> memref<8x128xf32, #tpu.memory_space<hbm>>
      %dma_wait3A_1355 = arith.constant 88 : i32
      %dma_wait3A_1356 = arith.constant 0 : i32
      %dma_wait3A_1357 = tpu.memref_slice %arg9[%dma_wait3A_1355, %dma_wait3A_1356] : memref<256x128xf32, #tpu.memory_space<vmem>> -> memref<8x128xf32, #tpu.memory_space<vmem>>
      %dma_wait3A_1358 = arith.constant 0 : i32
      %dma_wait3A_1359 = tpu.memref_slice %arg2[%dma_wait3A_1348, %dma_wait3A_1358, %multiple_of3A_343] : memref<2x8x1000000xf32, #tpu.memory_space<hbm>> -> memref<1x8x128xf32, #tpu.memory_space<hbm>>
      %dma_wait3A_1360 = tpu.memref_squeeze %dma_wait3A_1359 : memref<1x8x128xf32, #tpu.memory_space<hbm>> -> memref<8x128xf32, #tpu.memory_space<hbm>>
      tpu.wait_dma2 semaphore(%arg12 : memref<!tpu.dma_semaphore, #tpu.memory_space<semaphore_mem>>) src(%dma_wait3A_1360 : memref<8x128xf32, #tpu.memory_space<hbm>>) dst(%dma_wait3A_1357 : memref<8x128xf32, #tpu.memory_space<vmem>>)
      %dma_wait3A_1361 = arith.constant 1 : i32
      %dma_wait3A_1362 = arith.constant 88 : i32
      %dma_wait3A_1363 = arith.constant 0 : i32
      %dma_wait3A_1364 = tpu.memref_slice %arg10[%dma_wait3A_1362, %dma_wait3A_1363] : memref<256x128xf32, #tpu.memory_space<vmem>> -> memref<8x128xf32, #tpu.memory_space<vmem>>
      %dma_wait3A_1365 = arith.constant 0 : i32
      %dma_wait3A_1366 = tpu.memref_slice %arg3[%dma_wait3A_1361, %dma_wait3A_1365, %multiple_of3A_350] : memref<2x8x1000000xf32, #tpu.memory_space<hbm>> -> memref<1x8x128xf32, #tpu.memory_space<hbm>>
      %dma_wait3A_1367 = tpu.memref_squeeze %dma_wait3A_1366 : memref<1x8x128xf32, #tpu.memory_space<hbm>> -> memref<8x128xf32, #tpu.memory_space<hbm>>
      %dma_wait3A_1368 = arith.constant 88 : i32
      %dma_wait3A_1369 = arith.constant 0 : i32
      %dma_wait3A_1370 = tpu.memref_slice %arg10[%dma_wait3A_1368, %dma_wait3A_1369] : memref<256x128xf32, #tpu.memory_space<vmem>> -> memref<8x128xf32, #tpu.memory_space<vmem>>
      %dma_wait3A_1371 = arith.constant 0 : i32
      %dma_wait3A_1372 = tpu.memref_slice %arg3[%dma_wait3A_1361, %dma_wait3A_1371, %multiple_of3A_350] : memref<2x8x1000000xf32, #tpu.memory_space<hbm>> -> memref<1x8x128xf32, #tpu.memory_space<hbm>>
      %dma_wait3A_1373 = tpu.memref_squeeze %dma_wait3A_1372 : memref<1x8x128xf32, #tpu.memory_space<hbm>> -> memref<8x128xf32, #tpu.memory_space<hbm>>
      tpu.wait_dma2 semaphore(%arg12 : memref<!tpu.dma_semaphore, #tpu.memory_space<semaphore_mem>>) src(%dma_wait3A_1373 : memref<8x128xf32, #tpu.memory_space<hbm>>) dst(%dma_wait3A_1370 : memref<8x128xf32, #tpu.memory_space<vmem>>)
      %dma_wait3A_1374 = arith.constant 0 : i32
      %dma_wait3A_1375 = arith.constant 96 : i32
      %dma_wait3A_1376 = arith.constant 0 : i32
      %dma_wait3A_1377 = tpu.memref_slice %arg9[%dma_wait3A_1375, %dma_wait3A_1376] : memref<256x128xf32, #tpu.memory_space<vmem>> -> memref<8x128xf32, #tpu.memory_space<vmem>>
      %dma_wait3A_1378 = arith.constant 0 : i32
      %dma_wait3A_1379 = tpu.memref_slice %arg2[%dma_wait3A_1374, %dma_wait3A_1378, %multiple_of3A_409] : memref<2x8x1000000xf32, #tpu.memory_space<hbm>> -> memref<1x8x128xf32, #tpu.memory_space<hbm>>
      %dma_wait3A_1380 = tpu.memref_squeeze %dma_wait3A_1379 : memref<1x8x128xf32, #tpu.memory_space<hbm>> -> memref<8x128xf32, #tpu.memory_space<hbm>>
      %dma_wait3A_1381 = arith.constant 96 : i32
      %dma_wait3A_1382 = arith.constant 0 : i32
      %dma_wait3A_1383 = tpu.memref_slice %arg9[%dma_wait3A_1381, %dma_wait3A_1382] : memref<256x128xf32, #tpu.memory_space<vmem>> -> memref<8x128xf32, #tpu.memory_space<vmem>>
      %dma_wait3A_1384 = arith.constant 0 : i32
      %dma_wait3A_1385 = tpu.memref_slice %arg2[%dma_wait3A_1374, %dma_wait3A_1384, %multiple_of3A_409] : memref<2x8x1000000xf32, #tpu.memory_space<hbm>> -> memref<1x8x128xf32, #tpu.memory_space<hbm>>
      %dma_wait3A_1386 = tpu.memref_squeeze %dma_wait3A_1385 : memref<1x8x128xf32, #tpu.memory_space<hbm>> -> memref<8x128xf32, #tpu.memory_space<hbm>>
      tpu.wait_dma2 semaphore(%arg12 : memref<!tpu.dma_semaphore, #tpu.memory_space<semaphore_mem>>) src(%dma_wait3A_1386 : memref<8x128xf32, #tpu.memory_space<hbm>>) dst(%dma_wait3A_1383 : memref<8x128xf32, #tpu.memory_space<vmem>>)
      %dma_wait3A_1387 = arith.constant 0 : i32
      %dma_wait3A_1388 = arith.constant 96 : i32
      %dma_wait3A_1389 = arith.constant 0 : i32
      %dma_wait3A_1390 = tpu.memref_slice %arg10[%dma_wait3A_1388, %dma_wait3A_1389] : memref<256x128xf32, #tpu.memory_space<vmem>> -> memref<8x128xf32, #tpu.memory_space<vmem>>
      %dma_wait3A_1391 = arith.constant 0 : i32
      %dma_wait3A_1392 = tpu.memref_slice %arg3[%dma_wait3A_1387, %dma_wait3A_1391, %multiple_of3A_416] : memref<2x8x1000000xf32, #tpu.memory_space<hbm>> -> memref<1x8x128xf32, #tpu.memory_space<hbm>>
      %dma_wait3A_1393 = tpu.memref_squeeze %dma_wait3A_1392 : memref<1x8x128xf32, #tpu.memory_space<hbm>> -> memref<8x128xf32, #tpu.memory_space<hbm>>
      %dma_wait3A_1394 = arith.constant 96 : i32
      %dma_wait3A_1395 = arith.constant 0 : i32
      %dma_wait3A_1396 = tpu.memref_slice %arg10[%dma_wait3A_1394, %dma_wait3A_1395] : memref<256x128xf32, #tpu.memory_space<vmem>> -> memref<8x128xf32, #tpu.memory_space<vmem>>
      %dma_wait3A_1397 = arith.constant 0 : i32
      %dma_wait3A_1398 = tpu.memref_slice %arg3[%dma_wait3A_1387, %dma_wait3A_1397, %multiple_of3A_416] : memref<2x8x1000000xf32, #tpu.memory_space<hbm>> -> memref<1x8x128xf32, #tpu.memory_space<hbm>>
      %dma_wait3A_1399 = tpu.memref_squeeze %dma_wait3A_1398 : memref<1x8x128xf32, #tpu.memory_space<hbm>> -> memref<8x128xf32, #tpu.memory_space<hbm>>
      tpu.wait_dma2 semaphore(%arg12 : memref<!tpu.dma_semaphore, #tpu.memory_space<semaphore_mem>>) src(%dma_wait3A_1399 : memref<8x128xf32, #tpu.memory_space<hbm>>) dst(%dma_wait3A_1396 : memref<8x128xf32, #tpu.memory_space<vmem>>)
      %dma_wait3A_1400 = arith.constant 1 : i32
      %dma_wait3A_1401 = arith.constant 104 : i32
      %dma_wait3A_1402 = arith.constant 0 : i32
      %dma_wait3A_1403 = tpu.memref_slice %arg9[%dma_wait3A_1401, %dma_wait3A_1402] : memref<256x128xf32, #tpu.memory_space<vmem>> -> memref<8x128xf32, #tpu.memory_space<vmem>>
      %dma_wait3A_1404 = arith.constant 0 : i32
      %dma_wait3A_1405 = tpu.memref_slice %arg2[%dma_wait3A_1400, %dma_wait3A_1404, %multiple_of3A_409] : memref<2x8x1000000xf32, #tpu.memory_space<hbm>> -> memref<1x8x128xf32, #tpu.memory_space<hbm>>
      %dma_wait3A_1406 = tpu.memref_squeeze %dma_wait3A_1405 : memref<1x8x128xf32, #tpu.memory_space<hbm>> -> memref<8x128xf32, #tpu.memory_space<hbm>>
      %dma_wait3A_1407 = arith.constant 104 : i32
      %dma_wait3A_1408 = arith.constant 0 : i32
      %dma_wait3A_1409 = tpu.memref_slice %arg9[%dma_wait3A_1407, %dma_wait3A_1408] : memref<256x128xf32, #tpu.memory_space<vmem>> -> memref<8x128xf32, #tpu.memory_space<vmem>>
      %dma_wait3A_1410 = arith.constant 0 : i32
      %dma_wait3A_1411 = tpu.memref_slice %arg2[%dma_wait3A_1400, %dma_wait3A_1410, %multiple_of3A_409] : memref<2x8x1000000xf32, #tpu.memory_space<hbm>> -> memref<1x8x128xf32, #tpu.memory_space<hbm>>
      %dma_wait3A_1412 = tpu.memref_squeeze %dma_wait3A_1411 : memref<1x8x128xf32, #tpu.memory_space<hbm>> -> memref<8x128xf32, #tpu.memory_space<hbm>>
      tpu.wait_dma2 semaphore(%arg12 : memref<!tpu.dma_semaphore, #tpu.memory_space<semaphore_mem>>) src(%dma_wait3A_1412 : memref<8x128xf32, #tpu.memory_space<hbm>>) dst(%dma_wait3A_1409 : memref<8x128xf32, #tpu.memory_space<vmem>>)
      %dma_wait3A_1413 = arith.constant 1 : i32
      %dma_wait3A_1414 = arith.constant 104 : i32
      %dma_wait3A_1415 = arith.constant 0 : i32
      %dma_wait3A_1416 = tpu.memref_slice %arg10[%dma_wait3A_1414, %dma_wait3A_1415] : memref<256x128xf32, #tpu.memory_space<vmem>> -> memref<8x128xf32, #tpu.memory_space<vmem>>
      %dma_wait3A_1417 = arith.constant 0 : i32
      %dma_wait3A_1418 = tpu.memref_slice %arg3[%dma_wait3A_1413, %dma_wait3A_1417, %multiple_of3A_416] : memref<2x8x1000000xf32, #tpu.memory_space<hbm>> -> memref<1x8x128xf32, #tpu.memory_space<hbm>>
      %dma_wait3A_1419 = tpu.memref_squeeze %dma_wait3A_1418 : memref<1x8x128xf32, #tpu.memory_space<hbm>> -> memref<8x128xf32, #tpu.memory_space<hbm>>
      %dma_wait3A_1420 = arith.constant 104 : i32
      %dma_wait3A_1421 = arith.constant 0 : i32
      %dma_wait3A_1422 = tpu.memref_slice %arg10[%dma_wait3A_1420, %dma_wait3A_1421] : memref<256x128xf32, #tpu.memory_space<vmem>> -> memref<8x128xf32, #tpu.memory_space<vmem>>
      %dma_wait3A_1423 = arith.constant 0 : i32
      %dma_wait3A_1424 = tpu.memref_slice %arg3[%dma_wait3A_1413, %dma_wait3A_1423, %multiple_of3A_416] : memref<2x8x1000000xf32, #tpu.memory_space<hbm>> -> memref<1x8x128xf32, #tpu.memory_space<hbm>>
      %dma_wait3A_1425 = tpu.memref_squeeze %dma_wait3A_1424 : memref<1x8x128xf32, #tpu.memory_space<hbm>> -> memref<8x128xf32, #tpu.memory_space<hbm>>
      tpu.wait_dma2 semaphore(%arg12 : memref<!tpu.dma_semaphore, #tpu.memory_space<semaphore_mem>>) src(%dma_wait3A_1425 : memref<8x128xf32, #tpu.memory_space<hbm>>) dst(%dma_wait3A_1422 : memref<8x128xf32, #tpu.memory_space<vmem>>)
      %dma_wait3A_1426 = arith.constant 0 : i32
      %dma_wait3A_1427 = arith.constant 112 : i32
      %dma_wait3A_1428 = arith.constant 0 : i32
      %dma_wait3A_1429 = tpu.memref_slice %arg9[%dma_wait3A_1427, %dma_wait3A_1428] : memref<256x128xf32, #tpu.memory_space<vmem>> -> memref<8x128xf32, #tpu.memory_space<vmem>>
      %dma_wait3A_1430 = arith.constant 0 : i32
      %dma_wait3A_1431 = tpu.memref_slice %arg2[%dma_wait3A_1426, %dma_wait3A_1430, %multiple_of3A_475] : memref<2x8x1000000xf32, #tpu.memory_space<hbm>> -> memref<1x8x128xf32, #tpu.memory_space<hbm>>
      %dma_wait3A_1432 = tpu.memref_squeeze %dma_wait3A_1431 : memref<1x8x128xf32, #tpu.memory_space<hbm>> -> memref<8x128xf32, #tpu.memory_space<hbm>>
      %dma_wait3A_1433 = arith.constant 112 : i32
      %dma_wait3A_1434 = arith.constant 0 : i32
      %dma_wait3A_1435 = tpu.memref_slice %arg9[%dma_wait3A_1433, %dma_wait3A_1434] : memref<256x128xf32, #tpu.memory_space<vmem>> -> memref<8x128xf32, #tpu.memory_space<vmem>>
      %dma_wait3A_1436 = arith.constant 0 : i32
      %dma_wait3A_1437 = tpu.memref_slice %arg2[%dma_wait3A_1426, %dma_wait3A_1436, %multiple_of3A_475] : memref<2x8x1000000xf32, #tpu.memory_space<hbm>> -> memref<1x8x128xf32, #tpu.memory_space<hbm>>
      %dma_wait3A_1438 = tpu.memref_squeeze %dma_wait3A_1437 : memref<1x8x128xf32, #tpu.memory_space<hbm>> -> memref<8x128xf32, #tpu.memory_space<hbm>>
      tpu.wait_dma2 semaphore(%arg12 : memref<!tpu.dma_semaphore, #tpu.memory_space<semaphore_mem>>) src(%dma_wait3A_1438 : memref<8x128xf32, #tpu.memory_space<hbm>>) dst(%dma_wait3A_1435 : memref<8x128xf32, #tpu.memory_space<vmem>>)
      %dma_wait3A_1439 = arith.constant 0 : i32
      %dma_wait3A_1440 = arith.constant 112 : i32
      %dma_wait3A_1441 = arith.constant 0 : i32
      %dma_wait3A_1442 = tpu.memref_slice %arg10[%dma_wait3A_1440, %dma_wait3A_1441] : memref<256x128xf32, #tpu.memory_space<vmem>> -> memref<8x128xf32, #tpu.memory_space<vmem>>
      %dma_wait3A_1443 = arith.constant 0 : i32
      %dma_wait3A_1444 = tpu.memref_slice %arg3[%dma_wait3A_1439, %dma_wait3A_1443, %multiple_of3A_482] : memref<2x8x1000000xf32, #tpu.memory_space<hbm>> -> memref<1x8x128xf32, #tpu.memory_space<hbm>>
      %dma_wait3A_1445 = tpu.memref_squeeze %dma_wait3A_1444 : memref<1x8x128xf32, #tpu.memory_space<hbm>> -> memref<8x128xf32, #tpu.memory_space<hbm>>
      %dma_wait3A_1446 = arith.constant 112 : i32
      %dma_wait3A_1447 = arith.constant 0 : i32
      %dma_wait3A_1448 = tpu.memref_slice %arg10[%dma_wait3A_1446, %dma_wait3A_1447] : memref<256x128xf32, #tpu.memory_space<vmem>> -> memref<8x128xf32, #tpu.memory_space<vmem>>
      %dma_wait3A_1449 = arith.constant 0 : i32
      %dma_wait3A_1450 = tpu.memref_slice %arg3[%dma_wait3A_1439, %dma_wait3A_1449, %multiple_of3A_482] : memref<2x8x1000000xf32, #tpu.memory_space<hbm>> -> memref<1x8x128xf32, #tpu.memory_space<hbm>>
      %dma_wait3A_1451 = tpu.memref_squeeze %dma_wait3A_1450 : memref<1x8x128xf32, #tpu.memory_space<hbm>> -> memref<8x128xf32, #tpu.memory_space<hbm>>
      tpu.wait_dma2 semaphore(%arg12 : memref<!tpu.dma_semaphore, #tpu.memory_space<semaphore_mem>>) src(%dma_wait3A_1451 : memref<8x128xf32, #tpu.memory_space<hbm>>) dst(%dma_wait3A_1448 : memref<8x128xf32, #tpu.memory_space<vmem>>)
      %dma_wait3A_1452 = arith.constant 1 : i32
      %dma_wait3A_1453 = arith.constant 120 : i32
      %dma_wait3A_1454 = arith.constant 0 : i32
      %dma_wait3A_1455 = tpu.memref_slice %arg9[%dma_wait3A_1453, %dma_wait3A_1454] : memref<256x128xf32, #tpu.memory_space<vmem>> -> memref<8x128xf32, #tpu.memory_space<vmem>>
      %dma_wait3A_1456 = arith.constant 0 : i32
      %dma_wait3A_1457 = tpu.memref_slice %arg2[%dma_wait3A_1452, %dma_wait3A_1456, %multiple_of3A_475] : memref<2x8x1000000xf32, #tpu.memory_space<hbm>> -> memref<1x8x128xf32, #tpu.memory_space<hbm>>
      %dma_wait3A_1458 = tpu.memref_squeeze %dma_wait3A_1457 : memref<1x8x128xf32, #tpu.memory_space<hbm>> -> memref<8x128xf32, #tpu.memory_space<hbm>>
      %dma_wait3A_1459 = arith.constant 120 : i32
      %dma_wait3A_1460 = arith.constant 0 : i32
      %dma_wait3A_1461 = tpu.memref_slice %arg9[%dma_wait3A_1459, %dma_wait3A_1460] : memref<256x128xf32, #tpu.memory_space<vmem>> -> memref<8x128xf32, #tpu.memory_space<vmem>>
      %dma_wait3A_1462 = arith.constant 0 : i32
      %dma_wait3A_1463 = tpu.memref_slice %arg2[%dma_wait3A_1452, %dma_wait3A_1462, %multiple_of3A_475] : memref<2x8x1000000xf32, #tpu.memory_space<hbm>> -> memref<1x8x128xf32, #tpu.memory_space<hbm>>
      %dma_wait3A_1464 = tpu.memref_squeeze %dma_wait3A_1463 : memref<1x8x128xf32, #tpu.memory_space<hbm>> -> memref<8x128xf32, #tpu.memory_space<hbm>>
      tpu.wait_dma2 semaphore(%arg12 : memref<!tpu.dma_semaphore, #tpu.memory_space<semaphore_mem>>) src(%dma_wait3A_1464 : memref<8x128xf32, #tpu.memory_space<hbm>>) dst(%dma_wait3A_1461 : memref<8x128xf32, #tpu.memory_space<vmem>>)
      %dma_wait3A_1465 = arith.constant 1 : i32
      %dma_wait3A_1466 = arith.constant 120 : i32
      %dma_wait3A_1467 = arith.constant 0 : i32
      %dma_wait3A_1468 = tpu.memref_slice %arg10[%dma_wait3A_1466, %dma_wait3A_1467] : memref<256x128xf32, #tpu.memory_space<vmem>> -> memref<8x128xf32, #tpu.memory_space<vmem>>
      %dma_wait3A_1469 = arith.constant 0 : i32
      %dma_wait3A_1470 = tpu.memref_slice %arg3[%dma_wait3A_1465, %dma_wait3A_1469, %multiple_of3A_482] : memref<2x8x1000000xf32, #tpu.memory_space<hbm>> -> memref<1x8x128xf32, #tpu.memory_space<hbm>>
      %dma_wait3A_1471 = tpu.memref_squeeze %dma_wait3A_1470 : memref<1x8x128xf32, #tpu.memory_space<hbm>> -> memref<8x128xf32, #tpu.memory_space<hbm>>
      %dma_wait3A_1472 = arith.constant 120 : i32
      %dma_wait3A_1473 = arith.constant 0 : i32
      %dma_wait3A_1474 = tpu.memref_slice %arg10[%dma_wait3A_1472, %dma_wait3A_1473] : memref<256x128xf32, #tpu.memory_space<vmem>> -> memref<8x128xf32, #tpu.memory_space<vmem>>
      %dma_wait3A_1475 = arith.constant 0 : i32
      %dma_wait3A_1476 = tpu.memref_slice %arg3[%dma_wait3A_1465, %dma_wait3A_1475, %multiple_of3A_482] : memref<2x8x1000000xf32, #tpu.memory_space<hbm>> -> memref<1x8x128xf32, #tpu.memory_space<hbm>>
      %dma_wait3A_1477 = tpu.memref_squeeze %dma_wait3A_1476 : memref<1x8x128xf32, #tpu.memory_space<hbm>> -> memref<8x128xf32, #tpu.memory_space<hbm>>
      tpu.wait_dma2 semaphore(%arg12 : memref<!tpu.dma_semaphore, #tpu.memory_space<semaphore_mem>>) src(%dma_wait3A_1477 : memref<8x128xf32, #tpu.memory_space<hbm>>) dst(%dma_wait3A_1474 : memref<8x128xf32, #tpu.memory_space<vmem>>)
      %dma_wait3A_1478 = arith.constant 0 : i32
      %dma_wait3A_1479 = arith.constant 128 : i32
      %dma_wait3A_1480 = arith.constant 0 : i32
      %dma_wait3A_1481 = tpu.memref_slice %arg9[%dma_wait3A_1479, %dma_wait3A_1480] : memref<256x128xf32, #tpu.memory_space<vmem>> -> memref<8x128xf32, #tpu.memory_space<vmem>>
      %dma_wait3A_1482 = arith.constant 0 : i32
      %dma_wait3A_1483 = tpu.memref_slice %arg2[%dma_wait3A_1478, %dma_wait3A_1482, %multiple_of3A_541] : memref<2x8x1000000xf32, #tpu.memory_space<hbm>> -> memref<1x8x128xf32, #tpu.memory_space<hbm>>
      %dma_wait3A_1484 = tpu.memref_squeeze %dma_wait3A_1483 : memref<1x8x128xf32, #tpu.memory_space<hbm>> -> memref<8x128xf32, #tpu.memory_space<hbm>>
      %dma_wait3A_1485 = arith.constant 128 : i32
      %dma_wait3A_1486 = arith.constant 0 : i32
      %dma_wait3A_1487 = tpu.memref_slice %arg9[%dma_wait3A_1485, %dma_wait3A_1486] : memref<256x128xf32, #tpu.memory_space<vmem>> -> memref<8x128xf32, #tpu.memory_space<vmem>>
      %dma_wait3A_1488 = arith.constant 0 : i32
      %dma_wait3A_1489 = tpu.memref_slice %arg2[%dma_wait3A_1478, %dma_wait3A_1488, %multiple_of3A_541] : memref<2x8x1000000xf32, #tpu.memory_space<hbm>> -> memref<1x8x128xf32, #tpu.memory_space<hbm>>
      %dma_wait3A_1490 = tpu.memref_squeeze %dma_wait3A_1489 : memref<1x8x128xf32, #tpu.memory_space<hbm>> -> memref<8x128xf32, #tpu.memory_space<hbm>>
      tpu.wait_dma2 semaphore(%arg12 : memref<!tpu.dma_semaphore, #tpu.memory_space<semaphore_mem>>) src(%dma_wait3A_1490 : memref<8x128xf32, #tpu.memory_space<hbm>>) dst(%dma_wait3A_1487 : memref<8x128xf32, #tpu.memory_space<vmem>>)
      %dma_wait3A_1491 = arith.constant 0 : i32
      %dma_wait3A_1492 = arith.constant 128 : i32
      %dma_wait3A_1493 = arith.constant 0 : i32
      %dma_wait3A_1494 = tpu.memref_slice %arg10[%dma_wait3A_1492, %dma_wait3A_1493] : memref<256x128xf32, #tpu.memory_space<vmem>> -> memref<8x128xf32, #tpu.memory_space<vmem>>
      %dma_wait3A_1495 = arith.constant 0 : i32
      %dma_wait3A_1496 = tpu.memref_slice %arg3[%dma_wait3A_1491, %dma_wait3A_1495, %multiple_of3A_548] : memref<2x8x1000000xf32, #tpu.memory_space<hbm>> -> memref<1x8x128xf32, #tpu.memory_space<hbm>>
      %dma_wait3A_1497 = tpu.memref_squeeze %dma_wait3A_1496 : memref<1x8x128xf32, #tpu.memory_space<hbm>> -> memref<8x128xf32, #tpu.memory_space<hbm>>
      %dma_wait3A_1498 = arith.constant 128 : i32
      %dma_wait3A_1499 = arith.constant 0 : i32
      %dma_wait3A_1500 = tpu.memref_slice %arg10[%dma_wait3A_1498, %dma_wait3A_1499] : memref<256x128xf32, #tpu.memory_space<vmem>> -> memref<8x128xf32, #tpu.memory_space<vmem>>
      %dma_wait3A_1501 = arith.constant 0 : i32
      %dma_wait3A_1502 = tpu.memref_slice %arg3[%dma_wait3A_1491, %dma_wait3A_1501, %multiple_of3A_548] : memref<2x8x1000000xf32, #tpu.memory_space<hbm>> -> memref<1x8x128xf32, #tpu.memory_space<hbm>>
      %dma_wait3A_1503 = tpu.memref_squeeze %dma_wait3A_1502 : memref<1x8x128xf32, #tpu.memory_space<hbm>> -> memref<8x128xf32, #tpu.memory_space<hbm>>
      tpu.wait_dma2 semaphore(%arg12 : memref<!tpu.dma_semaphore, #tpu.memory_space<semaphore_mem>>) src(%dma_wait3A_1503 : memref<8x128xf32, #tpu.memory_space<hbm>>) dst(%dma_wait3A_1500 : memref<8x128xf32, #tpu.memory_space<vmem>>)
      %dma_wait3A_1504 = arith.constant 1 : i32
      %dma_wait3A_1505 = arith.constant 136 : i32
      %dma_wait3A_1506 = arith.constant 0 : i32
      %dma_wait3A_1507 = tpu.memref_slice %arg9[%dma_wait3A_1505, %dma_wait3A_1506] : memref<256x128xf32, #tpu.memory_space<vmem>> -> memref<8x128xf32, #tpu.memory_space<vmem>>
      %dma_wait3A_1508 = arith.constant 0 : i32
      %dma_wait3A_1509 = tpu.memref_slice %arg2[%dma_wait3A_1504, %dma_wait3A_1508, %multiple_of3A_541] : memref<2x8x1000000xf32, #tpu.memory_space<hbm>> -> memref<1x8x128xf32, #tpu.memory_space<hbm>>
      %dma_wait3A_1510 = tpu.memref_squeeze %dma_wait3A_1509 : memref<1x8x128xf32, #tpu.memory_space<hbm>> -> memref<8x128xf32, #tpu.memory_space<hbm>>
      %dma_wait3A_1511 = arith.constant 136 : i32
      %dma_wait3A_1512 = arith.constant 0 : i32
      %dma_wait3A_1513 = tpu.memref_slice %arg9[%dma_wait3A_1511, %dma_wait3A_1512] : memref<256x128xf32, #tpu.memory_space<vmem>> -> memref<8x128xf32, #tpu.memory_space<vmem>>
      %dma_wait3A_1514 = arith.constant 0 : i32
      %dma_wait3A_1515 = tpu.memref_slice %arg2[%dma_wait3A_1504, %dma_wait3A_1514, %multiple_of3A_541] : memref<2x8x1000000xf32, #tpu.memory_space<hbm>> -> memref<1x8x128xf32, #tpu.memory_space<hbm>>
      %dma_wait3A_1516 = tpu.memref_squeeze %dma_wait3A_1515 : memref<1x8x128xf32, #tpu.memory_space<hbm>> -> memref<8x128xf32, #tpu.memory_space<hbm>>
      tpu.wait_dma2 semaphore(%arg12 : memref<!tpu.dma_semaphore, #tpu.memory_space<semaphore_mem>>) src(%dma_wait3A_1516 : memref<8x128xf32, #tpu.memory_space<hbm>>) dst(%dma_wait3A_1513 : memref<8x128xf32, #tpu.memory_space<vmem>>)
      %dma_wait3A_1517 = arith.constant 1 : i32
      %dma_wait3A_1518 = arith.constant 136 : i32
      %dma_wait3A_1519 = arith.constant 0 : i32
      %dma_wait3A_1520 = tpu.memref_slice %arg10[%dma_wait3A_1518, %dma_wait3A_1519] : memref<256x128xf32, #tpu.memory_space<vmem>> -> memref<8x128xf32, #tpu.memory_space<vmem>>
      %dma_wait3A_1521 = arith.constant 0 : i32
      %dma_wait3A_1522 = tpu.memref_slice %arg3[%dma_wait3A_1517, %dma_wait3A_1521, %multiple_of3A_548] : memref<2x8x1000000xf32, #tpu.memory_space<hbm>> -> memref<1x8x128xf32, #tpu.memory_space<hbm>>
      %dma_wait3A_1523 = tpu.memref_squeeze %dma_wait3A_1522 : memref<1x8x128xf32, #tpu.memory_space<hbm>> -> memref<8x128xf32, #tpu.memory_space<hbm>>
      %dma_wait3A_1524 = arith.constant 136 : i32
      %dma_wait3A_1525 = arith.constant 0 : i32
      %dma_wait3A_1526 = tpu.memref_slice %arg10[%dma_wait3A_1524, %dma_wait3A_1525] : memref<256x128xf32, #tpu.memory_space<vmem>> -> memref<8x128xf32, #tpu.memory_space<vmem>>
      %dma_wait3A_1527 = arith.constant 0 : i32
      %dma_wait3A_1528 = tpu.memref_slice %arg3[%dma_wait3A_1517, %dma_wait3A_1527, %multiple_of3A_548] : memref<2x8x1000000xf32, #tpu.memory_space<hbm>> -> memref<1x8x128xf32, #tpu.memory_space<hbm>>
      %dma_wait3A_1529 = tpu.memref_squeeze %dma_wait3A_1528 : memref<1x8x128xf32, #tpu.memory_space<hbm>> -> memref<8x128xf32, #tpu.memory_space<hbm>>
      tpu.wait_dma2 semaphore(%arg12 : memref<!tpu.dma_semaphore, #tpu.memory_space<semaphore_mem>>) src(%dma_wait3A_1529 : memref<8x128xf32, #tpu.memory_space<hbm>>) dst(%dma_wait3A_1526 : memref<8x128xf32, #tpu.memory_space<vmem>>)
      %dma_wait3A_1530 = arith.constant 0 : i32
      %dma_wait3A_1531 = arith.constant 144 : i32
      %dma_wait3A_1532 = arith.constant 0 : i32
      %dma_wait3A_1533 = tpu.memref_slice %arg9[%dma_wait3A_1531, %dma_wait3A_1532] : memref<256x128xf32, #tpu.memory_space<vmem>> -> memref<8x128xf32, #tpu.memory_space<vmem>>
      %dma_wait3A_1534 = arith.constant 0 : i32
      %dma_wait3A_1535 = tpu.memref_slice %arg2[%dma_wait3A_1530, %dma_wait3A_1534, %multiple_of3A_607] : memref<2x8x1000000xf32, #tpu.memory_space<hbm>> -> memref<1x8x128xf32, #tpu.memory_space<hbm>>
      %dma_wait3A_1536 = tpu.memref_squeeze %dma_wait3A_1535 : memref<1x8x128xf32, #tpu.memory_space<hbm>> -> memref<8x128xf32, #tpu.memory_space<hbm>>
      %dma_wait3A_1537 = arith.constant 144 : i32
      %dma_wait3A_1538 = arith.constant 0 : i32
      %dma_wait3A_1539 = tpu.memref_slice %arg9[%dma_wait3A_1537, %dma_wait3A_1538] : memref<256x128xf32, #tpu.memory_space<vmem>> -> memref<8x128xf32, #tpu.memory_space<vmem>>
      %dma_wait3A_1540 = arith.constant 0 : i32
      %dma_wait3A_1541 = tpu.memref_slice %arg2[%dma_wait3A_1530, %dma_wait3A_1540, %multiple_of3A_607] : memref<2x8x1000000xf32, #tpu.memory_space<hbm>> -> memref<1x8x128xf32, #tpu.memory_space<hbm>>
      %dma_wait3A_1542 = tpu.memref_squeeze %dma_wait3A_1541 : memref<1x8x128xf32, #tpu.memory_space<hbm>> -> memref<8x128xf32, #tpu.memory_space<hbm>>
      tpu.wait_dma2 semaphore(%arg12 : memref<!tpu.dma_semaphore, #tpu.memory_space<semaphore_mem>>) src(%dma_wait3A_1542 : memref<8x128xf32, #tpu.memory_space<hbm>>) dst(%dma_wait3A_1539 : memref<8x128xf32, #tpu.memory_space<vmem>>)
      %dma_wait3A_1543 = arith.constant 0 : i32
      %dma_wait3A_1544 = arith.constant 144 : i32
      %dma_wait3A_1545 = arith.constant 0 : i32
      %dma_wait3A_1546 = tpu.memref_slice %arg10[%dma_wait3A_1544, %dma_wait3A_1545] : memref<256x128xf32, #tpu.memory_space<vmem>> -> memref<8x128xf32, #tpu.memory_space<vmem>>
      %dma_wait3A_1547 = arith.constant 0 : i32
      %dma_wait3A_1548 = tpu.memref_slice %arg3[%dma_wait3A_1543, %dma_wait3A_1547, %multiple_of3A_614] : memref<2x8x1000000xf32, #tpu.memory_space<hbm>> -> memref<1x8x128xf32, #tpu.memory_space<hbm>>
      %dma_wait3A_1549 = tpu.memref_squeeze %dma_wait3A_1548 : memref<1x8x128xf32, #tpu.memory_space<hbm>> -> memref<8x128xf32, #tpu.memory_space<hbm>>
      %dma_wait3A_1550 = arith.constant 144 : i32
      %dma_wait3A_1551 = arith.constant 0 : i32
      %dma_wait3A_1552 = tpu.memref_slice %arg10[%dma_wait3A_1550, %dma_wait3A_1551] : memref<256x128xf32, #tpu.memory_space<vmem>> -> memref<8x128xf32, #tpu.memory_space<vmem>>
      %dma_wait3A_1553 = arith.constant 0 : i32
      %dma_wait3A_1554 = tpu.memref_slice %arg3[%dma_wait3A_1543, %dma_wait3A_1553, %multiple_of3A_614] : memref<2x8x1000000xf32, #tpu.memory_space<hbm>> -> memref<1x8x128xf32, #tpu.memory_space<hbm>>
      %dma_wait3A_1555 = tpu.memref_squeeze %dma_wait3A_1554 : memref<1x8x128xf32, #tpu.memory_space<hbm>> -> memref<8x128xf32, #tpu.memory_space<hbm>>
      tpu.wait_dma2 semaphore(%arg12 : memref<!tpu.dma_semaphore, #tpu.memory_space<semaphore_mem>>) src(%dma_wait3A_1555 : memref<8x128xf32, #tpu.memory_space<hbm>>) dst(%dma_wait3A_1552 : memref<8x128xf32, #tpu.memory_space<vmem>>)
      %dma_wait3A_1556 = arith.constant 1 : i32
      %dma_wait3A_1557 = arith.constant 152 : i32
      %dma_wait3A_1558 = arith.constant 0 : i32
      %dma_wait3A_1559 = tpu.memref_slice %arg9[%dma_wait3A_1557, %dma_wait3A_1558] : memref<256x128xf32, #tpu.memory_space<vmem>> -> memref<8x128xf32, #tpu.memory_space<vmem>>
      %dma_wait3A_1560 = arith.constant 0 : i32
      %dma_wait3A_1561 = tpu.memref_slice %arg2[%dma_wait3A_1556, %dma_wait3A_1560, %multiple_of3A_607] : memref<2x8x1000000xf32, #tpu.memory_space<hbm>> -> memref<1x8x128xf32, #tpu.memory_space<hbm>>
      %dma_wait3A_1562 = tpu.memref_squeeze %dma_wait3A_1561 : memref<1x8x128xf32, #tpu.memory_space<hbm>> -> memref<8x128xf32, #tpu.memory_space<hbm>>
      %dma_wait3A_1563 = arith.constant 152 : i32
      %dma_wait3A_1564 = arith.constant 0 : i32
      %dma_wait3A_1565 = tpu.memref_slice %arg9[%dma_wait3A_1563, %dma_wait3A_1564] : memref<256x128xf32, #tpu.memory_space<vmem>> -> memref<8x128xf32, #tpu.memory_space<vmem>>
      %dma_wait3A_1566 = arith.constant 0 : i32
      %dma_wait3A_1567 = tpu.memref_slice %arg2[%dma_wait3A_1556, %dma_wait3A_1566, %multiple_of3A_607] : memref<2x8x1000000xf32, #tpu.memory_space<hbm>> -> memref<1x8x128xf32, #tpu.memory_space<hbm>>
      %dma_wait3A_1568 = tpu.memref_squeeze %dma_wait3A_1567 : memref<1x8x128xf32, #tpu.memory_space<hbm>> -> memref<8x128xf32, #tpu.memory_space<hbm>>
      tpu.wait_dma2 semaphore(%arg12 : memref<!tpu.dma_semaphore, #tpu.memory_space<semaphore_mem>>) src(%dma_wait3A_1568 : memref<8x128xf32, #tpu.memory_space<hbm>>) dst(%dma_wait3A_1565 : memref<8x128xf32, #tpu.memory_space<vmem>>)
      %dma_wait3A_1569 = arith.constant 1 : i32
      %dma_wait3A_1570 = arith.constant 152 : i32
      %dma_wait3A_1571 = arith.constant 0 : i32
      %dma_wait3A_1572 = tpu.memref_slice %arg10[%dma_wait3A_1570, %dma_wait3A_1571] : memref<256x128xf32, #tpu.memory_space<vmem>> -> memref<8x128xf32, #tpu.memory_space<vmem>>
      %dma_wait3A_1573 = arith.constant 0 : i32
      %dma_wait3A_1574 = tpu.memref_slice %arg3[%dma_wait3A_1569, %dma_wait3A_1573, %multiple_of3A_614] : memref<2x8x1000000xf32, #tpu.memory_space<hbm>> -> memref<1x8x128xf32, #tpu.memory_space<hbm>>
      %dma_wait3A_1575 = tpu.memref_squeeze %dma_wait3A_1574 : memref<1x8x128xf32, #tpu.memory_space<hbm>> -> memref<8x128xf32, #tpu.memory_space<hbm>>
      %dma_wait3A_1576 = arith.constant 152 : i32
      %dma_wait3A_1577 = arith.constant 0 : i32
      %dma_wait3A_1578 = tpu.memref_slice %arg10[%dma_wait3A_1576, %dma_wait3A_1577] : memref<256x128xf32, #tpu.memory_space<vmem>> -> memref<8x128xf32, #tpu.memory_space<vmem>>
      %dma_wait3A_1579 = arith.constant 0 : i32
      %dma_wait3A_1580 = tpu.memref_slice %arg3[%dma_wait3A_1569, %dma_wait3A_1579, %multiple_of3A_614] : memref<2x8x1000000xf32, #tpu.memory_space<hbm>> -> memref<1x8x128xf32, #tpu.memory_space<hbm>>
      %dma_wait3A_1581 = tpu.memref_squeeze %dma_wait3A_1580 : memref<1x8x128xf32, #tpu.memory_space<hbm>> -> memref<8x128xf32, #tpu.memory_space<hbm>>
      tpu.wait_dma2 semaphore(%arg12 : memref<!tpu.dma_semaphore, #tpu.memory_space<semaphore_mem>>) src(%dma_wait3A_1581 : memref<8x128xf32, #tpu.memory_space<hbm>>) dst(%dma_wait3A_1578 : memref<8x128xf32, #tpu.memory_space<vmem>>)
      %dma_wait3A_1582 = arith.constant 0 : i32
      %dma_wait3A_1583 = arith.constant 160 : i32
      %dma_wait3A_1584 = arith.constant 0 : i32
      %dma_wait3A_1585 = tpu.memref_slice %arg9[%dma_wait3A_1583, %dma_wait3A_1584] : memref<256x128xf32, #tpu.memory_space<vmem>> -> memref<8x128xf32, #tpu.memory_space<vmem>>
      %dma_wait3A_1586 = arith.constant 0 : i32
      %dma_wait3A_1587 = tpu.memref_slice %arg2[%dma_wait3A_1582, %dma_wait3A_1586, %multiple_of3A_673] : memref<2x8x1000000xf32, #tpu.memory_space<hbm>> -> memref<1x8x128xf32, #tpu.memory_space<hbm>>
      %dma_wait3A_1588 = tpu.memref_squeeze %dma_wait3A_1587 : memref<1x8x128xf32, #tpu.memory_space<hbm>> -> memref<8x128xf32, #tpu.memory_space<hbm>>
      %dma_wait3A_1589 = arith.constant 160 : i32
      %dma_wait3A_1590 = arith.constant 0 : i32
      %dma_wait3A_1591 = tpu.memref_slice %arg9[%dma_wait3A_1589, %dma_wait3A_1590] : memref<256x128xf32, #tpu.memory_space<vmem>> -> memref<8x128xf32, #tpu.memory_space<vmem>>
      %dma_wait3A_1592 = arith.constant 0 : i32
      %dma_wait3A_1593 = tpu.memref_slice %arg2[%dma_wait3A_1582, %dma_wait3A_1592, %multiple_of3A_673] : memref<2x8x1000000xf32, #tpu.memory_space<hbm>> -> memref<1x8x128xf32, #tpu.memory_space<hbm>>
      %dma_wait3A_1594 = tpu.memref_squeeze %dma_wait3A_1593 : memref<1x8x128xf32, #tpu.memory_space<hbm>> -> memref<8x128xf32, #tpu.memory_space<hbm>>
      tpu.wait_dma2 semaphore(%arg12 : memref<!tpu.dma_semaphore, #tpu.memory_space<semaphore_mem>>) src(%dma_wait3A_1594 : memref<8x128xf32, #tpu.memory_space<hbm>>) dst(%dma_wait3A_1591 : memref<8x128xf32, #tpu.memory_space<vmem>>)
      %dma_wait3A_1595 = arith.constant 0 : i32
      %dma_wait3A_1596 = arith.constant 160 : i32
      %dma_wait3A_1597 = arith.constant 0 : i32
      %dma_wait3A_1598 = tpu.memref_slice %arg10[%dma_wait3A_1596, %dma_wait3A_1597] : memref<256x128xf32, #tpu.memory_space<vmem>> -> memref<8x128xf32, #tpu.memory_space<vmem>>
      %dma_wait3A_1599 = arith.constant 0 : i32
      %dma_wait3A_1600 = tpu.memref_slice %arg3[%dma_wait3A_1595, %dma_wait3A_1599, %multiple_of3A_680] : memref<2x8x1000000xf32, #tpu.memory_space<hbm>> -> memref<1x8x128xf32, #tpu.memory_space<hbm>>
      %dma_wait3A_1601 = tpu.memref_squeeze %dma_wait3A_1600 : memref<1x8x128xf32, #tpu.memory_space<hbm>> -> memref<8x128xf32, #tpu.memory_space<hbm>>
      %dma_wait3A_1602 = arith.constant 160 : i32
      %dma_wait3A_1603 = arith.constant 0 : i32
      %dma_wait3A_1604 = tpu.memref_slice %arg10[%dma_wait3A_1602, %dma_wait3A_1603] : memref<256x128xf32, #tpu.memory_space<vmem>> -> memref<8x128xf32, #tpu.memory_space<vmem>>
      %dma_wait3A_1605 = arith.constant 0 : i32
      %dma_wait3A_1606 = tpu.memref_slice %arg3[%dma_wait3A_1595, %dma_wait3A_1605, %multiple_of3A_680] : memref<2x8x1000000xf32, #tpu.memory_space<hbm>> -> memref<1x8x128xf32, #tpu.memory_space<hbm>>
      %dma_wait3A_1607 = tpu.memref_squeeze %dma_wait3A_1606 : memref<1x8x128xf32, #tpu.memory_space<hbm>> -> memref<8x128xf32, #tpu.memory_space<hbm>>
      tpu.wait_dma2 semaphore(%arg12 : memref<!tpu.dma_semaphore, #tpu.memory_space<semaphore_mem>>) src(%dma_wait3A_1607 : memref<8x128xf32, #tpu.memory_space<hbm>>) dst(%dma_wait3A_1604 : memref<8x128xf32, #tpu.memory_space<vmem>>)
      %dma_wait3A_1608 = arith.constant 1 : i32
      %dma_wait3A_1609 = arith.constant 168 : i32
      %dma_wait3A_1610 = arith.constant 0 : i32
      %dma_wait3A_1611 = tpu.memref_slice %arg9[%dma_wait3A_1609, %dma_wait3A_1610] : memref<256x128xf32, #tpu.memory_space<vmem>> -> memref<8x128xf32, #tpu.memory_space<vmem>>
      %dma_wait3A_1612 = arith.constant 0 : i32
      %dma_wait3A_1613 = tpu.memref_slice %arg2[%dma_wait3A_1608, %dma_wait3A_1612, %multiple_of3A_673] : memref<2x8x1000000xf32, #tpu.memory_space<hbm>> -> memref<1x8x128xf32, #tpu.memory_space<hbm>>
      %dma_wait3A_1614 = tpu.memref_squeeze %dma_wait3A_1613 : memref<1x8x128xf32, #tpu.memory_space<hbm>> -> memref<8x128xf32, #tpu.memory_space<hbm>>
      %dma_wait3A_1615 = arith.constant 168 : i32
      %dma_wait3A_1616 = arith.constant 0 : i32
      %dma_wait3A_1617 = tpu.memref_slice %arg9[%dma_wait3A_1615, %dma_wait3A_1616] : memref<256x128xf32, #tpu.memory_space<vmem>> -> memref<8x128xf32, #tpu.memory_space<vmem>>
      %dma_wait3A_1618 = arith.constant 0 : i32
      %dma_wait3A_1619 = tpu.memref_slice %arg2[%dma_wait3A_1608, %dma_wait3A_1618, %multiple_of3A_673] : memref<2x8x1000000xf32, #tpu.memory_space<hbm>> -> memref<1x8x128xf32, #tpu.memory_space<hbm>>
      %dma_wait3A_1620 = tpu.memref_squeeze %dma_wait3A_1619 : memref<1x8x128xf32, #tpu.memory_space<hbm>> -> memref<8x128xf32, #tpu.memory_space<hbm>>
      tpu.wait_dma2 semaphore(%arg12 : memref<!tpu.dma_semaphore, #tpu.memory_space<semaphore_mem>>) src(%dma_wait3A_1620 : memref<8x128xf32, #tpu.memory_space<hbm>>) dst(%dma_wait3A_1617 : memref<8x128xf32, #tpu.memory_space<vmem>>)
      %dma_wait3A_1621 = arith.constant 1 : i32
      %dma_wait3A_1622 = arith.constant 168 : i32
      %dma_wait3A_1623 = arith.constant 0 : i32
      %dma_wait3A_1624 = tpu.memref_slice %arg10[%dma_wait3A_1622, %dma_wait3A_1623] : memref<256x128xf32, #tpu.memory_space<vmem>> -> memref<8x128xf32, #tpu.memory_space<vmem>>
      %dma_wait3A_1625 = arith.constant 0 : i32
      %dma_wait3A_1626 = tpu.memref_slice %arg3[%dma_wait3A_1621, %dma_wait3A_1625, %multiple_of3A_680] : memref<2x8x1000000xf32, #tpu.memory_space<hbm>> -> memref<1x8x128xf32, #tpu.memory_space<hbm>>
      %dma_wait3A_1627 = tpu.memref_squeeze %dma_wait3A_1626 : memref<1x8x128xf32, #tpu.memory_space<hbm>> -> memref<8x128xf32, #tpu.memory_space<hbm>>
      %dma_wait3A_1628 = arith.constant 168 : i32
      %dma_wait3A_1629 = arith.constant 0 : i32
      %dma_wait3A_1630 = tpu.memref_slice %arg10[%dma_wait3A_1628, %dma_wait3A_1629] : memref<256x128xf32, #tpu.memory_space<vmem>> -> memref<8x128xf32, #tpu.memory_space<vmem>>
      %dma_wait3A_1631 = arith.constant 0 : i32
      %dma_wait3A_1632 = tpu.memref_slice %arg3[%dma_wait3A_1621, %dma_wait3A_1631, %multiple_of3A_680] : memref<2x8x1000000xf32, #tpu.memory_space<hbm>> -> memref<1x8x128xf32, #tpu.memory_space<hbm>>
      %dma_wait3A_1633 = tpu.memref_squeeze %dma_wait3A_1632 : memref<1x8x128xf32, #tpu.memory_space<hbm>> -> memref<8x128xf32, #tpu.memory_space<hbm>>
      tpu.wait_dma2 semaphore(%arg12 : memref<!tpu.dma_semaphore, #tpu.memory_space<semaphore_mem>>) src(%dma_wait3A_1633 : memref<8x128xf32, #tpu.memory_space<hbm>>) dst(%dma_wait3A_1630 : memref<8x128xf32, #tpu.memory_space<vmem>>)
      %dma_wait3A_1634 = arith.constant 0 : i32
      %dma_wait3A_1635 = arith.constant 176 : i32
      %dma_wait3A_1636 = arith.constant 0 : i32
      %dma_wait3A_1637 = tpu.memref_slice %arg9[%dma_wait3A_1635, %dma_wait3A_1636] : memref<256x128xf32, #tpu.memory_space<vmem>> -> memref<8x128xf32, #tpu.memory_space<vmem>>
      %dma_wait3A_1638 = arith.constant 0 : i32
      %dma_wait3A_1639 = tpu.memref_slice %arg2[%dma_wait3A_1634, %dma_wait3A_1638, %multiple_of3A_739] : memref<2x8x1000000xf32, #tpu.memory_space<hbm>> -> memref<1x8x128xf32, #tpu.memory_space<hbm>>
      %dma_wait3A_1640 = tpu.memref_squeeze %dma_wait3A_1639 : memref<1x8x128xf32, #tpu.memory_space<hbm>> -> memref<8x128xf32, #tpu.memory_space<hbm>>
      %dma_wait3A_1641 = arith.constant 176 : i32
      %dma_wait3A_1642 = arith.constant 0 : i32
      %dma_wait3A_1643 = tpu.memref_slice %arg9[%dma_wait3A_1641, %dma_wait3A_1642] : memref<256x128xf32, #tpu.memory_space<vmem>> -> memref<8x128xf32, #tpu.memory_space<vmem>>
      %dma_wait3A_1644 = arith.constant 0 : i32
      %dma_wait3A_1645 = tpu.memref_slice %arg2[%dma_wait3A_1634, %dma_wait3A_1644, %multiple_of3A_739] : memref<2x8x1000000xf32, #tpu.memory_space<hbm>> -> memref<1x8x128xf32, #tpu.memory_space<hbm>>
      %dma_wait3A_1646 = tpu.memref_squeeze %dma_wait3A_1645 : memref<1x8x128xf32, #tpu.memory_space<hbm>> -> memref<8x128xf32, #tpu.memory_space<hbm>>
      tpu.wait_dma2 semaphore(%arg12 : memref<!tpu.dma_semaphore, #tpu.memory_space<semaphore_mem>>) src(%dma_wait3A_1646 : memref<8x128xf32, #tpu.memory_space<hbm>>) dst(%dma_wait3A_1643 : memref<8x128xf32, #tpu.memory_space<vmem>>)
      %dma_wait3A_1647 = arith.constant 0 : i32
      %dma_wait3A_1648 = arith.constant 176 : i32
      %dma_wait3A_1649 = arith.constant 0 : i32
      %dma_wait3A_1650 = tpu.memref_slice %arg10[%dma_wait3A_1648, %dma_wait3A_1649] : memref<256x128xf32, #tpu.memory_space<vmem>> -> memref<8x128xf32, #tpu.memory_space<vmem>>
      %dma_wait3A_1651 = arith.constant 0 : i32
      %dma_wait3A_1652 = tpu.memref_slice %arg3[%dma_wait3A_1647, %dma_wait3A_1651, %multiple_of3A_746] : memref<2x8x1000000xf32, #tpu.memory_space<hbm>> -> memref<1x8x128xf32, #tpu.memory_space<hbm>>
      %dma_wait3A_1653 = tpu.memref_squeeze %dma_wait3A_1652 : memref<1x8x128xf32, #tpu.memory_space<hbm>> -> memref<8x128xf32, #tpu.memory_space<hbm>>
      %dma_wait3A_1654 = arith.constant 176 : i32
      %dma_wait3A_1655 = arith.constant 0 : i32
      %dma_wait3A_1656 = tpu.memref_slice %arg10[%dma_wait3A_1654, %dma_wait3A_1655] : memref<256x128xf32, #tpu.memory_space<vmem>> -> memref<8x128xf32, #tpu.memory_space<vmem>>
      %dma_wait3A_1657 = arith.constant 0 : i32
      %dma_wait3A_1658 = tpu.memref_slice %arg3[%dma_wait3A_1647, %dma_wait3A_1657, %multiple_of3A_746] : memref<2x8x1000000xf32, #tpu.memory_space<hbm>> -> memref<1x8x128xf32, #tpu.memory_space<hbm>>
      %dma_wait3A_1659 = tpu.memref_squeeze %dma_wait3A_1658 : memref<1x8x128xf32, #tpu.memory_space<hbm>> -> memref<8x128xf32, #tpu.memory_space<hbm>>
      tpu.wait_dma2 semaphore(%arg12 : memref<!tpu.dma_semaphore, #tpu.memory_space<semaphore_mem>>) src(%dma_wait3A_1659 : memref<8x128xf32, #tpu.memory_space<hbm>>) dst(%dma_wait3A_1656 : memref<8x128xf32, #tpu.memory_space<vmem>>)
      %dma_wait3A_1660 = arith.constant 1 : i32
      %dma_wait3A_1661 = arith.constant 184 : i32
      %dma_wait3A_1662 = arith.constant 0 : i32
      %dma_wait3A_1663 = tpu.memref_slice %arg9[%dma_wait3A_1661, %dma_wait3A_1662] : memref<256x128xf32, #tpu.memory_space<vmem>> -> memref<8x128xf32, #tpu.memory_space<vmem>>
      %dma_wait3A_1664 = arith.constant 0 : i32
      %dma_wait3A_1665 = tpu.memref_slice %arg2[%dma_wait3A_1660, %dma_wait3A_1664, %multiple_of3A_739] : memref<2x8x1000000xf32, #tpu.memory_space<hbm>> -> memref<1x8x128xf32, #tpu.memory_space<hbm>>
      %dma_wait3A_1666 = tpu.memref_squeeze %dma_wait3A_1665 : memref<1x8x128xf32, #tpu.memory_space<hbm>> -> memref<8x128xf32, #tpu.memory_space<hbm>>
      %dma_wait3A_1667 = arith.constant 184 : i32
      %dma_wait3A_1668 = arith.constant 0 : i32
      %dma_wait3A_1669 = tpu.memref_slice %arg9[%dma_wait3A_1667, %dma_wait3A_1668] : memref<256x128xf32, #tpu.memory_space<vmem>> -> memref<8x128xf32, #tpu.memory_space<vmem>>
      %dma_wait3A_1670 = arith.constant 0 : i32
      %dma_wait3A_1671 = tpu.memref_slice %arg2[%dma_wait3A_1660, %dma_wait3A_1670, %multiple_of3A_739] : memref<2x8x1000000xf32, #tpu.memory_space<hbm>> -> memref<1x8x128xf32, #tpu.memory_space<hbm>>
      %dma_wait3A_1672 = tpu.memref_squeeze %dma_wait3A_1671 : memref<1x8x128xf32, #tpu.memory_space<hbm>> -> memref<8x128xf32, #tpu.memory_space<hbm>>
      tpu.wait_dma2 semaphore(%arg12 : memref<!tpu.dma_semaphore, #tpu.memory_space<semaphore_mem>>) src(%dma_wait3A_1672 : memref<8x128xf32, #tpu.memory_space<hbm>>) dst(%dma_wait3A_1669 : memref<8x128xf32, #tpu.memory_space<vmem>>)
      %dma_wait3A_1673 = arith.constant 1 : i32
      %dma_wait3A_1674 = arith.constant 184 : i32
      %dma_wait3A_1675 = arith.constant 0 : i32
      %dma_wait3A_1676 = tpu.memref_slice %arg10[%dma_wait3A_1674, %dma_wait3A_1675] : memref<256x128xf32, #tpu.memory_space<vmem>> -> memref<8x128xf32, #tpu.memory_space<vmem>>
      %dma_wait3A_1677 = arith.constant 0 : i32
      %dma_wait3A_1678 = tpu.memref_slice %arg3[%dma_wait3A_1673, %dma_wait3A_1677, %multiple_of3A_746] : memref<2x8x1000000xf32, #tpu.memory_space<hbm>> -> memref<1x8x128xf32, #tpu.memory_space<hbm>>
      %dma_wait3A_1679 = tpu.memref_squeeze %dma_wait3A_1678 : memref<1x8x128xf32, #tpu.memory_space<hbm>> -> memref<8x128xf32, #tpu.memory_space<hbm>>
      %dma_wait3A_1680 = arith.constant 184 : i32
      %dma_wait3A_1681 = arith.constant 0 : i32
      %dma_wait3A_1682 = tpu.memref_slice %arg10[%dma_wait3A_1680, %dma_wait3A_1681] : memref<256x128xf32, #tpu.memory_space<vmem>> -> memref<8x128xf32, #tpu.memory_space<vmem>>
      %dma_wait3A_1683 = arith.constant 0 : i32
      %dma_wait3A_1684 = tpu.memref_slice %arg3[%dma_wait3A_1673, %dma_wait3A_1683, %multiple_of3A_746] : memref<2x8x1000000xf32, #tpu.memory_space<hbm>> -> memref<1x8x128xf32, #tpu.memory_space<hbm>>
      %dma_wait3A_1685 = tpu.memref_squeeze %dma_wait3A_1684 : memref<1x8x128xf32, #tpu.memory_space<hbm>> -> memref<8x128xf32, #tpu.memory_space<hbm>>
      tpu.wait_dma2 semaphore(%arg12 : memref<!tpu.dma_semaphore, #tpu.memory_space<semaphore_mem>>) src(%dma_wait3A_1685 : memref<8x128xf32, #tpu.memory_space<hbm>>) dst(%dma_wait3A_1682 : memref<8x128xf32, #tpu.memory_space<vmem>>)
      %dma_wait3A_1686 = arith.constant 0 : i32
      %dma_wait3A_1687 = arith.constant 192 : i32
      %dma_wait3A_1688 = arith.constant 0 : i32
      %dma_wait3A_1689 = tpu.memref_slice %arg9[%dma_wait3A_1687, %dma_wait3A_1688] : memref<256x128xf32, #tpu.memory_space<vmem>> -> memref<8x128xf32, #tpu.memory_space<vmem>>
      %dma_wait3A_1690 = arith.constant 0 : i32
      %dma_wait3A_1691 = tpu.memref_slice %arg2[%dma_wait3A_1686, %dma_wait3A_1690, %multiple_of3A_805] : memref<2x8x1000000xf32, #tpu.memory_space<hbm>> -> memref<1x8x128xf32, #tpu.memory_space<hbm>>
      %dma_wait3A_1692 = tpu.memref_squeeze %dma_wait3A_1691 : memref<1x8x128xf32, #tpu.memory_space<hbm>> -> memref<8x128xf32, #tpu.memory_space<hbm>>
      %dma_wait3A_1693 = arith.constant 192 : i32
      %dma_wait3A_1694 = arith.constant 0 : i32
      %dma_wait3A_1695 = tpu.memref_slice %arg9[%dma_wait3A_1693, %dma_wait3A_1694] : memref<256x128xf32, #tpu.memory_space<vmem>> -> memref<8x128xf32, #tpu.memory_space<vmem>>
      %dma_wait3A_1696 = arith.constant 0 : i32
      %dma_wait3A_1697 = tpu.memref_slice %arg2[%dma_wait3A_1686, %dma_wait3A_1696, %multiple_of3A_805] : memref<2x8x1000000xf32, #tpu.memory_space<hbm>> -> memref<1x8x128xf32, #tpu.memory_space<hbm>>
      %dma_wait3A_1698 = tpu.memref_squeeze %dma_wait3A_1697 : memref<1x8x128xf32, #tpu.memory_space<hbm>> -> memref<8x128xf32, #tpu.memory_space<hbm>>
      tpu.wait_dma2 semaphore(%arg12 : memref<!tpu.dma_semaphore, #tpu.memory_space<semaphore_mem>>) src(%dma_wait3A_1698 : memref<8x128xf32, #tpu.memory_space<hbm>>) dst(%dma_wait3A_1695 : memref<8x128xf32, #tpu.memory_space<vmem>>)
      %dma_wait3A_1699 = arith.constant 0 : i32
      %dma_wait3A_1700 = arith.constant 192 : i32
      %dma_wait3A_1701 = arith.constant 0 : i32
      %dma_wait3A_1702 = tpu.memref_slice %arg10[%dma_wait3A_1700, %dma_wait3A_1701] : memref<256x128xf32, #tpu.memory_space<vmem>> -> memref<8x128xf32, #tpu.memory_space<vmem>>
      %dma_wait3A_1703 = arith.constant 0 : i32
      %dma_wait3A_1704 = tpu.memref_slice %arg3[%dma_wait3A_1699, %dma_wait3A_1703, %multiple_of3A_812] : memref<2x8x1000000xf32, #tpu.memory_space<hbm>> -> memref<1x8x128xf32, #tpu.memory_space<hbm>>
      %dma_wait3A_1705 = tpu.memref_squeeze %dma_wait3A_1704 : memref<1x8x128xf32, #tpu.memory_space<hbm>> -> memref<8x128xf32, #tpu.memory_space<hbm>>
      %dma_wait3A_1706 = arith.constant 192 : i32
      %dma_wait3A_1707 = arith.constant 0 : i32
      %dma_wait3A_1708 = tpu.memref_slice %arg10[%dma_wait3A_1706, %dma_wait3A_1707] : memref<256x128xf32, #tpu.memory_space<vmem>> -> memref<8x128xf32, #tpu.memory_space<vmem>>
      %dma_wait3A_1709 = arith.constant 0 : i32
      %dma_wait3A_1710 = tpu.memref_slice %arg3[%dma_wait3A_1699, %dma_wait3A_1709, %multiple_of3A_812] : memref<2x8x1000000xf32, #tpu.memory_space<hbm>> -> memref<1x8x128xf32, #tpu.memory_space<hbm>>
      %dma_wait3A_1711 = tpu.memref_squeeze %dma_wait3A_1710 : memref<1x8x128xf32, #tpu.memory_space<hbm>> -> memref<8x128xf32, #tpu.memory_space<hbm>>
      tpu.wait_dma2 semaphore(%arg12 : memref<!tpu.dma_semaphore, #tpu.memory_space<semaphore_mem>>) src(%dma_wait3A_1711 : memref<8x128xf32, #tpu.memory_space<hbm>>) dst(%dma_wait3A_1708 : memref<8x128xf32, #tpu.memory_space<vmem>>)
      %dma_wait3A_1712 = arith.constant 1 : i32
      %dma_wait3A_1713 = arith.constant 200 : i32
      %dma_wait3A_1714 = arith.constant 0 : i32
      %dma_wait3A_1715 = tpu.memref_slice %arg9[%dma_wait3A_1713, %dma_wait3A_1714] : memref<256x128xf32, #tpu.memory_space<vmem>> -> memref<8x128xf32, #tpu.memory_space<vmem>>
      %dma_wait3A_1716 = arith.constant 0 : i32
      %dma_wait3A_1717 = tpu.memref_slice %arg2[%dma_wait3A_1712, %dma_wait3A_1716, %multiple_of3A_805] : memref<2x8x1000000xf32, #tpu.memory_space<hbm>> -> memref<1x8x128xf32, #tpu.memory_space<hbm>>
      %dma_wait3A_1718 = tpu.memref_squeeze %dma_wait3A_1717 : memref<1x8x128xf32, #tpu.memory_space<hbm>> -> memref<8x128xf32, #tpu.memory_space<hbm>>
      %dma_wait3A_1719 = arith.constant 200 : i32
      %dma_wait3A_1720 = arith.constant 0 : i32
      %dma_wait3A_1721 = tpu.memref_slice %arg9[%dma_wait3A_1719, %dma_wait3A_1720] : memref<256x128xf32, #tpu.memory_space<vmem>> -> memref<8x128xf32, #tpu.memory_space<vmem>>
      %dma_wait3A_1722 = arith.constant 0 : i32
      %dma_wait3A_1723 = tpu.memref_slice %arg2[%dma_wait3A_1712, %dma_wait3A_1722, %multiple_of3A_805] : memref<2x8x1000000xf32, #tpu.memory_space<hbm>> -> memref<1x8x128xf32, #tpu.memory_space<hbm>>
      %dma_wait3A_1724 = tpu.memref_squeeze %dma_wait3A_1723 : memref<1x8x128xf32, #tpu.memory_space<hbm>> -> memref<8x128xf32, #tpu.memory_space<hbm>>
      tpu.wait_dma2 semaphore(%arg12 : memref<!tpu.dma_semaphore, #tpu.memory_space<semaphore_mem>>) src(%dma_wait3A_1724 : memref<8x128xf32, #tpu.memory_space<hbm>>) dst(%dma_wait3A_1721 : memref<8x128xf32, #tpu.memory_space<vmem>>)
      %dma_wait3A_1725 = arith.constant 1 : i32
      %dma_wait3A_1726 = arith.constant 200 : i32
      %dma_wait3A_1727 = arith.constant 0 : i32
      %dma_wait3A_1728 = tpu.memref_slice %arg10[%dma_wait3A_1726, %dma_wait3A_1727] : memref<256x128xf32, #tpu.memory_space<vmem>> -> memref<8x128xf32, #tpu.memory_space<vmem>>
      %dma_wait3A_1729 = arith.constant 0 : i32
      %dma_wait3A_1730 = tpu.memref_slice %arg3[%dma_wait3A_1725, %dma_wait3A_1729, %multiple_of3A_812] : memref<2x8x1000000xf32, #tpu.memory_space<hbm>> -> memref<1x8x128xf32, #tpu.memory_space<hbm>>
      %dma_wait3A_1731 = tpu.memref_squeeze %dma_wait3A_1730 : memref<1x8x128xf32, #tpu.memory_space<hbm>> -> memref<8x128xf32, #tpu.memory_space<hbm>>
      %dma_wait3A_1732 = arith.constant 200 : i32
      %dma_wait3A_1733 = arith.constant 0 : i32
      %dma_wait3A_1734 = tpu.memref_slice %arg10[%dma_wait3A_1732, %dma_wait3A_1733] : memref<256x128xf32, #tpu.memory_space<vmem>> -> memref<8x128xf32, #tpu.memory_space<vmem>>
      %dma_wait3A_1735 = arith.constant 0 : i32
      %dma_wait3A_1736 = tpu.memref_slice %arg3[%dma_wait3A_1725, %dma_wait3A_1735, %multiple_of3A_812] : memref<2x8x1000000xf32, #tpu.memory_space<hbm>> -> memref<1x8x128xf32, #tpu.memory_space<hbm>>
      %dma_wait3A_1737 = tpu.memref_squeeze %dma_wait3A_1736 : memref<1x8x128xf32, #tpu.memory_space<hbm>> -> memref<8x128xf32, #tpu.memory_space<hbm>>
      tpu.wait_dma2 semaphore(%arg12 : memref<!tpu.dma_semaphore, #tpu.memory_space<semaphore_mem>>) src(%dma_wait3A_1737 : memref<8x128xf32, #tpu.memory_space<hbm>>) dst(%dma_wait3A_1734 : memref<8x128xf32, #tpu.memory_space<vmem>>)
      %dma_wait3A_1738 = arith.constant 0 : i32
      %dma_wait3A_1739 = arith.constant 208 : i32
      %dma_wait3A_1740 = arith.constant 0 : i32
      %dma_wait3A_1741 = tpu.memref_slice %arg9[%dma_wait3A_1739, %dma_wait3A_1740] : memref<256x128xf32, #tpu.memory_space<vmem>> -> memref<8x128xf32, #tpu.memory_space<vmem>>
      %dma_wait3A_1742 = arith.constant 0 : i32
      %dma_wait3A_1743 = tpu.memref_slice %arg2[%dma_wait3A_1738, %dma_wait3A_1742, %multiple_of3A_871] : memref<2x8x1000000xf32, #tpu.memory_space<hbm>> -> memref<1x8x128xf32, #tpu.memory_space<hbm>>
      %dma_wait3A_1744 = tpu.memref_squeeze %dma_wait3A_1743 : memref<1x8x128xf32, #tpu.memory_space<hbm>> -> memref<8x128xf32, #tpu.memory_space<hbm>>
      %dma_wait3A_1745 = arith.constant 208 : i32
      %dma_wait3A_1746 = arith.constant 0 : i32
      %dma_wait3A_1747 = tpu.memref_slice %arg9[%dma_wait3A_1745, %dma_wait3A_1746] : memref<256x128xf32, #tpu.memory_space<vmem>> -> memref<8x128xf32, #tpu.memory_space<vmem>>
      %dma_wait3A_1748 = arith.constant 0 : i32
      %dma_wait3A_1749 = tpu.memref_slice %arg2[%dma_wait3A_1738, %dma_wait3A_1748, %multiple_of3A_871] : memref<2x8x1000000xf32, #tpu.memory_space<hbm>> -> memref<1x8x128xf32, #tpu.memory_space<hbm>>
      %dma_wait3A_1750 = tpu.memref_squeeze %dma_wait3A_1749 : memref<1x8x128xf32, #tpu.memory_space<hbm>> -> memref<8x128xf32, #tpu.memory_space<hbm>>
      tpu.wait_dma2 semaphore(%arg12 : memref<!tpu.dma_semaphore, #tpu.memory_space<semaphore_mem>>) src(%dma_wait3A_1750 : memref<8x128xf32, #tpu.memory_space<hbm>>) dst(%dma_wait3A_1747 : memref<8x128xf32, #tpu.memory_space<vmem>>)
      %dma_wait3A_1751 = arith.constant 0 : i32
      %dma_wait3A_1752 = arith.constant 208 : i32
      %dma_wait3A_1753 = arith.constant 0 : i32
      %dma_wait3A_1754 = tpu.memref_slice %arg10[%dma_wait3A_1752, %dma_wait3A_1753] : memref<256x128xf32, #tpu.memory_space<vmem>> -> memref<8x128xf32, #tpu.memory_space<vmem>>
      %dma_wait3A_1755 = arith.constant 0 : i32
      %dma_wait3A_1756 = tpu.memref_slice %arg3[%dma_wait3A_1751, %dma_wait3A_1755, %multiple_of3A_878] : memref<2x8x1000000xf32, #tpu.memory_space<hbm>> -> memref<1x8x128xf32, #tpu.memory_space<hbm>>
      %dma_wait3A_1757 = tpu.memref_squeeze %dma_wait3A_1756 : memref<1x8x128xf32, #tpu.memory_space<hbm>> -> memref<8x128xf32, #tpu.memory_space<hbm>>
      %dma_wait3A_1758 = arith.constant 208 : i32
      %dma_wait3A_1759 = arith.constant 0 : i32
      %dma_wait3A_1760 = tpu.memref_slice %arg10[%dma_wait3A_1758, %dma_wait3A_1759] : memref<256x128xf32, #tpu.memory_space<vmem>> -> memref<8x128xf32, #tpu.memory_space<vmem>>
      %dma_wait3A_1761 = arith.constant 0 : i32
      %dma_wait3A_1762 = tpu.memref_slice %arg3[%dma_wait3A_1751, %dma_wait3A_1761, %multiple_of3A_878] : memref<2x8x1000000xf32, #tpu.memory_space<hbm>> -> memref<1x8x128xf32, #tpu.memory_space<hbm>>
      %dma_wait3A_1763 = tpu.memref_squeeze %dma_wait3A_1762 : memref<1x8x128xf32, #tpu.memory_space<hbm>> -> memref<8x128xf32, #tpu.memory_space<hbm>>
      tpu.wait_dma2 semaphore(%arg12 : memref<!tpu.dma_semaphore, #tpu.memory_space<semaphore_mem>>) src(%dma_wait3A_1763 : memref<8x128xf32, #tpu.memory_space<hbm>>) dst(%dma_wait3A_1760 : memref<8x128xf32, #tpu.memory_space<vmem>>)
      %dma_wait3A_1764 = arith.constant 1 : i32
      %dma_wait3A_1765 = arith.constant 216 : i32
      %dma_wait3A_1766 = arith.constant 0 : i32
      %dma_wait3A_1767 = tpu.memref_slice %arg9[%dma_wait3A_1765, %dma_wait3A_1766] : memref<256x128xf32, #tpu.memory_space<vmem>> -> memref<8x128xf32, #tpu.memory_space<vmem>>
      %dma_wait3A_1768 = arith.constant 0 : i32
      %dma_wait3A_1769 = tpu.memref_slice %arg2[%dma_wait3A_1764, %dma_wait3A_1768, %multiple_of3A_871] : memref<2x8x1000000xf32, #tpu.memory_space<hbm>> -> memref<1x8x128xf32, #tpu.memory_space<hbm>>
      %dma_wait3A_1770 = tpu.memref_squeeze %dma_wait3A_1769 : memref<1x8x128xf32, #tpu.memory_space<hbm>> -> memref<8x128xf32, #tpu.memory_space<hbm>>
      %dma_wait3A_1771 = arith.constant 216 : i32
      %dma_wait3A_1772 = arith.constant 0 : i32
      %dma_wait3A_1773 = tpu.memref_slice %arg9[%dma_wait3A_1771, %dma_wait3A_1772] : memref<256x128xf32, #tpu.memory_space<vmem>> -> memref<8x128xf32, #tpu.memory_space<vmem>>
      %dma_wait3A_1774 = arith.constant 0 : i32
      %dma_wait3A_1775 = tpu.memref_slice %arg2[%dma_wait3A_1764, %dma_wait3A_1774, %multiple_of3A_871] : memref<2x8x1000000xf32, #tpu.memory_space<hbm>> -> memref<1x8x128xf32, #tpu.memory_space<hbm>>
      %dma_wait3A_1776 = tpu.memref_squeeze %dma_wait3A_1775 : memref<1x8x128xf32, #tpu.memory_space<hbm>> -> memref<8x128xf32, #tpu.memory_space<hbm>>
      tpu.wait_dma2 semaphore(%arg12 : memref<!tpu.dma_semaphore, #tpu.memory_space<semaphore_mem>>) src(%dma_wait3A_1776 : memref<8x128xf32, #tpu.memory_space<hbm>>) dst(%dma_wait3A_1773 : memref<8x128xf32, #tpu.memory_space<vmem>>)
      %dma_wait3A_1777 = arith.constant 1 : i32
      %dma_wait3A_1778 = arith.constant 216 : i32
      %dma_wait3A_1779 = arith.constant 0 : i32
      %dma_wait3A_1780 = tpu.memref_slice %arg10[%dma_wait3A_1778, %dma_wait3A_1779] : memref<256x128xf32, #tpu.memory_space<vmem>> -> memref<8x128xf32, #tpu.memory_space<vmem>>
      %dma_wait3A_1781 = arith.constant 0 : i32
      %dma_wait3A_1782 = tpu.memref_slice %arg3[%dma_wait3A_1777, %dma_wait3A_1781, %multiple_of3A_878] : memref<2x8x1000000xf32, #tpu.memory_space<hbm>> -> memref<1x8x128xf32, #tpu.memory_space<hbm>>
      %dma_wait3A_1783 = tpu.memref_squeeze %dma_wait3A_1782 : memref<1x8x128xf32, #tpu.memory_space<hbm>> -> memref<8x128xf32, #tpu.memory_space<hbm>>
      %dma_wait3A_1784 = arith.constant 216 : i32
      %dma_wait3A_1785 = arith.constant 0 : i32
      %dma_wait3A_1786 = tpu.memref_slice %arg10[%dma_wait3A_1784, %dma_wait3A_1785] : memref<256x128xf32, #tpu.memory_space<vmem>> -> memref<8x128xf32, #tpu.memory_space<vmem>>
      %dma_wait3A_1787 = arith.constant 0 : i32
      %dma_wait3A_1788 = tpu.memref_slice %arg3[%dma_wait3A_1777, %dma_wait3A_1787, %multiple_of3A_878] : memref<2x8x1000000xf32, #tpu.memory_space<hbm>> -> memref<1x8x128xf32, #tpu.memory_space<hbm>>
      %dma_wait3A_1789 = tpu.memref_squeeze %dma_wait3A_1788 : memref<1x8x128xf32, #tpu.memory_space<hbm>> -> memref<8x128xf32, #tpu.memory_space<hbm>>
      tpu.wait_dma2 semaphore(%arg12 : memref<!tpu.dma_semaphore, #tpu.memory_space<semaphore_mem>>) src(%dma_wait3A_1789 : memref<8x128xf32, #tpu.memory_space<hbm>>) dst(%dma_wait3A_1786 : memref<8x128xf32, #tpu.memory_space<vmem>>)
      %dma_wait3A_1790 = arith.constant 0 : i32
      %dma_wait3A_1791 = arith.constant 224 : i32
      %dma_wait3A_1792 = arith.constant 0 : i32
      %dma_wait3A_1793 = tpu.memref_slice %arg9[%dma_wait3A_1791, %dma_wait3A_1792] : memref<256x128xf32, #tpu.memory_space<vmem>> -> memref<8x128xf32, #tpu.memory_space<vmem>>
      %dma_wait3A_1794 = arith.constant 0 : i32
      %dma_wait3A_1795 = tpu.memref_slice %arg2[%dma_wait3A_1790, %dma_wait3A_1794, %multiple_of3A_937] : memref<2x8x1000000xf32, #tpu.memory_space<hbm>> -> memref<1x8x128xf32, #tpu.memory_space<hbm>>
      %dma_wait3A_1796 = tpu.memref_squeeze %dma_wait3A_1795 : memref<1x8x128xf32, #tpu.memory_space<hbm>> -> memref<8x128xf32, #tpu.memory_space<hbm>>
      %dma_wait3A_1797 = arith.constant 224 : i32
      %dma_wait3A_1798 = arith.constant 0 : i32
      %dma_wait3A_1799 = tpu.memref_slice %arg9[%dma_wait3A_1797, %dma_wait3A_1798] : memref<256x128xf32, #tpu.memory_space<vmem>> -> memref<8x128xf32, #tpu.memory_space<vmem>>
      %dma_wait3A_1800 = arith.constant 0 : i32
      %dma_wait3A_1801 = tpu.memref_slice %arg2[%dma_wait3A_1790, %dma_wait3A_1800, %multiple_of3A_937] : memref<2x8x1000000xf32, #tpu.memory_space<hbm>> -> memref<1x8x128xf32, #tpu.memory_space<hbm>>
      %dma_wait3A_1802 = tpu.memref_squeeze %dma_wait3A_1801 : memref<1x8x128xf32, #tpu.memory_space<hbm>> -> memref<8x128xf32, #tpu.memory_space<hbm>>
      tpu.wait_dma2 semaphore(%arg12 : memref<!tpu.dma_semaphore, #tpu.memory_space<semaphore_mem>>) src(%dma_wait3A_1802 : memref<8x128xf32, #tpu.memory_space<hbm>>) dst(%dma_wait3A_1799 : memref<8x128xf32, #tpu.memory_space<vmem>>)
      %dma_wait3A_1803 = arith.constant 0 : i32
      %dma_wait3A_1804 = arith.constant 224 : i32
      %dma_wait3A_1805 = arith.constant 0 : i32
      %dma_wait3A_1806 = tpu.memref_slice %arg10[%dma_wait3A_1804, %dma_wait3A_1805] : memref<256x128xf32, #tpu.memory_space<vmem>> -> memref<8x128xf32, #tpu.memory_space<vmem>>
      %dma_wait3A_1807 = arith.constant 0 : i32
      %dma_wait3A_1808 = tpu.memref_slice %arg3[%dma_wait3A_1803, %dma_wait3A_1807, %multiple_of3A_944] : memref<2x8x1000000xf32, #tpu.memory_space<hbm>> -> memref<1x8x128xf32, #tpu.memory_space<hbm>>
      %dma_wait3A_1809 = tpu.memref_squeeze %dma_wait3A_1808 : memref<1x8x128xf32, #tpu.memory_space<hbm>> -> memref<8x128xf32, #tpu.memory_space<hbm>>
      %dma_wait3A_1810 = arith.constant 224 : i32
      %dma_wait3A_1811 = arith.constant 0 : i32
      %dma_wait3A_1812 = tpu.memref_slice %arg10[%dma_wait3A_1810, %dma_wait3A_1811] : memref<256x128xf32, #tpu.memory_space<vmem>> -> memref<8x128xf32, #tpu.memory_space<vmem>>
      %dma_wait3A_1813 = arith.constant 0 : i32
      %dma_wait3A_1814 = tpu.memref_slice %arg3[%dma_wait3A_1803, %dma_wait3A_1813, %multiple_of3A_944] : memref<2x8x1000000xf32, #tpu.memory_space<hbm>> -> memref<1x8x128xf32, #tpu.memory_space<hbm>>
      %dma_wait3A_1815 = tpu.memref_squeeze %dma_wait3A_1814 : memref<1x8x128xf32, #tpu.memory_space<hbm>> -> memref<8x128xf32, #tpu.memory_space<hbm>>
      tpu.wait_dma2 semaphore(%arg12 : memref<!tpu.dma_semaphore, #tpu.memory_space<semaphore_mem>>) src(%dma_wait3A_1815 : memref<8x128xf32, #tpu.memory_space<hbm>>) dst(%dma_wait3A_1812 : memref<8x128xf32, #tpu.memory_space<vmem>>)
      %dma_wait3A_1816 = arith.constant 1 : i32
      %dma_wait3A_1817 = arith.constant 232 : i32
      %dma_wait3A_1818 = arith.constant 0 : i32
      %dma_wait3A_1819 = tpu.memref_slice %arg9[%dma_wait3A_1817, %dma_wait3A_1818] : memref<256x128xf32, #tpu.memory_space<vmem>> -> memref<8x128xf32, #tpu.memory_space<vmem>>
      %dma_wait3A_1820 = arith.constant 0 : i32
      %dma_wait3A_1821 = tpu.memref_slice %arg2[%dma_wait3A_1816, %dma_wait3A_1820, %multiple_of3A_937] : memref<2x8x1000000xf32, #tpu.memory_space<hbm>> -> memref<1x8x128xf32, #tpu.memory_space<hbm>>
      %dma_wait3A_1822 = tpu.memref_squeeze %dma_wait3A_1821 : memref<1x8x128xf32, #tpu.memory_space<hbm>> -> memref<8x128xf32, #tpu.memory_space<hbm>>
      %dma_wait3A_1823 = arith.constant 232 : i32
      %dma_wait3A_1824 = arith.constant 0 : i32
      %dma_wait3A_1825 = tpu.memref_slice %arg9[%dma_wait3A_1823, %dma_wait3A_1824] : memref<256x128xf32, #tpu.memory_space<vmem>> -> memref<8x128xf32, #tpu.memory_space<vmem>>
      %dma_wait3A_1826 = arith.constant 0 : i32
      %dma_wait3A_1827 = tpu.memref_slice %arg2[%dma_wait3A_1816, %dma_wait3A_1826, %multiple_of3A_937] : memref<2x8x1000000xf32, #tpu.memory_space<hbm>> -> memref<1x8x128xf32, #tpu.memory_space<hbm>>
      %dma_wait3A_1828 = tpu.memref_squeeze %dma_wait3A_1827 : memref<1x8x128xf32, #tpu.memory_space<hbm>> -> memref<8x128xf32, #tpu.memory_space<hbm>>
      tpu.wait_dma2 semaphore(%arg12 : memref<!tpu.dma_semaphore, #tpu.memory_space<semaphore_mem>>) src(%dma_wait3A_1828 : memref<8x128xf32, #tpu.memory_space<hbm>>) dst(%dma_wait3A_1825 : memref<8x128xf32, #tpu.memory_space<vmem>>)
      %dma_wait3A_1829 = arith.constant 1 : i32
      %dma_wait3A_1830 = arith.constant 232 : i32
      %dma_wait3A_1831 = arith.constant 0 : i32
      %dma_wait3A_1832 = tpu.memref_slice %arg10[%dma_wait3A_1830, %dma_wait3A_1831] : memref<256x128xf32, #tpu.memory_space<vmem>> -> memref<8x128xf32, #tpu.memory_space<vmem>>
      %dma_wait3A_1833 = arith.constant 0 : i32
      %dma_wait3A_1834 = tpu.memref_slice %arg3[%dma_wait3A_1829, %dma_wait3A_1833, %multiple_of3A_944] : memref<2x8x1000000xf32, #tpu.memory_space<hbm>> -> memref<1x8x128xf32, #tpu.memory_space<hbm>>
      %dma_wait3A_1835 = tpu.memref_squeeze %dma_wait3A_1834 : memref<1x8x128xf32, #tpu.memory_space<hbm>> -> memref<8x128xf32, #tpu.memory_space<hbm>>
      %dma_wait3A_1836 = arith.constant 232 : i32
      %dma_wait3A_1837 = arith.constant 0 : i32
      %dma_wait3A_1838 = tpu.memref_slice %arg10[%dma_wait3A_1836, %dma_wait3A_1837] : memref<256x128xf32, #tpu.memory_space<vmem>> -> memref<8x128xf32, #tpu.memory_space<vmem>>
      %dma_wait3A_1839 = arith.constant 0 : i32
      %dma_wait3A_1840 = tpu.memref_slice %arg3[%dma_wait3A_1829, %dma_wait3A_1839, %multiple_of3A_944] : memref<2x8x1000000xf32, #tpu.memory_space<hbm>> -> memref<1x8x128xf32, #tpu.memory_space<hbm>>
      %dma_wait3A_1841 = tpu.memref_squeeze %dma_wait3A_1840 : memref<1x8x128xf32, #tpu.memory_space<hbm>> -> memref<8x128xf32, #tpu.memory_space<hbm>>
      tpu.wait_dma2 semaphore(%arg12 : memref<!tpu.dma_semaphore, #tpu.memory_space<semaphore_mem>>) src(%dma_wait3A_1841 : memref<8x128xf32, #tpu.memory_space<hbm>>) dst(%dma_wait3A_1838 : memref<8x128xf32, #tpu.memory_space<vmem>>)
      %dma_wait3A_1842 = arith.constant 0 : i32
      %dma_wait3A_1843 = arith.constant 240 : i32
      %dma_wait3A_1844 = arith.constant 0 : i32
      %dma_wait3A_1845 = tpu.memref_slice %arg9[%dma_wait3A_1843, %dma_wait3A_1844] : memref<256x128xf32, #tpu.memory_space<vmem>> -> memref<8x128xf32, #tpu.memory_space<vmem>>
      %dma_wait3A_1846 = arith.constant 0 : i32
      %dma_wait3A_1847 = tpu.memref_slice %arg2[%dma_wait3A_1842, %dma_wait3A_1846, %multiple_of3A_1003] : memref<2x8x1000000xf32, #tpu.memory_space<hbm>> -> memref<1x8x128xf32, #tpu.memory_space<hbm>>
      %dma_wait3A_1848 = tpu.memref_squeeze %dma_wait3A_1847 : memref<1x8x128xf32, #tpu.memory_space<hbm>> -> memref<8x128xf32, #tpu.memory_space<hbm>>
      %dma_wait3A_1849 = arith.constant 240 : i32
      %dma_wait3A_1850 = arith.constant 0 : i32
      %dma_wait3A_1851 = tpu.memref_slice %arg9[%dma_wait3A_1849, %dma_wait3A_1850] : memref<256x128xf32, #tpu.memory_space<vmem>> -> memref<8x128xf32, #tpu.memory_space<vmem>>
      %dma_wait3A_1852 = arith.constant 0 : i32
      %dma_wait3A_1853 = tpu.memref_slice %arg2[%dma_wait3A_1842, %dma_wait3A_1852, %multiple_of3A_1003] : memref<2x8x1000000xf32, #tpu.memory_space<hbm>> -> memref<1x8x128xf32, #tpu.memory_space<hbm>>
      %dma_wait3A_1854 = tpu.memref_squeeze %dma_wait3A_1853 : memref<1x8x128xf32, #tpu.memory_space<hbm>> -> memref<8x128xf32, #tpu.memory_space<hbm>>
      tpu.wait_dma2 semaphore(%arg12 : memref<!tpu.dma_semaphore, #tpu.memory_space<semaphore_mem>>) src(%dma_wait3A_1854 : memref<8x128xf32, #tpu.memory_space<hbm>>) dst(%dma_wait3A_1851 : memref<8x128xf32, #tpu.memory_space<vmem>>)
      %dma_wait3A_1855 = arith.constant 0 : i32
      %dma_wait3A_1856 = arith.constant 240 : i32
      %dma_wait3A_1857 = arith.constant 0 : i32
      %dma_wait3A_1858 = tpu.memref_slice %arg10[%dma_wait3A_1856, %dma_wait3A_1857] : memref<256x128xf32, #tpu.memory_space<vmem>> -> memref<8x128xf32, #tpu.memory_space<vmem>>
      %dma_wait3A_1859 = arith.constant 0 : i32
      %dma_wait3A_1860 = tpu.memref_slice %arg3[%dma_wait3A_1855, %dma_wait3A_1859, %multiple_of3A_1010] : memref<2x8x1000000xf32, #tpu.memory_space<hbm>> -> memref<1x8x128xf32, #tpu.memory_space<hbm>>
      %dma_wait3A_1861 = tpu.memref_squeeze %dma_wait3A_1860 : memref<1x8x128xf32, #tpu.memory_space<hbm>> -> memref<8x128xf32, #tpu.memory_space<hbm>>
      %dma_wait3A_1862 = arith.constant 240 : i32
      %dma_wait3A_1863 = arith.constant 0 : i32
      %dma_wait3A_1864 = tpu.memref_slice %arg10[%dma_wait3A_1862, %dma_wait3A_1863] : memref<256x128xf32, #tpu.memory_space<vmem>> -> memref<8x128xf32, #tpu.memory_space<vmem>>
      %dma_wait3A_1865 = arith.constant 0 : i32
      %dma_wait3A_1866 = tpu.memref_slice %arg3[%dma_wait3A_1855, %dma_wait3A_1865, %multiple_of3A_1010] : memref<2x8x1000000xf32, #tpu.memory_space<hbm>> -> memref<1x8x128xf32, #tpu.memory_space<hbm>>
      %dma_wait3A_1867 = tpu.memref_squeeze %dma_wait3A_1866 : memref<1x8x128xf32, #tpu.memory_space<hbm>> -> memref<8x128xf32, #tpu.memory_space<hbm>>
      tpu.wait_dma2 semaphore(%arg12 : memref<!tpu.dma_semaphore, #tpu.memory_space<semaphore_mem>>) src(%dma_wait3A_1867 : memref<8x128xf32, #tpu.memory_space<hbm>>) dst(%dma_wait3A_1864 : memref<8x128xf32, #tpu.memory_space<vmem>>)
      %dma_wait3A_1868 = arith.constant 1 : i32
      %dma_wait3A_1869 = arith.constant 248 : i32
      %dma_wait3A_1870 = arith.constant 0 : i32
      %dma_wait3A_1871 = tpu.memref_slice %arg9[%dma_wait3A_1869, %dma_wait3A_1870] : memref<256x128xf32, #tpu.memory_space<vmem>> -> memref<8x128xf32, #tpu.memory_space<vmem>>
      %dma_wait3A_1872 = arith.constant 0 : i32
      %dma_wait3A_1873 = tpu.memref_slice %arg2[%dma_wait3A_1868, %dma_wait3A_1872, %multiple_of3A_1003] : memref<2x8x1000000xf32, #tpu.memory_space<hbm>> -> memref<1x8x128xf32, #tpu.memory_space<hbm>>
      %dma_wait3A_1874 = tpu.memref_squeeze %dma_wait3A_1873 : memref<1x8x128xf32, #tpu.memory_space<hbm>> -> memref<8x128xf32, #tpu.memory_space<hbm>>
      %dma_wait3A_1875 = arith.constant 248 : i32
      %dma_wait3A_1876 = arith.constant 0 : i32
      %dma_wait3A_1877 = tpu.memref_slice %arg9[%dma_wait3A_1875, %dma_wait3A_1876] : memref<256x128xf32, #tpu.memory_space<vmem>> -> memref<8x128xf32, #tpu.memory_space<vmem>>
      %dma_wait3A_1878 = arith.constant 0 : i32
      %dma_wait3A_1879 = tpu.memref_slice %arg2[%dma_wait3A_1868, %dma_wait3A_1878, %multiple_of3A_1003] : memref<2x8x1000000xf32, #tpu.memory_space<hbm>> -> memref<1x8x128xf32, #tpu.memory_space<hbm>>
      %dma_wait3A_1880 = tpu.memref_squeeze %dma_wait3A_1879 : memref<1x8x128xf32, #tpu.memory_space<hbm>> -> memref<8x128xf32, #tpu.memory_space<hbm>>
      tpu.wait_dma2 semaphore(%arg12 : memref<!tpu.dma_semaphore, #tpu.memory_space<semaphore_mem>>) src(%dma_wait3A_1880 : memref<8x128xf32, #tpu.memory_space<hbm>>) dst(%dma_wait3A_1877 : memref<8x128xf32, #tpu.memory_space<vmem>>)
      %dma_wait3A_1881 = arith.constant 1 : i32
      %dma_wait3A_1882 = arith.constant 248 : i32
      %dma_wait3A_1883 = arith.constant 0 : i32
      %dma_wait3A_1884 = tpu.memref_slice %arg10[%dma_wait3A_1882, %dma_wait3A_1883] : memref<256x128xf32, #tpu.memory_space<vmem>> -> memref<8x128xf32, #tpu.memory_space<vmem>>
      %dma_wait3A_1885 = arith.constant 0 : i32
      %dma_wait3A_1886 = tpu.memref_slice %arg3[%dma_wait3A_1881, %dma_wait3A_1885, %multiple_of3A_1010] : memref<2x8x1000000xf32, #tpu.memory_space<hbm>> -> memref<1x8x128xf32, #tpu.memory_space<hbm>>
      %dma_wait3A_1887 = tpu.memref_squeeze %dma_wait3A_1886 : memref<1x8x128xf32, #tpu.memory_space<hbm>> -> memref<8x128xf32, #tpu.memory_space<hbm>>
      %dma_wait3A_1888 = arith.constant 248 : i32
      %dma_wait3A_1889 = arith.constant 0 : i32
      %dma_wait3A_1890 = tpu.memref_slice %arg10[%dma_wait3A_1888, %dma_wait3A_1889] : memref<256x128xf32, #tpu.memory_space<vmem>> -> memref<8x128xf32, #tpu.memory_space<vmem>>
      %dma_wait3A_1891 = arith.constant 0 : i32
      %dma_wait3A_1892 = tpu.memref_slice %arg3[%dma_wait3A_1881, %dma_wait3A_1891, %multiple_of3A_1010] : memref<2x8x1000000xf32, #tpu.memory_space<hbm>> -> memref<1x8x128xf32, #tpu.memory_space<hbm>>
      %dma_wait3A_1893 = tpu.memref_squeeze %dma_wait3A_1892 : memref<1x8x128xf32, #tpu.memory_space<hbm>> -> memref<8x128xf32, #tpu.memory_space<hbm>>
      tpu.wait_dma2 semaphore(%arg12 : memref<!tpu.dma_semaphore, #tpu.memory_space<semaphore_mem>>) src(%dma_wait3A_1893 : memref<8x128xf32, #tpu.memory_space<hbm>>) dst(%dma_wait3A_1890 : memref<8x128xf32, #tpu.memory_space<vmem>>)
      %broadcast_in_dim3A = arith.constant 0.000000e+00 : f32
      %broadcast_in_dim3A_1894 = vector.broadcast %broadcast_in_dim3A : f32 to vector<16xf32>
      %and3A = arith.constant 127 : i32
      %and3A_1895 = vector.broadcast %and3A : i32 to vector<16xi32>
      %and3A_1896 = arith.andi %get3A_10, %and3A_1895 : vector<16xi32>
      %and3A_1897 = arith.constant 127 : i32
      %and3A_1898 = vector.broadcast %and3A_1897 : i32 to vector<16xi32>
      %and3A_1899 = arith.andi %get3A_12, %and3A_1898 : vector<16xi32>
      %mul3A_1900 = arith.constant 16 : i32
      %mul3A_1901 = vector.broadcast %mul3A_1900 : i32 to vector<16xi32>
      %mul3A_1902 = arith.muli %mul3A_1901, %iota3A : vector<16xi32>
      %add3A_1903 = arith.constant 0 : i32
      %add3A_1904 = vector.broadcast %add3A_1903 : i32 to vector<16xi32>
      %add3A_1905 = arith.addi %mul3A_1902, %add3A_1904 : vector<16xi32>
      %gather3A = tpu.vector_load_idx %arg9[%add3A_1905, %and3A_1896] : memref<256x128xf32, #tpu.memory_space<vmem>>[vector<16xi32>, vector<16xi32>], vector<16xf32>,
      %gather3A_1906 = tpu.vector_load_idx %arg10[%add3A_1905, %and3A_1899] : memref<256x128xf32, #tpu.memory_space<vmem>>[vector<16xi32>, vector<16xi32>], vector<16xf32>,
      %mul3A_1907 = arith.mulf %gather3A, %gather3A_1906 : vector<16xf32>
      %add3A_1908 = arith.addf %broadcast_in_dim3A_1894, %mul3A_1907 : vector<16xf32>
      %mul3A_1909 = arith.constant 16 : i32
      %mul3A_1910 = vector.broadcast %mul3A_1909 : i32 to vector<16xi32>
      %mul3A_1911 = arith.muli %mul3A_1910, %iota3A : vector<16xi32>
      %add3A_1912 = arith.constant 1 : i32
      %add3A_1913 = vector.broadcast %add3A_1912 : i32 to vector<16xi32>
      %add3A_1914 = arith.addi %mul3A_1911, %add3A_1913 : vector<16xi32>
      %gather3A_1915 = tpu.vector_load_idx %arg9[%add3A_1914, %and3A_1896] : memref<256x128xf32, #tpu.memory_space<vmem>>[vector<16xi32>, vector<16xi32>], vector<16xf32>,
      %gather3A_1916 = tpu.vector_load_idx %arg10[%add3A_1914, %and3A_1899] : memref<256x128xf32, #tpu.memory_space<vmem>>[vector<16xi32>, vector<16xi32>], vector<16xf32>,
      %mul3A_1917 = arith.mulf %gather3A_1915, %gather3A_1916 : vector<16xf32>
      %add3A_1918 = arith.addf %add3A_1908, %mul3A_1917 : vector<16xf32>
      %mul3A_1919 = arith.constant 16 : i32
      %mul3A_1920 = vector.broadcast %mul3A_1919 : i32 to vector<16xi32>
      %mul3A_1921 = arith.muli %mul3A_1920, %iota3A : vector<16xi32>
      %add3A_1922 = arith.constant 2 : i32
      %add3A_1923 = vector.broadcast %add3A_1922 : i32 to vector<16xi32>
      %add3A_1924 = arith.addi %mul3A_1921, %add3A_1923 : vector<16xi32>
      %gather3A_1925 = tpu.vector_load_idx %arg9[%add3A_1924, %and3A_1896] : memref<256x128xf32, #tpu.memory_space<vmem>>[vector<16xi32>, vector<16xi32>], vector<16xf32>,
      %gather3A_1926 = tpu.vector_load_idx %arg10[%add3A_1924, %and3A_1899] : memref<256x128xf32, #tpu.memory_space<vmem>>[vector<16xi32>, vector<16xi32>], vector<16xf32>,
      %mul3A_1927 = arith.mulf %gather3A_1925, %gather3A_1926 : vector<16xf32>
      %add3A_1928 = arith.addf %add3A_1918, %mul3A_1927 : vector<16xf32>
      %mul3A_1929 = arith.constant 16 : i32
      %mul3A_1930 = vector.broadcast %mul3A_1929 : i32 to vector<16xi32>
      %mul3A_1931 = arith.muli %mul3A_1930, %iota3A : vector<16xi32>
      %add3A_1932 = arith.constant 3 : i32
      %add3A_1933 = vector.broadcast %add3A_1932 : i32 to vector<16xi32>
      %add3A_1934 = arith.addi %mul3A_1931, %add3A_1933 : vector<16xi32>
      %gather3A_1935 = tpu.vector_load_idx %arg9[%add3A_1934, %and3A_1896] : memref<256x128xf32, #tpu.memory_space<vmem>>[vector<16xi32>, vector<16xi32>], vector<16xf32>,
      %gather3A_1936 = tpu.vector_load_idx %arg10[%add3A_1934, %and3A_1899] : memref<256x128xf32, #tpu.memory_space<vmem>>[vector<16xi32>, vector<16xi32>], vector<16xf32>,
      %mul3A_1937 = arith.mulf %gather3A_1935, %gather3A_1936 : vector<16xf32>
      %add3A_1938 = arith.addf %add3A_1928, %mul3A_1937 : vector<16xf32>
      %mul3A_1939 = arith.constant 16 : i32
      %mul3A_1940 = vector.broadcast %mul3A_1939 : i32 to vector<16xi32>
      %mul3A_1941 = arith.muli %mul3A_1940, %iota3A : vector<16xi32>
      %add3A_1942 = arith.constant 4 : i32
      %add3A_1943 = vector.broadcast %add3A_1942 : i32 to vector<16xi32>
      %add3A_1944 = arith.addi %mul3A_1941, %add3A_1943 : vector<16xi32>
      %gather3A_1945 = tpu.vector_load_idx %arg9[%add3A_1944, %and3A_1896] : memref<256x128xf32, #tpu.memory_space<vmem>>[vector<16xi32>, vector<16xi32>], vector<16xf32>,
      %gather3A_1946 = tpu.vector_load_idx %arg10[%add3A_1944, %and3A_1899] : memref<256x128xf32, #tpu.memory_space<vmem>>[vector<16xi32>, vector<16xi32>], vector<16xf32>,
      %mul3A_1947 = arith.mulf %gather3A_1945, %gather3A_1946 : vector<16xf32>
      %add3A_1948 = arith.addf %add3A_1938, %mul3A_1947 : vector<16xf32>
      %mul3A_1949 = arith.constant 16 : i32
      %mul3A_1950 = vector.broadcast %mul3A_1949 : i32 to vector<16xi32>
      %mul3A_1951 = arith.muli %mul3A_1950, %iota3A : vector<16xi32>
      %add3A_1952 = arith.constant 5 : i32
      %add3A_1953 = vector.broadcast %add3A_1952 : i32 to vector<16xi32>
      %add3A_1954 = arith.addi %mul3A_1951, %add3A_1953 : vector<16xi32>
      %gather3A_1955 = tpu.vector_load_idx %arg9[%add3A_1954, %and3A_1896] : memref<256x128xf32, #tpu.memory_space<vmem>>[vector<16xi32>, vector<16xi32>], vector<16xf32>,
      %gather3A_1956 = tpu.vector_load_idx %arg10[%add3A_1954, %and3A_1899] : memref<256x128xf32, #tpu.memory_space<vmem>>[vector<16xi32>, vector<16xi32>], vector<16xf32>,
      %mul3A_1957 = arith.mulf %gather3A_1955, %gather3A_1956 : vector<16xf32>
      %add3A_1958 = arith.addf %add3A_1948, %mul3A_1957 : vector<16xf32>
      %mul3A_1959 = arith.constant 16 : i32
      %mul3A_1960 = vector.broadcast %mul3A_1959 : i32 to vector<16xi32>
      %mul3A_1961 = arith.muli %mul3A_1960, %iota3A : vector<16xi32>
      %add3A_1962 = arith.constant 6 : i32
      %add3A_1963 = vector.broadcast %add3A_1962 : i32 to vector<16xi32>
      %add3A_1964 = arith.addi %mul3A_1961, %add3A_1963 : vector<16xi32>
      %gather3A_1965 = tpu.vector_load_idx %arg9[%add3A_1964, %and3A_1896] : memref<256x128xf32, #tpu.memory_space<vmem>>[vector<16xi32>, vector<16xi32>], vector<16xf32>,
      %gather3A_1966 = tpu.vector_load_idx %arg10[%add3A_1964, %and3A_1899] : memref<256x128xf32, #tpu.memory_space<vmem>>[vector<16xi32>, vector<16xi32>], vector<16xf32>,
      %mul3A_1967 = arith.mulf %gather3A_1965, %gather3A_1966 : vector<16xf32>
      %add3A_1968 = arith.addf %add3A_1958, %mul3A_1967 : vector<16xf32>
      %mul3A_1969 = arith.constant 16 : i32
      %mul3A_1970 = vector.broadcast %mul3A_1969 : i32 to vector<16xi32>
      %mul3A_1971 = arith.muli %mul3A_1970, %iota3A : vector<16xi32>
      %add3A_1972 = arith.constant 7 : i32
      %add3A_1973 = vector.broadcast %add3A_1972 : i32 to vector<16xi32>
      %add3A_1974 = arith.addi %mul3A_1971, %add3A_1973 : vector<16xi32>
      %gather3A_1975 = tpu.vector_load_idx %arg9[%add3A_1974, %and3A_1896] : memref<256x128xf32, #tpu.memory_space<vmem>>[vector<16xi32>, vector<16xi32>], vector<16xf32>,
      %gather3A_1976 = tpu.vector_load_idx %arg10[%add3A_1974, %and3A_1899] : memref<256x128xf32, #tpu.memory_space<vmem>>[vector<16xi32>, vector<16xi32>], vector<16xf32>,
      %mul3A_1977 = arith.mulf %gather3A_1975, %gather3A_1976 : vector<16xf32>
      %add3A_1978 = arith.addf %add3A_1968, %mul3A_1977 : vector<16xf32>
      %mul3A_1979 = arith.constant 16 : i32
      %mul3A_1980 = vector.broadcast %mul3A_1979 : i32 to vector<16xi32>
      %mul3A_1981 = arith.muli %mul3A_1980, %iota3A : vector<16xi32>
      %add3A_1982 = arith.constant 8 : i32
      %add3A_1983 = vector.broadcast %add3A_1982 : i32 to vector<16xi32>
      %add3A_1984 = arith.addi %mul3A_1981, %add3A_1983 : vector<16xi32>
      %gather3A_1985 = tpu.vector_load_idx %arg9[%add3A_1984, %and3A_1896] : memref<256x128xf32, #tpu.memory_space<vmem>>[vector<16xi32>, vector<16xi32>], vector<16xf32>,
      %gather3A_1986 = tpu.vector_load_idx %arg10[%add3A_1984, %and3A_1899] : memref<256x128xf32, #tpu.memory_space<vmem>>[vector<16xi32>, vector<16xi32>], vector<16xf32>,
      %mul3A_1987 = arith.mulf %gather3A_1985, %gather3A_1986 : vector<16xf32>
      %add3A_1988 = arith.addf %add3A_1978, %mul3A_1987 : vector<16xf32>
      %mul3A_1989 = arith.constant 16 : i32
      %mul3A_1990 = vector.broadcast %mul3A_1989 : i32 to vector<16xi32>
      %mul3A_1991 = arith.muli %mul3A_1990, %iota3A : vector<16xi32>
      %add3A_1992 = arith.constant 9 : i32
      %add3A_1993 = vector.broadcast %add3A_1992 : i32 to vector<16xi32>
      %add3A_1994 = arith.addi %mul3A_1991, %add3A_1993 : vector<16xi32>
      %gather3A_1995 = tpu.vector_load_idx %arg9[%add3A_1994, %and3A_1896] : memref<256x128xf32, #tpu.memory_space<vmem>>[vector<16xi32>, vector<16xi32>], vector<16xf32>,
      %gather3A_1996 = tpu.vector_load_idx %arg10[%add3A_1994, %and3A_1899] : memref<256x128xf32, #tpu.memory_space<vmem>>[vector<16xi32>, vector<16xi32>], vector<16xf32>,
      %mul3A_1997 = arith.mulf %gather3A_1995, %gather3A_1996 : vector<16xf32>
      %add3A_1998 = arith.addf %add3A_1988, %mul3A_1997 : vector<16xf32>
      %mul3A_1999 = arith.constant 16 : i32
      %mul3A_2000 = vector.broadcast %mul3A_1999 : i32 to vector<16xi32>
      %mul3A_2001 = arith.muli %mul3A_2000, %iota3A : vector<16xi32>
      %add3A_2002 = arith.constant 10 : i32
      %add3A_2003 = vector.broadcast %add3A_2002 : i32 to vector<16xi32>
      %add3A_2004 = arith.addi %mul3A_2001, %add3A_2003 : vector<16xi32>
      %gather3A_2005 = tpu.vector_load_idx %arg9[%add3A_2004, %and3A_1896] : memref<256x128xf32, #tpu.memory_space<vmem>>[vector<16xi32>, vector<16xi32>], vector<16xf32>,
      %gather3A_2006 = tpu.vector_load_idx %arg10[%add3A_2004, %and3A_1899] : memref<256x128xf32, #tpu.memory_space<vmem>>[vector<16xi32>, vector<16xi32>], vector<16xf32>,
      %mul3A_2007 = arith.mulf %gather3A_2005, %gather3A_2006 : vector<16xf32>
      %add3A_2008 = arith.addf %add3A_1998, %mul3A_2007 : vector<16xf32>
      %mul3A_2009 = arith.constant 16 : i32
      %mul3A_2010 = vector.broadcast %mul3A_2009 : i32 to vector<16xi32>
      %mul3A_2011 = arith.muli %mul3A_2010, %iota3A : vector<16xi32>
      %add3A_2012 = arith.constant 11 : i32
      %add3A_2013 = vector.broadcast %add3A_2012 : i32 to vector<16xi32>
      %add3A_2014 = arith.addi %mul3A_2011, %add3A_2013 : vector<16xi32>
      %gather3A_2015 = tpu.vector_load_idx %arg9[%add3A_2014, %and3A_1896] : memref<256x128xf32, #tpu.memory_space<vmem>>[vector<16xi32>, vector<16xi32>], vector<16xf32>,
      %gather3A_2016 = tpu.vector_load_idx %arg10[%add3A_2014, %and3A_1899] : memref<256x128xf32, #tpu.memory_space<vmem>>[vector<16xi32>, vector<16xi32>], vector<16xf32>,
      %mul3A_2017 = arith.mulf %gather3A_2015, %gather3A_2016 : vector<16xf32>
      %add3A_2018 = arith.addf %add3A_2008, %mul3A_2017 : vector<16xf32>
      %mul3A_2019 = arith.constant 16 : i32
      %mul3A_2020 = vector.broadcast %mul3A_2019 : i32 to vector<16xi32>
      %mul3A_2021 = arith.muli %mul3A_2020, %iota3A : vector<16xi32>
      %add3A_2022 = arith.constant 12 : i32
      %add3A_2023 = vector.broadcast %add3A_2022 : i32 to vector<16xi32>
      %add3A_2024 = arith.addi %mul3A_2021, %add3A_2023 : vector<16xi32>
      %gather3A_2025 = tpu.vector_load_idx %arg9[%add3A_2024, %and3A_1896] : memref<256x128xf32, #tpu.memory_space<vmem>>[vector<16xi32>, vector<16xi32>], vector<16xf32>,
      %gather3A_2026 = tpu.vector_load_idx %arg10[%add3A_2024, %and3A_1899] : memref<256x128xf32, #tpu.memory_space<vmem>>[vector<16xi32>, vector<16xi32>], vector<16xf32>,
      %mul3A_2027 = arith.mulf %gather3A_2025, %gather3A_2026 : vector<16xf32>
      %add3A_2028 = arith.addf %add3A_2018, %mul3A_2027 : vector<16xf32>
      %mul3A_2029 = arith.constant 16 : i32
      %mul3A_2030 = vector.broadcast %mul3A_2029 : i32 to vector<16xi32>
      %mul3A_2031 = arith.muli %mul3A_2030, %iota3A : vector<16xi32>
      %add3A_2032 = arith.constant 13 : i32
      %add3A_2033 = vector.broadcast %add3A_2032 : i32 to vector<16xi32>
      %add3A_2034 = arith.addi %mul3A_2031, %add3A_2033 : vector<16xi32>
      %gather3A_2035 = tpu.vector_load_idx %arg9[%add3A_2034, %and3A_1896] : memref<256x128xf32, #tpu.memory_space<vmem>>[vector<16xi32>, vector<16xi32>], vector<16xf32>,
      %gather3A_2036 = tpu.vector_load_idx %arg10[%add3A_2034, %and3A_1899] : memref<256x128xf32, #tpu.memory_space<vmem>>[vector<16xi32>, vector<16xi32>], vector<16xf32>,
      %mul3A_2037 = arith.mulf %gather3A_2035, %gather3A_2036 : vector<16xf32>
      %add3A_2038 = arith.addf %add3A_2028, %mul3A_2037 : vector<16xf32>
      %mul3A_2039 = arith.constant 16 : i32
      %mul3A_2040 = vector.broadcast %mul3A_2039 : i32 to vector<16xi32>
      %mul3A_2041 = arith.muli %mul3A_2040, %iota3A : vector<16xi32>
      %add3A_2042 = arith.constant 14 : i32
      %add3A_2043 = vector.broadcast %add3A_2042 : i32 to vector<16xi32>
      %add3A_2044 = arith.addi %mul3A_2041, %add3A_2043 : vector<16xi32>
      %gather3A_2045 = tpu.vector_load_idx %arg9[%add3A_2044, %and3A_1896] : memref<256x128xf32, #tpu.memory_space<vmem>>[vector<16xi32>, vector<16xi32>], vector<16xf32>,
      %gather3A_2046 = tpu.vector_load_idx %arg10[%add3A_2044, %and3A_1899] : memref<256x128xf32, #tpu.memory_space<vmem>>[vector<16xi32>, vector<16xi32>], vector<16xf32>,
      %mul3A_2047 = arith.mulf %gather3A_2045, %gather3A_2046 : vector<16xf32>
      %add3A_2048 = arith.addf %add3A_2038, %mul3A_2047 : vector<16xf32>
      %mul3A_2049 = arith.constant 16 : i32
      %mul3A_2050 = vector.broadcast %mul3A_2049 : i32 to vector<16xi32>
      %mul3A_2051 = arith.muli %mul3A_2050, %iota3A : vector<16xi32>
      %add3A_2052 = arith.constant 15 : i32
      %add3A_2053 = vector.broadcast %add3A_2052 : i32 to vector<16xi32>
      %add3A_2054 = arith.addi %mul3A_2051, %add3A_2053 : vector<16xi32>
      %gather3A_2055 = tpu.vector_load_idx %arg9[%add3A_2054, %and3A_1896] : memref<256x128xf32, #tpu.memory_space<vmem>>[vector<16xi32>, vector<16xi32>], vector<16xf32>,
      %gather3A_2056 = tpu.vector_load_idx %arg10[%add3A_2054, %and3A_1899] : memref<256x128xf32, #tpu.memory_space<vmem>>[vector<16xi32>, vector<16xi32>], vector<16xf32>,
      %mul3A_2057 = arith.mulf %gather3A_2055, %gather3A_2056 : vector<16xf32>
      %add3A_2058 = arith.addf %add3A_2048, %mul3A_2057 : vector<16xf32>
      %swap3A = arith.index_cast %mul3A_9 : i32 to index
      %swap3A_2059 = tpu.vector_load %arg11[%swap3A] {strides = array<i32>} : memref<512xf32, #tpu.memory_space<vmem>>, vector<16xf32>,
      tpu.vector_store %arg11[%swap3A], %add3A_2058 {strides = array<i32>} : memref<512xf32, #tpu.memory_space<vmem>>, vector<16xf32>,
    }
    %scan3A_6 = arith.constant 32 : i32
    "tpu.region"() ({
      %run_scoped3A = tpu.sem_alloc : memref<!tpu.dma_semaphore, #tpu.memory_space<semaphore_mem>>
      %dma_start3A = tpu.memref_slice %arg6[%mul3A_2] : memref<16384xf32, #tpu.memory_space<hbm>> -> memref<512xf32, #tpu.memory_space<hbm>>
      %dma_start3A_7 = tpu.memref_slice %arg6[%mul3A_2] : memref<16384xf32, #tpu.memory_space<hbm>> -> memref<512xf32, #tpu.memory_space<hbm>>
      tpu.enqueue_dma source(%arg11 : memref<512xf32, #tpu.memory_space<vmem>>) target(%dma_start3A_7 : memref<512xf32, #tpu.memory_space<hbm>>) target_semaphore(%run_scoped3A : memref<!tpu.dma_semaphore, #tpu.memory_space<semaphore_mem>>)
      %dma_wait3A = tpu.memref_slice %arg6[%mul3A_2] : memref<16384xf32, #tpu.memory_space<hbm>> -> memref<512xf32, #tpu.memory_space<hbm>>
      %dma_wait3A_8 = tpu.memref_slice %arg6[%mul3A_2] : memref<16384xf32, #tpu.memory_space<hbm>> -> memref<512xf32, #tpu.memory_space<hbm>>
      tpu.wait_dma2 semaphore(%run_scoped3A : memref<!tpu.dma_semaphore, #tpu.memory_space<semaphore_mem>>) src(%arg11 : memref<512xf32, #tpu.memory_space<vmem>>) dst(%dma_wait3A_8 : memref<512xf32, #tpu.memory_space<hbm>>)
      tpu.yield
    }) : () -> ()
    return
  }
}

</mosaic_0001>

<sc_bundles>
// kernel: _run.3.cloned.1.call-start
scs
__scs_entry_jumppad:
0x0: {  	(pc) =	sbr.rel $0x88, $3  }
0x1: {  	(tag) =	ssettag $0x0;
	lr =	simm.s32 $0x1  }
0x2: {  	[smem:$0x3F9D] =	sst lr;
	_ =	strace $0xD0000000  }
0x3: {  	_ = 	snop  }
0x4: {  	_ = 	snop  }
0x5: {  	_ = 	snop  }
0x6: {  	_ = 	snop  }
0x7: {  	_ = 	snop  }
__scs_overlays_trampoline_lowered:
0x8: {  	[smem:$0x3FAC] =	sst s0  }
0x9: {  	[smem:$0x3FAD] =	sst s1  }
0xa: {  	[smem:$0x3FAE] =	sst s2  }
0xb: {  	[smem:$0x3FAF] =	sst s3  }
0xc: {  	[smem:$0x3FB0] =	sst s4  }
0xd: {  	[smem:$0x3FB1] =	sst s5  }
0xe: {  	[smem:$0x3FB2] =	sst s6  }
0xf: {  	[smem:$0x3FB3] =	sst s7  }
0x10: {  	[smem:$0x3FB4] =	sst s8  }
0x11: {  	[smem:$0x3FB5] =	sst s9;
	s0 =	simm.s32 @!p0 $0x0  }
0x12: {  	s1 =	sld [smem:$0x3F9B];
	s0 =	simm.s32 @p0 $0x1  }
0x13: {  	[smem:$0x3FB6] =	sst s0;
	s0 =	simm.s32 @!p1 $0x0  }
0x14: {  	s2 =	sld [smem:$0x3F9A];
	s0 =	simm.s32 @p1 $0x1  }
0x15: {  	[smem:$0x3FB7] =	sst s0;
	s0 =	simm.s32 @!p2 $0x0  }
0x16: {  	s3 =	sld [smem:$0x3FDB];
	s0 =	simm.s32 @p2 $0x1  }
0x17: {  	s4 =	simm.s32 $0x1BF5;
	[smem:$0x3FB9] =	sst s0  }
0x18: {  	s0 =	sld [smem:$0x3F9C];
	_ =	swait.ge [sflag:s4], $0x0  }
0x19: {  	s7 =	sld [smem:$0x3F9D]  }
0x1a: {  	s8 =	sadd.s32 $0xFFFFE003, lr  }
0x1b: {  	s9 =	sadd.s32 $0xFFFFFEF7, lr;
	s5 =	simm.s32 $0xFFFFFFFF;
	p2 =	slt.u32 s8, $0xFFFFF086  }
0x1c: {  	p1 =	slt.u32 s9, $0xF7A;
	s5 =	simm.s32 @!p2 $0x0  }
0x1d: {  	s5 =	simm.s32 @p1 $0x1;
	p0 =	seq.s32 s7, s2  }
0x1e: {  	s7 =	smul.u32 @!p0 $0xF7A, s2;
	p2 =	seq.s32 @!p0 s5, $0x0  }
0x1f: {  	s9 =	smul.u32 $0xF7A, s1;
	s8 =	simm.s32 @!p0 $0x1BF5;
	p2 =	por !p2, p0  }
0x20: {  	[sflag:s8] =	ssyncset.s32 @!p0 $0xFFFFF086;
	s6 =	sadd.s32 @!p0 s3, s7;
	s7 =	simm.s32 @!p0 $0x108  }
0x21: {  	s3 =	sadd.s32 s3, s9;
	s6 =	sadd.s32 @!p0 $0x88, s6;
	s7 =	simm.s32 @p2 $0x1082  }
0x22: {  	[simem:s7], [sflag:s8] =	dma.local @!p0 [hbm:s6], $0xF7A  }
0x23: {  	s9 =	sor.u32 $0xD0000000, s2;
	s6 =	simm.s32 $0x108;
	_ =	swait.ge @!p0 [sflag:s8], $0x0  }
0x24: {  	s3 =	sadd.s32 $0x88, s3;
	s6 =	simm.s32 @!p1 $0x1082;
	[sflag:s4] =	ssyncset.s32 $0xFFFFF086  }
0x25: {  	[simem:s6], [sflag:s4] =	dma.local [hbm:s3], $0xF7A  }
0x26: {  	[smem:$0x3F9D] =	sst s1;
	(tag) =	ssettag s2;
	_ =	strace s9  }
0x27: {  	s1 =	sld [smem:$0x3FAD]  }
0x28: {  	s2 =	sld [smem:$0x3FAE]  }
0x29: {  	s4 =	sld [smem:$0x3FB0]  }
0x2a: {  	p0 =	seq.s32 s5, $0x0;
	s5 =	sld [smem:$0x3FB1]  }
0x2b: {  	s6 =	sld [smem:$0x3FB2]  }
0x2c: {  	s7 =	sld [smem:$0x3FB3]  }
0x2d: {  	s3 =	simm.s32 $0x108;
	s8 =	sld [smem:$0x3FB4]  }
0x2e: {  	s3 =	simm.s32 @!p0 $0x1082;
	s9 =	sld [smem:$0x3FB5]  }
0x2f: {  	lr =	sadd.s32 s0, s3;
	s0 =	sld [smem:$0x3FAC]  }
0x30: {  	s3 =	sld [smem:$0x3FAF]  }
0x31: {  	[smem:$0x3FB8] =	sst s10  }
0x32: {  	s10 =	sld [smem:$0x3FB6];
	_ =	sdelay $0x3  }
0x33: {  	p0 =	seq.s32 s10, $0x1;
	s10 =	sld [smem:$0x3FB8];
	_ =	sdelay $0x3  }
0x34: {  	[smem:$0x3FB8] =	sst s10  }
0x35: {  	s10 =	sld [smem:$0x3FB7];
	_ =	sdelay $0x3  }
0x36: {  	p1 =	seq.s32 s10, $0x1;
	s10 =	sld [smem:$0x3FB8];
	_ =	sdelay $0x3  }
0x37: {  	[smem:$0x3FB8] =	sst s10  }
0x38: {  	s10 =	sld [smem:$0x3FB9]  }
0x39: {  	_ = 	snop;
	(pc) =	sbr.ind lr, $3  }
0x3a: {  	_ = 	snop  }
0x3b: {  	_ = 	snop  }
0x3c: {  	p2 =	seq.s32 s10, $0x1;
	s10 =	sld [smem:$0x3FB8]  }
0x3d: {  	_ =	shalt  }
0x3e: {  	_ =	shalt  }
0x3f: {  	_ =	shalt  }
0x40: {  	_ =	shalt  }
0x41: {  	_ =	shalt  }
0x42: {  	_ =	shalt  }
0x43: {  	_ =	shalt  }
0x44: {  	_ =	shalt  }
0x45: {  	_ =	shalt  }
0x46: {  	_ =	shalt  }
0x47: {  	_ =	shalt  }
0x48: {  	_ =	shalt  }
0x49: {  	_ =	shalt  }
0x4a: {  	_ =	shalt  }
0x4b: {  	_ =	shalt  }
0x4c: {  	_ =	shalt  }
0x4d: {  	_ =	shalt  }
0x4e: {  	_ =	shalt  }
0x4f: {  	_ =	shalt  }
0x50: {  	_ =	shalt  }
0x51: {  	_ =	shalt  }
0x52: {  	_ =	shalt  }
0x53: {  	_ =	shalt  }
0x54: {  	_ =	shalt  }
0x55: {  	_ =	shalt  }
0x56: {  	_ =	shalt  }
0x57: {  	_ =	shalt  }
0x58: {  	_ =	shalt  }
0x59: {  	_ =	shalt  }
0x5a: {  	_ =	shalt  }
0x5b: {  	_ =	shalt  }
0x5c: {  	_ =	shalt  }
0x5d: {  	_ =	shalt  }
0x5e: {  	_ =	shalt  }
0x5f: {  	_ =	shalt  }
0x60: {  	_ =	shalt  }
0x61: {  	_ =	shalt  }
0x62: {  	_ =	shalt  }
0x63: {  	_ =	shalt  }
0x64: {  	_ =	shalt  }
0x65: {  	_ =	shalt  }
0x66: {  	_ =	shalt  }
0x67: {  	_ =	shalt  }
0x68: {  	_ =	shalt  }
0x69: {  	_ =	shalt  }
0x6a: {  	_ =	shalt  }
0x6b: {  	_ =	shalt  }
0x6c: {  	_ =	shalt  }
0x6d: {  	_ =	shalt  }
0x6e: {  	_ =	shalt  }
0x6f: {  	_ =	shalt  }
0x70: {  	_ =	shalt  }
0x71: {  	_ =	shalt  }
0x72: {  	_ =	shalt  }
0x73: {  	_ =	shalt  }
0x74: {  	_ =	shalt  }
0x75: {  	_ =	shalt  }
0x76: {  	_ =	shalt  }
0x77: {  	_ =	shalt  }
0x78: {  	_ =	shalt  }
0x79: {  	_ =	shalt  }
0x7a: {  	_ =	shalt  }
0x7b: {  	_ =	shalt  }
0x7c: {  	_ =	shalt  }
0x7d: {  	_ =	shalt  }
0x7e: {  	_ =	shalt  }
0x7f: {  	_ =	shalt  }
0x80: {  	_ =	shalt  }
0x81: {  	_ =	shalt  }
0x82: {  	_ =	shalt  }
0x83: {  	_ =	shalt  }
0x84: {  	_ =	shalt  }
0x85: {  	_ =	shalt  }
0x86: {  	_ =	shalt  }
0x87: {  	_ =	shalt  }
.Lfunc_end0:
.L_simem_size_0:
called_computation_lowered:
.L_overlay_start_0:
0x88: {  	s2 =	sld [smem:$0x3FD9]  }
0x89: {  	s3 =	sld [smem:$0x3FFE];
	_ =	sdelay $0x1  }
0x8a: {  	s1 =	srdreg.scid  }
0x8b: {  	s0 =	sand.u32 $0x1, s1  }
0x8c: {  	s18 =	sshll.u32 s0, $0xA;
	s2 =	sadd.s32 s3, s2  }
0x8d: {  	s2 =	sadd.s32 s2, s18  }
0x8e: {  	[smem:$0x3FC4] =	sst s2  }
0x8f: {  	_ = 	snop  }
0x90: {  	s2 =	sld [smem:$0x3FC9]  }
0x91: {  	s19 =	sld [smem:$0x3FC8]  }
0x92: {  	s4 =	sld [smem:$0x3FC7]  }
0x93: {  	s5 =	sld [smem:$0x3FC6]  }
0x94: {  	s6 =	sld [smem:$0x3FD0];
	(tm) =	ssettm $0x1  }
0x95: {  	s7 =	sld [smem:$0x3FFB];
	_ =	sdelay $0x3  }
0x96: {  	_ =	strace s7  }
0x97: {  	s7 =	sld [smem:$0x3FFC];
	_ =	sdelay $0x3  }
0x98: {  	_ =	strace s7  }
0x99: {  	s7 =	sld [smem:$0x3FFD];
	_ =	sdelay $0x3  }
0x9a: {  	_ =	strace s7  }
0x9b: {  	_ =	strace $0x8FFFFFFF  }
0x9c: {  	s20 =	sld [smem:$0x3FDB];
	_ =	sdelay $0x1  }
0x9d: {  	s8 =	simm.s32 $_scs_section_size  }
0x9e: {  	s9 =	simm.s32 $_size__tile_overlayer_lowered;
	s10 =	simm.s32 $_tile_overlayer_lowered  }
0x9f: {  	s23 =	simm.s32 $0x1BFF;
	s22 =	sshll.u32 s10, $0x1;
	s7 =	sadd.s32 s8, s20  }
0xa0: {  	s11 =	simm.s32 $0x0;
	s21 =	sshll.u32 s9, $0x1;
	s9 =	sadd.s32 s22, s7  }
0xa1: {  	[timem:s11], [sflag:s23] =	dma.local [hbm:s9], s21  }
0xa2: {  	_ =	swait.ge [sflag:s23], s21  }
0xa3: {  	s8 =	ssub.s32 $0x0, s21;
	[sflag:s23] =	ssyncset.done $0x0  }
0xa4: {  	[sflag:s23] =	ssyncadd.s32 s8;
	_ =	sdelay $0x1  }
0xa5: {  	s24 =	simm.s32 $0x1B8B  }
0xa6: {  	_ =	swait.ge [sflag:s24], $0x1  }
0xa7: {  	[sflag:s24] =	ssyncset.done $0x0  }
0xa8: {  	s25 =	simm.s32 $0x1B8E;
	[sflag:s24] =	ssyncadd.s32 $0xFFFFFFFF  }
0xa9: {  	s26 =	simm.s32 $execute0_lowered;
	[smem:$0x3FD2] =	sst s25  }
0xaa: {  	s8 =	sshll.u32 s26, $0x1;
	_ =	strace $0x80000046;
	[dreg:$0x1] =	wrdreg $0xFFFFFFFF  }
0xab: {  	s28 =	simm.s32 $_size_execute0_lowered;
	s7 =	sadd.s32 s7, s8;
	[dreg:$0x0] =	wrdreg $0x0  }
0xac: {  	s8 =	sshll.u32 s28, $0x1;
	[dreg:$0x2] =	wrdreg s7  }
0xad: {  	[dreg:$0x3] =	wrdreg s8  }
0xae: {  	[dreg:$0x4] =	wrdreg $0xC0  }
0xaf: {  	_ =	task [dreg:s11], $0x5FFFF  }
0xb0: {  	[dreg:$0x1] =	wrdreg $0xFFFFFFFF  }
0xb1: {  	[dreg:$0x0] =	wrdreg $0x60  }
0xb2: {  	[dreg:$0x2] =	wrdreg s2  }
0xb3: {  	[dreg:$0x3] =	wrdreg s19  }
0xb4: {  	[dreg:$0x4] =	wrdreg s4  }
0xb5: {  	[dreg:$0x5] =	wrdreg s5  }
0xb6: {  	[dreg:$0x6] =	wrdreg s6  }
0xb7: {  	[dreg:$0x7] =	wrdreg $0x9  }
0xb8: {  	_ =	task.clear_ibuf [dreg:s11], $0x8FFFF;
	_ =	strace $0x90000046  }
0xb9: {  	s29 =	simm.s32 $0x9;
	_ =	strace $0x80000048  }
0xba: {  	_ =	swait.ge [sflag:s29], $0x1  }
0xbb: {  	[sflag:s29] =	ssyncadd.s32 $0xFFFFFFFF  }
0xbc: {  	_ =	strace $0x90000048  }
0xbd: {  	_ =	sfence  }
0xbe: {  	s30 =	sld [smem:$0x0];
	_ =	sdelay $0x2  }
0xbf: {  	s31 =	sshll.u32 s1, $0xD;
	s1 =	sshrl.u32 s1, $0x2  }
0xc0: {  	s3 =	sand.u32 $0x4000, s31;
	s1 =	sadd.s32 s1, s30  }
0xc1: {  	s0 =	sor.u32 s3, s0;
	s1 =	sshll.u32 s1, $0x11  }
0xc2: {  	s0 =	sor.u32 s1, s0  }
0xc3: {  	s0 =	sadd.s32 $0x8F2B, s0  }
0xc4: {  	[sflag:s0] =	ssyncadd.remote.s32 $0x1  }
0xc5: {  	_ =	sfence.sel $0xFFFF  }
0xc6: {  	[dreg:$0x0] =	wrdreg $0xFFFFFFFF;
	(pc) =	sbr.abs _section_cstart, $3  }
0xc7: {  	[dreg:$0x1] =	wrdreg $0xFFFFFFFF  }
0xc8: {  	_ =	task.clear_ibuf [dreg:s11], $0x2FFFF;
	_ =	strace $0x9FFFFFFF  }
0xc9: {  	(tm) =	ssettm $0x7FFFFFFF  }
tec
execute0_lowered:
.L_overlay_start_1:
0x0: {  	(tag) =	ssettag $0x1  }
0x1: {  	s5 =	rddreg [dreg:$0x2]  }
0x2: {  	s6 =	rddreg [dreg:$0x3]  }
0x3: {  	s0 =	rddreg [dreg:$0x4];
	s3 =	simm.s32 $0x0  }
0x4: {  	s4 =	simm.s32 $0x800;
	[smem:$0x7FF] =	sst s3  }
0x5: {  	s18 =	simm.s32 $0x8800;
	_ =	strace $0x80000047;
	[dreg:$0x6] =	wrdreg s4  }
0x6: {  	s19 =	simm.s32 $0xC00;
	[dreg:$0x7] =	wrdreg s18  }
0x7: {  	s20 =	simm.s32 $0x8C00;
	[dreg:$0x8] =	wrdreg s19  }
0x8: {  	s21 =	simm.s32 $0x1000;
	[dreg:$0x9] =	wrdreg s20  }
0x9: {  	s22 =	simm.s32 $0x9000;
	[dreg:$0xa] =	wrdreg s21  }
0xa: {  	s23 =	simm.s32 $0x1400;
	[dreg:$0xb] =	wrdreg s22  }
0xb: {  	s24 =	simm.s32 $0x9400;
	[dreg:$0xc] =	wrdreg s23  }
0xc: {  	s25 =	simm.s32 $0x1800;
	[dreg:$0xd] =	wrdreg s24  }
0xd: {  	s26 =	simm.s32 $0x9800;
	[dreg:$0xe] =	wrdreg s25  }
0xe: {  	s28 =	simm.s32 $0x1C00;
	[dreg:$0xf] =	wrdreg s26  }
0xf: {  	s29 =	simm.s32 $0x9C00;
	[dreg:$0x10] =	wrdreg s28  }
0x10: {  	s30 =	simm.s32 $0x2000;
	[dreg:$0x11] =	wrdreg s29  }
0x11: {  	s31 =	simm.s32 $0xA000;
	[dreg:$0x12] =	wrdreg s30  }
0x12: {  	s1 =	simm.s32 $0x2400;
	[dreg:$0x13] =	wrdreg s31  }
0x13: {  	s2 =	simm.s32 $0xA400;
	[dreg:$0x14] =	wrdreg s1  }
0x14: {  	s7 =	simm.s32 $0x2800;
	[dreg:$0x15] =	wrdreg s2  }
0x15: {  	s8 =	simm.s32 $0xA800;
	[dreg:$0x16] =	wrdreg s7  }
0x16: {  	s9 =	simm.s32 $0x2C00;
	[dreg:$0x17] =	wrdreg s8  }
0x17: {  	s10 =	simm.s32 $0xAC00;
	[dreg:$0x18] =	wrdreg s9  }
0x18: {  	s11 =	simm.s32 $0x3000;
	[dreg:$0x19] =	wrdreg s10  }
0x19: {  	s12 =	simm.s32 $0xB000;
	[dreg:$0x1a] =	wrdreg s11  }
0x1a: {  	s13 =	simm.s32 $0x3400;
	[dreg:$0x1b] =	wrdreg s12  }
0x1b: {  	s14 =	simm.s32 $0xB400;
	[dreg:$0x1c] =	wrdreg s13  }
0x1c: {  	s15 =	simm.s32 $0x3800;
	[dreg:$0x1d] =	wrdreg s14  }
0x1d: {  	s16 =	simm.s32 $0xB800;
	[dreg:$0x1e] =	wrdreg s15  }
0x1e: {  	s17 =	simm.s32 $0x3C00;
	[dreg:$0x1f] =	wrdreg s16  }
0x1f: {  	[smem:$0x7D6] =	sst s17;
	s18 =	simm.s32 $0xBC00  }
0x20: {  	s19 =	simm.s32 $0x4000;
	[smem:$0x7D7] =	sst s18  }
0x21: {  	s20 =	simm.s32 $0xC000;
	[smem:$0x7D8] =	sst s19  }
0x22: {  	s21 =	simm.s32 $0x4400;
	[smem:$0x7D9] =	sst s20  }
0x23: {  	s22 =	simm.s32 $0xC400;
	[smem:$0x7DA] =	sst s21  }
0x24: {  	s23 =	simm.s32 $0x4800;
	[smem:$0x7DB] =	sst s22  }
0x25: {  	s24 =	simm.s32 $0xC800;
	[smem:$0x7DC] =	sst s23  }
0x26: {  	s25 =	simm.s32 $0x4C00;
	[smem:$0x7DD] =	sst s24  }
0x27: {  	s26 =	simm.s32 $0xCC00;
	[smem:$0x7DE] =	sst s25  }
0x28: {  	s28 =	simm.s32 $0x5000;
	[smem:$0x7DF] =	sst s26  }
0x29: {  	s29 =	simm.s32 $0xD000;
	[smem:$0x7E0] =	sst s28  }
0x2a: {  	s30 =	simm.s32 $0x5400;
	[smem:$0x7E1] =	sst s29  }
0x2b: {  	s31 =	simm.s32 $0xD400;
	[smem:$0x7E2] =	sst s30  }
0x2c: {  	s1 =	simm.s32 $0x5800;
	[smem:$0x7E3] =	sst s31  }
0x2d: {  	s2 =	simm.s32 $0xD800;
	[smem:$0x7E4] =	sst s1  }
0x2e: {  	s7 =	simm.s32 $0x5C00;
	[smem:$0x7E5] =	sst s2  }
0x2f: {  	s8 =	simm.s32 $0xDC00;
	[smem:$0x7E6] =	sst s7  }
0x30: {  	s9 =	simm.s32 $0x6000;
	[smem:$0x7E7] =	sst s8  }
0x31: {  	s10 =	simm.s32 $0xE000;
	[smem:$0x7E8] =	sst s9  }
0x32: {  	s11 =	simm.s32 $0x6400;
	[smem:$0x7E9] =	sst s10  }
0x33: {  	s12 =	simm.s32 $0xE400;
	[smem:$0x7EA] =	sst s11  }
0x34: {  	s13 =	simm.s32 $0x6800;
	[smem:$0x7EB] =	sst s12  }
0x35: {  	s14 =	simm.s32 $0xE800;
	[smem:$0x7EC] =	sst s13  }
0x36: {  	s15 =	simm.s32 $0x6C00;
	[smem:$0x7ED] =	sst s14  }
0x37: {  	s16 =	simm.s32 $0xEC00;
	[smem:$0x7EE] =	sst s15  }
0x38: {  	s17 =	simm.s32 $0x7000;
	[smem:$0x7EF] =	sst s16  }
0x39: {  	[smem:$0x7F0] =	sst s17;
	s18 =	simm.s32 $0xF000  }
0x3a: {  	s20 =	simm.s32 $0x7400;
	[smem:$0x7F1] =	sst s18  }
0x3b: {  	s7 =	srdreg.scid;
	s21 =	simm.s32 $0xF400;
	[smem:$0x7F2] =	sst s20  }
0x3c: {  	s1 =	stileid.u32;
	s23 =	simm.s32 $0x7800;
	[smem:$0x7F4] =	sst s21  }
0x3d: {  	s25 =	simm.s32 $0xF800;
	s26 =	simm.s32 $0x7C00;
	[smem:$0x7F6] =	sst s23  }
0x3e: {  	s29 =	simm.s32 $0xFC00;
	s30 =	simm.s32 $0x8000;
	[smem:$0x7F8] =	sst s25  }
0x3f: {  	v0 =	vlaneseq.u32;
	s7 =	sand.u32 $0x1, s7;
	s19 =	sshll.u32 s1, $0x6;
	[smem:$0x7FA] =	sst s26  }
0x40: {  	v0 =	vmul.u32 $0x800, v0;
	[smem:$0x7FB] =	sst s29;
	s8 =	ssub.s32 $0x2, s7;
	s7 =	sshll.u32 s7, $0xA  }
0x41: {  	s31 =	simm.s32 $0x10000;
	[smem:$0x7FC] =	sst s30;
	s7 =	sor.u32 s19, s7  }
0x42: {  	v1 =	vor.u32 $0x80, v0;
	v2 =	vor.u32 $0x100, v0;
	v3 =	vor.u32 $0x180, v0;
	[smem:$0x7FD] =	sst s31;
	s22 =	sadd.s32 s5, s7  }
0x43: {  	v4 =	vor.u32 $0x200, v0;
	v5 =	vor.u32 $0x280, v0;
	v6 =	vor.u32 $0x300, v0;
	s9 =	sshrl.u32 s8, $0x1;
	s24 =	sadd.s32 s6, s7;
	[smem:$0x7F3] =	sst s22  }
0x44: {  	v7 =	vor.u32 $0x380, v0;
	v8 =	vor.u32 $0x400, v0;
	v9 =	vor.u32 $0x480, v0;
	s8 =	ssub.s32 s8, s9;
	s0 =	sadd.s32 s0, s7;
	[smem:$0x7F5] =	sst s24  }
0x45: {  	v10 =	vor.u32 $0x500, v0;
	v11 =	vor.u32 $0x580, v0;
	v12 =	vor.u32 $0x600, v0;
	s13 =	simm.s32 $0x1;
	[smem:$0x7F7] =	sst s0;
	s28 =	smax.u32 s8, $0x1  }
0x46: {  	v13 =	vor.u32 $0x680, v0;
	v14 =	vor.u32 $0x700, v0;
	v15 =	vor.u32 $0x780, v0;
	s2 =	simm.s32 $0x0;
	s1 =	simm.s32 $0x2;
	[smem:$0x7F9] =	sst s28  }
.LBB2_1:
0x47: {  	s0 =	sld [smem:$0x7F3];
	_ =	sdelay $0x1  }
0x48: {  	[smem:$0x7D5] =	sst s2  }
0x49: {  	[tilespmem:s3], [sflag:$0x2] =	stream.linear.gather [hbm4b:s0+s3], $0x200, $0x38;
	[tilespmem:$0x10600] =	vst v63  }
0x4a: {  	_ =	swait.ge [sflag:s1], $0x200  }
0x4b: {  	s21 =	sld [smem:$0x7F5]  }
0x4c: {  	[sflag:s1] =	ssyncset.done $0x0  }
0x4d: {  	s22 =	simm.s32 $0x200;
	[sflag:s1] =	ssyncadd.s32 $0xFFFFFE00  }
0x4e: {  	[tilespmem:s22], [sflag:$0x2] =	stream.linear.gather [hbm4b:s21+s3], $0x200, $0x38;
	[tilespmem:$0x10600] =	vst v63  }
0x4f: {  	_ =	swait.ge [sflag:s1], $0x200  }
0x50: {  	[sflag:s1] =	ssyncset.done $0x0  }
0x51: {  	s15 =	simm.s32 $0x0;
	[sflag:s1] =	ssyncadd.s32 $0xFFFFFE00  }
0x52: {  	v17 =	vld [tilespmem:s15+$0x0];
	_ =	sdelay $0x1  }
0x53: {  	v16 =	vld [tilespmem:s15+$0x200];
	_ =	sdelay $0x2  }
0x54: {  	(v2sf) =	vpush v17, $0x0  }
0x55: {  	(v2sf) =	vpush v17, $0x1  }
0x56: {  	(v2sf) =	vpush v16, $0x0;
	_ =	sdelay $0x6  }
0x57: {  	s0 =	rddreg [dreg:$0x1c];
	(v2sf) =	vpush v16, $0x1  }
0x58: {  	s4 =	rddreg [dreg:$0x18]  }
0x59: {  	s9 =	rddreg [dreg:$0x10]  }
0x5a: {  	s10 =	rddreg [dreg:$0x6]  }
0x5b: {  	s14 =	rddreg [dreg:$0x7]  }
0x5c: {  	s23 =	rddreg [dreg:$0x8]  }
0x5d: {  	s11 =	simm.s32 $0x400;
	s26 =	rddreg [dreg:$0x9];
	s5 =	spop (v2sf)  }
0x5e: {  	s1 =	rddreg [dreg:$0x0];
	s6 =	sand.u32 $0xFFFFF80, s5;
	s7 =	spop (v2sf)  }
0x5f: {  	s29 =	rddreg [dreg:$0xa];
	(v2sf) =	vpush v17, $0x2;
	s6 =	sadd.s32 s1, s6;
	s8 =	spop (v2sf)  }
0x60: {  	(v2sf) =	vpush v16, $0x2;
	[tilespmem:s11], [sflag:$0x1] =	stream.linear.gather [hbm4b:s6+s3], $0x400, $0x38;
	[tilespmem:$0x10600] =	vst v63  }
0x61: {  	s2 =	rddreg [dreg:$0x1];
	s8 =	sand.u32 $0xFFFFF80, s8  }
0x62: {  	s12 =	simm.s32 $0x8400;
	s30 =	rddreg [dreg:$0xb];
	s8 =	sadd.s32 s2, s8  }
0x63: {  	[tilespmem:s12], [sflag:$0x1] =	stream.linear.gather [hbm4b:s8+s3], $0x400, $0x38;
	[tilespmem:$0x10600] =	vst v63  }
0x64: {  	s31 =	rddreg [dreg:$0xc];
	s6 =	sadd.s32 $0xF4280, s6  }
0x65: {  	[tilespmem:s10], [sflag:$0x1] =	stream.linear.gather [hbm4b:s6+s3], $0x400, $0x38;
	[tilespmem:$0x10600] =	vst v63  }
0x66: {  	(v2sf) =	vpush v17, $0x3;
	s7 =	sand.u32 $0xFFFFF80, s7;
	s24 =	spop (v2sf);
	s8 =	sadd.s32 $0xF4280, s8  }
0x67: {  	[tilespmem:s14], [sflag:$0x1] =	stream.linear.gather [hbm4b:s8+s3], $0x400, $0x38;
	[tilespmem:$0x10600] =	vst v63  }
0x68: {  	s18 =	rddreg [dreg:$0xd];
	(v2sf) =	vpush v16, $0x3;
	s7 =	sadd.s32 s1, s7;
	s25 =	sand.u32 $0xFFFFF80, s24  }
0x69: {  	[tilespmem:s23], [sflag:$0x1] =	stream.linear.gather [hbm4b:s7+s3], $0x400, $0x38;
	[tilespmem:$0x10600] =	vst v63  }
0x6a: {  	s20 =	rddreg [dreg:$0xe];
	s28 =	sadd.s32 s2, s25  }
0x6b: {  	[tilespmem:s26], [sflag:$0x1] =	stream.linear.gather [hbm4b:s28+s3], $0x400, $0x38;
	[tilespmem:$0x10600] =	vst v63  }
0x6c: {  	s21 =	rddreg [dreg:$0xf];
	(v2sf) =	vpush v17, $0x4;
	s7 =	sadd.s32 $0xF4280, s7  }
0x6d: {  	[tilespmem:s29], [sflag:$0x1] =	stream.linear.gather [hbm4b:s7+s3], $0x400, $0x38;
	[tilespmem:$0x10600] =	vst v63  }
0x6e: {  	s5 =	rddreg [dreg:$0x14];
	s6 =	sadd.s32 $0xF4280, s28;
	s16 =	spop (v2sf)  }
0x6f: {  	s26 =	rddreg [dreg:$0x11];
	s8 =	sand.u32 $0xFFFFF80, s16;
	s17 =	spop (v2sf)  }
0x70: {  	(v2sf) =	vpush v16, $0x4;
	[tilespmem:s30], [sflag:$0x1] =	stream.linear.gather [hbm4b:s6+s3], $0x400, $0x38;
	[tilespmem:$0x10600] =	vst v63  }
0x71: {  	s29 =	rddreg [dreg:$0x12];
	s19 =	sand.u32 $0xFFFFF80, s17;
	s8 =	sadd.s32 s1, s8  }
0x72: {  	[tilespmem:s31], [sflag:$0x1] =	stream.linear.gather [hbm4b:s8+s3], $0x400, $0x38;
	[tilespmem:$0x10600] =	vst v63  }
0x73: {  	s30 =	rddreg [dreg:$0x13];
	s10 =	sadd.s32 s2, s19  }
0x74: {  	[tilespmem:s18], [sflag:$0x1] =	stream.linear.gather [hbm4b:s10+s3], $0x400, $0x38;
	[tilespmem:$0x10600] =	vst v63  }
0x75: {  	s22 =	spop (v2sf);
	s17 =	rddreg [dreg:$0x15];
	s8 =	sadd.s32 $0xF4280, s8  }
0x76: {  	(v2sf) =	vpush v17, $0x5;
	[tilespmem:s20], [sflag:$0x1] =	stream.linear.gather [hbm4b:s8+s3], $0x400, $0x38;
	[tilespmem:$0x10600] =	vst v63  }
0x77: {  	s23 =	spop (v2sf);
	s25 =	sand.u32 $0xFFFFF80, s22;
	s24 =	sadd.s32 $0xF4280, s10  }
0x78: {  	(v2sf) =	vpush v16, $0x5;
	[tilespmem:s21], [sflag:$0x1] =	stream.linear.gather [hbm4b:s24+s3], $0x400, $0x38;
	[tilespmem:$0x10600] =	vst v63  }
0x79: {  	s19 =	rddreg [dreg:$0x16];
	s7 =	sand.u32 $0xFFFFF80, s23;
	s28 =	sadd.s32 s1, s25  }
0x7a: {  	[tilespmem:s9], [sflag:$0x1] =	stream.linear.gather [hbm4b:s28+s3], $0x400, $0x38;
	[tilespmem:$0x10600] =	vst v63  }
0x7b: {  	s31 =	spop (v2sf);
	s25 =	rddreg [dreg:$0x19];
	s7 =	sadd.s32 s2, s7  }
0x7c: {  	(v2sf) =	vpush v17, $0x6;
	[tilespmem:s26], [sflag:$0x1] =	stream.linear.gather [hbm4b:s7+s3], $0x400, $0x38;
	[tilespmem:$0x10600] =	vst v63  }
0x7d: {  	s14 =	sand.u32 $0xFFFFF80, s31;
	s10 =	rddreg [dreg:$0x1f];
	s8 =	sadd.s32 $0xF4280, s28  }
0x7e: {  	[tilespmem:s29], [sflag:$0x1] =	stream.linear.gather [hbm4b:s8+s3], $0x400, $0x38;
	[tilespmem:$0x10600] =	vst v63  }
0x7f: {  	s20 =	rddreg [dreg:$0x17];
	s7 =	sadd.s32 $0xF4280, s7;
	s16 =	spop (v2sf)  }
0x80: {  	(v2sf) =	vpush v16, $0x6;
	[tilespmem:s30], [sflag:$0x1] =	stream.linear.gather [hbm4b:s7+s3], $0x400, $0x38;
	[tilespmem:$0x10600] =	vst v63  }
0x81: {  	s28 =	rddreg [dreg:$0x1b];
	s18 =	sand.u32 $0xFFFFF80, s16;
	s8 =	sadd.s32 s1, s14  }
0x82: {  	[tilespmem:s5], [sflag:$0x1] =	stream.linear.gather [hbm4b:s8+s3], $0x400, $0x38;
	[tilespmem:$0x10600] =	vst v63  }
0x83: {  	s26 =	rddreg [dreg:$0x1a];
	s7 =	sadd.s32 s2, s18  }
0x84: {  	[tilespmem:s17], [sflag:$0x1] =	stream.linear.gather [hbm4b:s7+s3], $0x400, $0x38;
	[tilespmem:$0x10600] =	vst v63  }
0x85: {  	s21 =	spop (v2sf);
	s16 =	sld [smem:$0x7D6];
	s8 =	sadd.s32 $0xF4280, s8  }
0x86: {  	(v2sf) =	vpush v17, $0x7;
	[tilespmem:s19], [sflag:$0x1] =	stream.linear.gather [hbm4b:s8+s3], $0x400, $0x38;
	[tilespmem:$0x10600] =	vst v63  }
0x87: {  	s22 =	sand.u32 $0xFFFFF80, s21;
	s23 =	spop (v2sf);
	s7 =	sadd.s32 $0xF4280, s7  }
0x88: {  	(v2sf) =	vpush v16, $0x7;
	[tilespmem:s20], [sflag:$0x1] =	stream.linear.gather [hbm4b:s7+s3], $0x400, $0x38;
	[tilespmem:$0x10600] =	vst v63  }
0x89: {  	s24 =	sand.u32 $0xFFFFF80, s23;
	s18 =	sld [smem:$0x7D7];
	s5 =	sadd.s32 s1, s22  }
0x8a: {  	(v2sf) =	vpush v17, $0x8;
	[tilespmem:s4], [sflag:$0x1] =	stream.linear.gather [hbm4b:s5+s3], $0x400, $0x38;
	[tilespmem:$0x10600] =	vst v63  }
0x8b: {  	s29 =	spop (v2sf);
	s6 =	sadd.s32 s2, s24;
	s24 =	sld [smem:$0x7DA]  }
0x8c: {  	[tilespmem:s25], [sflag:$0x1] =	stream.linear.gather [hbm4b:s6+s3], $0x400, $0x38;
	[tilespmem:$0x10600] =	vst v63  }
0x8d: {  	s31 =	sand.u32 $0xFFFFF80, s29;
	s29 =	sld [smem:$0x7DC];
	s5 =	sadd.s32 $0xF4280, s5  }
0x8e: {  	[tilespmem:s26], [sflag:$0x1] =	stream.linear.gather [hbm4b:s5+s3], $0x400, $0x38;
	[tilespmem:$0x10600] =	vst v63  }
0x8f: {  	s22 =	sld [smem:$0x7D9];
	s30 =	spop (v2sf);
	s6 =	sadd.s32 $0xF4280, s6  }
0x90: {  	(v2sf) =	vpush v16, $0x8;
	[tilespmem:s28], [sflag:$0x1] =	stream.linear.gather [hbm4b:s6+s3], $0x400, $0x38;
	[tilespmem:$0x10600] =	vst v63  }
0x91: {  	s8 =	rddreg [dreg:$0x1e];
	s4 =	sand.u32 $0xFFFFF80, s30;
	s5 =	sadd.s32 s1, s31  }
0x92: {  	[tilespmem:s0], [sflag:$0x1] =	stream.linear.gather [hbm4b:s5+s3], $0x400, $0x38;
	[tilespmem:$0x10600] =	vst v63  }
0x93: {  	s7 =	rddreg [dreg:$0x1d];
	s4 =	sadd.s32 s2, s4  }
0x94: {  	[tilespmem:s7], [sflag:$0x1] =	stream.linear.gather [hbm4b:s4+s3], $0x400, $0x38;
	[tilespmem:$0x10600] =	vst v63  }
0x95: {  	s19 =	sld [smem:$0x7D8];
	s9 =	spop (v2sf);
	s5 =	sadd.s32 $0xF4280, s5  }
0x96: {  	(v2sf) =	vpush v17, $0x9;
	[tilespmem:s8], [sflag:$0x1] =	stream.linear.gather [hbm4b:s5+s3], $0x400, $0x38;
	[tilespmem:$0x10600] =	vst v63  }
0x97: {  	s14 =	spop (v2sf);
	s7 =	sand.u32 $0xFFFFF80, s9;
	s4 =	sadd.s32 $0xF4280, s4  }
0x98: {  	(v2sf) =	vpush v16, $0x9;
	[tilespmem:s10], [sflag:$0x1] =	stream.linear.gather [hbm4b:s4+s3], $0x400, $0x38;
	[tilespmem:$0x10600] =	vst v63  }
0x99: {  	s20 =	spop (v2sf);
	s0 =	sand.u32 $0xFFFFF80, s14;
	s17 =	sadd.s32 s1, s7  }
0x9a: {  	[tilespmem:s16], [sflag:$0x1] =	stream.linear.gather [hbm4b:s17+s3], $0x400, $0x38;
	[tilespmem:$0x10600] =	vst v63  }
0x9b: {  	s21 =	sand.u32 $0xFFFFF80, s20;
	s28 =	sld [smem:$0x7DB];
	s0 =	sadd.s32 s2, s0  }
0x9c: {  	(v2sf) =	vpush v17, $0xA;
	[tilespmem:s18], [sflag:$0x1] =	stream.linear.gather [hbm4b:s0+s3], $0x400, $0x38;
	[tilespmem:$0x10600] =	vst v63  }
0x9d: {  	s6 =	sld [smem:$0x7EF];
	s26 =	sadd.s32 s1, s21;
	s4 =	sadd.s32 $0xF4280, s17  }
0x9e: {  	(v2sf) =	vpush v16, $0xA;
	[tilespmem:s19], [sflag:$0x1] =	stream.linear.gather [hbm4b:s4+s3], $0x400, $0x38;
	[tilespmem:$0x10600] =	vst v63  }
0x9f: {  	s21 =	sld [smem:$0x7E1];
	s23 =	spop (v2sf);
	s0 =	sadd.s32 $0xF4280, s0  }
0xa0: {  	[tilespmem:s22], [sflag:$0x1] =	stream.linear.gather [hbm4b:s0+s3], $0x400, $0x38;
	[tilespmem:$0x10600] =	vst v63  }
0xa1: {  	s8 =	sld [smem:$0x7DD];
	s25 =	sand.u32 $0xFFFFF80, s23  }
0xa2: {  	[tilespmem:s24], [sflag:$0x1] =	stream.linear.gather [hbm4b:s26+s3], $0x400, $0x38;
	[tilespmem:$0x10600] =	vst v63  }
0xa3: {  	s10 =	sld [smem:$0x7DE];
	s0 =	sadd.s32 s2, s25  }
0xa4: {  	[tilespmem:s28], [sflag:$0x1] =	stream.linear.gather [hbm4b:s0+s3], $0x400, $0x38;
	[tilespmem:$0x10600] =	vst v63  }
0xa5: {  	s17 =	sld [smem:$0x7DF];
	s30 =	spop (v2sf);
	s4 =	sadd.s32 $0xF4280, s26  }
0xa6: {  	(v2sf) =	vpush v17, $0xB;
	[tilespmem:s29], [sflag:$0x1] =	stream.linear.gather [hbm4b:s4+s3], $0x400, $0x38;
	[tilespmem:$0x10600] =	vst v63  }
0xa7: {  	s31 =	sand.u32 $0xFFFFF80, s30;
	s9 =	spop (v2sf);
	s0 =	sadd.s32 $0xF4280, s0  }
0xa8: {  	(v2sf) =	vpush v16, $0xB;
	[tilespmem:s8], [sflag:$0x1] =	stream.linear.gather [hbm4b:s0+s3], $0x400, $0x38;
	[tilespmem:$0x10600] =	vst v63  }
0xa9: {  	s23 =	sld [smem:$0x7E2];
	s14 =	sand.u32 $0xFFFFF80, s9;
	s16 =	sadd.s32 s1, s31  }
0xaa: {  	[tilespmem:s10], [sflag:$0x1] =	stream.linear.gather [hbm4b:s16+s3], $0x400, $0x38;
	[tilespmem:$0x10600] =	vst v63  }
0xab: {  	s18 =	spop (v2sf);
	s19 =	sld [smem:$0x7E0];
	s0 =	sadd.s32 s2, s14  }
0xac: {  	[tilespmem:s17], [sflag:$0x1] =	stream.linear.gather [hbm4b:s0+s3], $0x400, $0x38;
	[tilespmem:$0x10600] =	vst v63  }
0xad: {  	s31 =	sld [smem:$0x7E6];
	s20 =	spop (v2sf);
	s4 =	sadd.s32 $0xF4280, s16  }
0xae: {  	(v2sf) =	vpush v17, $0xC;
	[tilespmem:s19], [sflag:$0x1] =	stream.linear.gather [hbm4b:s4+s3], $0x400, $0x38;
	[tilespmem:$0x10600] =	vst v63  }
0xaf: {  	s22 =	sand.u32 $0xFFFFF80, s18;
	s25 =	sld [smem:$0x7E3];
	s0 =	sadd.s32 $0xF4280, s0  }
0xb0: {  	(v2sf) =	vpush v16, $0xC;
	[tilespmem:s21], [sflag:$0x1] =	stream.linear.gather [hbm4b:s0+s3], $0x400, $0x38;
	[tilespmem:$0x10600] =	vst v63  }
0xb1: {  	s18 =	sld [smem:$0x7E9];
	s24 =	sand.u32 $0xFFFFF80, s20;
	s4 =	sadd.s32 s1, s22  }
0xb2: {  	[tilespmem:s23], [sflag:$0x1] =	stream.linear.gather [hbm4b:s4+s3], $0x400, $0x38;
	[tilespmem:$0x10600] =	vst v63  }
0xb3: {  	s28 =	sld [smem:$0x7E4];
	s0 =	sadd.s32 s2, s24  }
0xb4: {  	(v2sf) =	vpush v17, $0xD;
	[tilespmem:s25], [sflag:$0x1] =	stream.linear.gather [hbm4b:s0+s3], $0x400, $0x38;
	[tilespmem:$0x10600] =	vst v63  }
0xb5: {  	s29 =	sld [smem:$0x7E5];
	s26 =	spop (v2sf);
	s4 =	sadd.s32 $0xF4280, s4  }
0xb6: {  	[tilespmem:s28], [sflag:$0x1] =	stream.linear.gather [hbm4b:s4+s3], $0x400, $0x38;
	[tilespmem:$0x10600] =	vst v63  }
0xb7: {  	s5 =	sand.u32 $0xFFFFF80, s26;
	s30 =	spop (v2sf);
	s0 =	sadd.s32 $0xF4280, s0  }
0xb8: {  	(v2sf) =	vpush v16, $0xD;
	[tilespmem:s29], [sflag:$0x1] =	stream.linear.gather [hbm4b:s0+s3], $0x400, $0x38;
	[tilespmem:$0x10600] =	vst v63  }
0xb9: {  	s10 =	sld [smem:$0x7E7];
	s9 =	sadd.s32 s1, s5;
	s8 =	sand.u32 $0xFFFFF80, s30  }
0xba: {  	[tilespmem:s31], [sflag:$0x1] =	stream.linear.gather [hbm4b:s9+s3], $0x400, $0x38;
	[tilespmem:$0x10600] =	vst v63  }
0xbb: {  	s16 =	sld [smem:$0x7E8];
	s0 =	sadd.s32 s2, s8  }
0xbc: {  	[tilespmem:s10], [sflag:$0x1] =	stream.linear.gather [hbm4b:s0+s3], $0x400, $0x38;
	[tilespmem:$0x10600] =	vst v63  }
0xbd: {  	s20 =	sld [smem:$0x7EA];
	s14 =	spop (v2sf);
	s4 =	sadd.s32 $0xF4280, s9  }
0xbe: {  	(v2sf) =	vpush v17, $0xE;
	[tilespmem:s16], [sflag:$0x1] =	stream.linear.gather [hbm4b:s4+s3], $0x400, $0x38;
	[tilespmem:$0x10600] =	vst v63  }
0xbf: {  	s17 =	spop (v2sf);
	s19 =	sand.u32 $0xFFFFF80, s14;
	s0 =	sadd.s32 $0xF4280, s0  }
0xc0: {  	(v2sf) =	vpush v16, $0xE;
	[tilespmem:s18], [sflag:$0x1] =	stream.linear.gather [hbm4b:s0+s3], $0x400, $0x38;
	[tilespmem:$0x10600] =	vst v63  }
0xc1: {  	s22 =	sld [smem:$0x7EB];
	s21 =	sand.u32 $0xFFFFF80, s17;
	s4 =	sadd.s32 s1, s19  }
0xc2: {  	[tilespmem:s20], [sflag:$0x1] =	stream.linear.gather [hbm4b:s4+s3], $0x400, $0x38;
	[tilespmem:$0x10600] =	vst v63  }
0xc3: {  	s24 =	sld [smem:$0x7EC];
	s23 =	spop (v2sf);
	s0 =	sadd.s32 s2, s21  }
0xc4: {  	(v2sf) =	vpush v17, $0xF;
	[tilespmem:s22], [sflag:$0x1] =	stream.linear.gather [hbm4b:s0+s3], $0x400, $0x38;
	[tilespmem:$0x10600] =	vst v63  }
0xc5: {  	s26 =	sld [smem:$0x7ED];
	s25 =	sand.u32 $0xFFFFF80, s23;
	s4 =	sadd.s32 $0xF4280, s4  }
0xc6: {  	(v2sf) =	vpush v16, $0xF;
	[tilespmem:s24], [sflag:$0x1] =	stream.linear.gather [hbm4b:s4+s3], $0x400, $0x38;
	[tilespmem:$0x10600] =	vst v63  }
0xc7: {  	s29 =	sld [smem:$0x7EE];
	s28 =	spop (v2sf);
	s0 =	sadd.s32 $0xF4280, s0  }
0xc8: {  	[tilespmem:s26], [sflag:$0x1] =	stream.linear.gather [hbm4b:s0+s3], $0x400, $0x38;
	[tilespmem:$0x10600] =	vst v63  }
0xc9: {  	s14 =	sld [smem:$0x7F1];
	s31 =	sadd.s32 s1, s25;
	s30 =	sand.u32 $0xFFFFF80, s28  }
0xca: {  	[tilespmem:s29], [sflag:$0x1] =	stream.linear.gather [hbm4b:s31+s3], $0x400, $0x38;
	[tilespmem:$0x10600] =	vst v63  }
0xcb: {  	s9 =	sld [smem:$0x7F0];
	s0 =	sadd.s32 s2, s30  }
0xcc: {  	[tilespmem:s6], [sflag:$0x1] =	stream.linear.gather [hbm4b:s0+s3], $0x400, $0x38;
	[tilespmem:$0x10600] =	vst v63  }
0xcd: {  	s17 =	sld [smem:$0x7F2];
	s8 =	spop (v2sf);
	s4 =	sadd.s32 $0xF4280, s31  }
0xce: {  	[tilespmem:s9], [sflag:$0x1] =	stream.linear.gather [hbm4b:s4+s3], $0x400, $0x38;
	[tilespmem:$0x10600] =	vst v63  }
0xcf: {  	s10 =	sand.u32 $0xFFFFF80, s8;
	s16 =	spop (v2sf);
	s0 =	sadd.s32 $0xF4280, s0  }
0xd0: {  	[tilespmem:s14], [sflag:$0x1] =	stream.linear.gather [hbm4b:s0+s3], $0x400, $0x38;
	[tilespmem:$0x10600] =	vst v63  }
0xd1: {  	s19 =	sadd.s32 s1, s10;
	s18 =	sand.u32 $0xFFFFF80, s16;
	s20 =	sld [smem:$0x7F4]  }
0xd2: {  	[tilespmem:s17], [sflag:$0x1] =	stream.linear.gather [hbm4b:s19+s3], $0x400, $0x38;
	[tilespmem:$0x10600] =	vst v63  }
0xd3: {  	s21 =	spop (v2sf);
	s22 =	sld [smem:$0x7F6];
	s0 =	sadd.s32 s2, s18  }
0xd4: {  	[tilespmem:s20], [sflag:$0x1] =	stream.linear.gather [hbm4b:s0+s3], $0x400, $0x38;
	[tilespmem:$0x10600] =	vst v63  }
0xd5: {  	s23 =	spop (v2sf);
	s24 =	sld [smem:$0x7F8];
	s4 =	sadd.s32 $0xF4280, s19  }
0xd6: {  	[tilespmem:s22], [sflag:$0x1] =	stream.linear.gather [hbm4b:s4+s3], $0x400, $0x38;
	[tilespmem:$0x10600] =	vst v63  }
0xd7: {  	s25 =	sand.u32 $0xFFFFF80, s21;
	s26 =	sld [smem:$0x7FA];
	s0 =	sadd.s32 $0xF4280, s0  }
0xd8: {  	[tilespmem:s24], [sflag:$0x1] =	stream.linear.gather [hbm4b:s0+s3], $0x400, $0x38;
	[tilespmem:$0x10600] =	vst v63  }
0xd9: {  	s28 =	sand.u32 $0xFFFFF80, s23;
	s29 =	sld [smem:$0x7FB];
	s4 =	sadd.s32 s1, s25  }
0xda: {  	[tilespmem:s26], [sflag:$0x1] =	stream.linear.gather [hbm4b:s4+s3], $0x400, $0x38;
	[tilespmem:$0x10600] =	vst v63  }
0xdb: {  	s30 =	sld [smem:$0x7FC];
	s0 =	sadd.s32 s2, s28  }
0xdc: {  	[tilespmem:s29], [sflag:$0x1] =	stream.linear.gather [hbm4b:s0+s3], $0x400, $0x38;
	[tilespmem:$0x10600] =	vst v63  }
0xdd: {  	s31 =	sld [smem:$0x7FD];
	s4 =	sadd.s32 $0xF4280, s4  }
0xde: {  	[tilespmem:s30], [sflag:$0x1] =	stream.linear.gather [hbm4b:s4+s3], $0x400, $0x38;
	[tilespmem:$0x10600] =	vst v63  }
0xdf: {  	s0 =	sadd.s32 $0xF4280, s0  }
0xe0: {  	[tilespmem:s31], [sflag:$0x1] =	stream.linear.gather [hbm4b:s0+s3], $0x400, $0x38;
	[tilespmem:$0x10600] =	vst v63  }
0xe1: {  	_ =	swait.ge [sflag:s13], $0x400  }
0xe2: {  	[sflag:s13] =	ssyncset.done $0x0  }
0xe3: {  	[sflag:s13] =	ssyncadd.s32 $0xFFFFFC00  }
0xe4: {  	_ =	swait.ge [sflag:s13], $0x400  }
0xe5: {  	[sflag:s13] =	ssyncset.done $0x0  }
0xe6: {  	[sflag:s13] =	ssyncadd.s32 $0xFFFFFC00  }
0xe7: {  	_ =	swait.ge [sflag:s13], $0x400  }
0xe8: {  	[sflag:s13] =	ssyncset.done $0x0  }
0xe9: {  	[sflag:s13] =	ssyncadd.s32 $0xFFFFFC00  }
0xea: {  	_ =	swait.ge [sflag:s13], $0x400  }
0xeb: {  	[sflag:s13] =	ssyncset.done $0x0  }
0xec: {  	[sflag:s13] =	ssyncadd.s32 $0xFFFFFC00  }
0xed: {  	_ =	swait.ge [sflag:s13], $0x400  }
0xee: {  	[sflag:s13] =	ssyncset.done $0x0  }
0xef: {  	[sflag:s13] =	ssyncadd.s32 $0xFFFFFC00  }
0xf0: {  	_ =	swait.ge [sflag:s13], $0x400  }
0xf1: {  	[sflag:s13] =	ssyncset.done $0x0  }
0xf2: {  	[sflag:s13] =	ssyncadd.s32 $0xFFFFFC00  }
0xf3: {  	_ =	swait.ge [sflag:s13], $0x400  }
0xf4: {  	[sflag:s13] =	ssyncset.done $0x0  }
0xf5: {  	[sflag:s13] =	ssyncadd.s32 $0xFFFFFC00  }
0xf6: {  	_ =	swait.ge [sflag:s13], $0x400  }
0xf7: {  	[sflag:s13] =	ssyncset.done $0x0  }
0xf8: {  	[sflag:s13] =	ssyncadd.s32 $0xFFFFFC00  }
0xf9: {  	_ =	swait.ge [sflag:s13], $0x400  }
0xfa: {  	[sflag:s13] =	ssyncset.done $0x0  }
0xfb: {  	[sflag:s13] =	ssyncadd.s32 $0xFFFFFC00  }
0xfc: {  	_ =	swait.ge [sflag:s13], $0x400  }
0xfd: {  	[sflag:s13] =	ssyncset.done $0x0  }
0xfe: {  	[sflag:s13] =	ssyncadd.s32 $0xFFFFFC00  }
0xff: {  	_ =	swait.ge [sflag:s13], $0x400  }
0x100: {  	[sflag:s13] =	ssyncset.done $0x0  }
0x101: {  	[sflag:s13] =	ssyncadd.s32 $0xFFFFFC00  }
0x102: {  	_ =	swait.ge [sflag:s13], $0x400  }
0x103: {  	[sflag:s13] =	ssyncset.done $0x0  }
0x104: {  	[sflag:s13] =	ssyncadd.s32 $0xFFFFFC00  }
0x105: {  	_ =	swait.ge [sflag:s13], $0x400  }
0x106: {  	[sflag:s13] =	ssyncset.done $0x0  }
0x107: {  	[sflag:s13] =	ssyncadd.s32 $0xFFFFFC00  }
0x108: {  	_ =	swait.ge [sflag:s13], $0x400  }
0x109: {  	[sflag:s13] =	ssyncset.done $0x0  }
0x10a: {  	[sflag:s13] =	ssyncadd.s32 $0xFFFFFC00  }
0x10b: {  	_ =	swait.ge [sflag:s13], $0x400  }
0x10c: {  	[sflag:s13] =	ssyncset.done $0x0  }
0x10d: {  	[sflag:s13] =	ssyncadd.s32 $0xFFFFFC00  }
0x10e: {  	_ =	swait.ge [sflag:s13], $0x400  }
0x10f: {  	[sflag:s13] =	ssyncset.done $0x0  }
0x110: {  	[sflag:s13] =	ssyncadd.s32 $0xFFFFFC00  }
0x111: {  	_ =	swait.ge [sflag:s13], $0x400  }
0x112: {  	[sflag:s13] =	ssyncset.done $0x0  }
0x113: {  	[sflag:s13] =	ssyncadd.s32 $0xFFFFFC00  }
0x114: {  	_ =	swait.ge [sflag:s13], $0x400  }
0x115: {  	[sflag:s13] =	ssyncset.done $0x0  }
0x116: {  	[sflag:s13] =	ssyncadd.s32 $0xFFFFFC00  }
0x117: {  	_ =	swait.ge [sflag:s13], $0x400  }
0x118: {  	[sflag:s13] =	ssyncset.done $0x0  }
0x119: {  	[sflag:s13] =	ssyncadd.s32 $0xFFFFFC00  }
0x11a: {  	_ =	swait.ge [sflag:s13], $0x400  }
0x11b: {  	[sflag:s13] =	ssyncset.done $0x0  }
0x11c: {  	[sflag:s13] =	ssyncadd.s32 $0xFFFFFC00  }
0x11d: {  	_ =	swait.ge [sflag:s13], $0x400  }
0x11e: {  	[sflag:s13] =	ssyncset.done $0x0  }
0x11f: {  	[sflag:s13] =	ssyncadd.s32 $0xFFFFFC00  }
0x120: {  	_ =	swait.ge [sflag:s13], $0x400  }
0x121: {  	[sflag:s13] =	ssyncset.done $0x0  }
0x122: {  	[sflag:s13] =	ssyncadd.s32 $0xFFFFFC00  }
0x123: {  	_ =	swait.ge [sflag:s13], $0x400  }
0x124: {  	[sflag:s13] =	ssyncset.done $0x0  }
0x125: {  	[sflag:s13] =	ssyncadd.s32 $0xFFFFFC00  }
0x126: {  	_ =	swait.ge [sflag:s13], $0x400  }
0x127: {  	[sflag:s13] =	ssyncset.done $0x0  }
0x128: {  	[sflag:s13] =	ssyncadd.s32 $0xFFFFFC00  }
0x129: {  	_ =	swait.ge [sflag:s13], $0x400  }
0x12a: {  	[sflag:s13] =	ssyncset.done $0x0  }
0x12b: {  	[sflag:s13] =	ssyncadd.s32 $0xFFFFFC00  }
0x12c: {  	_ =	swait.ge [sflag:s13], $0x400  }
0x12d: {  	[sflag:s13] =	ssyncset.done $0x0  }
0x12e: {  	[sflag:s13] =	ssyncadd.s32 $0xFFFFFC00  }
0x12f: {  	_ =	swait.ge [sflag:s13], $0x400  }
0x130: {  	[sflag:s13] =	ssyncset.done $0x0  }
0x131: {  	[sflag:s13] =	ssyncadd.s32 $0xFFFFFC00  }
0x132: {  	_ =	swait.ge [sflag:s13], $0x400  }
0x133: {  	[sflag:s13] =	ssyncset.done $0x0  }
0x134: {  	[sflag:s13] =	ssyncadd.s32 $0xFFFFFC00  }
0x135: {  	_ =	swait.ge [sflag:s13], $0x400  }
0x136: {  	[sflag:s13] =	ssyncset.done $0x0  }
0x137: {  	[sflag:s13] =	ssyncadd.s32 $0xFFFFFC00  }
0x138: {  	_ =	swait.ge [sflag:s13], $0x400  }
0x139: {  	[sflag:s13] =	ssyncset.done $0x0  }
0x13a: {  	[sflag:s13] =	ssyncadd.s32 $0xFFFFFC00  }
0x13b: {  	_ =	swait.ge [sflag:s13], $0x400  }
0x13c: {  	[sflag:s13] =	ssyncset.done $0x0  }
0x13d: {  	[sflag:s13] =	ssyncadd.s32 $0xFFFFFC00  }
0x13e: {  	_ =	swait.ge [sflag:s13], $0x400  }
0x13f: {  	[sflag:s13] =	ssyncset.done $0x0  }
0x140: {  	[sflag:s13] =	ssyncadd.s32 $0xFFFFFC00  }
0x141: {  	_ =	swait.ge [sflag:s13], $0x400  }
0x142: {  	[sflag:s13] =	ssyncset.done $0x0  }
0x143: {  	[sflag:s13] =	ssyncadd.s32 $0xFFFFFC00  }
0x144: {  	_ =	swait.ge [sflag:s13], $0x400  }
0x145: {  	[sflag:s13] =	ssyncset.done $0x0  }
0x146: {  	[sflag:s13] =	ssyncadd.s32 $0xFFFFFC00  }
0x147: {  	_ =	swait.ge [sflag:s13], $0x400  }
0x148: {  	[sflag:s13] =	ssyncset.done $0x0  }
0x149: {  	[sflag:s13] =	ssyncadd.s32 $0xFFFFFC00  }
0x14a: {  	_ =	swait.ge [sflag:s13], $0x400  }
0x14b: {  	[sflag:s13] =	ssyncset.done $0x0  }
0x14c: {  	[sflag:s13] =	ssyncadd.s32 $0xFFFFFC00  }
0x14d: {  	_ =	swait.ge [sflag:s13], $0x400  }
0x14e: {  	[sflag:s13] =	ssyncset.done $0x0  }
0x14f: {  	[sflag:s13] =	ssyncadd.s32 $0xFFFFFC00  }
0x150: {  	_ =	swait.ge [sflag:s13], $0x400  }
0x151: {  	[sflag:s13] =	ssyncset.done $0x0  }
0x152: {  	[sflag:s13] =	ssyncadd.s32 $0xFFFFFC00  }
0x153: {  	_ =	swait.ge [sflag:s13], $0x400  }
0x154: {  	[sflag:s13] =	ssyncset.done $0x0  }
0x155: {  	[sflag:s13] =	ssyncadd.s32 $0xFFFFFC00  }
0x156: {  	_ =	swait.ge [sflag:s13], $0x400  }
0x157: {  	[sflag:s13] =	ssyncset.done $0x0  }
0x158: {  	[sflag:s13] =	ssyncadd.s32 $0xFFFFFC00  }
0x159: {  	_ =	swait.ge [sflag:s13], $0x400  }
0x15a: {  	[sflag:s13] =	ssyncset.done $0x0  }
0x15b: {  	[sflag:s13] =	ssyncadd.s32 $0xFFFFFC00  }
0x15c: {  	_ =	swait.ge [sflag:s13], $0x400  }
0x15d: {  	[sflag:s13] =	ssyncset.done $0x0  }
0x15e: {  	[sflag:s13] =	ssyncadd.s32 $0xFFFFFC00  }
0x15f: {  	_ =	swait.ge [sflag:s13], $0x400  }
0x160: {  	[sflag:s13] =	ssyncset.done $0x0  }
0x161: {  	[sflag:s13] =	ssyncadd.s32 $0xFFFFFC00  }
0x162: {  	_ =	swait.ge [sflag:s13], $0x400  }
0x163: {  	[sflag:s13] =	ssyncset.done $0x0  }
0x164: {  	[sflag:s13] =	ssyncadd.s32 $0xFFFFFC00  }
0x165: {  	_ =	swait.ge [sflag:s13], $0x400  }
0x166: {  	[sflag:s13] =	ssyncset.done $0x0  }
0x167: {  	[sflag:s13] =	ssyncadd.s32 $0xFFFFFC00  }
0x168: {  	_ =	swait.ge [sflag:s13], $0x400  }
0x169: {  	[sflag:s13] =	ssyncset.done $0x0  }
0x16a: {  	[sflag:s13] =	ssyncadd.s32 $0xFFFFFC00  }
0x16b: {  	_ =	swait.ge [sflag:s13], $0x400  }
0x16c: {  	[sflag:s13] =	ssyncset.done $0x0  }
0x16d: {  	[sflag:s13] =	ssyncadd.s32 $0xFFFFFC00  }
0x16e: {  	_ =	swait.ge [sflag:s13], $0x400  }
0x16f: {  	[sflag:s13] =	ssyncset.done $0x0  }
0x170: {  	[sflag:s13] =	ssyncadd.s32 $0xFFFFFC00  }
0x171: {  	_ =	swait.ge [sflag:s13], $0x400  }
0x172: {  	[sflag:s13] =	ssyncset.done $0x0  }
0x173: {  	[sflag:s13] =	ssyncadd.s32 $0xFFFFFC00  }
0x174: {  	_ =	swait.ge [sflag:s13], $0x400  }
0x175: {  	[sflag:s13] =	ssyncset.done $0x0  }
0x176: {  	[sflag:s13] =	ssyncadd.s32 $0xFFFFFC00  }
0x177: {  	_ =	swait.ge [sflag:s13], $0x400  }
0x178: {  	[sflag:s13] =	ssyncset.done $0x0  }
0x179: {  	[sflag:s13] =	ssyncadd.s32 $0xFFFFFC00  }
0x17a: {  	_ =	swait.ge [sflag:s13], $0x400  }
0x17b: {  	[sflag:s13] =	ssyncset.done $0x0  }
0x17c: {  	[sflag:s13] =	ssyncadd.s32 $0xFFFFFC00  }
0x17d: {  	_ =	swait.ge [sflag:s13], $0x400  }
0x17e: {  	[sflag:s13] =	ssyncset.done $0x0  }
0x17f: {  	[sflag:s13] =	ssyncadd.s32 $0xFFFFFC00  }
0x180: {  	_ =	swait.ge [sflag:s13], $0x400  }
0x181: {  	[sflag:s13] =	ssyncset.done $0x0  }
0x182: {  	[sflag:s13] =	ssyncadd.s32 $0xFFFFFC00  }
0x183: {  	_ =	swait.ge [sflag:s13], $0x400  }
0x184: {  	[sflag:s13] =	ssyncset.done $0x0  }
0x185: {  	[sflag:s13] =	ssyncadd.s32 $0xFFFFFC00  }
0x186: {  	_ =	swait.ge [sflag:s13], $0x400  }
0x187: {  	[sflag:s13] =	ssyncset.done $0x0  }
0x188: {  	[sflag:s13] =	ssyncadd.s32 $0xFFFFFC00  }
0x189: {  	_ =	swait.ge [sflag:s13], $0x400  }
0x18a: {  	[sflag:s13] =	ssyncset.done $0x0  }
0x18b: {  	[sflag:s13] =	ssyncadd.s32 $0xFFFFFC00  }
0x18c: {  	_ =	swait.ge [sflag:s13], $0x400  }
0x18d: {  	[sflag:s13] =	ssyncset.done $0x0  }
0x18e: {  	[sflag:s13] =	ssyncadd.s32 $0xFFFFFC00  }
0x18f: {  	_ =	swait.ge [sflag:s13], $0x400  }
0x190: {  	[sflag:s13] =	ssyncset.done $0x0  }
0x191: {  	[sflag:s13] =	ssyncadd.s32 $0xFFFFFC00  }
0x192: {  	_ =	swait.ge [sflag:s13], $0x400  }
0x193: {  	[sflag:s13] =	ssyncset.done $0x0  }
0x194: {  	[sflag:s13] =	ssyncadd.s32 $0xFFFFFC00  }
0x195: {  	_ =	swait.ge [sflag:s13], $0x400  }
0x196: {  	[sflag:s13] =	ssyncset.done $0x0  }
0x197: {  	[sflag:s13] =	ssyncadd.s32 $0xFFFFFC00  }
0x198: {  	_ =	swait.ge [sflag:s13], $0x400  }
0x199: {  	[sflag:s13] =	ssyncset.done $0x0  }
0x19a: {  	[sflag:s13] =	ssyncadd.s32 $0xFFFFFC00  }
0x19b: {  	v17 =	vand.u32 $0x7F, v17;
	_ =	swait.ge [sflag:s13], $0x400  }
0x19c: {  	v18 =	vor.u32 v1, v17;
	[sflag:s13] =	ssyncset.done $0x0  }
0x19d: {  	v19 =	vor.u32 v0, v17;
	v16 =	vand.u32 $0x7F, v16;
	[sflag:s13] =	ssyncadd.s32 $0xFFFFFC00  }
0x19e: {  	v20 =	vor.u32 v1, v16;
	_ =	swait.ge [sflag:s13], $0x400  }
0x19f: {  	v21 =	vor.u32 v0, v16;
	[sflag:s13] =	ssyncset.done $0x0  }
0x1a0: {  	v22 =	vor.u32 v2, v17;
	[sflag:s13] =	ssyncadd.s32 $0xFFFFFC00  }
0x1a1: {  	v23 =	vor.u32 v2, v16;
	v18 =	vld.idx.msk [tilespmem:v18+s11+$0x0], $0xffff  }
0x1a2: {  	v24 =	vor.u32 v3, v17;
	v19 =	vld.idx.msk [tilespmem:v19+s11+$0x0], $0xffff  }
0x1a3: {  	v25 =	vor.u32 v3, v16;
	v20 =	vld.idx.msk [tilespmem:v20+s12+$0x0], $0xffff  }
0x1a4: {  	v26 =	vor.u32 v4, v17;
	v21 =	vld.idx.msk [tilespmem:v21+s12+$0x0], $0xffff  }
0x1a5: {  	v28 =	vor.u32 v5, v17;
	v22 =	vld.idx.msk [tilespmem:v22+s11+$0x0], $0xffff  }
0x1a6: {  	v30 =	vor.u32 v6, v17;
	v23 =	vld.idx.msk [tilespmem:v23+s12+$0x0], $0xffff  }
0x1a7: {  	v33 =	vor.u32 v8, v16;
	v24 =	vld.idx.msk [tilespmem:v24+s11+$0x0], $0xffff  }
0x1a8: {  	v56 =	vor.u32 v13, v17;
	v25 =	vld.idx.msk [tilespmem:v25+s12+$0x0], $0xffff  }
0x1a9: {  	v27 =	vor.u32 v4, v16;
	v26 =	vld.idx.msk [tilespmem:v26+s11+$0x0], $0xffff  }
0x1aa: {  	v58 =	vor.u32 v14, v17;
	v28 =	vld.idx.msk [tilespmem:v28+s11+$0x0], $0xffff  }
0x1ab: {  	v29 =	vor.u32 v5, v16;
	v30 =	vld.idx.msk [tilespmem:v30+s11+$0x0], $0xffff;
	v19 =	vmul.f32 v21, v19  }
0x1ac: {  	v46 =	vor.u32 v7, v17;
	v51 =	vld.idx.msk [tilespmem:v33+s12+$0x0], $0xffff  }
0x1ad: {  	v31 =	vor.u32 v6, v16;
	v60 =	vld.idx.msk [tilespmem:v56+s11+$0x0], $0xffff;
	v18 =	vmul.f32 v20, v18;
	v19 =	vadd.f32 $0.0e+00, v19  }
0x1ae: {  	v47 =	vor.u32 v8, v17;
	v21 =	vld.idx.msk [tilespmem:v27+s12+$0x0], $0xffff  }
0x1af: {  	v32 =	vor.u32 v7, v16;
	v61 =	vld.idx.msk [tilespmem:v58+s11+$0x0], $0xffff;
	v22 =	vmul.f32 v23, v22;
	v18 =	vadd.f32 v18, v19  }
0x1b0: {  	v49 =	vor.u32 v10, v17;
	v20 =	vld.idx.msk [tilespmem:v29+s12+$0x0], $0xffff  }
0x1b1: {  	v23 =	vor.u32 v9, v17;
	v27 =	vld.idx.msk [tilespmem:v46+s11+$0x0], $0xffff;
	v24 =	vmul.f32 v25, v24;
	v18 =	vadd.f32 v22, v18  }
0x1b2: {  	v52 =	vor.u32 v11, v17;
	v19 =	vld.idx.msk [tilespmem:v31+s12+$0x0], $0xffff  }
0x1b3: {  	v48 =	vor.u32 v9, v16;
	v29 =	vld.idx.msk [tilespmem:v47+s11+$0x0], $0xffff;
	v21 =	vmul.f32 v21, v26;
	v18 =	vadd.f32 v24, v18  }
0x1b4: {  	v50 =	vor.u32 v10, v16;
	v22 =	vld.idx.msk [tilespmem:v32+s12+$0x0], $0xffff  }
0x1b5: {  	v53 =	vor.u32 v11, v16;
	v25 =	vld.idx.msk [tilespmem:v49+s11+$0x0], $0xffff;
	v20 =	vmul.f32 v20, v28;
	v18 =	vadd.f32 v21, v18  }
0x1b6: {  	v54 =	vor.u32 v12, v17;
	v23 =	vld.idx.msk [tilespmem:v23+s11+$0x0], $0xffff  }
0x1b7: {  	v17 =	vor.u32 v15, v17;
	v26 =	vld.idx.msk [tilespmem:v52+s11+$0x0], $0xffff;
	v19 =	vmul.f32 v19, v30;
	v18 =	vadd.f32 v20, v18  }
0x1b8: {  	v57 =	vor.u32 v13, v16;
	v21 =	vld.idx.msk [tilespmem:v48+s12+$0x0], $0xffff  }
0x1b9: {  	v55 =	vor.u32 v12, v16;
	v22 =	vmul.f32 v22, v27;
	v20 =	vld.idx.msk [tilespmem:v50+s12+$0x0], $0xffff;
	v18 =	vadd.f32 v19, v18  }
0x1ba: {  	v19 =	vld.idx.msk [tilespmem:v53+s12+$0x0], $0xffff  }
0x1bb: {  	v59 =	vor.u32 v14, v16;
	v28 =	vld.idx.msk [tilespmem:v54+s11+$0x0], $0xffff;
	v24 =	vmul.f32 v51, v29;
	v18 =	vadd.f32 v22, v18  }
0x1bc: {  	v62 =	vld.idx.msk [tilespmem:v17+s11+$0x0], $0xffff  }
0x1bd: {  	v16 =	vor.u32 v15, v16;
	v21 =	vmul.f32 v21, v23;
	v23 =	vld.idx.msk [tilespmem:v57+s12+$0x0], $0xffff;
	v18 =	vadd.f32 v24, v18  }
0x1be: {  	s19 =	simm.s32 $0x10;
	v22 =	vld.idx.msk [tilespmem:v55+s12+$0x0], $0xffff  }
0x1bf: {  	v20 =	vmul.f32 v20, v25;
	v17 =	vmul.f32 v19, v26;
	v19 =	vld [tilespmem:s19+$0x0];
	v18 =	vadd.f32 v21, v18  }
0x1c0: {  	v21 =	vld.idx.msk [tilespmem:v59+s12+$0x0], $0xffff  }
0x1c1: {  	s10 =	sld [smem:$0x7DC];
	v20 =	vadd.f32 v20, v18;
	v18 =	vld [tilespmem:s19+$0x200]  }
0x1c2: {  	s23 =	rddreg [dreg:$0x1e];
	v63 =	vld.idx.msk [tilespmem:v16+s12+$0x0], $0xffff  }
0x1c3: {  	s24 =	rddreg [dreg:$0x1c];
	v16 =	vmul.f32 v22, v28;
	v17 =	vadd.f32 v17, v20  }
0x1c4: {  	s25 =	rddreg [dreg:$0x1b];
	(v2sf) =	vpush v19, $0x0  }
0x1c5: {  	s26 =	rddreg [dreg:$0x1a];
	v22 =	vmul.f32 v23, v60;
	(v2sf) =	vpush v19, $0x1;
	v17 =	vadd.f32 v16, v17  }
0x1c6: {  	s11 =	sld [smem:$0x7D8];
	v20 =	vmul.f32 v21, v61;
	v16 =	vand.u32 $0x7F, v19;
	(v2sf) =	vpush v18, $0x0  }
0x1c7: {  	s0 =	simm.s32 $0x80;
	s12 =	rddreg [dreg:$0x1f];
	v21 =	vadd.f32 v22, v17;
	v17 =	vand.u32 $0x7F, v18;
	v22 =	vmul.f32 v63, v62  }
.LBB2_2:
0x1c8: {  	[smem:$0x7D0] =	sst s12  }
0x1c9: {  	s28 =	rddreg [dreg:$0x18]  }
0x1ca: {  	s29 =	rddreg [dreg:$0x17]  }
0x1cb: {  	s30 =	rddreg [dreg:$0x16]  }
0x1cc: {  	s31 =	rddreg [dreg:$0x15]  }
0x1cd: {  	s21 =	smov.u32 s19;
	s19 =	rddreg [dreg:$0x13]  }
0x1ce: {  	s4 =	rddreg [dreg:$0x11]  }
0x1cf: {  	(v2sf) =	vpush v18, $0x1;
	s14 =	rddreg [dreg:$0xf]  }
0x1d0: {  	s5 =	rddreg [dreg:$0xe]  }
0x1d1: {  	s6 =	rddreg [dreg:$0xd];
	(v2sf) =	vpush v19, $0x2  }
0x1d2: {  	s7 =	rddreg [dreg:$0xc]  }
0x1d3: {  	s8 =	rddreg [dreg:$0xb];
	(v2sf) =	vpush v18, $0x2  }
0x1d4: {  	s17 =	rddreg [dreg:$0x0]  }
0x1d5: {  	s18 =	rddreg [dreg:$0x7];
	(v2sf) =	vpush v19, $0x3  }
0x1d6: {  	s1 =	smov.u32 s0;
	s22 =	rddreg [dreg:$0x1]  }
0x1d7: {  	p0 =	sne.s32 s0, $0x7C0;
	v20 =	vadd.f32 v20, v21;
	[smem:$0x7D4] =	sst s1;
	(v2sf) =	vpush v18, $0x3  }
0x1d8: {  	s2 =	simm.s32 $0x400;
	s20 =	simm.s32 $0x8400;
	[smem:$0x7D1] =	sst s11  }
0x1d9: {  	[smem:$0x7D2] =	sst s10;
	s10 =	sadd.s32 $0x40, s0;
	v20 =	vadd.f32 v22, v20;
	s9 =	spop (v2sf)  }
0x1da: {  	s0 =	rddreg [dreg:$0x14];
	s9 =	sand.u32 $0xFFFFF80, s9;
	s16 =	spop (v2sf)  }
0x1db: {  	[smem:$0x7D3] =	sst s10;
	[tilespmem:s15+$0x10400] =	vst v20;
	(v2sf) =	vpush v19, $0x4;
	s9 =	sadd.s32 s17, s9;
	s11 =	spop (v2sf)  }
0x1dc: {  	[tilespmem:s2], [sflag:$0x1] =	stream.linear.gather [hbm4b:s9+s3], $0x400, $0x38;
	[tilespmem:$0x10600] =	vst v63  }
0x1dd: {  	s15 =	rddreg [dreg:$0x8];
	(v2sf) =	vpush v18, $0x4;
	s16 =	sand.u32 $0xFFFFF80, s16;
	s1 =	sand.u32 $0xFFFFF80, s11  }
0x1de: {  	s2 =	rddreg [dreg:$0x6];
	s12 =	spop (v2sf);
	s1 =	sadd.s32 s22, s1  }
0x1df: {  	(v2sf) =	vpush v19, $0x5;
	[tilespmem:s20], [sflag:$0x1] =	stream.linear.gather [hbm4b:s1+s3], $0x400, $0x38;
	[tilespmem:$0x10600] =	vst v63  }
0x1e0: {  	s9 =	sadd.s32 $0xF4280, s9;
	s11 =	sand.u32 $0xFFFFF80, s12;
	s12 =	spop (v2sf)  }
0x1e1: {  	(v2sf) =	vpush v18, $0x5;
	[tilespmem:s2], [sflag:$0x1] =	stream.linear.gather [hbm4b:s9+s3], $0x400, $0x38;
	[tilespmem:$0x10600] =	vst v63  }
0x1e2: {  	s12 =	sand.u32 $0xFFFFF80, s12;
	s20 =	spop (v2sf);
	s1 =	sadd.s32 $0xF4280, s1  }
0x1e3: {  	(v2sf) =	vpush v19, $0x6;
	[tilespmem:s18], [sflag:$0x1] =	stream.linear.gather [hbm4b:s1+s3], $0x400, $0x38;
	[tilespmem:$0x10600] =	vst v63  }
0x1e4: {  	s11 =	sadd.s32 s22, s11;
	s1 =	sadd.s32 s17, s16;
	s16 =	spop (v2sf)  }
0x1e5: {  	(v2sf) =	vpush v18, $0x6;
	[tilespmem:s15], [sflag:$0x1] =	stream.linear.gather [hbm4b:s1+s3], $0x400, $0x38;
	[tilespmem:$0x10600] =	vst v63  }
0x1e6: {  	s9 =	sand.u32 $0xFFFFF80, s20;
	s18 =	rddreg [dreg:$0x9];
	s20 =	spop (v2sf)  }
0x1e7: {  	[tilespmem:s18], [sflag:$0x1] =	stream.linear.gather [hbm4b:s11+s3], $0x400, $0x38;
	[tilespmem:$0x10600] =	vst v63  }
0x1e8: {  	s15 =	rddreg [dreg:$0xa];
	s1 =	sadd.s32 $0xF4280, s1;
	s2 =	sand.u32 $0xFFFFF80, s20  }
0x1e9: {  	(v2sf) =	vpush v19, $0x7;
	[tilespmem:s15], [sflag:$0x1] =	stream.linear.gather [hbm4b:s1+s3], $0x400, $0x38;
	[tilespmem:$0x10600] =	vst v63  }
0x1ea: {  	s18 =	sadd.s32 s22, s9;
	s20 =	spop (v2sf);
	s15 =	sadd.s32 $0xF4280, s11  }
0x1eb: {  	[tilespmem:s8], [sflag:$0x1] =	stream.linear.gather [hbm4b:s15+s3], $0x400, $0x38;
	[tilespmem:$0x10600] =	vst v63  }
0x1ec: {  	s1 =	sadd.s32 s17, s12;
	s11 =	sand.u32 $0xFFFFF80, s20;
	s20 =	spop (v2sf)  }
0x1ed: {  	(v2sf) =	vpush v18, $0x7;
	[tilespmem:s7], [sflag:$0x1] =	stream.linear.gather [hbm4b:s1+s3], $0x400, $0x38;
	[tilespmem:$0x10600] =	vst v63  }
0x1ee: {  	s10 =	rddreg [dreg:$0x10];
	s8 =	sadd.s32 $0xF4280, s18;
	s15 =	spop (v2sf)  }
0x1ef: {  	(v2sf) =	vpush v19, $0x8;
	[tilespmem:s6], [sflag:$0x1] =	stream.linear.gather [hbm4b:s18+s3], $0x400, $0x38;
	[tilespmem:$0x10600] =	vst v63  }
0x1f0: {  	s12 =	sand.u32 $0xFFFFF80, s20;
	s20 =	spop (v2sf);
	s1 =	sadd.s32 $0xF4280, s1  }
0x1f1: {  	(v2sf) =	vpush v18, $0x8;
	[tilespmem:s5], [sflag:$0x1] =	stream.linear.gather [hbm4b:s1+s3], $0x400, $0x38;
	[tilespmem:$0x10600] =	vst v63  }
0x1f2: {  	s9 =	sand.u32 $0xFFFFF80, s15;
	s6 =	spop (v2sf);
	s18 =	sand.u32 $0xFFFFF80, s16  }
0x1f3: {  	(v2sf) =	vpush v19, $0x9;
	[tilespmem:s14], [sflag:$0x1] =	stream.linear.gather [hbm4b:s8+s3], $0x400, $0x38;
	[tilespmem:$0x10600] =	vst v63  }
0x1f4: {  	s15 =	sand.u32 $0xFFFFF80, s20;
	s20 =	spop (v2sf);
	s16 =	sadd.s32 s17, s18  }
0x1f5: {  	(v2sf) =	vpush v18, $0x9;
	[tilespmem:s10], [sflag:$0x1] =	stream.linear.gather [hbm4b:s16+s3], $0x400, $0x38;
	[tilespmem:$0x10600] =	vst v63  }
0x1f6: {  	s2 =	sadd.s32 s22, s2;
	s18 =	rddreg [dreg:$0x12];
	s7 =	sand.u32 $0xFFFFF80, s20  }
0x1f7: {  	(v2sf) =	vpush v19, $0xA;
	[tilespmem:s4], [sflag:$0x1] =	stream.linear.gather [hbm4b:s2+s3], $0x400, $0x38;
	[tilespmem:$0x10600] =	vst v63  }
0x1f8: {  	s1 =	sadd.s32 $0xF4280, s16;
	s7 =	sadd.s32 s22, s7;
	s20 =	spop (v2sf)  }
0x1f9: {  	(v2sf) =	vpush v18, $0xA;
	[tilespmem:s18], [sflag:$0x1] =	stream.linear.gather [hbm4b:s1+s3], $0x400, $0x38;
	[tilespmem:$0x10600] =	vst v63  }
0x1fa: {  	s8 =	sand.u32 $0xFFFFF80, s6;
	s14 =	sadd.s32 $0xF4280, s2;
	s5 =	sand.u32 $0xFFFFF80, s20  }
0x1fb: {  	[tilespmem:s19], [sflag:$0x1] =	stream.linear.gather [hbm4b:s14+s3], $0x400, $0x38;
	[tilespmem:$0x10600] =	vst v63  }
0x1fc: {  	s4 =	sadd.s32 s22, s12;
	s10 =	spop (v2sf);
	s18 =	sadd.s32 s17, s11  }
0x1fd: {  	(v2sf) =	vpush v19, $0xB;
	[tilespmem:s0], [sflag:$0x1] =	stream.linear.gather [hbm4b:s18+s3], $0x400, $0x38;
	[tilespmem:$0x10600] =	vst v63  }
0x1fe: {  	s6 =	sand.u32 $0xFFFFF80, s10;
	s16 =	spop (v2sf);
	s1 =	sadd.s32 $0xF4280, s18  }
0x1ff: {  	(v2sf) =	vpush v18, $0xB;
	[tilespmem:s31], [sflag:$0x1] =	stream.linear.gather [hbm4b:s4+s3], $0x400, $0x38;
	[tilespmem:$0x10600] =	vst v63  }
0x200: {  	s14 =	sand.u32 $0xFFFFF80, s16;
	s20 =	spop (v2sf);
	s16 =	sadd.s32 s17, s9  }
0x201: {  	(v2sf) =	vpush v19, $0xC;
	[tilespmem:s30], [sflag:$0x1] =	stream.linear.gather [hbm4b:s1+s3], $0x400, $0x38;
	[tilespmem:$0x10600] =	vst v63  }
0x202: {  	s9 =	sld [smem:$0x7D0];
	s11 =	spop (v2sf);
	s0 =	sadd.s32 $0xF4280, s4  }
0x203: {  	[tilespmem:s29], [sflag:$0x1] =	stream.linear.gather [hbm4b:s0+s3], $0x400, $0x38;
	[tilespmem:$0x10600] =	vst v63  }
0x204: {  	s19 =	sand.u32 $0xFFFFF80, s20;
	s14 =	sadd.s32 s17, s14;
	s12 =	spop (v2sf)  }
0x205: {  	(v2sf) =	vpush v18, $0xC;
	[tilespmem:s28], [sflag:$0x1] =	stream.linear.gather [hbm4b:s16+s3], $0x400, $0x38;
	[tilespmem:$0x10600] =	vst v63  }
0x206: {  	s18 =	rddreg [dreg:$0x19];
	s4 =	spop (v2sf);
	s29 =	sadd.s32 s22, s15  }
0x207: {  	(v2sf) =	vpush v19, $0xD;
	[tilespmem:s18], [sflag:$0x1] =	stream.linear.gather [hbm4b:s29+s3], $0x400, $0x38;
	[tilespmem:$0x10600] =	vst v63  }
0x208: {  	s10 =	sand.u32 $0xFFFFF80, s11;
	s20 =	spop (v2sf);
	s0 =	sadd.s32 $0xF4280, s16  }
0x209: {  	(v2sf) =	vpush v18, $0xD;
	[tilespmem:s26], [sflag:$0x1] =	stream.linear.gather [hbm4b:s0+s3], $0x400, $0x38;
	[tilespmem:$0x10600] =	vst v63  }
0x20a: {  	s31 =	sand.u32 $0xFFFFF80, s12;
	s30 =	sand.u32 $0xFFFFF80, s20;
	s16 =	sadd.s32 $0xF4280, s29  }
0x20b: {  	(v2sf) =	vpush v19, $0xE;
	[tilespmem:s25], [sflag:$0x1] =	stream.linear.gather [hbm4b:s16+s3], $0x400, $0x38;
	[tilespmem:$0x10600] =	vst v63  }
0x20c: {  	s20 =	rddreg [dreg:$0x1d];
	s11 =	spop (v2sf);
	s18 =	sadd.s32 s17, s8  }
0x20d: {  	(v2sf) =	vpush v18, $0xE;
	[tilespmem:s24], [sflag:$0x1] =	stream.linear.gather [hbm4b:s18+s3], $0x400, $0x38;
	[tilespmem:$0x10600] =	vst v63  }
0x20e: {  	s15 =	smov.u32 s21;
	s28 =	sand.u32 $0xFFFFF80, s11;
	s12 =	spop (v2sf)  }
0x20f: {  	[tilespmem:s20], [sflag:$0x1] =	stream.linear.gather [hbm4b:s7+s3], $0x400, $0x38;
	[tilespmem:$0x10600] =	vst v63  }
0x210: {  	s11 =	sadd.s32 s17, s5;
	s26 =	spop (v2sf);
	s0 =	sadd.s32 $0xF4280, s18  }
0x211: {  	(v2sf) =	vpush v19, $0xF;
	[tilespmem:s23], [sflag:$0x1] =	stream.linear.gather [hbm4b:s0+s3], $0x400, $0x38;
	[tilespmem:$0x10600] =	vst v63  }
0x212: {  	s1 =	sadd.s32 $0xF4280, s11;
	s8 =	sld [smem:$0x7D6];
	s7 =	sadd.s32 $0xF4280, s7  }
0x213: {  	[tilespmem:s9], [sflag:$0x1] =	stream.linear.gather [hbm4b:s7+s3], $0x400, $0x38;
	[tilespmem:$0x10600] =	vst v63  }
0x214: {  	s29 =	sand.u32 $0xFFFFF80, s12;
	s12 =	sld [smem:$0x7D7];
	s21 =	spop (v2sf)  }
0x215: {  	(v2sf) =	vpush v18, $0xF;
	[tilespmem:s8], [sflag:$0x1] =	stream.linear.gather [hbm4b:s11+s3], $0x400, $0x38;
	[tilespmem:$0x10600] =	vst v63  }
0x216: {  	s24 =	spop (v2sf);
	s18 =	sadd.s32 s22, s6;
	s7 =	sld [smem:$0x7D1]  }
0x217: {  	[tilespmem:s12], [sflag:$0x1] =	stream.linear.gather [hbm4b:s18+s3], $0x400, $0x38;
	[tilespmem:$0x10600] =	vst v63  }
0x218: {  	s25 =	sand.u32 $0xFFFFF80, s21;
	s21 =	sld [smem:$0x7D9];
	s2 =	spop (v2sf)  }
0x219: {  	[tilespmem:s7], [sflag:$0x1] =	stream.linear.gather [hbm4b:s1+s3], $0x400, $0x38;
	[tilespmem:$0x10600] =	vst v63  }
0x21a: {  	s16 =	spop (v2sf);
	s9 =	sadd.s32 $0xF4280, s18;
	s11 =	sld [smem:$0x7DA]  }
0x21b: {  	[tilespmem:s21], [sflag:$0x1] =	stream.linear.gather [hbm4b:s9+s3], $0x400, $0x38;
	[tilespmem:$0x10600] =	vst v63  }
0x21c: {  	s0 =	sand.u32 $0xFFFFF80, s16;
	s20 =	spop (v2sf);
	s16 =	sld [smem:$0x7DB]  }
0x21d: {  	[tilespmem:s11], [sflag:$0x1] =	stream.linear.gather [hbm4b:s14+s3], $0x400, $0x38;
	[tilespmem:$0x10600] =	vst v63  }
0x21e: {  	s8 =	sand.u32 $0xFFFFF80, s20;
	s20 =	sadd.s32 s22, s19;
	s9 =	sld [smem:$0x7D2]  }
0x21f: {  	[tilespmem:s16], [sflag:$0x1] =	stream.linear.gather [hbm4b:s20+s3], $0x400, $0x38;
	[tilespmem:$0x10600] =	vst v63  }
0x220: {  	s12 =	spop (v2sf);
	s1 =	sadd.s32 $0xF4280, s14;
	s7 =	sld [smem:$0x7DD]  }
0x221: {  	[tilespmem:s9], [sflag:$0x1] =	stream.linear.gather [hbm4b:s1+s3], $0x400, $0x38;
	[tilespmem:$0x10600] =	vst v63  }
0x222: {  	s21 =	sand.u32 $0xFFFFF80, s12;
	s12 =	sld [smem:$0x7DE];
	s11 =	sadd.s32 $0xF4280, s20  }
0x223: {  	[tilespmem:s7], [sflag:$0x1] =	stream.linear.gather [hbm4b:s11+s3], $0x400, $0x38;
	[tilespmem:$0x10600] =	vst v63  }
0x224: {  	s18 =	spop (v2sf);
	s14 =	sadd.s32 s17, s10;
	s16 =	sld [smem:$0x7DF]  }
0x225: {  	[tilespmem:s12], [sflag:$0x1] =	stream.linear.gather [hbm4b:s14+s3], $0x400, $0x38;
	[tilespmem:$0x10600] =	vst v63  }
0x226: {  	s19 =	sand.u32 $0xFFFFF80, s18;
	s18 =	sadd.s32 s22, s31;
	s20 =	sld [smem:$0x7E0]  }
0x227: {  	[tilespmem:s16], [sflag:$0x1] =	stream.linear.gather [hbm4b:s18+s3], $0x400, $0x38;
	[tilespmem:$0x10600] =	vst v63  }
0x228: {  	s31 =	sld [smem:$0x7E1];
	s1 =	sadd.s32 $0xF4280, s14  }
0x229: {  	[tilespmem:s20], [sflag:$0x1] =	stream.linear.gather [hbm4b:s1+s3], $0x400, $0x38;
	[tilespmem:$0x10600] =	vst v63  }
0x22a: {  	s6 =	sadd.s32 $0xF4280, s18;
	s9 =	sld [smem:$0x7E2];
	s7 =	sand.u32 $0xFFFFF80, s4  }
0x22b: {  	[tilespmem:s31], [sflag:$0x1] =	stream.linear.gather [hbm4b:s6+s3], $0x400, $0x38;
	[tilespmem:$0x10600] =	vst v63  }
0x22c: {  	s11 =	sld [smem:$0x7E3];
	s10 =	sadd.s32 s17, s7  }
0x22d: {  	[tilespmem:s9], [sflag:$0x1] =	stream.linear.gather [hbm4b:s10+s3], $0x400, $0x38;
	[tilespmem:$0x10600] =	vst v63  }
0x22e: {  	s12 =	sadd.s32 s22, s30;
	s14 =	sld [smem:$0x7E4]  }
0x22f: {  	[tilespmem:s11], [sflag:$0x1] =	stream.linear.gather [hbm4b:s12+s3], $0x400, $0x38;
	[tilespmem:$0x10600] =	vst v63  }
0x230: {  	s16 =	sld [smem:$0x7E5];
	s1 =	sadd.s32 $0xF4280, s10  }
0x231: {  	[tilespmem:s14], [sflag:$0x1] =	stream.linear.gather [hbm4b:s1+s3], $0x400, $0x38;
	[tilespmem:$0x10600] =	vst v63  }
0x232: {  	s18 =	sadd.s32 $0xF4280, s12;
	s20 =	sld [smem:$0x7E6]  }
0x233: {  	[tilespmem:s16], [sflag:$0x1] =	stream.linear.gather [hbm4b:s18+s3], $0x400, $0x38;
	[tilespmem:$0x10600] =	vst v63  }
0x234: {  	s28 =	sadd.s32 s17, s28;
	s30 =	sld [smem:$0x7E7]  }
0x235: {  	[tilespmem:s20], [sflag:$0x1] =	stream.linear.gather [hbm4b:s28+s3], $0x400, $0x38;
	[tilespmem:$0x10600] =	vst v63  }
0x236: {  	s31 =	sadd.s32 s22, s29;
	s6 =	sld [smem:$0x7E8]  }
0x237: {  	[tilespmem:s30], [sflag:$0x1] =	stream.linear.gather [hbm4b:s31+s3], $0x400, $0x38;
	[tilespmem:$0x10600] =	vst v63  }
0x238: {  	s7 =	sld [smem:$0x7E9];
	s1 =	sadd.s32 $0xF4280, s28  }
0x239: {  	[tilespmem:s6], [sflag:$0x1] =	stream.linear.gather [hbm4b:s1+s3], $0x400, $0x38;
	[tilespmem:$0x10600] =	vst v63  }
0x23a: {  	s9 =	sadd.s32 $0xF4280, s31;
	s10 =	sand.u32 $0xFFFFF80, s26;
	s11 =	sld [smem:$0x7EA]  }
0x23b: {  	[tilespmem:s7], [sflag:$0x1] =	stream.linear.gather [hbm4b:s9+s3], $0x400, $0x38;
	[tilespmem:$0x10600] =	vst v63  }
0x23c: {  	s12 =	sadd.s32 s17, s10;
	s14 =	sld [smem:$0x7EB]  }
0x23d: {  	[tilespmem:s11], [sflag:$0x1] =	stream.linear.gather [hbm4b:s12+s3], $0x400, $0x38;
	[tilespmem:$0x10600] =	vst v63  }
0x23e: {  	s16 =	sadd.s32 s22, s25;
	s18 =	sld [smem:$0x7EC]  }
0x23f: {  	[tilespmem:s14], [sflag:$0x1] =	stream.linear.gather [hbm4b:s16+s3], $0x400, $0x38;
	[tilespmem:$0x10600] =	vst v63  }
0x240: {  	s20 =	sld [smem:$0x7ED];
	s1 =	sadd.s32 $0xF4280, s12  }
0x241: {  	[tilespmem:s18], [sflag:$0x1] =	stream.linear.gather [hbm4b:s1+s3], $0x400, $0x38;
	[tilespmem:$0x10600] =	vst v63  }
0x242: {  	s24 =	sand.u32 $0xFFFFF80, s24;
	s26 =	sld [smem:$0x7EE];
	s25 =	sadd.s32 $0xF4280, s16  }
0x243: {  	[tilespmem:s20], [sflag:$0x1] =	stream.linear.gather [hbm4b:s25+s3], $0x400, $0x38;
	[tilespmem:$0x10600] =	vst v63  }
0x244: {  	s23 =	sand.u32 $0xFFFFF80, s2;
	s29 =	sld [smem:$0x7EF];
	s28 =	sadd.s32 s17, s24  }
0x245: {  	[tilespmem:s26], [sflag:$0x1] =	stream.linear.gather [hbm4b:s28+s3], $0x400, $0x38;
	[tilespmem:$0x10600] =	vst v63  }
0x246: {  	s30 =	sadd.s32 s22, s23;
	s31 =	sld [smem:$0x7F0]  }
0x247: {  	[tilespmem:s29], [sflag:$0x1] =	stream.linear.gather [hbm4b:s30+s3], $0x400, $0x38;
	[tilespmem:$0x10600] =	vst v63  }
0x248: {  	s6 =	sld [smem:$0x7F1];
	s1 =	sadd.s32 $0xF4280, s28  }
0x249: {  	[tilespmem:s31], [sflag:$0x1] =	stream.linear.gather [hbm4b:s1+s3], $0x400, $0x38;
	[tilespmem:$0x10600] =	vst v63  }
0x24a: {  	s7 =	sadd.s32 $0xF4280, s30;
	s9 =	sld [smem:$0x7F2]  }
0x24b: {  	[tilespmem:s6], [sflag:$0x1] =	stream.linear.gather [hbm4b:s7+s3], $0x400, $0x38;
	[tilespmem:$0x10600] =	vst v63  }
0x24c: {  	s0 =	sadd.s32 s17, s0;
	s10 =	sld [smem:$0x7F4]  }
0x24d: {  	[tilespmem:s9], [sflag:$0x1] =	stream.linear.gather [hbm4b:s0+s3], $0x400, $0x38;
	[tilespmem:$0x10600] =	vst v63  }
0x24e: {  	s11 =	sadd.s32 s22, s8;
	s12 =	sld [smem:$0x7F6]  }
0x24f: {  	[tilespmem:s10], [sflag:$0x1] =	stream.linear.gather [hbm4b:s11+s3], $0x400, $0x38;
	[tilespmem:$0x10600] =	vst v63  }
0x250: {  	s14 =	sld [smem:$0x7F8];
	s0 =	sadd.s32 $0xF4280, s0  }
0x251: {  	[tilespmem:s12], [sflag:$0x1] =	stream.linear.gather [hbm4b:s0+s3], $0x400, $0x38;
	[tilespmem:$0x10600] =	vst v63  }
0x252: {  	s16 =	sadd.s32 $0xF4280, s11;
	s18 =	sld [smem:$0x7FA]  }
0x253: {  	[tilespmem:s14], [sflag:$0x1] =	stream.linear.gather [hbm4b:s16+s3], $0x400, $0x38;
	[tilespmem:$0x10600] =	vst v63  }
0x254: {  	s20 =	sadd.s32 s17, s21;
	s21 =	sld [smem:$0x7FB]  }
0x255: {  	[tilespmem:s18], [sflag:$0x1] =	stream.linear.gather [hbm4b:s20+s3], $0x400, $0x38;
	[tilespmem:$0x10600] =	vst v63  }
0x256: {  	s23 =	sld [smem:$0x7FC];
	s22 =	sadd.s32 s22, s19  }
0x257: {  	[tilespmem:s21], [sflag:$0x1] =	stream.linear.gather [hbm4b:s22+s3], $0x400, $0x38;
	[tilespmem:$0x10600] =	vst v63  }
0x258: {  	s24 =	sld [smem:$0x7FD];
	s0 =	sadd.s32 $0xF4280, s20  }
0x259: {  	[tilespmem:s23], [sflag:$0x1] =	stream.linear.gather [hbm4b:s0+s3], $0x400, $0x38;
	[tilespmem:$0x10600] =	vst v63  }
0x25a: {  	s25 =	sadd.s32 $0xF4280, s22  }
0x25b: {  	[tilespmem:s24], [sflag:$0x1] =	stream.linear.gather [hbm4b:s25+s3], $0x400, $0x38;
	[tilespmem:$0x10600] =	vst v63  }
0x25c: {  	s0 =	sld [smem:$0x7D3];
	_ =	swait.ge [sflag:s13], $0x400  }
0x25d: {  	[sflag:s13] =	ssyncset.done $0x0  }
0x25e: {  	[sflag:s13] =	ssyncadd.s32 $0xFFFFFC00  }
0x25f: {  	_ =	swait.ge [sflag:s13], $0x400  }
0x260: {  	[sflag:s13] =	ssyncset.done $0x0  }
0x261: {  	[sflag:s13] =	ssyncadd.s32 $0xFFFFFC00  }
0x262: {  	_ =	swait.ge [sflag:s13], $0x400  }
0x263: {  	[sflag:s13] =	ssyncset.done $0x0  }
0x264: {  	[sflag:s13] =	ssyncadd.s32 $0xFFFFFC00  }
0x265: {  	_ =	swait.ge [sflag:s13], $0x400  }
0x266: {  	[sflag:s13] =	ssyncset.done $0x0  }
0x267: {  	[sflag:s13] =	ssyncadd.s32 $0xFFFFFC00  }
0x268: {  	_ =	swait.ge [sflag:s13], $0x400  }
0x269: {  	[sflag:s13] =	ssyncset.done $0x0  }
0x26a: {  	[sflag:s13] =	ssyncadd.s32 $0xFFFFFC00  }
0x26b: {  	_ =	swait.ge [sflag:s13], $0x400  }
0x26c: {  	[sflag:s13] =	ssyncset.done $0x0  }
0x26d: {  	[sflag:s13] =	ssyncadd.s32 $0xFFFFFC00  }
0x26e: {  	_ =	swait.ge [sflag:s13], $0x400  }
0x26f: {  	[sflag:s13] =	ssyncset.done $0x0  }
0x270: {  	[sflag:s13] =	ssyncadd.s32 $0xFFFFFC00  }
0x271: {  	_ =	swait.ge [sflag:s13], $0x400  }
0x272: {  	[sflag:s13] =	ssyncset.done $0x0  }
0x273: {  	[sflag:s13] =	ssyncadd.s32 $0xFFFFFC00  }
0x274: {  	_ =	swait.ge [sflag:s13], $0x400  }
0x275: {  	[sflag:s13] =	ssyncset.done $0x0  }
0x276: {  	[sflag:s13] =	ssyncadd.s32 $0xFFFFFC00  }
0x277: {  	_ =	swait.ge [sflag:s13], $0x400  }
0x278: {  	[sflag:s13] =	ssyncset.done $0x0  }
0x279: {  	[sflag:s13] =	ssyncadd.s32 $0xFFFFFC00  }
0x27a: {  	_ =	swait.ge [sflag:s13], $0x400  }
0x27b: {  	[sflag:s13] =	ssyncset.done $0x0  }
0x27c: {  	[sflag:s13] =	ssyncadd.s32 $0xFFFFFC00  }
0x27d: {  	_ =	swait.ge [sflag:s13], $0x400  }
0x27e: {  	[sflag:s13] =	ssyncset.done $0x0  }
0x27f: {  	[sflag:s13] =	ssyncadd.s32 $0xFFFFFC00  }
0x280: {  	_ =	swait.ge [sflag:s13], $0x400  }
0x281: {  	[sflag:s13] =	ssyncset.done $0x0  }
0x282: {  	[sflag:s13] =	ssyncadd.s32 $0xFFFFFC00  }
0x283: {  	_ =	swait.ge [sflag:s13], $0x400  }
0x284: {  	[sflag:s13] =	ssyncset.done $0x0  }
0x285: {  	[sflag:s13] =	ssyncadd.s32 $0xFFFFFC00  }
0x286: {  	_ =	swait.ge [sflag:s13], $0x400  }
0x287: {  	[sflag:s13] =	ssyncset.done $0x0  }
0x288: {  	[sflag:s13] =	ssyncadd.s32 $0xFFFFFC00  }
0x289: {  	_ =	swait.ge [sflag:s13], $0x400  }
0x28a: {  	[sflag:s13] =	ssyncset.done $0x0  }
0x28b: {  	[sflag:s13] =	ssyncadd.s32 $0xFFFFFC00  }
0x28c: {  	_ =	swait.ge [sflag:s13], $0x400  }
0x28d: {  	[sflag:s13] =	ssyncset.done $0x0  }
0x28e: {  	[sflag:s13] =	ssyncadd.s32 $0xFFFFFC00  }
0x28f: {  	_ =	swait.ge [sflag:s13], $0x400  }
0x290: {  	[sflag:s13] =	ssyncset.done $0x0  }
0x291: {  	[sflag:s13] =	ssyncadd.s32 $0xFFFFFC00  }
0x292: {  	_ =	swait.ge [sflag:s13], $0x400  }
0x293: {  	[sflag:s13] =	ssyncset.done $0x0  }
0x294: {  	[sflag:s13] =	ssyncadd.s32 $0xFFFFFC00  }
0x295: {  	_ =	swait.ge [sflag:s13], $0x400  }
0x296: {  	[sflag:s13] =	ssyncset.done $0x0  }
0x297: {  	[sflag:s13] =	ssyncadd.s32 $0xFFFFFC00  }
0x298: {  	_ =	swait.ge [sflag:s13], $0x400  }
0x299: {  	[sflag:s13] =	ssyncset.done $0x0  }
0x29a: {  	[sflag:s13] =	ssyncadd.s32 $0xFFFFFC00  }
0x29b: {  	_ =	swait.ge [sflag:s13], $0x400  }
0x29c: {  	[sflag:s13] =	ssyncset.done $0x0  }
0x29d: {  	[sflag:s13] =	ssyncadd.s32 $0xFFFFFC00  }
0x29e: {  	_ =	swait.ge [sflag:s13], $0x400  }
0x29f: {  	[sflag:s13] =	ssyncset.done $0x0  }
0x2a0: {  	[sflag:s13] =	ssyncadd.s32 $0xFFFFFC00  }
0x2a1: {  	_ =	swait.ge [sflag:s13], $0x400  }
0x2a2: {  	[sflag:s13] =	ssyncset.done $0x0  }
0x2a3: {  	[sflag:s13] =	ssyncadd.s32 $0xFFFFFC00  }
0x2a4: {  	_ =	swait.ge [sflag:s13], $0x400  }
0x2a5: {  	[sflag:s13] =	ssyncset.done $0x0  }
0x2a6: {  	[sflag:s13] =	ssyncadd.s32 $0xFFFFFC00  }
0x2a7: {  	_ =	swait.ge [sflag:s13], $0x400  }
0x2a8: {  	[sflag:s13] =	ssyncset.done $0x0  }
0x2a9: {  	[sflag:s13] =	ssyncadd.s32 $0xFFFFFC00  }
0x2aa: {  	_ =	swait.ge [sflag:s13], $0x400  }
0x2ab: {  	[sflag:s13] =	ssyncset.done $0x0  }
0x2ac: {  	[sflag:s13] =	ssyncadd.s32 $0xFFFFFC00  }
0x2ad: {  	_ =	swait.ge [sflag:s13], $0x400  }
0x2ae: {  	[sflag:s13] =	ssyncset.done $0x0  }
0x2af: {  	[sflag:s13] =	ssyncadd.s32 $0xFFFFFC00  }
0x2b0: {  	_ =	swait.ge [sflag:s13], $0x400  }
0x2b1: {  	[sflag:s13] =	ssyncset.done $0x0  }
0x2b2: {  	[sflag:s13] =	ssyncadd.s32 $0xFFFFFC00  }
0x2b3: {  	_ =	swait.ge [sflag:s13], $0x400  }
0x2b4: {  	[sflag:s13] =	ssyncset.done $0x0  }
0x2b5: {  	[sflag:s13] =	ssyncadd.s32 $0xFFFFFC00  }
0x2b6: {  	_ =	swait.ge [sflag:s13], $0x400  }
0x2b7: {  	[sflag:s13] =	ssyncset.done $0x0  }
0x2b8: {  	[sflag:s13] =	ssyncadd.s32 $0xFFFFFC00  }
0x2b9: {  	_ =	swait.ge [sflag:s13], $0x400  }
0x2ba: {  	[sflag:s13] =	ssyncset.done $0x0  }
0x2bb: {  	[sflag:s13] =	ssyncadd.s32 $0xFFFFFC00  }
0x2bc: {  	_ =	swait.ge [sflag:s13], $0x400  }
0x2bd: {  	[sflag:s13] =	ssyncset.done $0x0  }
0x2be: {  	[sflag:s13] =	ssyncadd.s32 $0xFFFFFC00  }
0x2bf: {  	_ =	swait.ge [sflag:s13], $0x400  }
0x2c0: {  	[sflag:s13] =	ssyncset.done $0x0  }
0x2c1: {  	[sflag:s13] =	ssyncadd.s32 $0xFFFFFC00  }
0x2c2: {  	_ =	swait.ge [sflag:s13], $0x400  }
0x2c3: {  	[sflag:s13] =	ssyncset.done $0x0  }
0x2c4: {  	[sflag:s13] =	ssyncadd.s32 $0xFFFFFC00  }
0x2c5: {  	_ =	swait.ge [sflag:s13], $0x400  }
0x2c6: {  	[sflag:s13] =	ssyncset.done $0x0  }
0x2c7: {  	[sflag:s13] =	ssyncadd.s32 $0xFFFFFC00  }
0x2c8: {  	_ =	swait.ge [sflag:s13], $0x400  }
0x2c9: {  	[sflag:s13] =	ssyncset.done $0x0  }
0x2ca: {  	[sflag:s13] =	ssyncadd.s32 $0xFFFFFC00  }
0x2cb: {  	_ =	swait.ge [sflag:s13], $0x400  }
0x2cc: {  	[sflag:s13] =	ssyncset.done $0x0  }
0x2cd: {  	[sflag:s13] =	ssyncadd.s32 $0xFFFFFC00  }
0x2ce: {  	_ =	swait.ge [sflag:s13], $0x400  }
0x2cf: {  	[sflag:s13] =	ssyncset.done $0x0  }
0x2d0: {  	[sflag:s13] =	ssyncadd.s32 $0xFFFFFC00  }
0x2d1: {  	_ =	swait.ge [sflag:s13], $0x400  }
0x2d2: {  	[sflag:s13] =	ssyncset.done $0x0  }
0x2d3: {  	[sflag:s13] =	ssyncadd.s32 $0xFFFFFC00  }
0x2d4: {  	_ =	swait.ge [sflag:s13], $0x400  }
0x2d5: {  	[sflag:s13] =	ssyncset.done $0x0  }
0x2d6: {  	[sflag:s13] =	ssyncadd.s32 $0xFFFFFC00  }
0x2d7: {  	_ =	swait.ge [sflag:s13], $0x400  }
0x2d8: {  	[sflag:s13] =	ssyncset.done $0x0  }
0x2d9: {  	[sflag:s13] =	ssyncadd.s32 $0xFFFFFC00  }
0x2da: {  	_ =	swait.ge [sflag:s13], $0x400  }
0x2db: {  	[sflag:s13] =	ssyncset.done $0x0  }
0x2dc: {  	[sflag:s13] =	ssyncadd.s32 $0xFFFFFC00  }
0x2dd: {  	_ =	swait.ge [sflag:s13], $0x400  }
0x2de: {  	[sflag:s13] =	ssyncset.done $0x0  }
0x2df: {  	[sflag:s13] =	ssyncadd.s32 $0xFFFFFC00  }
0x2e0: {  	_ =	swait.ge [sflag:s13], $0x400  }
0x2e1: {  	[sflag:s13] =	ssyncset.done $0x0  }
0x2e2: {  	[sflag:s13] =	ssyncadd.s32 $0xFFFFFC00  }
0x2e3: {  	_ =	swait.ge [sflag:s13], $0x400  }
0x2e4: {  	[sflag:s13] =	ssyncset.done $0x0  }
0x2e5: {  	[sflag:s13] =	ssyncadd.s32 $0xFFFFFC00  }
0x2e6: {  	_ =	swait.ge [sflag:s13], $0x400  }
0x2e7: {  	[sflag:s13] =	ssyncset.done $0x0  }
0x2e8: {  	[sflag:s13] =	ssyncadd.s32 $0xFFFFFC00  }
0x2e9: {  	_ =	swait.ge [sflag:s13], $0x400  }
0x2ea: {  	[sflag:s13] =	ssyncset.done $0x0  }
0x2eb: {  	[sflag:s13] =	ssyncadd.s32 $0xFFFFFC00  }
0x2ec: {  	_ =	swait.ge [sflag:s13], $0x400  }
0x2ed: {  	[sflag:s13] =	ssyncset.done $0x0  }
0x2ee: {  	[sflag:s13] =	ssyncadd.s32 $0xFFFFFC00  }
0x2ef: {  	_ =	swait.ge [sflag:s13], $0x400  }
0x2f0: {  	[sflag:s13] =	ssyncset.done $0x0  }
0x2f1: {  	[sflag:s13] =	ssyncadd.s32 $0xFFFFFC00  }
0x2f2: {  	_ =	swait.ge [sflag:s13], $0x400  }
0x2f3: {  	[sflag:s13] =	ssyncset.done $0x0  }
0x2f4: {  	[sflag:s13] =	ssyncadd.s32 $0xFFFFFC00  }
0x2f5: {  	_ =	swait.ge [sflag:s13], $0x400  }
0x2f6: {  	[sflag:s13] =	ssyncset.done $0x0  }
0x2f7: {  	[sflag:s13] =	ssyncadd.s32 $0xFFFFFC00  }
0x2f8: {  	_ =	swait.ge [sflag:s13], $0x400  }
0x2f9: {  	[sflag:s13] =	ssyncset.done $0x0  }
0x2fa: {  	[sflag:s13] =	ssyncadd.s32 $0xFFFFFC00  }
0x2fb: {  	_ =	swait.ge [sflag:s13], $0x400  }
0x2fc: {  	[sflag:s13] =	ssyncset.done $0x0  }
0x2fd: {  	[sflag:s13] =	ssyncadd.s32 $0xFFFFFC00  }
0x2fe: {  	_ =	swait.ge [sflag:s13], $0x400  }
0x2ff: {  	[sflag:s13] =	ssyncset.done $0x0  }
0x300: {  	[sflag:s13] =	ssyncadd.s32 $0xFFFFFC00  }
0x301: {  	_ =	swait.ge [sflag:s13], $0x400  }
0x302: {  	[sflag:s13] =	ssyncset.done $0x0  }
0x303: {  	[sflag:s13] =	ssyncadd.s32 $0xFFFFFC00  }
0x304: {  	_ =	swait.ge [sflag:s13], $0x400  }
0x305: {  	[sflag:s13] =	ssyncset.done $0x0  }
0x306: {  	[sflag:s13] =	ssyncadd.s32 $0xFFFFFC00  }
0x307: {  	_ =	swait.ge [sflag:s13], $0x400  }
0x308: {  	[sflag:s13] =	ssyncset.done $0x0  }
0x309: {  	[sflag:s13] =	ssyncadd.s32 $0xFFFFFC00  }
0x30a: {  	_ =	swait.ge [sflag:s13], $0x400  }
0x30b: {  	[sflag:s13] =	ssyncset.done $0x0  }
0x30c: {  	[sflag:s13] =	ssyncadd.s32 $0xFFFFFC00  }
0x30d: {  	_ =	swait.ge [sflag:s13], $0x400  }
0x30e: {  	[sflag:s13] =	ssyncset.done $0x0  }
0x30f: {  	[sflag:s13] =	ssyncadd.s32 $0xFFFFFC00  }
0x310: {  	_ =	swait.ge [sflag:s13], $0x400  }
0x311: {  	[sflag:s13] =	ssyncset.done $0x0  }
0x312: {  	[sflag:s13] =	ssyncadd.s32 $0xFFFFFC00  }
0x313: {  	_ =	swait.ge [sflag:s13], $0x400  }
0x314: {  	[sflag:s13] =	ssyncset.done $0x0  }
0x315: {  	[sflag:s13] =	ssyncadd.s32 $0xFFFFFC00  }
0x316: {  	_ =	swait.ge [sflag:s13], $0x400  }
0x317: {  	v18 =	vor.u32 v1, v16;
	[sflag:s13] =	ssyncset.done $0x0  }
0x318: {  	v19 =	vor.u32 v0, v16;
	[sflag:s13] =	ssyncadd.s32 $0xFFFFFC00  }
0x319: {  	v21 =	vor.u32 v1, v17;
	_ =	swait.ge [sflag:s13], $0x400  }
0x31a: {  	v20 =	vor.u32 v0, v17;
	[sflag:s13] =	ssyncset.done $0x0  }
0x31b: {  	v22 =	vor.u32 v2, v16;
	s26 =	simm.s32 $0x400;
	[sflag:s13] =	ssyncadd.s32 $0xFFFFFC00  }
0x31c: {  	v23 =	vor.u32 v2, v17;
	v18 =	vld.idx.msk [tilespmem:v18+s26+$0x0], $0xffff  }
0x31d: {  	v24 =	vor.u32 v3, v16;
	s28 =	simm.s32 $0x8400;
	v19 =	vld.idx.msk [tilespmem:v19+s26+$0x0], $0xffff  }
0x31e: {  	v25 =	vor.u32 v3, v17;
	v21 =	vld.idx.msk [tilespmem:v21+s28+$0x0], $0xffff  }
0x31f: {  	v28 =	vor.u32 v5, v16;
	v20 =	vld.idx.msk [tilespmem:v20+s28+$0x0], $0xffff  }
0x320: {  	v30 =	vor.u32 v6, v16;
	v22 =	vld.idx.msk [tilespmem:v22+s26+$0x0], $0xffff  }
0x321: {  	v42 =	vor.u32 v6, v17;
	v23 =	vld.idx.msk [tilespmem:v23+s28+$0x0], $0xffff  }
0x322: {  	v43 =	vor.u32 v7, v16;
	v24 =	vld.idx.msk [tilespmem:v24+s26+$0x0], $0xffff  }
0x323: {  	v26 =	vor.u32 v4, v16;
	v25 =	vld.idx.msk [tilespmem:v25+s28+$0x0], $0xffff  }
0x324: {  	v27 =	vor.u32 v4, v17;
	v28 =	vld.idx.msk [tilespmem:v28+s26+$0x0], $0xffff  }
0x325: {  	v48 =	vor.u32 v9, v17;
	v30 =	vld.idx.msk [tilespmem:v30+s26+$0x0], $0xffff  }
0x326: {  	v29 =	vor.u32 v5, v17;
	v45 =	vld.idx.msk [tilespmem:v42+s28+$0x0], $0xffff;
	v19 =	vmul.f32 v20, v19  }
0x327: {  	v54 =	vor.u32 v12, v17;
	v47 =	vld.idx.msk [tilespmem:v43+s26+$0x0], $0xffff  }
0x328: {  	v55 =	vor.u32 v13, v16;
	v18 =	vmul.f32 v21, v18;
	v21 =	vld.idx.msk [tilespmem:v26+s26+$0x0], $0xffff;
	v19 =	vadd.f32 $0.0e+00, v19  }
0x329: {  	v58 =	vor.u32 v14, v17;
	v20 =	vld.idx.msk [tilespmem:v27+s28+$0x0], $0xffff  }
0x32a: {  	v31 =	vor.u32 v7, v17;
	v52 =	vld.idx.msk [tilespmem:v48+s28+$0x0], $0xffff;
	v22 =	vmul.f32 v23, v22;
	v18 =	vadd.f32 v18, v19  }
0x32b: {  	v44 =	vor.u32 v8, v16;
	v23 =	vld.idx.msk [tilespmem:v29+s28+$0x0], $0xffff  }
0x32c: {  	v32 =	vor.u32 v8, v17;
	v59 =	vld.idx.msk [tilespmem:v54+s28+$0x0], $0xffff;
	v19 =	vmul.f32 v25, v24;
	v18 =	vadd.f32 v22, v18  }
0x32d: {  	v46 =	vor.u32 v9, v16;
	v60 =	vld.idx.msk [tilespmem:v55+s26+$0x0], $0xffff  }
0x32e: {  	v61 =	vld.idx.msk [tilespmem:v58+s28+$0x0], $0xffff;
	v20 =	vmul.f32 v20, v21;
	v22 =	vor.u32 v10, v16;
	v18 =	vadd.f32 v19, v18  }
0x32f: {  	v49 =	vor.u32 v10, v17;
	v51 =	vor.u32 v11, v17;
	v56 =	vor.u32 v13, v17;
	v21 =	vld.idx.msk [tilespmem:v31+s28+$0x0], $0xffff  }
0x330: {  	v17 =	vor.u32 v15, v17;
	v29 =	vld.idx.msk [tilespmem:v44+s26+$0x0], $0xffff;
	v19 =	vmul.f32 v23, v28;
	v18 =	vadd.f32 v20, v18  }
0x331: {  	v50 =	vor.u32 v11, v16;
	v23 =	vld.idx.msk [tilespmem:v32+s28+$0x0], $0xffff  }
0x332: {  	v25 =	vld.idx.msk [tilespmem:v46+s26+$0x0], $0xffff;
	v20 =	vmul.f32 v45, v30;
	v18 =	vadd.f32 v19, v18  }
0x333: {  	v53 =	vor.u32 v12, v16;
	v22 =	vld.idx.msk [tilespmem:v22+s26+$0x0], $0xffff  }
0x334: {  	s30 =	simm.s32 $0x8400;
	v19 =	vmul.f32 v21, v47;
	v21 =	vld.idx.msk [tilespmem:v49+s28+$0x0], $0xffff;
	v18 =	vadd.f32 v20, v18  }
0x335: {  	v57 =	vor.u32 v14, v16;
	v63 =	vld.idx.msk [tilespmem:v17+s30+$0x0], $0xffff  }
0x336: {  	v28 =	vld.idx.msk [tilespmem:v50+s26+$0x0], $0xffff;
	v20 =	vmul.f32 v23, v29;
	v18 =	vadd.f32 v19, v18  }
0x337: {  	s31 =	sld [smem:$0x7D4];
	v16 =	vor.u32 v15, v16;
	v23 =	vld.idx.msk [tilespmem:v51+s28+$0x0], $0xffff  }
0x338: {  	v27 =	vld.idx.msk [tilespmem:v53+s26+$0x0], $0xffff;
	v19 =	vmul.f32 v52, v25;
	v18 =	vadd.f32 v20, v18  }
0x339: {  	v20 =	vmul.f32 v21, v22;
	v21 =	vld.idx.msk [tilespmem:v56+s28+$0x0], $0xffff  }
0x33a: {  	s19 =	sshra.s32 s31, $0x2;
	v22 =	vld.idx.msk [tilespmem:v57+s26+$0x0], $0xffff;
	v18 =	vadd.f32 v19, v18  }
0x33b: {  	s29 =	simm.s32 $0x400;
	v19 =	vld [tilespmem:s19+$0x0]  }
0x33c: {  	s10 =	sld [smem:$0x7DC];
	v62 =	vld.idx.msk [tilespmem:v16+s29+$0x0], $0xffff;
	v23 =	vmul.f32 v23, v28;
	v16 =	vadd.f32 v20, v18  }
0x33d: {  	s11 =	sld [smem:$0x7D8];
	v18 =	vld [tilespmem:s19+$0x200]  }
.Ltmp0:
0x33e: {  	s12 =	rddreg [dreg:$0x1f];
	v20 =	vmul.f32 v59, v27;
	v16 =	vadd.f32 v23, v16;
	(pc) =	sbr.rel @p0 .LBB2_2-.Ltmp0, $4  }
0x33f: {  	s23 =	rddreg [dreg:$0x1e];
	v17 =	vmul.f32 v21, v60  }
0x340: {  	s24 =	rddreg [dreg:$0x1c];
	(v2sf) =	vpush v19, $0x0;
	v21 =	vadd.f32 v20, v16;
	v20 =	vmul.f32 v61, v22  }
0x341: {  	s25 =	rddreg [dreg:$0x1b];
	v16 =	vand.u32 $0x7F, v19;
	(v2sf) =	vpush v19, $0x1;
	v22 =	vmul.f32 v63, v62  }
0x342: {  	s26 =	rddreg [dreg:$0x1a];
	(v2sf) =	vpush v18, $0x0;
	v21 =	vadd.f32 v17, v21;
	v17 =	vand.u32 $0x7F, v18  }
0x343: {  	_ =	sdelay $0x5  }
0x344: {  	(v2sf) =	vpush v18, $0x1;
	_ =	sdelay $0x3  }
0x345: {  	v20 =	vadd.f32 v20, v21;
	_ =	sdelay $0x1  }
0x346: {  	s6 =	rddreg [dreg:$0x0];
	v20 =	vadd.f32 v22, v20;
	s0 =	spop (v2sf)  }
0x347: {  	s8 =	simm.s32 $0x400;
	s0 =	sand.u32 $0xFFFFF80, s0;
	s1 =	spop (v2sf)  }
0x348: {  	s4 =	rddreg [dreg:$0x6];
	[tilespmem:s15+$0x10400] =	vst v20;
	(v2sf) =	vpush v19, $0x2;
	s0 =	sadd.s32 s6, s0;
	s2 =	spop (v2sf)  }
0x349: {  	[tilespmem:s8], [sflag:$0x1] =	stream.linear.gather [hbm4b:s0+s3], $0x400, $0x38;
	[tilespmem:$0x10600] =	vst v63  }
0x34a: {  	s7 =	rddreg [dreg:$0x1];
	(v2sf) =	vpush v18, $0x2;
	s2 =	sand.u32 $0xFFFFF80, s2  }
0x34b: {  	s9 =	simm.s32 $0x8400;
	s5 =	rddreg [dreg:$0x7];
	s2 =	sadd.s32 s7, s2  }
0x34c: {  	[tilespmem:s9], [sflag:$0x1] =	stream.linear.gather [hbm4b:s2+s3], $0x400, $0x38;
	[tilespmem:$0x10600] =	vst v63  }
0x34d: {  	s21 =	rddreg [dreg:$0x8];
	s0 =	sadd.s32 $0xF4280, s0  }
0x34e: {  	[tilespmem:s4], [sflag:$0x1] =	stream.linear.gather [hbm4b:s0+s3], $0x400, $0x38;
	[tilespmem:$0x10600] =	vst v63  }
0x34f: {  	s1 =	sand.u32 $0xFFFFF80, s1;
	s22 =	spop (v2sf);
	(v2sf) =	vpush v19, $0x3;
	s2 =	sadd.s32 $0xF4280, s2  }
0x350: {  	[tilespmem:s5], [sflag:$0x1] =	stream.linear.gather [hbm4b:s2+s3], $0x400, $0x38;
	[tilespmem:$0x10600] =	vst v63  }
0x351: {  	s28 =	rddreg [dreg:$0x9];
	s1 =	sadd.s32 s6, s1;
	(v2sf) =	vpush v18, $0x3;
	s2 =	sand.u32 $0xFFFFF80, s22  }
0x352: {  	[tilespmem:s21], [sflag:$0x1] =	stream.linear.gather [hbm4b:s1+s3], $0x400, $0x38;
	[tilespmem:$0x10600] =	vst v63  }
0x353: {  	s30 =	rddreg [dreg:$0xa];
	s29 =	sadd.s32 s7, s2  }
0x354: {  	[tilespmem:s28], [sflag:$0x1] =	stream.linear.gather [hbm4b:s29+s3], $0x400, $0x38;
	[tilespmem:$0x10600] =	vst v63  }
0x355: {  	s31 =	rddreg [dreg:$0xb];
	s1 =	sadd.s32 $0xF4280, s1  }
0x356: {  	[tilespmem:s30], [sflag:$0x1] =	stream.linear.gather [hbm4b:s1+s3], $0x400, $0x38;
	[tilespmem:$0x10600] =	vst v63  }
0x357: {  	s17 =	rddreg [dreg:$0xd];
	s0 =	sadd.s32 $0xF4280, s29;
	s14 =	spop (v2sf)  }
0x358: {  	[tilespmem:s31], [sflag:$0x1] =	stream.linear.gather [hbm4b:s0+s3], $0x400, $0x38;
	[tilespmem:$0x10600] =	vst v63  }
0x359: {  	s18 =	rddreg [dreg:$0xe];
	(v2sf) =	vpush v19, $0x4;
	s15 =	sand.u32 $0xFFFFF80, s14;
	s16 =	spop (v2sf)  }
0x35a: {  	s5 =	rddreg [dreg:$0xc];
	(v2sf) =	vpush v18, $0x4;
	s2 =	sand.u32 $0xFFFFF80, s16;
	s0 =	sadd.s32 s6, s15  }
0x35b: {  	[tilespmem:s5], [sflag:$0x1] =	stream.linear.gather [hbm4b:s0+s3], $0x400, $0x38;
	[tilespmem:$0x10600] =	vst v63  }
0x35c: {  	s20 =	rddreg [dreg:$0xf];
	s2 =	sadd.s32 s7, s2  }
0x35d: {  	[tilespmem:s17], [sflag:$0x1] =	stream.linear.gather [hbm4b:s2+s3], $0x400, $0x38;
	[tilespmem:$0x10600] =	vst v63  }
0x35e: {  	s21 =	rddreg [dreg:$0x10];
	s22 =	spop (v2sf);
	s0 =	sadd.s32 $0xF4280, s0  }
0x35f: {  	[tilespmem:s18], [sflag:$0x1] =	stream.linear.gather [hbm4b:s0+s3], $0x400, $0x38;
	[tilespmem:$0x10600] =	vst v63  }
0x360: {  	(v2sf) =	vpush v19, $0x5;
	s28 =	spop (v2sf);
	s1 =	sand.u32 $0xFFFFF80, s22;
	s2 =	sadd.s32 $0xF4280, s2  }
0x361: {  	[tilespmem:s20], [sflag:$0x1] =	stream.linear.gather [hbm4b:s2+s3], $0x400, $0x38;
	[tilespmem:$0x10600] =	vst v63  }
0x362: {  	s29 =	rddreg [dreg:$0x11];
	(v2sf) =	vpush v18, $0x5;
	s1 =	sadd.s32 s6, s1;
	s2 =	sand.u32 $0xFFFFF80, s28  }
0x363: {  	[tilespmem:s21], [sflag:$0x1] =	stream.linear.gather [hbm4b:s1+s3], $0x400, $0x38;
	[tilespmem:$0x10600] =	vst v63  }
0x364: {  	s31 =	rddreg [dreg:$0x12];
	s30 =	sadd.s32 s7, s2  }
0x365: {  	[tilespmem:s29], [sflag:$0x1] =	stream.linear.gather [hbm4b:s30+s3], $0x400, $0x38;
	[tilespmem:$0x10600] =	vst v63  }
0x366: {  	s14 =	rddreg [dreg:$0x14];
	s1 =	sadd.s32 $0xF4280, s1  }
0x367: {  	[tilespmem:s31], [sflag:$0x1] =	stream.linear.gather [hbm4b:s1+s3], $0x400, $0x38;
	[tilespmem:$0x10600] =	vst v63  }
0x368: {  	s5 =	rddreg [dreg:$0x13];
	s15 =	spop (v2sf)  }
0x369: {  	s0 =	sadd.s32 $0xF4280, s30;
	s16 =	sand.u32 $0xFFFFF80, s15;
	s17 =	spop (v2sf)  }
0x36a: {  	(v2sf) =	vpush v19, $0x6;
	[tilespmem:s5], [sflag:$0x1] =	stream.linear.gather [hbm4b:s0+s3], $0x400, $0x38;
	[tilespmem:$0x10600] =	vst v63  }
0x36b: {  	s18 =	rddreg [dreg:$0x15];
	s2 =	sand.u32 $0xFFFFF80, s17;
	s0 =	sadd.s32 s6, s16  }
0x36c: {  	(v2sf) =	vpush v18, $0x6;
	[tilespmem:s14], [sflag:$0x1] =	stream.linear.gather [hbm4b:s0+s3], $0x400, $0x38;
	[tilespmem:$0x10600] =	vst v63  }
0x36d: {  	s20 =	rddreg [dreg:$0x16];
	s2 =	sadd.s32 s7, s2  }
0x36e: {  	[tilespmem:s18], [sflag:$0x1] =	stream.linear.gather [hbm4b:s2+s3], $0x400, $0x38;
	[tilespmem:$0x10600] =	vst v63  }
0x36f: {  	s21 =	rddreg [dreg:$0x17];
	s29 =	spop (v2sf);
	s0 =	sadd.s32 $0xF4280, s0  }
0x370: {  	[tilespmem:s20], [sflag:$0x1] =	stream.linear.gather [hbm4b:s0+s3], $0x400, $0x38;
	[tilespmem:$0x10600] =	vst v63  }
0x371: {  	s1 =	sand.u32 $0xFFFFF80, s29;
	s30 =	spop (v2sf);
	s22 =	sadd.s32 $0xF4280, s2  }
0x372: {  	[tilespmem:s21], [sflag:$0x1] =	stream.linear.gather [hbm4b:s22+s3], $0x400, $0x38;
	[tilespmem:$0x10600] =	vst v63  }
0x373: {  	s28 =	rddreg [dreg:$0x18];
	s1 =	sadd.s32 s6, s1;
	s0 =	sand.u32 $0xFFFFF80, s30  }
0x374: {  	[tilespmem:s28], [sflag:$0x1] =	stream.linear.gather [hbm4b:s1+s3], $0x400, $0x38;
	[tilespmem:$0x10600] =	vst v63  }
0x375: {  	s31 =	rddreg [dreg:$0x19];
	(v2sf) =	vpush v19, $0x7;
	s0 =	sadd.s32 s7, s0  }
0x376: {  	[tilespmem:s31], [sflag:$0x1] =	stream.linear.gather [hbm4b:s0+s3], $0x400, $0x38;
	[tilespmem:$0x10600] =	vst v63  }
0x377: {  	s1 =	sadd.s32 $0xF4280, s1  }
0x378: {  	[tilespmem:s26], [sflag:$0x1] =	stream.linear.gather [hbm4b:s1+s3], $0x400, $0x38;
	[tilespmem:$0x10600] =	vst v63  }
0x379: {  	(v2sf) =	vpush v18, $0x7;
	s0 =	sadd.s32 $0xF4280, s0;
	s1 =	spop (v2sf)  }
0x37a: {  	[tilespmem:s25], [sflag:$0x1] =	stream.linear.gather [hbm4b:s0+s3], $0x400, $0x38;
	[tilespmem:$0x10600] =	vst v63  }
0x37b: {  	s2 =	spop (v2sf);
	s0 =	sand.u32 $0xFFFFF80, s1  }
0x37c: {  	s1 =	sand.u32 $0xFFFFF80, s2;
	s0 =	sadd.s32 s6, s0  }
0x37d: {  	[tilespmem:s24], [sflag:$0x1] =	stream.linear.gather [hbm4b:s0+s3], $0x400, $0x38;
	[tilespmem:$0x10600] =	vst v63  }
0x37e: {  	s4 =	rddreg [dreg:$0x1d];
	(v2sf) =	vpush v19, $0x8;
	s1 =	sadd.s32 s7, s1  }
0x37f: {  	[tilespmem:s4], [sflag:$0x1] =	stream.linear.gather [hbm4b:s1+s3], $0x400, $0x38;
	[tilespmem:$0x10600] =	vst v63  }
0x380: {  	s0 =	sadd.s32 $0xF4280, s0  }
0x381: {  	[tilespmem:s23], [sflag:$0x1] =	stream.linear.gather [hbm4b:s0+s3], $0x400, $0x38;
	[tilespmem:$0x10600] =	vst v63  }
0x382: {  	s5 =	sadd.s32 $0xF4280, s1  }
0x383: {  	[tilespmem:s12], [sflag:$0x1] =	stream.linear.gather [hbm4b:s5+s3], $0x400, $0x38;
	[tilespmem:$0x10600] =	vst v63  }
0x384: {  	s12 =	spop (v2sf);
	(v2sf) =	vpush v18, $0x8;
	_ =	sdelay $0x2  }
0x385: {  	s14 =	sld [smem:$0x7D6]  }
0x386: {  	s16 =	sld [smem:$0x7D7];
	s0 =	sand.u32 $0xFFFFF80, s12;
	s15 =	spop (v2sf);
	(v2sf) =	vpush v19, $0x9  }
0x387: {  	s17 =	sld [smem:$0x7D9];
	s0 =	sadd.s32 s6, s0;
	s1 =	sand.u32 $0xFFFFF80, s15  }
0x388: {  	(v2sf) =	vpush v18, $0x9;
	[tilespmem:s14], [sflag:$0x1] =	stream.linear.gather [hbm4b:s0+s3], $0x400, $0x38;
	[tilespmem:$0x10600] =	vst v63  }
0x389: {  	s29 =	sld [smem:$0x7DF];
	s1 =	sadd.s32 s7, s1  }
0x38a: {  	[tilespmem:s16], [sflag:$0x1] =	stream.linear.gather [hbm4b:s1+s3], $0x400, $0x38;
	[tilespmem:$0x10600] =	vst v63  }
0x38b: {  	s30 =	sld [smem:$0x7E0];
	s0 =	sadd.s32 $0xF4280, s0;
	s20 =	spop (v2sf)  }
0x38c: {  	[tilespmem:s11], [sflag:$0x1] =	stream.linear.gather [hbm4b:s0+s3], $0x400, $0x38;
	[tilespmem:$0x10600] =	vst v63  }
0x38d: {  	s21 =	sld [smem:$0x7DA];
	s18 =	sadd.s32 $0xF4280, s1;
	s0 =	sand.u32 $0xFFFFF80, s20  }
0x38e: {  	[tilespmem:s17], [sflag:$0x1] =	stream.linear.gather [hbm4b:s18+s3], $0x400, $0x38;
	[tilespmem:$0x10600] =	vst v63  }
0x38f: {  	s31 =	sld [smem:$0x7E1];
	s0 =	sadd.s32 s6, s0  }
0x390: {  	(v2sf) =	vpush v19, $0xA;
	[tilespmem:s21], [sflag:$0x1] =	stream.linear.gather [hbm4b:s0+s3], $0x400, $0x38;
	[tilespmem:$0x10600] =	vst v63  }
0x391: {  	s23 =	sld [smem:$0x7DB];
	s22 =	spop (v2sf)  }
0x392: {  	s26 =	sld [smem:$0x7DE];
	(v2sf) =	vpush v18, $0xA;
	s1 =	sand.u32 $0xFFFFF80, s22  }
0x393: {  	s24 =	sld [smem:$0x7DD];
	s1 =	sadd.s32 s7, s1  }
0x394: {  	[tilespmem:s23], [sflag:$0x1] =	stream.linear.gather [hbm4b:s1+s3], $0x400, $0x38;
	[tilespmem:$0x10600] =	vst v63  }
0x395: {  	s12 =	sld [smem:$0x7E3];
	s0 =	sadd.s32 $0xF4280, s0;
	s25 =	spop (v2sf)  }
0x396: {  	[tilespmem:s10], [sflag:$0x1] =	stream.linear.gather [hbm4b:s0+s3], $0x400, $0x38;
	[tilespmem:$0x10600] =	vst v63  }
0x397: {  	(v2sf) =	vpush v19, $0xB;
	s28 =	spop (v2sf);
	s1 =	sadd.s32 $0xF4280, s1;
	s0 =	sand.u32 $0xFFFFF80, s25  }
0x398: {  	[tilespmem:s24], [sflag:$0x1] =	stream.linear.gather [hbm4b:s1+s3], $0x400, $0x38;
	[tilespmem:$0x10600] =	vst v63  }
0x399: {  	s15 =	sld [smem:$0x7E5];
	(v2sf) =	vpush v18, $0xB;
	s0 =	sadd.s32 s6, s0;
	s1 =	sand.u32 $0xFFFFF80, s28  }
0x39a: {  	[tilespmem:s26], [sflag:$0x1] =	stream.linear.gather [hbm4b:s0+s3], $0x400, $0x38;
	[tilespmem:$0x10600] =	vst v63  }
0x39b: {  	s14 =	sld [smem:$0x7E4];
	s1 =	sadd.s32 s7, s1  }
0x39c: {  	[tilespmem:s29], [sflag:$0x1] =	stream.linear.gather [hbm4b:s1+s3], $0x400, $0x38;
	[tilespmem:$0x10600] =	vst v63  }
0x39d: {  	s20 =	sld [smem:$0x7E7];
	s0 =	sadd.s32 $0xF4280, s0  }
0x39e: {  	[tilespmem:s30], [sflag:$0x1] =	stream.linear.gather [hbm4b:s0+s3], $0x400, $0x38;
	[tilespmem:$0x10600] =	vst v63  }
0x39f: {  	s10 =	sld [smem:$0x7E2];
	s5 =	spop (v2sf);
	(v2sf) =	vpush v19, $0xC;
	s1 =	sadd.s32 $0xF4280, s1  }
0x3a0: {  	[tilespmem:s31], [sflag:$0x1] =	stream.linear.gather [hbm4b:s1+s3], $0x400, $0x38;
	[tilespmem:$0x10600] =	vst v63  }
0x3a1: {  	s17 =	sld [smem:$0x7E6];
	s0 =	sand.u32 $0xFFFFF80, s5;
	s11 =	spop (v2sf);
	(v2sf) =	vpush v18, $0xC  }
0x3a2: {  	s21 =	sld [smem:$0x7E8];
	s0 =	sadd.s32 s6, s0;
	s1 =	sand.u32 $0xFFFFF80, s11  }
0x3a3: {  	[tilespmem:s10], [sflag:$0x1] =	stream.linear.gather [hbm4b:s0+s3], $0x400, $0x38;
	[tilespmem:$0x10600] =	vst v63  }
0x3a4: {  	s22 =	sld [smem:$0x7E9];
	s1 =	sadd.s32 s7, s1  }
0x3a5: {  	[tilespmem:s12], [sflag:$0x1] =	stream.linear.gather [hbm4b:s1+s3], $0x400, $0x38;
	[tilespmem:$0x10600] =	vst v63  }
0x3a6: {  	s24 =	sld [smem:$0x7EA];
	s16 =	spop (v2sf);
	s0 =	sadd.s32 $0xF4280, s0  }
0x3a7: {  	(v2sf) =	vpush v19, $0xD;
	[tilespmem:s14], [sflag:$0x1] =	stream.linear.gather [hbm4b:s0+s3], $0x400, $0x38;
	[tilespmem:$0x10600] =	vst v63  }
0x3a8: {  	s18 =	spop (v2sf);
	s1 =	sadd.s32 $0xF4280, s1;
	s0 =	sand.u32 $0xFFFFF80, s16  }
0x3a9: {  	(v2sf) =	vpush v18, $0xD;
	[tilespmem:s15], [sflag:$0x1] =	stream.linear.gather [hbm4b:s1+s3], $0x400, $0x38;
	[tilespmem:$0x10600] =	vst v63  }
0x3aa: {  	s28 =	sld [smem:$0x7EC];
	s0 =	sadd.s32 s6, s0;
	s1 =	sand.u32 $0xFFFFF80, s18  }
0x3ab: {  	[tilespmem:s17], [sflag:$0x1] =	stream.linear.gather [hbm4b:s0+s3], $0x400, $0x38;
	[tilespmem:$0x10600] =	vst v63  }
0x3ac: {  	s26 =	sld [smem:$0x7EB];
	s1 =	sadd.s32 s7, s1  }
0x3ad: {  	[tilespmem:s20], [sflag:$0x1] =	stream.linear.gather [hbm4b:s1+s3], $0x400, $0x38;
	[tilespmem:$0x10600] =	vst v63  }
0x3ae: {  	s29 =	sld [smem:$0x7ED];
	s23 =	spop (v2sf);
	s0 =	sadd.s32 $0xF4280, s0  }
0x3af: {  	(v2sf) =	vpush v19, $0xE;
	[tilespmem:s21], [sflag:$0x1] =	stream.linear.gather [hbm4b:s0+s3], $0x400, $0x38;
	[tilespmem:$0x10600] =	vst v63  }
0x3b0: {  	s1 =	sadd.s32 $0xF4280, s1;
	s0 =	sand.u32 $0xFFFFF80, s23;
	s25 =	spop (v2sf)  }
0x3b1: {  	(v2sf) =	vpush v18, $0xE;
	[tilespmem:s22], [sflag:$0x1] =	stream.linear.gather [hbm4b:s1+s3], $0x400, $0x38;
	[tilespmem:$0x10600] =	vst v63  }
0x3b2: {  	s5 =	sld [smem:$0x7EF];
	s0 =	sadd.s32 s6, s0;
	s1 =	sand.u32 $0xFFFFF80, s25  }
0x3b3: {  	[tilespmem:s24], [sflag:$0x1] =	stream.linear.gather [hbm4b:s0+s3], $0x400, $0x38;
	[tilespmem:$0x10600] =	vst v63  }
0x3b4: {  	s31 =	sld [smem:$0x7EE];
	s1 =	sadd.s32 s7, s1  }
0x3b5: {  	[tilespmem:s26], [sflag:$0x1] =	stream.linear.gather [hbm4b:s1+s3], $0x400, $0x38;
	[tilespmem:$0x10600] =	vst v63  }
0x3b6: {  	s11 =	sld [smem:$0x7F1];
	s30 =	spop (v2sf);
	s0 =	sadd.s32 $0xF4280, s0  }
0x3b7: {  	(v2sf) =	vpush v19, $0xF;
	[tilespmem:s28], [sflag:$0x1] =	stream.linear.gather [hbm4b:s0+s3], $0x400, $0x38;
	[tilespmem:$0x10600] =	vst v63  }
0x3b8: {  	s2 =	spop (v2sf);
	s1 =	sadd.s32 $0xF4280, s1;
	s0 =	sand.u32 $0xFFFFF80, s30  }
0x3b9: {  	(v2sf) =	vpush v18, $0xF;
	[tilespmem:s29], [sflag:$0x1] =	stream.linear.gather [hbm4b:s1+s3], $0x400, $0x38;
	[tilespmem:$0x10600] =	vst v63  }
0x3ba: {  	s10 =	sld [smem:$0x7F0];
	s0 =	sadd.s32 s6, s0;
	s1 =	sand.u32 $0xFFFFF80, s2  }
0x3bb: {  	[tilespmem:s31], [sflag:$0x1] =	stream.linear.gather [hbm4b:s0+s3], $0x400, $0x38;
	[tilespmem:$0x10600] =	vst v63  }
0x3bc: {  	s14 =	sld [smem:$0x7F2];
	s1 =	sadd.s32 s7, s1  }
0x3bd: {  	[tilespmem:s5], [sflag:$0x1] =	stream.linear.gather [hbm4b:s1+s3], $0x400, $0x38;
	[tilespmem:$0x10600] =	vst v63  }
0x3be: {  	s16 =	sld [smem:$0x7F4];
	s12 =	spop (v2sf);
	s0 =	sadd.s32 $0xF4280, s0  }
0x3bf: {  	[tilespmem:s10], [sflag:$0x1] =	stream.linear.gather [hbm4b:s0+s3], $0x400, $0x38;
	[tilespmem:$0x10600] =	vst v63  }
0x3c0: {  	s1 =	sadd.s32 $0xF4280, s1;
	s0 =	sand.u32 $0xFFFFF80, s12;
	s15 =	spop (v2sf)  }
0x3c1: {  	[tilespmem:s11], [sflag:$0x1] =	stream.linear.gather [hbm4b:s1+s3], $0x400, $0x38;
	[tilespmem:$0x10600] =	vst v63  }
0x3c2: {  	s18 =	sld [smem:$0x7F8];
	s0 =	sadd.s32 s6, s0;
	s1 =	sand.u32 $0xFFFFF80, s15  }
0x3c3: {  	[tilespmem:s14], [sflag:$0x1] =	stream.linear.gather [hbm4b:s0+s3], $0x400, $0x38;
	[tilespmem:$0x10600] =	vst v63  }
0x3c4: {  	s17 =	sld [smem:$0x7F6];
	s1 =	sadd.s32 s7, s1  }
0x3c5: {  	[tilespmem:s16], [sflag:$0x1] =	stream.linear.gather [hbm4b:s1+s3], $0x400, $0x38;
	[tilespmem:$0x10600] =	vst v63  }
0x3c6: {  	s21 =	sld [smem:$0x7FA];
	s20 =	spop (v2sf);
	s0 =	sadd.s32 $0xF4280, s0  }
0x3c7: {  	[tilespmem:s17], [sflag:$0x1] =	stream.linear.gather [hbm4b:s0+s3], $0x400, $0x38;
	[tilespmem:$0x10600] =	vst v63  }
0x3c8: {  	s22 =	spop (v2sf);
	s1 =	sadd.s32 $0xF4280, s1;
	s0 =	sand.u32 $0xFFFFF80, s20  }
0x3c9: {  	[tilespmem:s18], [sflag:$0x1] =	stream.linear.gather [hbm4b:s1+s3], $0x400, $0x38;
	[tilespmem:$0x10600] =	vst v63  }
0x3ca: {  	s23 =	sld [smem:$0x7FB];
	s0 =	sadd.s32 s6, s0;
	s1 =	sand.u32 $0xFFFFF80, s22  }
0x3cb: {  	[tilespmem:s21], [sflag:$0x1] =	stream.linear.gather [hbm4b:s0+s3], $0x400, $0x38;
	[tilespmem:$0x10600] =	vst v63  }
0x3cc: {  	s24 =	sld [smem:$0x7FC];
	s1 =	sadd.s32 s7, s1  }
0x3cd: {  	[tilespmem:s23], [sflag:$0x1] =	stream.linear.gather [hbm4b:s1+s3], $0x400, $0x38;
	[tilespmem:$0x10600] =	vst v63  }
0x3ce: {  	s25 =	sld [smem:$0x7FD];
	s0 =	sadd.s32 $0xF4280, s0  }
0x3cf: {  	[tilespmem:s24], [sflag:$0x1] =	stream.linear.gather [hbm4b:s0+s3], $0x400, $0x38;
	[tilespmem:$0x10600] =	vst v63  }
0x3d0: {  	s26 =	sadd.s32 $0xF4280, s1  }
0x3d1: {  	[tilespmem:s25], [sflag:$0x1] =	stream.linear.gather [hbm4b:s26+s3], $0x400, $0x38;
	[tilespmem:$0x10600] =	vst v63  }
0x3d2: {  	_ =	swait.ge [sflag:s13], $0x400  }
0x3d3: {  	[sflag:s13] =	ssyncset.done $0x0  }
0x3d4: {  	[sflag:s13] =	ssyncadd.s32 $0xFFFFFC00  }
0x3d5: {  	_ =	swait.ge [sflag:s13], $0x400  }
0x3d6: {  	[sflag:s13] =	ssyncset.done $0x0  }
0x3d7: {  	[sflag:s13] =	ssyncadd.s32 $0xFFFFFC00  }
0x3d8: {  	_ =	swait.ge [sflag:s13], $0x400  }
0x3d9: {  	[sflag:s13] =	ssyncset.done $0x0  }
0x3da: {  	[sflag:s13] =	ssyncadd.s32 $0xFFFFFC00  }
0x3db: {  	_ =	swait.ge [sflag:s13], $0x400  }
0x3dc: {  	[sflag:s13] =	ssyncset.done $0x0  }
0x3dd: {  	[sflag:s13] =	ssyncadd.s32 $0xFFFFFC00  }
0x3de: {  	_ =	swait.ge [sflag:s13], $0x400  }
0x3df: {  	[sflag:s13] =	ssyncset.done $0x0  }
0x3e0: {  	[sflag:s13] =	ssyncadd.s32 $0xFFFFFC00  }
0x3e1: {  	_ =	swait.ge [sflag:s13], $0x400  }
0x3e2: {  	[sflag:s13] =	ssyncset.done $0x0  }
0x3e3: {  	[sflag:s13] =	ssyncadd.s32 $0xFFFFFC00  }
0x3e4: {  	_ =	swait.ge [sflag:s13], $0x400  }
0x3e5: {  	[sflag:s13] =	ssyncset.done $0x0  }
0x3e6: {  	[sflag:s13] =	ssyncadd.s32 $0xFFFFFC00  }
0x3e7: {  	_ =	swait.ge [sflag:s13], $0x400  }
0x3e8: {  	[sflag:s13] =	ssyncset.done $0x0  }
0x3e9: {  	[sflag:s13] =	ssyncadd.s32 $0xFFFFFC00  }
0x3ea: {  	_ =	swait.ge [sflag:s13], $0x400  }
0x3eb: {  	[sflag:s13] =	ssyncset.done $0x0  }
0x3ec: {  	[sflag:s13] =	ssyncadd.s32 $0xFFFFFC00  }
0x3ed: {  	_ =	swait.ge [sflag:s13], $0x400  }
0x3ee: {  	[sflag:s13] =	ssyncset.done $0x0  }
0x3ef: {  	[sflag:s13] =	ssyncadd.s32 $0xFFFFFC00  }
0x3f0: {  	_ =	swait.ge [sflag:s13], $0x400  }
0x3f1: {  	[sflag:s13] =	ssyncset.done $0x0  }
0x3f2: {  	[sflag:s13] =	ssyncadd.s32 $0xFFFFFC00  }
0x3f3: {  	_ =	swait.ge [sflag:s13], $0x400  }
0x3f4: {  	[sflag:s13] =	ssyncset.done $0x0  }
0x3f5: {  	[sflag:s13] =	ssyncadd.s32 $0xFFFFFC00  }
0x3f6: {  	_ =	swait.ge [sflag:s13], $0x400  }
0x3f7: {  	[sflag:s13] =	ssyncset.done $0x0  }
0x3f8: {  	[sflag:s13] =	ssyncadd.s32 $0xFFFFFC00  }
0x3f9: {  	_ =	swait.ge [sflag:s13], $0x400  }
0x3fa: {  	[sflag:s13] =	ssyncset.done $0x0  }
0x3fb: {  	[sflag:s13] =	ssyncadd.s32 $0xFFFFFC00  }
0x3fc: {  	_ =	swait.ge [sflag:s13], $0x400  }
0x3fd: {  	[sflag:s13] =	ssyncset.done $0x0  }
0x3fe: {  	[sflag:s13] =	ssyncadd.s32 $0xFFFFFC00  }
0x3ff: {  	_ =	swait.ge [sflag:s13], $0x400  }
0x400: {  	[sflag:s13] =	ssyncset.done $0x0  }
0x401: {  	[sflag:s13] =	ssyncadd.s32 $0xFFFFFC00  }
0x402: {  	_ =	swait.ge [sflag:s13], $0x400  }
0x403: {  	[sflag:s13] =	ssyncset.done $0x0  }
0x404: {  	[sflag:s13] =	ssyncadd.s32 $0xFFFFFC00  }
0x405: {  	_ =	swait.ge [sflag:s13], $0x400  }
0x406: {  	[sflag:s13] =	ssyncset.done $0x0  }
0x407: {  	[sflag:s13] =	ssyncadd.s32 $0xFFFFFC00  }
0x408: {  	_ =	swait.ge [sflag:s13], $0x400  }
0x409: {  	[sflag:s13] =	ssyncset.done $0x0  }
0x40a: {  	[sflag:s13] =	ssyncadd.s32 $0xFFFFFC00  }
0x40b: {  	_ =	swait.ge [sflag:s13], $0x400  }
0x40c: {  	[sflag:s13] =	ssyncset.done $0x0  }
0x40d: {  	[sflag:s13] =	ssyncadd.s32 $0xFFFFFC00  }
0x40e: {  	_ =	swait.ge [sflag:s13], $0x400  }
0x40f: {  	[sflag:s13] =	ssyncset.done $0x0  }
0x410: {  	[sflag:s13] =	ssyncadd.s32 $0xFFFFFC00  }
0x411: {  	_ =	swait.ge [sflag:s13], $0x400  }
0x412: {  	[sflag:s13] =	ssyncset.done $0x0  }
0x413: {  	[sflag:s13] =	ssyncadd.s32 $0xFFFFFC00  }
0x414: {  	_ =	swait.ge [sflag:s13], $0x400  }
0x415: {  	[sflag:s13] =	ssyncset.done $0x0  }
0x416: {  	[sflag:s13] =	ssyncadd.s32 $0xFFFFFC00  }
0x417: {  	_ =	swait.ge [sflag:s13], $0x400  }
0x418: {  	[sflag:s13] =	ssyncset.done $0x0  }
0x419: {  	[sflag:s13] =	ssyncadd.s32 $0xFFFFFC00  }
0x41a: {  	_ =	swait.ge [sflag:s13], $0x400  }
0x41b: {  	[sflag:s13] =	ssyncset.done $0x0  }
0x41c: {  	[sflag:s13] =	ssyncadd.s32 $0xFFFFFC00  }
0x41d: {  	_ =	swait.ge [sflag:s13], $0x400  }
0x41e: {  	[sflag:s13] =	ssyncset.done $0x0  }
0x41f: {  	[sflag:s13] =	ssyncadd.s32 $0xFFFFFC00  }
0x420: {  	_ =	swait.ge [sflag:s13], $0x400  }
0x421: {  	[sflag:s13] =	ssyncset.done $0x0  }
0x422: {  	[sflag:s13] =	ssyncadd.s32 $0xFFFFFC00  }
0x423: {  	_ =	swait.ge [sflag:s13], $0x400  }
0x424: {  	[sflag:s13] =	ssyncset.done $0x0  }
0x425: {  	[sflag:s13] =	ssyncadd.s32 $0xFFFFFC00  }
0x426: {  	_ =	swait.ge [sflag:s13], $0x400  }
0x427: {  	[sflag:s13] =	ssyncset.done $0x0  }
0x428: {  	[sflag:s13] =	ssyncadd.s32 $0xFFFFFC00  }
0x429: {  	_ =	swait.ge [sflag:s13], $0x400  }
0x42a: {  	[sflag:s13] =	ssyncset.done $0x0  }
0x42b: {  	[sflag:s13] =	ssyncadd.s32 $0xFFFFFC00  }
0x42c: {  	_ =	swait.ge [sflag:s13], $0x400  }
0x42d: {  	[sflag:s13] =	ssyncset.done $0x0  }
0x42e: {  	[sflag:s13] =	ssyncadd.s32 $0xFFFFFC00  }
0x42f: {  	_ =	swait.ge [sflag:s13], $0x400  }
0x430: {  	[sflag:s13] =	ssyncset.done $0x0  }
0x431: {  	[sflag:s13] =	ssyncadd.s32 $0xFFFFFC00  }
0x432: {  	_ =	swait.ge [sflag:s13], $0x400  }
0x433: {  	[sflag:s13] =	ssyncset.done $0x0  }
0x434: {  	[sflag:s13] =	ssyncadd.s32 $0xFFFFFC00  }
0x435: {  	_ =	swait.ge [sflag:s13], $0x400  }
0x436: {  	[sflag:s13] =	ssyncset.done $0x0  }
0x437: {  	[sflag:s13] =	ssyncadd.s32 $0xFFFFFC00  }
0x438: {  	_ =	swait.ge [sflag:s13], $0x400  }
0x439: {  	[sflag:s13] =	ssyncset.done $0x0  }
0x43a: {  	[sflag:s13] =	ssyncadd.s32 $0xFFFFFC00  }
0x43b: {  	_ =	swait.ge [sflag:s13], $0x400  }
0x43c: {  	[sflag:s13] =	ssyncset.done $0x0  }
0x43d: {  	[sflag:s13] =	ssyncadd.s32 $0xFFFFFC00  }
0x43e: {  	_ =	swait.ge [sflag:s13], $0x400  }
0x43f: {  	[sflag:s13] =	ssyncset.done $0x0  }
0x440: {  	[sflag:s13] =	ssyncadd.s32 $0xFFFFFC00  }
0x441: {  	_ =	swait.ge [sflag:s13], $0x400  }
0x442: {  	[sflag:s13] =	ssyncset.done $0x0  }
0x443: {  	[sflag:s13] =	ssyncadd.s32 $0xFFFFFC00  }
0x444: {  	_ =	swait.ge [sflag:s13], $0x400  }
0x445: {  	[sflag:s13] =	ssyncset.done $0x0  }
0x446: {  	[sflag:s13] =	ssyncadd.s32 $0xFFFFFC00  }
0x447: {  	_ =	swait.ge [sflag:s13], $0x400  }
0x448: {  	[sflag:s13] =	ssyncset.done $0x0  }
0x449: {  	[sflag:s13] =	ssyncadd.s32 $0xFFFFFC00  }
0x44a: {  	_ =	swait.ge [sflag:s13], $0x400  }
0x44b: {  	[sflag:s13] =	ssyncset.done $0x0  }
0x44c: {  	[sflag:s13] =	ssyncadd.s32 $0xFFFFFC00  }
0x44d: {  	_ =	swait.ge [sflag:s13], $0x400  }
0x44e: {  	[sflag:s13] =	ssyncset.done $0x0  }
0x44f: {  	[sflag:s13] =	ssyncadd.s32 $0xFFFFFC00  }
0x450: {  	_ =	swait.ge [sflag:s13], $0x400  }
0x451: {  	[sflag:s13] =	ssyncset.done $0x0  }
0x452: {  	[sflag:s13] =	ssyncadd.s32 $0xFFFFFC00  }
0x453: {  	_ =	swait.ge [sflag:s13], $0x400  }
0x454: {  	[sflag:s13] =	ssyncset.done $0x0  }
0x455: {  	[sflag:s13] =	ssyncadd.s32 $0xFFFFFC00  }
0x456: {  	_ =	swait.ge [sflag:s13], $0x400  }
0x457: {  	[sflag:s13] =	ssyncset.done $0x0  }
0x458: {  	[sflag:s13] =	ssyncadd.s32 $0xFFFFFC00  }
0x459: {  	_ =	swait.ge [sflag:s13], $0x400  }
0x45a: {  	[sflag:s13] =	ssyncset.done $0x0  }
0x45b: {  	[sflag:s13] =	ssyncadd.s32 $0xFFFFFC00  }
0x45c: {  	_ =	swait.ge [sflag:s13], $0x400  }
0x45d: {  	[sflag:s13] =	ssyncset.done $0x0  }
0x45e: {  	[sflag:s13] =	ssyncadd.s32 $0xFFFFFC00  }
0x45f: {  	_ =	swait.ge [sflag:s13], $0x400  }
0x460: {  	[sflag:s13] =	ssyncset.done $0x0  }
0x461: {  	[sflag:s13] =	ssyncadd.s32 $0xFFFFFC00  }
0x462: {  	_ =	swait.ge [sflag:s13], $0x400  }
0x463: {  	[sflag:s13] =	ssyncset.done $0x0  }
0x464: {  	[sflag:s13] =	ssyncadd.s32 $0xFFFFFC00  }
0x465: {  	_ =	swait.ge [sflag:s13], $0x400  }
0x466: {  	[sflag:s13] =	ssyncset.done $0x0  }
0x467: {  	[sflag:s13] =	ssyncadd.s32 $0xFFFFFC00  }
0x468: {  	_ =	swait.ge [sflag:s13], $0x400  }
0x469: {  	[sflag:s13] =	ssyncset.done $0x0  }
0x46a: {  	[sflag:s13] =	ssyncadd.s32 $0xFFFFFC00  }
0x46b: {  	_ =	swait.ge [sflag:s13], $0x400  }
0x46c: {  	[sflag:s13] =	ssyncset.done $0x0  }
0x46d: {  	[sflag:s13] =	ssyncadd.s32 $0xFFFFFC00  }
0x46e: {  	_ =	swait.ge [sflag:s13], $0x400  }
0x46f: {  	[sflag:s13] =	ssyncset.done $0x0  }
0x470: {  	[sflag:s13] =	ssyncadd.s32 $0xFFFFFC00  }
0x471: {  	_ =	swait.ge [sflag:s13], $0x400  }
0x472: {  	[sflag:s13] =	ssyncset.done $0x0  }
0x473: {  	[sflag:s13] =	ssyncadd.s32 $0xFFFFFC00  }
0x474: {  	_ =	swait.ge [sflag:s13], $0x400  }
0x475: {  	[sflag:s13] =	ssyncset.done $0x0  }
0x476: {  	[sflag:s13] =	ssyncadd.s32 $0xFFFFFC00  }
0x477: {  	_ =	swait.ge [sflag:s13], $0x400  }
0x478: {  	[sflag:s13] =	ssyncset.done $0x0  }
0x479: {  	[sflag:s13] =	ssyncadd.s32 $0xFFFFFC00  }
0x47a: {  	_ =	swait.ge [sflag:s13], $0x400  }
0x47b: {  	[sflag:s13] =	ssyncset.done $0x0  }
0x47c: {  	[sflag:s13] =	ssyncadd.s32 $0xFFFFFC00  }
0x47d: {  	_ =	swait.ge [sflag:s13], $0x400  }
0x47e: {  	[sflag:s13] =	ssyncset.done $0x0  }
0x47f: {  	[sflag:s13] =	ssyncadd.s32 $0xFFFFFC00  }
0x480: {  	_ =	swait.ge [sflag:s13], $0x400  }
0x481: {  	[sflag:s13] =	ssyncset.done $0x0  }
0x482: {  	[sflag:s13] =	ssyncadd.s32 $0xFFFFFC00  }
0x483: {  	_ =	swait.ge [sflag:s13], $0x400  }
0x484: {  	[sflag:s13] =	ssyncset.done $0x0  }
0x485: {  	[sflag:s13] =	ssyncadd.s32 $0xFFFFFC00  }
0x486: {  	_ =	swait.ge [sflag:s13], $0x400  }
0x487: {  	[sflag:s13] =	ssyncset.done $0x0  }
0x488: {  	[sflag:s13] =	ssyncadd.s32 $0xFFFFFC00  }
0x489: {  	_ =	swait.ge [sflag:s13], $0x400  }
0x48a: {  	[sflag:s13] =	ssyncset.done $0x0  }
0x48b: {  	[sflag:s13] =	ssyncadd.s32 $0xFFFFFC00  }
0x48c: {  	_ =	swait.ge [sflag:s13], $0x400  }
0x48d: {  	v58 =	vor.u32 v0, v16;
	[sflag:s13] =	ssyncset.done $0x0  }
0x48e: {  	v59 =	vor.u32 v0, v17;
	[sflag:s13] =	ssyncadd.s32 $0xFFFFFC00  }
0x48f: {  	v60 =	vor.u32 v1, v16;
	_ =	swait.ge [sflag:s13], $0x400  }
0x490: {  	v61 =	vor.u32 v1, v17;
	[sflag:s13] =	ssyncset.done $0x0  }
0x491: {  	v62 =	vor.u32 v2, v16;
	[sflag:s13] =	ssyncadd.s32 $0xFFFFFC00  }
0x492: {  	v23 =	vor.u32 v2, v17;
	v18 =	vld.idx.msk [tilespmem:v58+s8+$0x0], $0xffff  }
0x493: {  	v24 =	vor.u32 v3, v16;
	v19 =	vld.idx.msk [tilespmem:v59+s9+$0x0], $0xffff  }
0x494: {  	v25 =	vor.u32 v3, v17;
	v20 =	vld.idx.msk [tilespmem:v60+s8+$0x0], $0xffff  }
0x495: {  	v26 =	vor.u32 v4, v16;
	v21 =	vld.idx.msk [tilespmem:v61+s9+$0x0], $0xffff  }
0x496: {  	v27 =	vor.u32 v4, v17;
	v22 =	vld.idx.msk [tilespmem:v62+s8+$0x0], $0xffff  }
0x497: {  	v28 =	vor.u32 v5, v16;
	v23 =	vld.idx.msk [tilespmem:v23+s9+$0x0], $0xffff  }
0x498: {  	v29 =	vor.u32 v5, v17;
	v24 =	vld.idx.msk [tilespmem:v24+s8+$0x0], $0xffff;
	v18 =	vmul.f32 v19, v18  }
0x499: {  	v33 =	vor.u32 v6, v16;
	v63 =	vld.idx.msk [tilespmem:v25+s9+$0x0], $0xffff  }
0x49a: {  	v35 =	vor.u32 v6, v17;
	v34 =	vld.idx.msk [tilespmem:v26+s8+$0x0], $0xffff;
	v20 =	vmul.f32 v21, v20;
	v18 =	vadd.f32 $0.0e+00, v18  }
0x49b: {  	v30 =	vor.u32 v7, v16;
	v27 =	vld.idx.msk [tilespmem:v27+s9+$0x0], $0xffff  }
0x49c: {  	v31 =	vor.u32 v7, v17;
	v28 =	vld.idx.msk [tilespmem:v28+s8+$0x0], $0xffff;
	v22 =	vmul.f32 v23, v22;
	v18 =	vadd.f32 v20, v18  }
0x49d: {  	v38 =	vor.u32 v8, v17;
	v36 =	vld.idx.msk [tilespmem:v29+s9+$0x0], $0xffff  }
0x49e: {  	v37 =	vor.u32 v8, v16;
	v25 =	vld.idx.msk [tilespmem:v33+s8+$0x0], $0xffff;
	v19 =	vmul.f32 v63, v24;
	v18 =	vadd.f32 v22, v18  }
0x49f: {  	v42 =	vor.u32 v9, v17;
	v39 =	vld.idx.msk [tilespmem:v35+s9+$0x0], $0xffff  }
0x4a0: {  	v40 =	vor.u32 v9, v16;
	v41 =	vld.idx.msk [tilespmem:v30+s8+$0x0], $0xffff;
	v21 =	vmul.f32 v27, v34;
	v18 =	vadd.f32 v19, v18  }
0x4a1: {  	v45 =	vor.u32 v10, v17;
	v43 =	vld.idx.msk [tilespmem:v31+s9+$0x0], $0xffff  }
0x4a2: {  	v44 =	vor.u32 v10, v16;
	v46 =	vld.idx.msk [tilespmem:v38+s9+$0x0], $0xffff;
	v20 =	vmul.f32 v36, v28;
	v18 =	vadd.f32 v21, v18  }
0x4a3: {  	v48 =	vor.u32 v11, v17;
	v23 =	vld.idx.msk [tilespmem:v37+s8+$0x0], $0xffff  }
0x4a4: {  	v47 =	vor.u32 v11, v16;
	v49 =	vld.idx.msk [tilespmem:v42+s9+$0x0], $0xffff;
	v22 =	vmul.f32 v39, v25;
	v18 =	vadd.f32 v20, v18  }
0x4a5: {  	v51 =	vor.u32 v12, v17;
	v24 =	vld.idx.msk [tilespmem:v40+s8+$0x0], $0xffff  }
0x4a6: {  	v50 =	vor.u32 v12, v16;
	v52 =	vld.idx.msk [tilespmem:v45+s9+$0x0], $0xffff;
	v19 =	vmul.f32 v43, v41;
	v18 =	vadd.f32 v22, v18  }
0x4a7: {  	v53 =	vor.u32 v13, v16;
	v27 =	vld.idx.msk [tilespmem:v44+s8+$0x0], $0xffff  }
0x4a8: {  	v54 =	vor.u32 v13, v17;
	v55 =	vld.idx.msk [tilespmem:v48+s9+$0x0], $0xffff;
	v21 =	vmul.f32 v46, v23;
	v18 =	vadd.f32 v19, v18  }
0x4a9: {  	v57 =	vor.u32 v14, v17;
	v28 =	vld.idx.msk [tilespmem:v47+s8+$0x0], $0xffff  }
0x4aa: {  	v56 =	vor.u32 v14, v16;
	v58 =	vld.idx.msk [tilespmem:v51+s9+$0x0], $0xffff;
	v20 =	vmul.f32 v49, v24;
	v18 =	vadd.f32 v21, v18  }
0x4ab: {  	v16 =	vor.u32 v15, v16;
	v25 =	vld.idx.msk [tilespmem:v50+s8+$0x0], $0xffff  }
0x4ac: {  	v17 =	vor.u32 v15, v17;
	v59 =	vld.idx.msk [tilespmem:v53+s8+$0x0], $0xffff;
	v22 =	vmul.f32 v52, v27;
	v18 =	vadd.f32 v20, v18  }
0x4ad: {  	v60 =	vld.idx.msk [tilespmem:v54+s9+$0x0], $0xffff  }
0x4ae: {  	v61 =	vld.idx.msk [tilespmem:v57+s9+$0x0], $0xffff;
	v19 =	vmul.f32 v55, v28;
	v18 =	vadd.f32 v22, v18  }
0x4af: {  	v23 =	vld.idx.msk [tilespmem:v56+s8+$0x0], $0xffff  }
0x4b0: {  	v16 =	vld.idx.msk [tilespmem:v16+s8+$0x0], $0xffff;
	v21 =	vmul.f32 v58, v25;
	v18 =	vadd.f32 v19, v18  }
0x4b1: {  	v17 =	vld.idx.msk [tilespmem:v17+s9+$0x0], $0xffff  }
0x4b2: {  	v62 =	vmul.f32 v60, v59;
	v18 =	vadd.f32 v21, v18;
	_ =	sdelay $0x1  }
0x4b3: {  	v63 =	vmul.f32 v61, v23;
	v18 =	vadd.f32 v62, v18;
	_ =	sdelay $0x1  }
0x4b4: {  	v16 =	vmul.f32 v17, v16;
	v17 =	vadd.f32 v63, v18;
	_ =	sdelay $0x1  }
0x4b5: {  	s28 =	sld [smem:$0x7F7];
	v16 =	vadd.f32 v16, v17;
	_ =	sdelay $0x1  }
0x4b6: {  	s29 =	simm.s32 $0x10400;
	s1 =	simm.s32 $0x2;
	[tilespmem:s19+$0x10400] =	vst v16  }
0x4b7: {  	[hbm4b:s28+s3] =	stream.linear.scatter [tilespmem:s29], [sflag:$0x2], $0x200, $0x38;
	[tilespmem:$0x10600] =	vst v63  }
0x4b8: {  	_ =	swait.ge [sflag:s1], $0x200  }
0x4b9: {  	s30 =	sld [smem:$0x7D5]  }
0x4ba: {  	s31 =	sld [smem:$0x7F9];
	_ =	sdelay $0x1  }
0x4bb: {  	s2 =	sadd.s32 $0x1, s30  }
0x4bc: {  	p0 =	sne.s32 s2, s31  }
.Ltmp1:
0x4bd: {  	_ = 	snop;
	(pc) =	sbr.rel @p0 .LBB2_1-.Ltmp1, $3  }
0x4be: {  	_ =	sdelay $0x1  }
0x4bf: {  	[sflag:s1] =	ssyncset.done $0x0  }
0x4c0: {  	[sflag:s1] =	ssyncadd.s32 $0xFFFFFE00  }
0x4c1: {  	_ =	sfence.sel $0x180000  }
0x4c2: {  	[bflag:$0x0] =	sbarrier.arrive $0xFFFF  }
0x4c3: {  	_ =	strace $0x90000047  }
0x4c4: {  	s0 =	stileid.u32;
	[bflag:$0x2] =	sbarrier.arrive $0xFFFF  }
0x4c5: {  	p0 =	sne.s32 s0, $0x0;
	s0 =	rddreg [dreg:$0x5]  }
0x4c6: {  	s0 =	sadd.s32 @!p0 $0x100000, s0  }
0x4c7: {  	[sflag:s0] =	ssyncadd.tile.s32 @!p0 $0x1;
	_ =	shalt  }
.Lfunc_end2:
_tile_overlayer_lowered:
.L_overlay_start_2:
0x4c8: {  	(tag) =	ssettag $0x2  }
0x4c9: {  	s0 =	rddreg [dreg:$0x0];
	s2 =	stileid.u32  }
0x4ca: {  	s1 =	rddreg [dreg:$0x1];
	p0 =	sne.s32 s2, $0x0  }
0x4cb: {  	s3 =	rddreg [dreg:$0x2];
	[bflag:$0x3] =	sbarrier.arrive $0xFFFF;
	s2 =	simm.s32 @!p0 $0x1C02  }
0x4cc: {  	[timem:s3], [sflag:s2] =	dma.local @!p0 [hbm:s0], s1  }
0x4cd: {  	s0 =	simm.s32 @!p0 $0x2  }
0x4ce: {  	_ =	swait.ge @!p0 [sflag:s0], s1  }
0x4cf: {  	s1 =	ssub.s32 @!p0 $0x0, s1;
	[sflag:s0] =	ssyncset.done @!p0 $0x0  }
0x4d0: {  	[sflag:s0] =	ssyncadd.s32 @!p0 s1  }
0x4d1: {  	[bflag:$0x3] =	sbarrier.arrive $0xFFFF  }
0x4d2: {  	_ =	shalt  }

</sc_bundles>
